<compile_context>
chip_gen: v7x
topology: tpu7x:2x2x1
jax: 0.10.2.dev20260603
libtpu: 0.0.44.dev20260713+nightly
codegen_flags: <defaults>
</compile_context>

<pallas_src>
import jax
import jax.numpy as jnp
from jax import lax
from jax.experimental import pallas as pl
from jax.experimental.pallas import tpu as pltpu
from jax.experimental.pallas import tpu_sc as plsc

_B, _N, _D, _H, _W, _C = 4, 6, 41, 16, 44, 64
_NPRIME = _B * _N * _D * _H * _W
_NPB = _NPRIME // _B
_NX = 200
_CELLS = _NX * _NX
_HALF = _CELLS // 2
_SENT = 1 << 30

_NC, _NS = 2, 16
_PPT = _NPB // _NS
_CHUNK = 88
_NCHUNK = _PPT // _CHUNK
_RBUF = 96
_GROUPS = _RBUF // 16
_NH = 2
_QCELLS = _CELLS // (_NC * _NH)
_QROWS = 10240
_STRIPE = _QROWS // _NS

_CROWS = _NPRIME // 512
_CBLK = 123


def _cell_body(gx_ref, gy_ref, gz_ref, cell_ref):
    gx = gx_ref[...]
    gy = gy_ref[...]
    gz = gz_ref[...]
    ix = jnp.floor((gx - (-50.0)) / 0.5).astype(jnp.int32)
    iy = jnp.floor((gy - (-50.0)) / 0.5).astype(jnp.int32)
    iz = jnp.floor((gz - (-10.0)) / 20.0).astype(jnp.int32)
    kept = (
        (ix >= 0) & (ix < _NX)
        & (iy >= 0) & (iy < _NX)
        & (iz >= 0) & (iz < 1)
    )
    cell_ref[...] = jnp.where(kept, ix * _NX + iy, _SENT)


def _compute_cells(gx, gy, gz):
    return pl.pallas_call(
        _cell_body,
        out_shape=jax.ShapeDtypeStruct((_CROWS, 512), jnp.int32),
    )(gx, gy, gz)


def _sc_body(xf_hbm, cells_hbm, zeros_hbm, out_hbm, cstage, idxbuf, rows, zvbuf, dbuf, table):
    c = lax.axis_index("c")
    s = lax.axis_index("s")
    trash = _QCELLS + s
    lane = lax.iota(jnp.int32, 16)

    pltpu.sync_copy(zeros_hbm, zvbuf)

    for b in range(_B):
        for h in range(_NH):
            lo = (c * _NH + h) * _QCELLS
            hi = lo + _QCELLS

            for r in range(_STRIPE // 128):
                pltpu.sync_copy(zvbuf, table.at[pl.ds(s * _STRIPE + r * 128, 128)])
            plsc.subcore_barrier()

            def chunk(k, carry):
                pltpu.sync_copy(
                    cells_hbm.at[b * _NS + s, k, 0], cstage.at[pl.ds(0, _CHUNK)]
                )
                pltpu.sync_copy(xf_hbm.at[b * _NS + s, k], rows.at[pl.ds(0, _CHUNK)])
                for off in (0, 16, 32, 48, 64):
                    cv = cstage[pl.ds(off, 16)]
                    member = (cv >= lo) & (cv < hi)
                    idxbuf[0, pl.ds(off, 16)] = jnp.where(member, cv - lo, trash)
                cv = cstage[pl.ds(80, 16)]
                member = (cv >= lo) & (cv < hi) & (lane < 8)
                idxbuf[0, pl.ds(80, 16)] = jnp.where(member, cv - lo, trash)
                pltpu.sync_copy(rows, table.at[idxbuf.at[0]], add=True)
                return carry

            lax.fori_loop(0, _NCHUNK, chunk, 0)
            plsc.subcore_barrier()

            for r in range(_STRIPE // 128):
                off = s * _STRIPE + r * 128
                pltpu.sync_copy(table.at[pl.ds(off, 128)], dbuf)
                pltpu.sync_copy(dbuf, out_hbm.at[b, c, h, pl.ds(off, 128)])
            plsc.subcore_barrier()


def _sc_scatter(xf, cells):
    mesh = plsc.VectorSubcoreMesh(
        core_axis_name="c", subcore_axis_name="s", num_cores=_NC, num_subcores=_NS
    )
    f = pl.kernel(
        _sc_body,
        out_type=jax.ShapeDtypeStruct((_B, _NC, _NH, _QROWS, _C), jnp.float32),
        mesh=mesh,
        compiler_params=pltpu.CompilerParams(use_tc_tiling_on_sc=False),
        scratch_types=[
            pltpu.VMEM((96,), jnp.int32),
            pltpu.VMEM((1, 96), jnp.int32),
            pltpu.VMEM((96, _C), jnp.float32),
            pltpu.VMEM((128, _C), jnp.float32),
            pltpu.VMEM((128, _C), jnp.float32),
            pltpu.VMEM_SHARED((_QROWS, _C), jnp.float32),
        ],
    )
    zeros = jnp.zeros((128, _C), jnp.float32)
    cells4 = cells.reshape(_B * _NS, _NCHUNK, 1, _CHUNK)
    xf4 = xf.reshape(_B * _NS, _NCHUNK, _CHUNK, _C)
    return f(xf4, cells4, zeros)


def _transpose_body(in_ref, out_ref):
    out_ref[...] = jnp.transpose(in_ref[...], (0, 3, 1, 2))


def _transpose(bev):
    return pl.pallas_call(
        _transpose_body,
        grid=(_B, _NX // 8),
        in_specs=[pl.BlockSpec((1, 8, _NX, _C), lambda b, i: (b, i, 0, 0))],
        out_specs=pl.BlockSpec((1, _C, 8, _NX), lambda b, i: (b, 0, i, 0)),
        out_shape=jax.ShapeDtypeStruct((_B, _C, _NX, _NX), jnp.float32),
    )(bev)


def kernel(x, geom):
    xf = x.reshape(_NPRIME, _C)
    g = geom.reshape(_NPRIME, 3)
    gx = g[:, 0].reshape(_CROWS, 512)
    gy = g[:, 1].reshape(_CROWS, 512)
    gz = g[:, 2].reshape(_CROWS, 512)
    cells = _compute_cells(gx, gy, gz).reshape(_NPRIME)
    bev = _sc_scatter(xf, cells)
    bev = bev[:, :, :, :_QCELLS, :].reshape(_B, _NX, _NX, _C)
    return _transpose(bev)

# --- scband reference (transcript-rebuilt; emitter-appended) ---
"""Pipeline reference for scband-lift-splat-shoot-bevgenerator-8864812499672 (READ-ONLY COPY).

The authoritative reference and input builder live on the scoring server;
editing this copy changes nothing except your own understanding.
"""

import jax, jax.numpy as jnp
import numpy as np

# gen_dx_bx for xbound=[-50,50,0.5], ybound=[-50,50,0.5], zbound=[-10,10,20]
DX = jnp.array([0.5, 0.5, 20.0], dtype=jnp.float32)
BX = jnp.array([-49.75, -49.75, 0.0], dtype=jnp.float32)
NX = (200, 200, 1)  # nx0 (x), nx1 (y), nx2 (z)


def setup_inputs(seed: int = 0) -> dict:
    key = jax.random.key(seed)
    k1, k2 = jax.random.split(key)
    B, N, D, H, W, C = 4, 6, 41, 16, 44, 64
    x = jax.random.normal(k1, (B, N, D, H, W, C), dtype=jnp.float32)
    # geometry points in ego metric frame, slightly larger than the BEV bounds so
    # some points fall outside and get dropped (as in real LSS)
    lo = jnp.array([-52.0, -52.0, -11.0], dtype=jnp.float32)
    hi = jnp.array([52.0, 52.0, 11.0], dtype=jnp.float32)
    geom = jax.random.uniform(k2, (B, N, D, H, W, 3), dtype=jnp.float32) * (hi - lo) + lo
    return {"x": x, "geom": geom}


def voxel_pooling(geom, x):
    # Faithful port of LiftSplatShootBEVGenerator.voxel_pooling with
    # bev_xy_transpose=True. The sort + QuickCumsum (per-rank segment sum)
    # followed by scatter-overwrite at unique voxel coords is mathematically
    # a segment-sum of features into the dense BEV voxel grid.
    B, N, D, H, W, C = x.shape
    Nprime = B * N * D * H * W
    xf = x.reshape(Nprime, C)
    g = (geom - (BX - DX / 2.0)) / DX
    g = jnp.floor(g).astype(jnp.int32).reshape(Nprime, 3)
    batch_ix = jnp.repeat(jnp.arange(B, dtype=jnp.int32), Nprime // B)
    kept = (
        (g[:, 0] >= 0) & (g[:, 0] < NX[0])
        & (g[:, 1] >= 0) & (g[:, 1] < NX[1])
        & (g[:, 2] >= 0) & (g[:, 2] < NX[2])
    )
    # flat voxel index matching final[b, :, z, x, y] layout (bev_xy_transpose=True)
    vox = ((batch_ix * NX[2] + g[:, 2]) * NX[0] + g[:, 0]) * NX[1] + g[:, 1]
    num = B * NX[2] * NX[0] * NX[1]
    vox = jnp.where(kept, vox, num)  # dump dropped points into an overflow bucket
    xf = jnp.where(kept[:, None], xf, jnp.zeros_like(xf))
    summed = jax.ops.segment_sum(xf, vox, num_segments=num + 1)[:num]
    final = summed.reshape(B, NX[2], NX[0], NX[1], C)
    # torch: final is (B, C, nz, nx0, nx1); cat(final.unbind(dim=2), 1) -> (B, nz*C, nx0, nx1)
    final = jnp.transpose(final, (0, 1, 4, 2, 3))  # (B, nz, C, nx0, nx1)
    final = final.reshape(B, NX[2] * C, NX[0], NX[1])
    return final


def reference(x, geom):
    return voxel_pooling(geom, x)

if __name__ == "__main__":
    import jax
    _d = setup_inputs()
    print(jax.jit(kernel)(*tuple(_d.values())))

</pallas_src>

<mosaic_0001>
#map = affine_map<(d0, d1) -> (0, 0, 0, 0)>
#map1 = affine_map<(d0, d1) -> (0, 0)>
#map2 = affine_map<(d0, d1) -> (0, 0, 0, 0, 0)>
module attributes {stable_mosaic.version = 14 : i64} {
  func.func @_sc_body(%arg0: i32, %arg1: i32, %arg2: memref<64x123x88x64xf32, #tpu.memory_space<hbm>>, %arg3: memref<64x123x1x88xi32, #tpu.memory_space<hbm>>, %arg4: memref<128x64xf32, #tpu.memory_space<hbm>>, %arg5: memref<4x2x2x10240x64xf32, #tpu.memory_space<hbm>>, %arg6: memref<96xi32, #tpu.memory_space<vmem>>, %arg7: memref<1x96xi32, #tpu.memory_space<vmem>>, %arg8: memref<96x64xf32, #tpu.memory_space<vmem>>, %arg9: memref<128x64xf32, #tpu.memory_space<vmem>>, %arg10: memref<128x64xf32, #tpu.memory_space<vmem>>, %arg11: memref<10240x64xf32, #tpu.memory_space<vmem_shared>>) attributes {dimension_semantics = [#tpu.dimension_semantics<core_parallel>, #tpu.dimension_semantics<subcore_parallel>], iteration_bounds = array<i64: 2, 16>, scalar_prefetch = 0 : i64, scratch_operands = 6 : i64, tpu.core_type = #tpu.core_type<sc_vector_subcore>, window_params = [{transform_indices = #map}, {transform_indices = #map}, {transform_indices = #map1}, {transform_indices = #map2}]} {
    %add3A = arith.constant 10000 : i32
    %add3A_0 = arith.addi %add3A, %arg1 : i32
    %iota3A = tpu.iota {dimensions = array<i32: 0>} : vector<16xi32>
    "tpu.region"() ({
      %run_scoped3A_533 = tpu.sem_alloc : memref<!tpu.dma_semaphore, #tpu.memory_space<semaphore_mem>>
      tpu.enqueue_dma source(%arg4 : memref<128x64xf32, #tpu.memory_space<hbm>>) target(%arg9 : memref<128x64xf32, #tpu.memory_space<vmem>>) target_semaphore(%run_scoped3A_533 : memref<!tpu.dma_semaphore, #tpu.memory_space<semaphore_mem>>)
      tpu.wait_dma2 semaphore(%run_scoped3A_533 : memref<!tpu.dma_semaphore, #tpu.memory_space<semaphore_mem>>) src(%arg4 : memref<128x64xf32, #tpu.memory_space<hbm>>) dst(%arg9 : memref<128x64xf32, #tpu.memory_space<vmem>>)
      tpu.yield
    }) : () -> ()
    %mul3A = arith.constant 2 : i32
    %mul3A_1 = arith.muli %arg0, %mul3A : i32
    %add3A_2 = arith.constant 0 : i32
    %add3A_3 = arith.addi %mul3A_1, %add3A_2 : i32
    %mul3A_4 = arith.constant 10000 : i32
    %mul3A_5 = arith.muli %add3A_3, %mul3A_4 : i32
    %add3A_6 = arith.constant 10000 : i32
    %add3A_7 = arith.addi %mul3A_5, %add3A_6 : i32
    %mul3A_8 = arith.constant 640 : i32
    %mul3A_9 = arith.muli %arg1, %mul3A_8 : i32
    %add3A_10 = arith.constant 0 : i32
    %add3A_11 = arith.addi %mul3A_9, %add3A_10 : i32
    "tpu.region"() ({
      %run_scoped3A_533 = tpu.sem_alloc : memref<!tpu.dma_semaphore, #tpu.memory_space<semaphore_mem>>
      %dma_start3A = arith.constant 0 : i32
      %dma_start3A_534 = tpu.memref_slice %arg11[%add3A_11, %dma_start3A] : memref<10240x64xf32, #tpu.memory_space<vmem_shared>> -> memref<128x64xf32, #tpu.memory_space<vmem_shared>>
      %dma_start3A_535 = arith.constant 0 : i32
      %dma_start3A_536 = tpu.memref_slice %arg11[%add3A_11, %dma_start3A_535] : memref<10240x64xf32, #tpu.memory_space<vmem_shared>> -> memref<128x64xf32, #tpu.memory_space<vmem_shared>>
      tpu.enqueue_dma source(%arg9 : memref<128x64xf32, #tpu.memory_space<vmem>>) target(%dma_start3A_536 : memref<128x64xf32, #tpu.memory_space<vmem_shared>>) target_semaphore(%run_scoped3A_533 : memref<!tpu.dma_semaphore, #tpu.memory_space<semaphore_mem>>)
      %dma_wait3A = arith.constant 0 : i32
      %dma_wait3A_537 = tpu.memref_slice %arg11[%add3A_11, %dma_wait3A] : memref<10240x64xf32, #tpu.memory_space<vmem_shared>> -> memref<128x64xf32, #tpu.memory_space<vmem_shared>>
      %dma_wait3A_538 = arith.constant 0 : i32
      %dma_wait3A_539 = tpu.memref_slice %arg11[%add3A_11, %dma_wait3A_538] : memref<10240x64xf32, #tpu.memory_space<vmem_shared>> -> memref<128x64xf32, #tpu.memory_space<vmem_shared>>
      tpu.wait_dma2 semaphore(%run_scoped3A_533 : memref<!tpu.dma_semaphore, #tpu.memory_space<semaphore_mem>>) src(%arg9 : memref<128x64xf32, #tpu.memory_space<vmem>>) dst(%dma_wait3A_539 : memref<128x64xf32, #tpu.memory_space<vmem_shared>>)
      tpu.yield
    }) : () -> ()
    %mul3A_12 = arith.constant 640 : i32
    %mul3A_13 = arith.muli %arg1, %mul3A_12 : i32
    %add3A_14 = arith.constant 128 : i32
    %add3A_15 = arith.addi %mul3A_13, %add3A_14 : i32
    "tpu.region"() ({
      %run_scoped3A_533 = tpu.sem_alloc : memref<!tpu.dma_semaphore, #tpu.memory_space<semaphore_mem>>
      %dma_start3A = arith.constant 0 : i32
      %dma_start3A_534 = tpu.memref_slice %arg11[%add3A_15, %dma_start3A] : memref<10240x64xf32, #tpu.memory_space<vmem_shared>> -> memref<128x64xf32, #tpu.memory_space<vmem_shared>>
      %dma_start3A_535 = arith.constant 0 : i32
      %dma_start3A_536 = tpu.memref_slice %arg11[%add3A_15, %dma_start3A_535] : memref<10240x64xf32, #tpu.memory_space<vmem_shared>> -> memref<128x64xf32, #tpu.memory_space<vmem_shared>>
      tpu.enqueue_dma source(%arg9 : memref<128x64xf32, #tpu.memory_space<vmem>>) target(%dma_start3A_536 : memref<128x64xf32, #tpu.memory_space<vmem_shared>>) target_semaphore(%run_scoped3A_533 : memref<!tpu.dma_semaphore, #tpu.memory_space<semaphore_mem>>)
      %dma_wait3A = arith.constant 0 : i32
      %dma_wait3A_537 = tpu.memref_slice %arg11[%add3A_15, %dma_wait3A] : memref<10240x64xf32, #tpu.memory_space<vmem_shared>> -> memref<128x64xf32, #tpu.memory_space<vmem_shared>>
      %dma_wait3A_538 = arith.constant 0 : i32
      %dma_wait3A_539 = tpu.memref_slice %arg11[%add3A_15, %dma_wait3A_538] : memref<10240x64xf32, #tpu.memory_space<vmem_shared>> -> memref<128x64xf32, #tpu.memory_space<vmem_shared>>
      tpu.wait_dma2 semaphore(%run_scoped3A_533 : memref<!tpu.dma_semaphore, #tpu.memory_space<semaphore_mem>>) src(%arg9 : memref<128x64xf32, #tpu.memory_space<vmem>>) dst(%dma_wait3A_539 : memref<128x64xf32, #tpu.memory_space<vmem_shared>>)
      tpu.yield
    }) : () -> ()
    %mul3A_16 = arith.constant 640 : i32
    %mul3A_17 = arith.muli %arg1, %mul3A_16 : i32
    %add3A_18 = arith.constant 256 : i32
    %add3A_19 = arith.addi %mul3A_17, %add3A_18 : i32
    "tpu.region"() ({
      %run_scoped3A_533 = tpu.sem_alloc : memref<!tpu.dma_semaphore, #tpu.memory_space<semaphore_mem>>
      %dma_start3A = arith.constant 0 : i32
      %dma_start3A_534 = tpu.memref_slice %arg11[%add3A_19, %dma_start3A] : memref<10240x64xf32, #tpu.memory_space<vmem_shared>> -> memref<128x64xf32, #tpu.memory_space<vmem_shared>>
      %dma_start3A_535 = arith.constant 0 : i32
      %dma_start3A_536 = tpu.memref_slice %arg11[%add3A_19, %dma_start3A_535] : memref<10240x64xf32, #tpu.memory_space<vmem_shared>> -> memref<128x64xf32, #tpu.memory_space<vmem_shared>>
      tpu.enqueue_dma source(%arg9 : memref<128x64xf32, #tpu.memory_space<vmem>>) target(%dma_start3A_536 : memref<128x64xf32, #tpu.memory_space<vmem_shared>>) target_semaphore(%run_scoped3A_533 : memref<!tpu.dma_semaphore, #tpu.memory_space<semaphore_mem>>)
      %dma_wait3A = arith.constant 0 : i32
      %dma_wait3A_537 = tpu.memref_slice %arg11[%add3A_19, %dma_wait3A] : memref<10240x64xf32, #tpu.memory_space<vmem_shared>> -> memref<128x64xf32, #tpu.memory_space<vmem_shared>>
      %dma_wait3A_538 = arith.constant 0 : i32
      %dma_wait3A_539 = tpu.memref_slice %arg11[%add3A_19, %dma_wait3A_538] : memref<10240x64xf32, #tpu.memory_space<vmem_shared>> -> memref<128x64xf32, #tpu.memory_space<vmem_shared>>
      tpu.wait_dma2 semaphore(%run_scoped3A_533 : memref<!tpu.dma_semaphore, #tpu.memory_space<semaphore_mem>>) src(%arg9 : memref<128x64xf32, #tpu.memory_space<vmem>>) dst(%dma_wait3A_539 : memref<128x64xf32, #tpu.memory_space<vmem_shared>>)
      tpu.yield
    }) : () -> ()
    %mul3A_20 = arith.constant 640 : i32
    %mul3A_21 = arith.muli %arg1, %mul3A_20 : i32
    %add3A_22 = arith.constant 384 : i32
    %add3A_23 = arith.addi %mul3A_21, %add3A_22 : i32
    "tpu.region"() ({
      %run_scoped3A_533 = tpu.sem_alloc : memref<!tpu.dma_semaphore, #tpu.memory_space<semaphore_mem>>
      %dma_start3A = arith.constant 0 : i32
      %dma_start3A_534 = tpu.memref_slice %arg11[%add3A_23, %dma_start3A] : memref<10240x64xf32, #tpu.memory_space<vmem_shared>> -> memref<128x64xf32, #tpu.memory_space<vmem_shared>>
      %dma_start3A_535 = arith.constant 0 : i32
      %dma_start3A_536 = tpu.memref_slice %arg11[%add3A_23, %dma_start3A_535] : memref<10240x64xf32, #tpu.memory_space<vmem_shared>> -> memref<128x64xf32, #tpu.memory_space<vmem_shared>>
      tpu.enqueue_dma source(%arg9 : memref<128x64xf32, #tpu.memory_space<vmem>>) target(%dma_start3A_536 : memref<128x64xf32, #tpu.memory_space<vmem_shared>>) target_semaphore(%run_scoped3A_533 : memref<!tpu.dma_semaphore, #tpu.memory_space<semaphore_mem>>)
      %dma_wait3A = arith.constant 0 : i32
      %dma_wait3A_537 = tpu.memref_slice %arg11[%add3A_23, %dma_wait3A] : memref<10240x64xf32, #tpu.memory_space<vmem_shared>> -> memref<128x64xf32, #tpu.memory_space<vmem_shared>>
      %dma_wait3A_538 = arith.constant 0 : i32
      %dma_wait3A_539 = tpu.memref_slice %arg11[%add3A_23, %dma_wait3A_538] : memref<10240x64xf32, #tpu.memory_space<vmem_shared>> -> memref<128x64xf32, #tpu.memory_space<vmem_shared>>
      tpu.wait_dma2 semaphore(%run_scoped3A_533 : memref<!tpu.dma_semaphore, #tpu.memory_space<semaphore_mem>>) src(%arg9 : memref<128x64xf32, #tpu.memory_space<vmem>>) dst(%dma_wait3A_539 : memref<128x64xf32, #tpu.memory_space<vmem_shared>>)
      tpu.yield
    }) : () -> ()
    %mul3A_24 = arith.constant 640 : i32
    %mul3A_25 = arith.muli %arg1, %mul3A_24 : i32
    %add3A_26 = arith.constant 512 : i32
    %add3A_27 = arith.addi %mul3A_25, %add3A_26 : i32
    "tpu.region"() ({
      %run_scoped3A_533 = tpu.sem_alloc : memref<!tpu.dma_semaphore, #tpu.memory_space<semaphore_mem>>
      %dma_start3A = arith.constant 0 : i32
      %dma_start3A_534 = tpu.memref_slice %arg11[%add3A_27, %dma_start3A] : memref<10240x64xf32, #tpu.memory_space<vmem_shared>> -> memref<128x64xf32, #tpu.memory_space<vmem_shared>>
      %dma_start3A_535 = arith.constant 0 : i32
      %dma_start3A_536 = tpu.memref_slice %arg11[%add3A_27, %dma_start3A_535] : memref<10240x64xf32, #tpu.memory_space<vmem_shared>> -> memref<128x64xf32, #tpu.memory_space<vmem_shared>>
      tpu.enqueue_dma source(%arg9 : memref<128x64xf32, #tpu.memory_space<vmem>>) target(%dma_start3A_536 : memref<128x64xf32, #tpu.memory_space<vmem_shared>>) target_semaphore(%run_scoped3A_533 : memref<!tpu.dma_semaphore, #tpu.memory_space<semaphore_mem>>)
      %dma_wait3A = arith.constant 0 : i32
      %dma_wait3A_537 = tpu.memref_slice %arg11[%add3A_27, %dma_wait3A] : memref<10240x64xf32, #tpu.memory_space<vmem_shared>> -> memref<128x64xf32, #tpu.memory_space<vmem_shared>>
      %dma_wait3A_538 = arith.constant 0 : i32
      %dma_wait3A_539 = tpu.memref_slice %arg11[%add3A_27, %dma_wait3A_538] : memref<10240x64xf32, #tpu.memory_space<vmem_shared>> -> memref<128x64xf32, #tpu.memory_space<vmem_shared>>
      tpu.wait_dma2 semaphore(%run_scoped3A_533 : memref<!tpu.dma_semaphore, #tpu.memory_space<semaphore_mem>>) src(%arg9 : memref<128x64xf32, #tpu.memory_space<vmem>>) dst(%dma_wait3A_539 : memref<128x64xf32, #tpu.memory_space<vmem_shared>>)
      tpu.yield
    }) : () -> ()
    %barrier3A = arith.constant 0 : index
    tpu.barrier barrier_id(%barrier3A)
    %scan3A = arith.constant 0 : i32
    %scan3A_28 = arith.constant 0 : i32
    %scan3A_29 = arith.constant 123 : i32
    %scan3A_30 = arith.addi %scan3A_28, %scan3A_29 : i32
    %scan3A_31 = arith.constant 1 : i32
    scf.for %scan3A_533 = %scan3A_28 to %scan3A_30 step %scan3A_31  : i32 {
      %add3A_534 = arith.constant 0 : i32
      %add3A_535 = arith.addi %add3A_534, %arg1 : i32
      %run_scoped3A_536 = arith.constant 0 : i32
      "tpu.region"() ({
        %run_scoped3A_644 = tpu.sem_alloc : memref<!tpu.dma_semaphore, #tpu.memory_space<semaphore_mem>>
        %dma_start3A = arith.constant 0 : i32
        %dma_start3A_645 = tpu.memref_slice %arg6[%dma_start3A] : memref<96xi32, #tpu.memory_space<vmem>> -> memref<88xi32, #tpu.memory_space<vmem>>
        %dma_start3A_646 = arith.constant 0 : i32
        %dma_start3A_647 = tpu.memref_slice %arg3[%add3A_535, %scan3A_533, %run_scoped3A_536, %dma_start3A_646] : memref<64x123x1x88xi32, #tpu.memory_space<hbm>> -> memref<1x1x1x88xi32, #tpu.memory_space<hbm>>
        %dma_start3A_648 = tpu.memref_squeeze %dma_start3A_647 : memref<1x1x1x88xi32, #tpu.memory_space<hbm>> -> memref<88xi32, #tpu.memory_space<hbm>>
        %dma_start3A_649 = arith.constant 0 : i32
        %dma_start3A_650 = tpu.memref_slice %arg6[%dma_start3A_649] : memref<96xi32, #tpu.memory_space<vmem>> -> memref<88xi32, #tpu.memory_space<vmem>>
        %dma_start3A_651 = arith.constant 0 : i32
        %dma_start3A_652 = tpu.memref_slice %arg3[%add3A_535, %scan3A_533, %run_scoped3A_536, %dma_start3A_651] : memref<64x123x1x88xi32, #tpu.memory_space<hbm>> -> memref<1x1x1x88xi32, #tpu.memory_space<hbm>>
        %dma_start3A_653 = tpu.memref_squeeze %dma_start3A_652 : memref<1x1x1x88xi32, #tpu.memory_space<hbm>> -> memref<88xi32, #tpu.memory_space<hbm>>
        tpu.enqueue_dma source(%dma_start3A_653 : memref<88xi32, #tpu.memory_space<hbm>>) target(%dma_start3A_650 : memref<88xi32, #tpu.memory_space<vmem>>) target_semaphore(%run_scoped3A_644 : memref<!tpu.dma_semaphore, #tpu.memory_space<semaphore_mem>>)
        %dma_wait3A = arith.constant 0 : i32
        %dma_wait3A_654 = tpu.memref_slice %arg6[%dma_wait3A] : memref<96xi32, #tpu.memory_space<vmem>> -> memref<88xi32, #tpu.memory_space<vmem>>
        %dma_wait3A_655 = arith.constant 0 : i32
        %dma_wait3A_656 = tpu.memref_slice %arg3[%add3A_535, %scan3A_533, %run_scoped3A_536, %dma_wait3A_655] : memref<64x123x1x88xi32, #tpu.memory_space<hbm>> -> memref<1x1x1x88xi32, #tpu.memory_space<hbm>>
        %dma_wait3A_657 = tpu.memref_squeeze %dma_wait3A_656 : memref<1x1x1x88xi32, #tpu.memory_space<hbm>> -> memref<88xi32, #tpu.memory_space<hbm>>
        %dma_wait3A_658 = arith.constant 0 : i32
        %dma_wait3A_659 = tpu.memref_slice %arg6[%dma_wait3A_658] : memref<96xi32, #tpu.memory_space<vmem>> -> memref<88xi32, #tpu.memory_space<vmem>>
        %dma_wait3A_660 = arith.constant 0 : i32
        %dma_wait3A_661 = tpu.memref_slice %arg3[%add3A_535, %scan3A_533, %run_scoped3A_536, %dma_wait3A_660] : memref<64x123x1x88xi32, #tpu.memory_space<hbm>> -> memref<1x1x1x88xi32, #tpu.memory_space<hbm>>
        %dma_wait3A_662 = tpu.memref_squeeze %dma_wait3A_661 : memref<1x1x1x88xi32, #tpu.memory_space<hbm>> -> memref<88xi32, #tpu.memory_space<hbm>>
        tpu.wait_dma2 semaphore(%run_scoped3A_644 : memref<!tpu.dma_semaphore, #tpu.memory_space<semaphore_mem>>) src(%dma_wait3A_662 : memref<88xi32, #tpu.memory_space<hbm>>) dst(%dma_wait3A_659 : memref<88xi32, #tpu.memory_space<vmem>>)
        tpu.yield
      }) : () -> ()
      %add3A_537 = arith.constant 0 : i32
      %add3A_538 = arith.addi %add3A_537, %arg1 : i32
      "tpu.region"() ({
        %run_scoped3A_644 = tpu.sem_alloc : memref<!tpu.dma_semaphore, #tpu.memory_space<semaphore_mem>>
        %dma_start3A = arith.constant 0 : i32
        %dma_start3A_645 = arith.constant 0 : i32
        %dma_start3A_646 = tpu.memref_slice %arg8[%dma_start3A, %dma_start3A_645] : memref<96x64xf32, #tpu.memory_space<vmem>> -> memref<88x64xf32, #tpu.memory_space<vmem>>
        %dma_start3A_647 = arith.constant 0 : i32
        %dma_start3A_648 = arith.constant 0 : i32
        %dma_start3A_649 = tpu.memref_slice %arg2[%add3A_538, %scan3A_533, %dma_start3A_647, %dma_start3A_648] : memref<64x123x88x64xf32, #tpu.memory_space<hbm>> -> memref<1x1x88x64xf32, #tpu.memory_space<hbm>>
        %dma_start3A_650 = tpu.memref_squeeze %dma_start3A_649 : memref<1x1x88x64xf32, #tpu.memory_space<hbm>> -> memref<88x64xf32, #tpu.memory_space<hbm>>
        %dma_start3A_651 = arith.constant 0 : i32
        %dma_start3A_652 = arith.constant 0 : i32
        %dma_start3A_653 = tpu.memref_slice %arg8[%dma_start3A_651, %dma_start3A_652] : memref<96x64xf32, #tpu.memory_space<vmem>> -> memref<88x64xf32, #tpu.memory_space<vmem>>
        %dma_start3A_654 = arith.constant 0 : i32
        %dma_start3A_655 = arith.constant 0 : i32
        %dma_start3A_656 = tpu.memref_slice %arg2[%add3A_538, %scan3A_533, %dma_start3A_654, %dma_start3A_655] : memref<64x123x88x64xf32, #tpu.memory_space<hbm>> -> memref<1x1x88x64xf32, #tpu.memory_space<hbm>>
        %dma_start3A_657 = tpu.memref_squeeze %dma_start3A_656 : memref<1x1x88x64xf32, #tpu.memory_space<hbm>> -> memref<88x64xf32, #tpu.memory_space<hbm>>
        tpu.enqueue_dma source(%dma_start3A_657 : memref<88x64xf32, #tpu.memory_space<hbm>>) target(%dma_start3A_653 : memref<88x64xf32, #tpu.memory_space<vmem>>) target_semaphore(%run_scoped3A_644 : memref<!tpu.dma_semaphore, #tpu.memory_space<semaphore_mem>>)
        %dma_wait3A = arith.constant 0 : i32
        %dma_wait3A_658 = arith.constant 0 : i32
        %dma_wait3A_659 = tpu.memref_slice %arg8[%dma_wait3A, %dma_wait3A_658] : memref<96x64xf32, #tpu.memory_space<vmem>> -> memref<88x64xf32, #tpu.memory_space<vmem>>
        %dma_wait3A_660 = arith.constant 0 : i32
        %dma_wait3A_661 = arith.constant 0 : i32
        %dma_wait3A_662 = tpu.memref_slice %arg2[%add3A_538, %scan3A_533, %dma_wait3A_660, %dma_wait3A_661] : memref<64x123x88x64xf32, #tpu.memory_space<hbm>> -> memref<1x1x88x64xf32, #tpu.memory_space<hbm>>
        %dma_wait3A_663 = tpu.memref_squeeze %dma_wait3A_662 : memref<1x1x88x64xf32, #tpu.memory_space<hbm>> -> memref<88x64xf32, #tpu.memory_space<hbm>>
        %dma_wait3A_664 = arith.constant 0 : i32
        %dma_wait3A_665 = arith.constant 0 : i32
        %dma_wait3A_666 = tpu.memref_slice %arg8[%dma_wait3A_664, %dma_wait3A_665] : memref<96x64xf32, #tpu.memory_space<vmem>> -> memref<88x64xf32, #tpu.memory_space<vmem>>
        %dma_wait3A_667 = arith.constant 0 : i32
        %dma_wait3A_668 = arith.constant 0 : i32
        %dma_wait3A_669 = tpu.memref_slice %arg2[%add3A_538, %scan3A_533, %dma_wait3A_667, %dma_wait3A_668] : memref<64x123x88x64xf32, #tpu.memory_space<hbm>> -> memref<1x1x88x64xf32, #tpu.memory_space<hbm>>
        %dma_wait3A_670 = tpu.memref_squeeze %dma_wait3A_669 : memref<1x1x88x64xf32, #tpu.memory_space<hbm>> -> memref<88x64xf32, #tpu.memory_space<hbm>>
        tpu.wait_dma2 semaphore(%run_scoped3A_644 : memref<!tpu.dma_semaphore, #tpu.memory_space<semaphore_mem>>) src(%dma_wait3A_670 : memref<88x64xf32, #tpu.memory_space<hbm>>) dst(%dma_wait3A_666 : memref<88x64xf32, #tpu.memory_space<vmem>>)
        tpu.yield
      }) : () -> ()
      %get3A = arith.constant 0 : index
      %get3A_539 = tpu.vector_load %arg6[%get3A] {strides = array<i32>} : memref<96xi32, #tpu.memory_space<vmem>>, vector<16xi32>,
      %get3A_540 = vector.shape_cast %get3A_539 : vector<16xi32> to vector<16xi32>
      %ge3A = vector.broadcast %mul3A_5 : i32 to vector<16xi32>
      %ge3A_541 = arith.cmpi sge, %get3A_540, %ge3A : vector<16xi32>
      %lt3A = vector.broadcast %add3A_7 : i32 to vector<16xi32>
      %lt3A_542 = arith.cmpi slt, %get3A_540, %lt3A : vector<16xi32>
      %and3A = arith.andi %ge3A_541, %lt3A_542 : vector<16xi1>
      %sub3A = vector.broadcast %mul3A_5 : i32 to vector<16xi32>
      %sub3A_543 = arith.subi %get3A_540, %sub3A : vector<16xi32>
      %broadcast_in_dim3A = vector.broadcast %add3A_0 : i32 to vector<16xi32>
      %select_n3A = arith.select %and3A, %sub3A_543, %broadcast_in_dim3A : vector<16xi1>, vector<16xi32>
      %swap3A = arith.constant 0 : i32
      %swap3A_544 = arith.index_cast %swap3A : i32 to index
      %swap3A_545 = arith.constant 0 : index
      %swap3A_546 = tpu.vector_load %arg7[%swap3A_544, %swap3A_545] {strides = array<i32>} : memref<1x96xi32, #tpu.memory_space<vmem>>, vector<1x16xi32>,
      %swap3A_547 = vector.shape_cast %swap3A_546 : vector<1x16xi32> to vector<16xi32>
      %swap3A_548 = vector.shape_cast %select_n3A : vector<16xi32> to vector<1x16xi32>
      tpu.vector_store %arg7[%swap3A_544, %swap3A_545], %swap3A_548 {strides = array<i32>} : memref<1x96xi32, #tpu.memory_space<vmem>>, vector<1x16xi32>,
      %get3A_549 = arith.constant 16 : index
      %get3A_550 = tpu.vector_load %arg6[%get3A_549] {strides = array<i32>} : memref<96xi32, #tpu.memory_space<vmem>>, vector<16xi32>,
      %get3A_551 = vector.shape_cast %get3A_550 : vector<16xi32> to vector<16xi32>
      %ge3A_552 = vector.broadcast %mul3A_5 : i32 to vector<16xi32>
      %ge3A_553 = arith.cmpi sge, %get3A_551, %ge3A_552 : vector<16xi32>
      %lt3A_554 = vector.broadcast %add3A_7 : i32 to vector<16xi32>
      %lt3A_555 = arith.cmpi slt, %get3A_551, %lt3A_554 : vector<16xi32>
      %and3A_556 = arith.andi %ge3A_553, %lt3A_555 : vector<16xi1>
      %sub3A_557 = vector.broadcast %mul3A_5 : i32 to vector<16xi32>
      %sub3A_558 = arith.subi %get3A_551, %sub3A_557 : vector<16xi32>
      %broadcast_in_dim3A_559 = vector.broadcast %add3A_0 : i32 to vector<16xi32>
      %select_n3A_560 = arith.select %and3A_556, %sub3A_558, %broadcast_in_dim3A_559 : vector<16xi1>, vector<16xi32>
      %swap3A_561 = arith.constant 0 : i32
      %swap3A_562 = arith.index_cast %swap3A_561 : i32 to index
      %swap3A_563 = arith.constant 16 : index
      %swap3A_564 = tpu.vector_load %arg7[%swap3A_562, %swap3A_563] {strides = array<i32>} : memref<1x96xi32, #tpu.memory_space<vmem>>, vector<1x16xi32>,
      %swap3A_565 = vector.shape_cast %swap3A_564 : vector<1x16xi32> to vector<16xi32>
      %swap3A_566 = vector.shape_cast %select_n3A_560 : vector<16xi32> to vector<1x16xi32>
      tpu.vector_store %arg7[%swap3A_562, %swap3A_563], %swap3A_566 {strides = array<i32>} : memref<1x96xi32, #tpu.memory_space<vmem>>, vector<1x16xi32>,
      %get3A_567 = arith.constant 32 : index
      %get3A_568 = tpu.vector_load %arg6[%get3A_567] {strides = array<i32>} : memref<96xi32, #tpu.memory_space<vmem>>, vector<16xi32>,
      %get3A_569 = vector.shape_cast %get3A_568 : vector<16xi32> to vector<16xi32>
      %ge3A_570 = vector.broadcast %mul3A_5 : i32 to vector<16xi32>
      %ge3A_571 = arith.cmpi sge, %get3A_569, %ge3A_570 : vector<16xi32>
      %lt3A_572 = vector.broadcast %add3A_7 : i32 to vector<16xi32>
      %lt3A_573 = arith.cmpi slt, %get3A_569, %lt3A_572 : vector<16xi32>
      %and3A_574 = arith.andi %ge3A_571, %lt3A_573 : vector<16xi1>
      %sub3A_575 = vector.broadcast %mul3A_5 : i32 to vector<16xi32>
      %sub3A_576 = arith.subi %get3A_569, %sub3A_575 : vector<16xi32>
      %broadcast_in_dim3A_577 = vector.broadcast %add3A_0 : i32 to vector<16xi32>
      %select_n3A_578 = arith.select %and3A_574, %sub3A_576, %broadcast_in_dim3A_577 : vector<16xi1>, vector<16xi32>
      %swap3A_579 = arith.constant 0 : i32
      %swap3A_580 = arith.index_cast %swap3A_579 : i32 to index
      %swap3A_581 = arith.constant 32 : index
      %swap3A_582 = tpu.vector_load %arg7[%swap3A_580, %swap3A_581] {strides = array<i32>} : memref<1x96xi32, #tpu.memory_space<vmem>>, vector<1x16xi32>,
      %swap3A_583 = vector.shape_cast %swap3A_582 : vector<1x16xi32> to vector<16xi32>
      %swap3A_584 = vector.shape_cast %select_n3A_578 : vector<16xi32> to vector<1x16xi32>
      tpu.vector_store %arg7[%swap3A_580, %swap3A_581], %swap3A_584 {strides = array<i32>} : memref<1x96xi32, #tpu.memory_space<vmem>>, vector<1x16xi32>,
      %get3A_585 = arith.constant 48 : index
      %get3A_586 = tpu.vector_load %arg6[%get3A_585] {strides = array<i32>} : memref<96xi32, #tpu.memory_space<vmem>>, vector<16xi32>,
      %get3A_587 = vector.shape_cast %get3A_586 : vector<16xi32> to vector<16xi32>
      %ge3A_588 = vector.broadcast %mul3A_5 : i32 to vector<16xi32>
      %ge3A_589 = arith.cmpi sge, %get3A_587, %ge3A_588 : vector<16xi32>
      %lt3A_590 = vector.broadcast %add3A_7 : i32 to vector<16xi32>
      %lt3A_591 = arith.cmpi slt, %get3A_587, %lt3A_590 : vector<16xi32>
      %and3A_592 = arith.andi %ge3A_589, %lt3A_591 : vector<16xi1>
      %sub3A_593 = vector.broadcast %mul3A_5 : i32 to vector<16xi32>
      %sub3A_594 = arith.subi %get3A_587, %sub3A_593 : vector<16xi32>
      %broadcast_in_dim3A_595 = vector.broadcast %add3A_0 : i32 to vector<16xi32>
      %select_n3A_596 = arith.select %and3A_592, %sub3A_594, %broadcast_in_dim3A_595 : vector<16xi1>, vector<16xi32>
      %swap3A_597 = arith.constant 0 : i32
      %swap3A_598 = arith.index_cast %swap3A_597 : i32 to index
      %swap3A_599 = arith.constant 48 : index
      %swap3A_600 = tpu.vector_load %arg7[%swap3A_598, %swap3A_599] {strides = array<i32>} : memref<1x96xi32, #tpu.memory_space<vmem>>, vector<1x16xi32>,
      %swap3A_601 = vector.shape_cast %swap3A_600 : vector<1x16xi32> to vector<16xi32>
      %swap3A_602 = vector.shape_cast %select_n3A_596 : vector<16xi32> to vector<1x16xi32>
      tpu.vector_store %arg7[%swap3A_598, %swap3A_599], %swap3A_602 {strides = array<i32>} : memref<1x96xi32, #tpu.memory_space<vmem>>, vector<1x16xi32>,
      %get3A_603 = arith.constant 64 : index
      %get3A_604 = tpu.vector_load %arg6[%get3A_603] {strides = array<i32>} : memref<96xi32, #tpu.memory_space<vmem>>, vector<16xi32>,
      %get3A_605 = vector.shape_cast %get3A_604 : vector<16xi32> to vector<16xi32>
      %ge3A_606 = vector.broadcast %mul3A_5 : i32 to vector<16xi32>
      %ge3A_607 = arith.cmpi sge, %get3A_605, %ge3A_606 : vector<16xi32>
      %lt3A_608 = vector.broadcast %add3A_7 : i32 to vector<16xi32>
      %lt3A_609 = arith.cmpi slt, %get3A_605, %lt3A_608 : vector<16xi32>
      %and3A_610 = arith.andi %ge3A_607, %lt3A_609 : vector<16xi1>
      %sub3A_611 = vector.broadcast %mul3A_5 : i32 to vector<16xi32>
      %sub3A_612 = arith.subi %get3A_605, %sub3A_611 : vector<16xi32>
      %broadcast_in_dim3A_613 = vector.broadcast %add3A_0 : i32 to vector<16xi32>
      %select_n3A_614 = arith.select %and3A_610, %sub3A_612, %broadcast_in_dim3A_613 : vector<16xi1>, vector<16xi32>
      %swap3A_615 = arith.constant 0 : i32
      %swap3A_616 = arith.index_cast %swap3A_615 : i32 to index
      %swap3A_617 = arith.constant 64 : index
      %swap3A_618 = tpu.vector_load %arg7[%swap3A_616, %swap3A_617] {strides = array<i32>} : memref<1x96xi32, #tpu.memory_space<vmem>>, vector<1x16xi32>,
      %swap3A_619 = vector.shape_cast %swap3A_618 : vector<1x16xi32> to vector<16xi32>
      %swap3A_620 = vector.shape_cast %select_n3A_614 : vector<16xi32> to vector<1x16xi32>
      tpu.vector_store %arg7[%swap3A_616, %swap3A_617], %swap3A_620 {strides = array<i32>} : memref<1x96xi32, #tpu.memory_space<vmem>>, vector<1x16xi32>,
      %get3A_621 = arith.constant 80 : index
      %get3A_622 = tpu.vector_load %arg6[%get3A_621] {strides = array<i32>} : memref<96xi32, #tpu.memory_space<vmem>>, vector<16xi32>,
      %get3A_623 = vector.shape_cast %get3A_622 : vector<16xi32> to vector<16xi32>
      %ge3A_624 = vector.broadcast %mul3A_5 : i32 to vector<16xi32>
      %ge3A_625 = arith.cmpi sge, %get3A_623, %ge3A_624 : vector<16xi32>
      %lt3A_626 = vector.broadcast %add3A_7 : i32 to vector<16xi32>
      %lt3A_627 = arith.cmpi slt, %get3A_623, %lt3A_626 : vector<16xi32>
      %and3A_628 = arith.andi %ge3A_625, %lt3A_627 : vector<16xi1>
      %lt3A_629 = arith.constant 8 : i32
      %lt3A_630 = vector.broadcast %lt3A_629 : i32 to vector<16xi32>
      %lt3A_631 = arith.cmpi slt, %iota3A, %lt3A_630 : vector<16xi32>
      %and3A_632 = arith.andi %and3A_628, %lt3A_631 : vector<16xi1>
      %sub3A_633 = vector.broadcast %mul3A_5 : i32 to vector<16xi32>
      %sub3A_634 = arith.subi %get3A_623, %sub3A_633 : vector<16xi32>
      %broadcast_in_dim3A_635 = vector.broadcast %add3A_0 : i32 to vector<16xi32>
      %select_n3A_636 = arith.select %and3A_632, %sub3A_634, %broadcast_in_dim3A_635 : vector<16xi1>, vector<16xi32>
      %swap3A_637 = arith.constant 0 : i32
      %swap3A_638 = arith.index_cast %swap3A_637 : i32 to index
      %swap3A_639 = arith.constant 80 : index
      %swap3A_640 = tpu.vector_load %arg7[%swap3A_638, %swap3A_639] {strides = array<i32>} : memref<1x96xi32, #tpu.memory_space<vmem>>, vector<1x16xi32>,
      %swap3A_641 = vector.shape_cast %swap3A_640 : vector<1x16xi32> to vector<16xi32>
      %swap3A_642 = vector.shape_cast %select_n3A_636 : vector<16xi32> to vector<1x16xi32>
      tpu.vector_store %arg7[%swap3A_638, %swap3A_639], %swap3A_642 {strides = array<i32>} : memref<1x96xi32, #tpu.memory_space<vmem>>, vector<1x16xi32>,
      %run_scoped3A_643 = arith.constant 0 : i32
      "tpu.region"() ({
        %run_scoped3A_644 = tpu.sem_alloc : memref<!tpu.dma_semaphore, #tpu.memory_space<semaphore_mem>>
        %dma_start3A = arith.constant 0 : i32
        %dma_start3A_645 = tpu.memref_slice %arg7[%run_scoped3A_643, %dma_start3A] : memref<1x96xi32, #tpu.memory_space<vmem>> -> memref<1x96xi32, #tpu.memory_space<vmem>>
        %dma_start3A_646 = tpu.memref_squeeze %dma_start3A_645 : memref<1x96xi32, #tpu.memory_space<vmem>> -> memref<96xi32, #tpu.memory_space<vmem>>
        %dma_start3A_647 = arith.constant 0 : i32
        %dma_start3A_648 = arith.constant 0 : i32
        %dma_start3A_649 = tpu.memref_slice %arg11[%dma_start3A_647, %dma_start3A_648] : memref<10240x64xf32, #tpu.memory_space<vmem_shared>> -> memref<10240x64xf32, #tpu.memory_space<vmem_shared>>
        tpu.enqueue_indirect_dma source(%arg8 : memref<96x64xf32, #tpu.memory_space<vmem>>) target(%dma_start3A_649 : memref<10240x64xf32, #tpu.memory_space<vmem_shared>>) offsets(%dma_start3A_646 : memref<96xi32, #tpu.memory_space<vmem>>) semaphore(%run_scoped3A_644 : memref<!tpu.dma_semaphore, #tpu.memory_space<semaphore_mem>>) {add = true}
        %dma_wait3A = arith.constant 0 : i32
        %dma_wait3A_650 = tpu.memref_slice %arg7[%run_scoped3A_643, %dma_wait3A] : memref<1x96xi32, #tpu.memory_space<vmem>> -> memref<1x96xi32, #tpu.memory_space<vmem>>
        %dma_wait3A_651 = tpu.memref_squeeze %dma_wait3A_650 : memref<1x96xi32, #tpu.memory_space<vmem>> -> memref<96xi32, #tpu.memory_space<vmem>>
        %dma_wait3A_652 = arith.constant 0 : i32
        %dma_wait3A_653 = arith.constant 0 : i32
        %dma_wait3A_654 = tpu.memref_slice %arg11[%dma_wait3A_652, %dma_wait3A_653] : memref<10240x64xf32, #tpu.memory_space<vmem_shared>> -> memref<10240x64xf32, #tpu.memory_space<vmem_shared>>
        tpu.wait_indirect_dma semaphore(%run_scoped3A_644 : memref<!tpu.dma_semaphore, #tpu.memory_space<semaphore_mem>>) src(%arg8 : memref<96x64xf32, #tpu.memory_space<vmem>>) dst(%dma_wait3A_654 : memref<10240x64xf32, #tpu.memory_space<vmem_shared>>)
        tpu.yield
      }) : () -> ()
    }
    %scan3A_32 = arith.constant 123 : i32
    %barrier3A_33 = arith.constant 0 : index
    tpu.barrier barrier_id(%barrier3A_33)
    %mul3A_34 = arith.constant 640 : i32
    %mul3A_35 = arith.muli %arg1, %mul3A_34 : i32
    %add3A_36 = arith.constant 0 : i32
    %add3A_37 = arith.addi %mul3A_35, %add3A_36 : i32
    "tpu.region"() ({
      %run_scoped3A_533 = tpu.sem_alloc : memref<!tpu.dma_semaphore, #tpu.memory_space<semaphore_mem>>
      %dma_start3A = arith.constant 0 : i32
      %dma_start3A_534 = tpu.memref_slice %arg11[%add3A_37, %dma_start3A] : memref<10240x64xf32, #tpu.memory_space<vmem_shared>> -> memref<128x64xf32, #tpu.memory_space<vmem_shared>>
      %dma_start3A_535 = arith.constant 0 : i32
      %dma_start3A_536 = tpu.memref_slice %arg11[%add3A_37, %dma_start3A_535] : memref<10240x64xf32, #tpu.memory_space<vmem_shared>> -> memref<128x64xf32, #tpu.memory_space<vmem_shared>>
      tpu.enqueue_dma source(%dma_start3A_536 : memref<128x64xf32, #tpu.memory_space<vmem_shared>>) target(%arg10 : memref<128x64xf32, #tpu.memory_space<vmem>>) target_semaphore(%run_scoped3A_533 : memref<!tpu.dma_semaphore, #tpu.memory_space<semaphore_mem>>)
      %dma_wait3A = arith.constant 0 : i32
      %dma_wait3A_537 = tpu.memref_slice %arg11[%add3A_37, %dma_wait3A] : memref<10240x64xf32, #tpu.memory_space<vmem_shared>> -> memref<128x64xf32, #tpu.memory_space<vmem_shared>>
      %dma_wait3A_538 = arith.constant 0 : i32
      %dma_wait3A_539 = tpu.memref_slice %arg11[%add3A_37, %dma_wait3A_538] : memref<10240x64xf32, #tpu.memory_space<vmem_shared>> -> memref<128x64xf32, #tpu.memory_space<vmem_shared>>
      tpu.wait_dma2 semaphore(%run_scoped3A_533 : memref<!tpu.dma_semaphore, #tpu.memory_space<semaphore_mem>>) src(%dma_wait3A_539 : memref<128x64xf32, #tpu.memory_space<vmem_shared>>) dst(%arg10 : memref<128x64xf32, #tpu.memory_space<vmem>>)
      tpu.yield
    }) : () -> ()
    %run_scoped3A = arith.constant 0 : i32
    %run_scoped3A_38 = arith.constant 0 : i32
    "tpu.region"() ({
      %run_scoped3A_533 = tpu.sem_alloc : memref<!tpu.dma_semaphore, #tpu.memory_space<semaphore_mem>>
      %dma_start3A = arith.constant 0 : i32
      %dma_start3A_534 = tpu.memref_slice %arg5[%run_scoped3A, %arg0, %run_scoped3A_38, %add3A_37, %dma_start3A] : memref<4x2x2x10240x64xf32, #tpu.memory_space<hbm>> -> memref<1x1x1x128x64xf32, #tpu.memory_space<hbm>>
      %dma_start3A_535 = tpu.memref_squeeze %dma_start3A_534 : memref<1x1x1x128x64xf32, #tpu.memory_space<hbm>> -> memref<128x64xf32, #tpu.memory_space<hbm>>
      %dma_start3A_536 = arith.constant 0 : i32
      %dma_start3A_537 = tpu.memref_slice %arg5[%run_scoped3A, %arg0, %run_scoped3A_38, %add3A_37, %dma_start3A_536] : memref<4x2x2x10240x64xf32, #tpu.memory_space<hbm>> -> memref<1x1x1x128x64xf32, #tpu.memory_space<hbm>>
      %dma_start3A_538 = tpu.memref_squeeze %dma_start3A_537 : memref<1x1x1x128x64xf32, #tpu.memory_space<hbm>> -> memref<128x64xf32, #tpu.memory_space<hbm>>
      tpu.enqueue_dma source(%arg10 : memref<128x64xf32, #tpu.memory_space<vmem>>) target(%dma_start3A_538 : memref<128x64xf32, #tpu.memory_space<hbm>>) target_semaphore(%run_scoped3A_533 : memref<!tpu.dma_semaphore, #tpu.memory_space<semaphore_mem>>)
      %dma_wait3A = arith.constant 0 : i32
      %dma_wait3A_539 = tpu.memref_slice %arg5[%run_scoped3A, %arg0, %run_scoped3A_38, %add3A_37, %dma_wait3A] : memref<4x2x2x10240x64xf32, #tpu.memory_space<hbm>> -> memref<1x1x1x128x64xf32, #tpu.memory_space<hbm>>
      %dma_wait3A_540 = tpu.memref_squeeze %dma_wait3A_539 : memref<1x1x1x128x64xf32, #tpu.memory_space<hbm>> -> memref<128x64xf32, #tpu.memory_space<hbm>>
      %dma_wait3A_541 = arith.constant 0 : i32
      %dma_wait3A_542 = tpu.memref_slice %arg5[%run_scoped3A, %arg0, %run_scoped3A_38, %add3A_37, %dma_wait3A_541] : memref<4x2x2x10240x64xf32, #tpu.memory_space<hbm>> -> memref<1x1x1x128x64xf32, #tpu.memory_space<hbm>>
      %dma_wait3A_543 = tpu.memref_squeeze %dma_wait3A_542 : memref<1x1x1x128x64xf32, #tpu.memory_space<hbm>> -> memref<128x64xf32, #tpu.memory_space<hbm>>
      tpu.wait_dma2 semaphore(%run_scoped3A_533 : memref<!tpu.dma_semaphore, #tpu.memory_space<semaphore_mem>>) src(%arg10 : memref<128x64xf32, #tpu.memory_space<vmem>>) dst(%dma_wait3A_543 : memref<128x64xf32, #tpu.memory_space<hbm>>)
      tpu.yield
    }) : () -> ()
    %mul3A_39 = arith.constant 640 : i32
    %mul3A_40 = arith.muli %arg1, %mul3A_39 : i32
    %add3A_41 = arith.constant 128 : i32
    %add3A_42 = arith.addi %mul3A_40, %add3A_41 : i32
    "tpu.region"() ({
      %run_scoped3A_533 = tpu.sem_alloc : memref<!tpu.dma_semaphore, #tpu.memory_space<semaphore_mem>>
      %dma_start3A = arith.constant 0 : i32
      %dma_start3A_534 = tpu.memref_slice %arg11[%add3A_42, %dma_start3A] : memref<10240x64xf32, #tpu.memory_space<vmem_shared>> -> memref<128x64xf32, #tpu.memory_space<vmem_shared>>
      %dma_start3A_535 = arith.constant 0 : i32
      %dma_start3A_536 = tpu.memref_slice %arg11[%add3A_42, %dma_start3A_535] : memref<10240x64xf32, #tpu.memory_space<vmem_shared>> -> memref<128x64xf32, #tpu.memory_space<vmem_shared>>
      tpu.enqueue_dma source(%dma_start3A_536 : memref<128x64xf32, #tpu.memory_space<vmem_shared>>) target(%arg10 : memref<128x64xf32, #tpu.memory_space<vmem>>) target_semaphore(%run_scoped3A_533 : memref<!tpu.dma_semaphore, #tpu.memory_space<semaphore_mem>>)
      %dma_wait3A = arith.constant 0 : i32
      %dma_wait3A_537 = tpu.memref_slice %arg11[%add3A_42, %dma_wait3A] : memref<10240x64xf32, #tpu.memory_space<vmem_shared>> -> memref<128x64xf32, #tpu.memory_space<vmem_shared>>
      %dma_wait3A_538 = arith.constant 0 : i32
      %dma_wait3A_539 = tpu.memref_slice %arg11[%add3A_42, %dma_wait3A_538] : memref<10240x64xf32, #tpu.memory_space<vmem_shared>> -> memref<128x64xf32, #tpu.memory_space<vmem_shared>>
      tpu.wait_dma2 semaphore(%run_scoped3A_533 : memref<!tpu.dma_semaphore, #tpu.memory_space<semaphore_mem>>) src(%dma_wait3A_539 : memref<128x64xf32, #tpu.memory_space<vmem_shared>>) dst(%arg10 : memref<128x64xf32, #tpu.memory_space<vmem>>)
      tpu.yield
    }) : () -> ()
    %run_scoped3A_43 = arith.constant 0 : i32
    %run_scoped3A_44 = arith.constant 0 : i32
    "tpu.region"() ({
      %run_scoped3A_533 = tpu.sem_alloc : memref<!tpu.dma_semaphore, #tpu.memory_space<semaphore_mem>>
      %dma_start3A = arith.constant 0 : i32
      %dma_start3A_534 = tpu.memref_slice %arg5[%run_scoped3A_43, %arg0, %run_scoped3A_44, %add3A_42, %dma_start3A] : memref<4x2x2x10240x64xf32, #tpu.memory_space<hbm>> -> memref<1x1x1x128x64xf32, #tpu.memory_space<hbm>>
      %dma_start3A_535 = tpu.memref_squeeze %dma_start3A_534 : memref<1x1x1x128x64xf32, #tpu.memory_space<hbm>> -> memref<128x64xf32, #tpu.memory_space<hbm>>
      %dma_start3A_536 = arith.constant 0 : i32
      %dma_start3A_537 = tpu.memref_slice %arg5[%run_scoped3A_43, %arg0, %run_scoped3A_44, %add3A_42, %dma_start3A_536] : memref<4x2x2x10240x64xf32, #tpu.memory_space<hbm>> -> memref<1x1x1x128x64xf32, #tpu.memory_space<hbm>>
      %dma_start3A_538 = tpu.memref_squeeze %dma_start3A_537 : memref<1x1x1x128x64xf32, #tpu.memory_space<hbm>> -> memref<128x64xf32, #tpu.memory_space<hbm>>
      tpu.enqueue_dma source(%arg10 : memref<128x64xf32, #tpu.memory_space<vmem>>) target(%dma_start3A_538 : memref<128x64xf32, #tpu.memory_space<hbm>>) target_semaphore(%run_scoped3A_533 : memref<!tpu.dma_semaphore, #tpu.memory_space<semaphore_mem>>)
      %dma_wait3A = arith.constant 0 : i32
      %dma_wait3A_539 = tpu.memref_slice %arg5[%run_scoped3A_43, %arg0, %run_scoped3A_44, %add3A_42, %dma_wait3A] : memref<4x2x2x10240x64xf32, #tpu.memory_space<hbm>> -> memref<1x1x1x128x64xf32, #tpu.memory_space<hbm>>
      %dma_wait3A_540 = tpu.memref_squeeze %dma_wait3A_539 : memref<1x1x1x128x64xf32, #tpu.memory_space<hbm>> -> memref<128x64xf32, #tpu.memory_space<hbm>>
      %dma_wait3A_541 = arith.constant 0 : i32
      %dma_wait3A_542 = tpu.memref_slice %arg5[%run_scoped3A_43, %arg0, %run_scoped3A_44, %add3A_42, %dma_wait3A_541] : memref<4x2x2x10240x64xf32, #tpu.memory_space<hbm>> -> memref<1x1x1x128x64xf32, #tpu.memory_space<hbm>>
      %dma_wait3A_543 = tpu.memref_squeeze %dma_wait3A_542 : memref<1x1x1x128x64xf32, #tpu.memory_space<hbm>> -> memref<128x64xf32, #tpu.memory_space<hbm>>
      tpu.wait_dma2 semaphore(%run_scoped3A_533 : memref<!tpu.dma_semaphore, #tpu.memory_space<semaphore_mem>>) src(%arg10 : memref<128x64xf32, #tpu.memory_space<vmem>>) dst(%dma_wait3A_543 : memref<128x64xf32, #tpu.memory_space<hbm>>)
      tpu.yield
    }) : () -> ()
    %mul3A_45 = arith.constant 640 : i32
    %mul3A_46 = arith.muli %arg1, %mul3A_45 : i32
    %add3A_47 = arith.constant 256 : i32
    %add3A_48 = arith.addi %mul3A_46, %add3A_47 : i32
    "tpu.region"() ({
      %run_scoped3A_533 = tpu.sem_alloc : memref<!tpu.dma_semaphore, #tpu.memory_space<semaphore_mem>>
      %dma_start3A = arith.constant 0 : i32
      %dma_start3A_534 = tpu.memref_slice %arg11[%add3A_48, %dma_start3A] : memref<10240x64xf32, #tpu.memory_space<vmem_shared>> -> memref<128x64xf32, #tpu.memory_space<vmem_shared>>
      %dma_start3A_535 = arith.constant 0 : i32
      %dma_start3A_536 = tpu.memref_slice %arg11[%add3A_48, %dma_start3A_535] : memref<10240x64xf32, #tpu.memory_space<vmem_shared>> -> memref<128x64xf32, #tpu.memory_space<vmem_shared>>
      tpu.enqueue_dma source(%dma_start3A_536 : memref<128x64xf32, #tpu.memory_space<vmem_shared>>) target(%arg10 : memref<128x64xf32, #tpu.memory_space<vmem>>) target_semaphore(%run_scoped3A_533 : memref<!tpu.dma_semaphore, #tpu.memory_space<semaphore_mem>>)
      %dma_wait3A = arith.constant 0 : i32
      %dma_wait3A_537 = tpu.memref_slice %arg11[%add3A_48, %dma_wait3A] : memref<10240x64xf32, #tpu.memory_space<vmem_shared>> -> memref<128x64xf32, #tpu.memory_space<vmem_shared>>
      %dma_wait3A_538 = arith.constant 0 : i32
      %dma_wait3A_539 = tpu.memref_slice %arg11[%add3A_48, %dma_wait3A_538] : memref<10240x64xf32, #tpu.memory_space<vmem_shared>> -> memref<128x64xf32, #tpu.memory_space<vmem_shared>>
      tpu.wait_dma2 semaphore(%run_scoped3A_533 : memref<!tpu.dma_semaphore, #tpu.memory_space<semaphore_mem>>) src(%dma_wait3A_539 : memref<128x64xf32, #tpu.memory_space<vmem_shared>>) dst(%arg10 : memref<128x64xf32, #tpu.memory_space<vmem>>)
      tpu.yield
    }) : () -> ()
    %run_scoped3A_49 = arith.constant 0 : i32
    %run_scoped3A_50 = arith.constant 0 : i32
    "tpu.region"() ({
      %run_scoped3A_533 = tpu.sem_alloc : memref<!tpu.dma_semaphore, #tpu.memory_space<semaphore_mem>>
      %dma_start3A = arith.constant 0 : i32
      %dma_start3A_534 = tpu.memref_slice %arg5[%run_scoped3A_49, %arg0, %run_scoped3A_50, %add3A_48, %dma_start3A] : memref<4x2x2x10240x64xf32, #tpu.memory_space<hbm>> -> memref<1x1x1x128x64xf32, #tpu.memory_space<hbm>>
      %dma_start3A_535 = tpu.memref_squeeze %dma_start3A_534 : memref<1x1x1x128x64xf32, #tpu.memory_space<hbm>> -> memref<128x64xf32, #tpu.memory_space<hbm>>
      %dma_start3A_536 = arith.constant 0 : i32
      %dma_start3A_537 = tpu.memref_slice %arg5[%run_scoped3A_49, %arg0, %run_scoped3A_50, %add3A_48, %dma_start3A_536] : memref<4x2x2x10240x64xf32, #tpu.memory_space<hbm>> -> memref<1x1x1x128x64xf32, #tpu.memory_space<hbm>>
      %dma_start3A_538 = tpu.memref_squeeze %dma_start3A_537 : memref<1x1x1x128x64xf32, #tpu.memory_space<hbm>> -> memref<128x64xf32, #tpu.memory_space<hbm>>
      tpu.enqueue_dma source(%arg10 : memref<128x64xf32, #tpu.memory_space<vmem>>) target(%dma_start3A_538 : memref<128x64xf32, #tpu.memory_space<hbm>>) target_semaphore(%run_scoped3A_533 : memref<!tpu.dma_semaphore, #tpu.memory_space<semaphore_mem>>)
      %dma_wait3A = arith.constant 0 : i32
      %dma_wait3A_539 = tpu.memref_slice %arg5[%run_scoped3A_49, %arg0, %run_scoped3A_50, %add3A_48, %dma_wait3A] : memref<4x2x2x10240x64xf32, #tpu.memory_space<hbm>> -> memref<1x1x1x128x64xf32, #tpu.memory_space<hbm>>
      %dma_wait3A_540 = tpu.memref_squeeze %dma_wait3A_539 : memref<1x1x1x128x64xf32, #tpu.memory_space<hbm>> -> memref<128x64xf32, #tpu.memory_space<hbm>>
      %dma_wait3A_541 = arith.constant 0 : i32
      %dma_wait3A_542 = tpu.memref_slice %arg5[%run_scoped3A_49, %arg0, %run_scoped3A_50, %add3A_48, %dma_wait3A_541] : memref<4x2x2x10240x64xf32, #tpu.memory_space<hbm>> -> memref<1x1x1x128x64xf32, #tpu.memory_space<hbm>>
      %dma_wait3A_543 = tpu.memref_squeeze %dma_wait3A_542 : memref<1x1x1x128x64xf32, #tpu.memory_space<hbm>> -> memref<128x64xf32, #tpu.memory_space<hbm>>
      tpu.wait_dma2 semaphore(%run_scoped3A_533 : memref<!tpu.dma_semaphore, #tpu.memory_space<semaphore_mem>>) src(%arg10 : memref<128x64xf32, #tpu.memory_space<vmem>>) dst(%dma_wait3A_543 : memref<128x64xf32, #tpu.memory_space<hbm>>)
      tpu.yield
    }) : () -> ()
    %mul3A_51 = arith.constant 640 : i32
    %mul3A_52 = arith.muli %arg1, %mul3A_51 : i32
    %add3A_53 = arith.constant 384 : i32
    %add3A_54 = arith.addi %mul3A_52, %add3A_53 : i32
    "tpu.region"() ({
      %run_scoped3A_533 = tpu.sem_alloc : memref<!tpu.dma_semaphore, #tpu.memory_space<semaphore_mem>>
      %dma_start3A = arith.constant 0 : i32
      %dma_start3A_534 = tpu.memref_slice %arg11[%add3A_54, %dma_start3A] : memref<10240x64xf32, #tpu.memory_space<vmem_shared>> -> memref<128x64xf32, #tpu.memory_space<vmem_shared>>
      %dma_start3A_535 = arith.constant 0 : i32
      %dma_start3A_536 = tpu.memref_slice %arg11[%add3A_54, %dma_start3A_535] : memref<10240x64xf32, #tpu.memory_space<vmem_shared>> -> memref<128x64xf32, #tpu.memory_space<vmem_shared>>
      tpu.enqueue_dma source(%dma_start3A_536 : memref<128x64xf32, #tpu.memory_space<vmem_shared>>) target(%arg10 : memref<128x64xf32, #tpu.memory_space<vmem>>) target_semaphore(%run_scoped3A_533 : memref<!tpu.dma_semaphore, #tpu.memory_space<semaphore_mem>>)
      %dma_wait3A = arith.constant 0 : i32
      %dma_wait3A_537 = tpu.memref_slice %arg11[%add3A_54, %dma_wait3A] : memref<10240x64xf32, #tpu.memory_space<vmem_shared>> -> memref<128x64xf32, #tpu.memory_space<vmem_shared>>
      %dma_wait3A_538 = arith.constant 0 : i32
      %dma_wait3A_539 = tpu.memref_slice %arg11[%add3A_54, %dma_wait3A_538] : memref<10240x64xf32, #tpu.memory_space<vmem_shared>> -> memref<128x64xf32, #tpu.memory_space<vmem_shared>>
      tpu.wait_dma2 semaphore(%run_scoped3A_533 : memref<!tpu.dma_semaphore, #tpu.memory_space<semaphore_mem>>) src(%dma_wait3A_539 : memref<128x64xf32, #tpu.memory_space<vmem_shared>>) dst(%arg10 : memref<128x64xf32, #tpu.memory_space<vmem>>)
      tpu.yield
    }) : () -> ()
    %run_scoped3A_55 = arith.constant 0 : i32
    %run_scoped3A_56 = arith.constant 0 : i32
    "tpu.region"() ({
      %run_scoped3A_533 = tpu.sem_alloc : memref<!tpu.dma_semaphore, #tpu.memory_space<semaphore_mem>>
      %dma_start3A = arith.constant 0 : i32
      %dma_start3A_534 = tpu.memref_slice %arg5[%run_scoped3A_55, %arg0, %run_scoped3A_56, %add3A_54, %dma_start3A] : memref<4x2x2x10240x64xf32, #tpu.memory_space<hbm>> -> memref<1x1x1x128x64xf32, #tpu.memory_space<hbm>>
      %dma_start3A_535 = tpu.memref_squeeze %dma_start3A_534 : memref<1x1x1x128x64xf32, #tpu.memory_space<hbm>> -> memref<128x64xf32, #tpu.memory_space<hbm>>
      %dma_start3A_536 = arith.constant 0 : i32
      %dma_start3A_537 = tpu.memref_slice %arg5[%run_scoped3A_55, %arg0, %run_scoped3A_56, %add3A_54, %dma_start3A_536] : memref<4x2x2x10240x64xf32, #tpu.memory_space<hbm>> -> memref<1x1x1x128x64xf32, #tpu.memory_space<hbm>>
      %dma_start3A_538 = tpu.memref_squeeze %dma_start3A_537 : memref<1x1x1x128x64xf32, #tpu.memory_space<hbm>> -> memref<128x64xf32, #tpu.memory_space<hbm>>
      tpu.enqueue_dma source(%arg10 : memref<128x64xf32, #tpu.memory_space<vmem>>) target(%dma_start3A_538 : memref<128x64xf32, #tpu.memory_space<hbm>>) target_semaphore(%run_scoped3A_533 : memref<!tpu.dma_semaphore, #tpu.memory_space<semaphore_mem>>)
      %dma_wait3A = arith.constant 0 : i32
      %dma_wait3A_539 = tpu.memref_slice %arg5[%run_scoped3A_55, %arg0, %run_scoped3A_56, %add3A_54, %dma_wait3A] : memref<4x2x2x10240x64xf32, #tpu.memory_space<hbm>> -> memref<1x1x1x128x64xf32, #tpu.memory_space<hbm>>
      %dma_wait3A_540 = tpu.memref_squeeze %dma_wait3A_539 : memref<1x1x1x128x64xf32, #tpu.memory_space<hbm>> -> memref<128x64xf32, #tpu.memory_space<hbm>>
      %dma_wait3A_541 = arith.constant 0 : i32
      %dma_wait3A_542 = tpu.memref_slice %arg5[%run_scoped3A_55, %arg0, %run_scoped3A_56, %add3A_54, %dma_wait3A_541] : memref<4x2x2x10240x64xf32, #tpu.memory_space<hbm>> -> memref<1x1x1x128x64xf32, #tpu.memory_space<hbm>>
      %dma_wait3A_543 = tpu.memref_squeeze %dma_wait3A_542 : memref<1x1x1x128x64xf32, #tpu.memory_space<hbm>> -> memref<128x64xf32, #tpu.memory_space<hbm>>
      tpu.wait_dma2 semaphore(%run_scoped3A_533 : memref<!tpu.dma_semaphore, #tpu.memory_space<semaphore_mem>>) src(%arg10 : memref<128x64xf32, #tpu.memory_space<vmem>>) dst(%dma_wait3A_543 : memref<128x64xf32, #tpu.memory_space<hbm>>)
      tpu.yield
    }) : () -> ()
    %mul3A_57 = arith.constant 640 : i32
    %mul3A_58 = arith.muli %arg1, %mul3A_57 : i32
    %add3A_59 = arith.constant 512 : i32
    %add3A_60 = arith.addi %mul3A_58, %add3A_59 : i32
    "tpu.region"() ({
      %run_scoped3A_533 = tpu.sem_alloc : memref<!tpu.dma_semaphore, #tpu.memory_space<semaphore_mem>>
      %dma_start3A = arith.constant 0 : i32
      %dma_start3A_534 = tpu.memref_slice %arg11[%add3A_60, %dma_start3A] : memref<10240x64xf32, #tpu.memory_space<vmem_shared>> -> memref<128x64xf32, #tpu.memory_space<vmem_shared>>
      %dma_start3A_535 = arith.constant 0 : i32
      %dma_start3A_536 = tpu.memref_slice %arg11[%add3A_60, %dma_start3A_535] : memref<10240x64xf32, #tpu.memory_space<vmem_shared>> -> memref<128x64xf32, #tpu.memory_space<vmem_shared>>
      tpu.enqueue_dma source(%dma_start3A_536 : memref<128x64xf32, #tpu.memory_space<vmem_shared>>) target(%arg10 : memref<128x64xf32, #tpu.memory_space<vmem>>) target_semaphore(%run_scoped3A_533 : memref<!tpu.dma_semaphore, #tpu.memory_space<semaphore_mem>>)
      %dma_wait3A = arith.constant 0 : i32
      %dma_wait3A_537 = tpu.memref_slice %arg11[%add3A_60, %dma_wait3A] : memref<10240x64xf32, #tpu.memory_space<vmem_shared>> -> memref<128x64xf32, #tpu.memory_space<vmem_shared>>
      %dma_wait3A_538 = arith.constant 0 : i32
      %dma_wait3A_539 = tpu.memref_slice %arg11[%add3A_60, %dma_wait3A_538] : memref<10240x64xf32, #tpu.memory_space<vmem_shared>> -> memref<128x64xf32, #tpu.memory_space<vmem_shared>>
      tpu.wait_dma2 semaphore(%run_scoped3A_533 : memref<!tpu.dma_semaphore, #tpu.memory_space<semaphore_mem>>) src(%dma_wait3A_539 : memref<128x64xf32, #tpu.memory_space<vmem_shared>>) dst(%arg10 : memref<128x64xf32, #tpu.memory_space<vmem>>)
      tpu.yield
    }) : () -> ()
    %run_scoped3A_61 = arith.constant 0 : i32
    %run_scoped3A_62 = arith.constant 0 : i32
    "tpu.region"() ({
      %run_scoped3A_533 = tpu.sem_alloc : memref<!tpu.dma_semaphore, #tpu.memory_space<semaphore_mem>>
      %dma_start3A = arith.constant 0 : i32
      %dma_start3A_534 = tpu.memref_slice %arg5[%run_scoped3A_61, %arg0, %run_scoped3A_62, %add3A_60, %dma_start3A] : memref<4x2x2x10240x64xf32, #tpu.memory_space<hbm>> -> memref<1x1x1x128x64xf32, #tpu.memory_space<hbm>>
      %dma_start3A_535 = tpu.memref_squeeze %dma_start3A_534 : memref<1x1x1x128x64xf32, #tpu.memory_space<hbm>> -> memref<128x64xf32, #tpu.memory_space<hbm>>
      %dma_start3A_536 = arith.constant 0 : i32
      %dma_start3A_537 = tpu.memref_slice %arg5[%run_scoped3A_61, %arg0, %run_scoped3A_62, %add3A_60, %dma_start3A_536] : memref<4x2x2x10240x64xf32, #tpu.memory_space<hbm>> -> memref<1x1x1x128x64xf32, #tpu.memory_space<hbm>>
      %dma_start3A_538 = tpu.memref_squeeze %dma_start3A_537 : memref<1x1x1x128x64xf32, #tpu.memory_space<hbm>> -> memref<128x64xf32, #tpu.memory_space<hbm>>
      tpu.enqueue_dma source(%arg10 : memref<128x64xf32, #tpu.memory_space<vmem>>) target(%dma_start3A_538 : memref<128x64xf32, #tpu.memory_space<hbm>>) target_semaphore(%run_scoped3A_533 : memref<!tpu.dma_semaphore, #tpu.memory_space<semaphore_mem>>)
      %dma_wait3A = arith.constant 0 : i32
      %dma_wait3A_539 = tpu.memref_slice %arg5[%run_scoped3A_61, %arg0, %run_scoped3A_62, %add3A_60, %dma_wait3A] : memref<4x2x2x10240x64xf32, #tpu.memory_space<hbm>> -> memref<1x1x1x128x64xf32, #tpu.memory_space<hbm>>
      %dma_wait3A_540 = tpu.memref_squeeze %dma_wait3A_539 : memref<1x1x1x128x64xf32, #tpu.memory_space<hbm>> -> memref<128x64xf32, #tpu.memory_space<hbm>>
      %dma_wait3A_541 = arith.constant 0 : i32
      %dma_wait3A_542 = tpu.memref_slice %arg5[%run_scoped3A_61, %arg0, %run_scoped3A_62, %add3A_60, %dma_wait3A_541] : memref<4x2x2x10240x64xf32, #tpu.memory_space<hbm>> -> memref<1x1x1x128x64xf32, #tpu.memory_space<hbm>>
      %dma_wait3A_543 = tpu.memref_squeeze %dma_wait3A_542 : memref<1x1x1x128x64xf32, #tpu.memory_space<hbm>> -> memref<128x64xf32, #tpu.memory_space<hbm>>
      tpu.wait_dma2 semaphore(%run_scoped3A_533 : memref<!tpu.dma_semaphore, #tpu.memory_space<semaphore_mem>>) src(%arg10 : memref<128x64xf32, #tpu.memory_space<vmem>>) dst(%dma_wait3A_543 : memref<128x64xf32, #tpu.memory_space<hbm>>)
      tpu.yield
    }) : () -> ()
    %barrier3A_63 = arith.constant 0 : index
    tpu.barrier barrier_id(%barrier3A_63)
    %mul3A_64 = arith.constant 2 : i32
    %mul3A_65 = arith.muli %arg0, %mul3A_64 : i32
    %add3A_66 = arith.constant 1 : i32
    %add3A_67 = arith.addi %mul3A_65, %add3A_66 : i32
    %mul3A_68 = arith.constant 10000 : i32
    %mul3A_69 = arith.muli %add3A_67, %mul3A_68 : i32
    %add3A_70 = arith.constant 10000 : i32
    %add3A_71 = arith.addi %mul3A_69, %add3A_70 : i32
    %mul3A_72 = arith.constant 640 : i32
    %mul3A_73 = arith.muli %arg1, %mul3A_72 : i32
    %add3A_74 = arith.constant 0 : i32
    %add3A_75 = arith.addi %mul3A_73, %add3A_74 : i32
    "tpu.region"() ({
      %run_scoped3A_533 = tpu.sem_alloc : memref<!tpu.dma_semaphore, #tpu.memory_space<semaphore_mem>>
      %dma_start3A = arith.constant 0 : i32
      %dma_start3A_534 = tpu.memref_slice %arg11[%add3A_75, %dma_start3A] : memref<10240x64xf32, #tpu.memory_space<vmem_shared>> -> memref<128x64xf32, #tpu.memory_space<vmem_shared>>
      %dma_start3A_535 = arith.constant 0 : i32
      %dma_start3A_536 = tpu.memref_slice %arg11[%add3A_75, %dma_start3A_535] : memref<10240x64xf32, #tpu.memory_space<vmem_shared>> -> memref<128x64xf32, #tpu.memory_space<vmem_shared>>
      tpu.enqueue_dma source(%arg9 : memref<128x64xf32, #tpu.memory_space<vmem>>) target(%dma_start3A_536 : memref<128x64xf32, #tpu.memory_space<vmem_shared>>) target_semaphore(%run_scoped3A_533 : memref<!tpu.dma_semaphore, #tpu.memory_space<semaphore_mem>>)
      %dma_wait3A = arith.constant 0 : i32
      %dma_wait3A_537 = tpu.memref_slice %arg11[%add3A_75, %dma_wait3A] : memref<10240x64xf32, #tpu.memory_space<vmem_shared>> -> memref<128x64xf32, #tpu.memory_space<vmem_shared>>
      %dma_wait3A_538 = arith.constant 0 : i32
      %dma_wait3A_539 = tpu.memref_slice %arg11[%add3A_75, %dma_wait3A_538] : memref<10240x64xf32, #tpu.memory_space<vmem_shared>> -> memref<128x64xf32, #tpu.memory_space<vmem_shared>>
      tpu.wait_dma2 semaphore(%run_scoped3A_533 : memref<!tpu.dma_semaphore, #tpu.memory_space<semaphore_mem>>) src(%arg9 : memref<128x64xf32, #tpu.memory_space<vmem>>) dst(%dma_wait3A_539 : memref<128x64xf32, #tpu.memory_space<vmem_shared>>)
      tpu.yield
    }) : () -> ()
    %mul3A_76 = arith.constant 640 : i32
    %mul3A_77 = arith.muli %arg1, %mul3A_76 : i32
    %add3A_78 = arith.constant 128 : i32
    %add3A_79 = arith.addi %mul3A_77, %add3A_78 : i32
    "tpu.region"() ({
      %run_scoped3A_533 = tpu.sem_alloc : memref<!tpu.dma_semaphore, #tpu.memory_space<semaphore_mem>>
      %dma_start3A = arith.constant 0 : i32
      %dma_start3A_534 = tpu.memref_slice %arg11[%add3A_79, %dma_start3A] : memref<10240x64xf32, #tpu.memory_space<vmem_shared>> -> memref<128x64xf32, #tpu.memory_space<vmem_shared>>
      %dma_start3A_535 = arith.constant 0 : i32
      %dma_start3A_536 = tpu.memref_slice %arg11[%add3A_79, %dma_start3A_535] : memref<10240x64xf32, #tpu.memory_space<vmem_shared>> -> memref<128x64xf32, #tpu.memory_space<vmem_shared>>
      tpu.enqueue_dma source(%arg9 : memref<128x64xf32, #tpu.memory_space<vmem>>) target(%dma_start3A_536 : memref<128x64xf32, #tpu.memory_space<vmem_shared>>) target_semaphore(%run_scoped3A_533 : memref<!tpu.dma_semaphore, #tpu.memory_space<semaphore_mem>>)
      %dma_wait3A = arith.constant 0 : i32
      %dma_wait3A_537 = tpu.memref_slice %arg11[%add3A_79, %dma_wait3A] : memref<10240x64xf32, #tpu.memory_space<vmem_shared>> -> memref<128x64xf32, #tpu.memory_space<vmem_shared>>
      %dma_wait3A_538 = arith.constant 0 : i32
      %dma_wait3A_539 = tpu.memref_slice %arg11[%add3A_79, %dma_wait3A_538] : memref<10240x64xf32, #tpu.memory_space<vmem_shared>> -> memref<128x64xf32, #tpu.memory_space<vmem_shared>>
      tpu.wait_dma2 semaphore(%run_scoped3A_533 : memref<!tpu.dma_semaphore, #tpu.memory_space<semaphore_mem>>) src(%arg9 : memref<128x64xf32, #tpu.memory_space<vmem>>) dst(%dma_wait3A_539 : memref<128x64xf32, #tpu.memory_space<vmem_shared>>)
      tpu.yield
    }) : () -> ()
    %mul3A_80 = arith.constant 640 : i32
    %mul3A_81 = arith.muli %arg1, %mul3A_80 : i32
    %add3A_82 = arith.constant 256 : i32
    %add3A_83 = arith.addi %mul3A_81, %add3A_82 : i32
    "tpu.region"() ({
      %run_scoped3A_533 = tpu.sem_alloc : memref<!tpu.dma_semaphore, #tpu.memory_space<semaphore_mem>>
      %dma_start3A = arith.constant 0 : i32
      %dma_start3A_534 = tpu.memref_slice %arg11[%add3A_83, %dma_start3A] : memref<10240x64xf32, #tpu.memory_space<vmem_shared>> -> memref<128x64xf32, #tpu.memory_space<vmem_shared>>
      %dma_start3A_535 = arith.constant 0 : i32
      %dma_start3A_536 = tpu.memref_slice %arg11[%add3A_83, %dma_start3A_535] : memref<10240x64xf32, #tpu.memory_space<vmem_shared>> -> memref<128x64xf32, #tpu.memory_space<vmem_shared>>
      tpu.enqueue_dma source(%arg9 : memref<128x64xf32, #tpu.memory_space<vmem>>) target(%dma_start3A_536 : memref<128x64xf32, #tpu.memory_space<vmem_shared>>) target_semaphore(%run_scoped3A_533 : memref<!tpu.dma_semaphore, #tpu.memory_space<semaphore_mem>>)
      %dma_wait3A = arith.constant 0 : i32
      %dma_wait3A_537 = tpu.memref_slice %arg11[%add3A_83, %dma_wait3A] : memref<10240x64xf32, #tpu.memory_space<vmem_shared>> -> memref<128x64xf32, #tpu.memory_space<vmem_shared>>
      %dma_wait3A_538 = arith.constant 0 : i32
      %dma_wait3A_539 = tpu.memref_slice %arg11[%add3A_83, %dma_wait3A_538] : memref<10240x64xf32, #tpu.memory_space<vmem_shared>> -> memref<128x64xf32, #tpu.memory_space<vmem_shared>>
      tpu.wait_dma2 semaphore(%run_scoped3A_533 : memref<!tpu.dma_semaphore, #tpu.memory_space<semaphore_mem>>) src(%arg9 : memref<128x64xf32, #tpu.memory_space<vmem>>) dst(%dma_wait3A_539 : memref<128x64xf32, #tpu.memory_space<vmem_shared>>)
      tpu.yield
    }) : () -> ()
    %mul3A_84 = arith.constant 640 : i32
    %mul3A_85 = arith.muli %arg1, %mul3A_84 : i32
    %add3A_86 = arith.constant 384 : i32
    %add3A_87 = arith.addi %mul3A_85, %add3A_86 : i32
    "tpu.region"() ({
      %run_scoped3A_533 = tpu.sem_alloc : memref<!tpu.dma_semaphore, #tpu.memory_space<semaphore_mem>>
      %dma_start3A = arith.constant 0 : i32
      %dma_start3A_534 = tpu.memref_slice %arg11[%add3A_87, %dma_start3A] : memref<10240x64xf32, #tpu.memory_space<vmem_shared>> -> memref<128x64xf32, #tpu.memory_space<vmem_shared>>
      %dma_start3A_535 = arith.constant 0 : i32
      %dma_start3A_536 = tpu.memref_slice %arg11[%add3A_87, %dma_start3A_535] : memref<10240x64xf32, #tpu.memory_space<vmem_shared>> -> memref<128x64xf32, #tpu.memory_space<vmem_shared>>
      tpu.enqueue_dma source(%arg9 : memref<128x64xf32, #tpu.memory_space<vmem>>) target(%dma_start3A_536 : memref<128x64xf32, #tpu.memory_space<vmem_shared>>) target_semaphore(%run_scoped3A_533 : memref<!tpu.dma_semaphore, #tpu.memory_space<semaphore_mem>>)
      %dma_wait3A = arith.constant 0 : i32
      %dma_wait3A_537 = tpu.memref_slice %arg11[%add3A_87, %dma_wait3A] : memref<10240x64xf32, #tpu.memory_space<vmem_shared>> -> memref<128x64xf32, #tpu.memory_space<vmem_shared>>
      %dma_wait3A_538 = arith.constant 0 : i32
      %dma_wait3A_539 = tpu.memref_slice %arg11[%add3A_87, %dma_wait3A_538] : memref<10240x64xf32, #tpu.memory_space<vmem_shared>> -> memref<128x64xf32, #tpu.memory_space<vmem_shared>>
      tpu.wait_dma2 semaphore(%run_scoped3A_533 : memref<!tpu.dma_semaphore, #tpu.memory_space<semaphore_mem>>) src(%arg9 : memref<128x64xf32, #tpu.memory_space<vmem>>) dst(%dma_wait3A_539 : memref<128x64xf32, #tpu.memory_space<vmem_shared>>)
      tpu.yield
    }) : () -> ()
    %mul3A_88 = arith.constant 640 : i32
    %mul3A_89 = arith.muli %arg1, %mul3A_88 : i32
    %add3A_90 = arith.constant 512 : i32
    %add3A_91 = arith.addi %mul3A_89, %add3A_90 : i32
    "tpu.region"() ({
      %run_scoped3A_533 = tpu.sem_alloc : memref<!tpu.dma_semaphore, #tpu.memory_space<semaphore_mem>>
      %dma_start3A = arith.constant 0 : i32
      %dma_start3A_534 = tpu.memref_slice %arg11[%add3A_91, %dma_start3A] : memref<10240x64xf32, #tpu.memory_space<vmem_shared>> -> memref<128x64xf32, #tpu.memory_space<vmem_shared>>
      %dma_start3A_535 = arith.constant 0 : i32
      %dma_start3A_536 = tpu.memref_slice %arg11[%add3A_91, %dma_start3A_535] : memref<10240x64xf32, #tpu.memory_space<vmem_shared>> -> memref<128x64xf32, #tpu.memory_space<vmem_shared>>
      tpu.enqueue_dma source(%arg9 : memref<128x64xf32, #tpu.memory_space<vmem>>) target(%dma_start3A_536 : memref<128x64xf32, #tpu.memory_space<vmem_shared>>) target_semaphore(%run_scoped3A_533 : memref<!tpu.dma_semaphore, #tpu.memory_space<semaphore_mem>>)
      %dma_wait3A = arith.constant 0 : i32
      %dma_wait3A_537 = tpu.memref_slice %arg11[%add3A_91, %dma_wait3A] : memref<10240x64xf32, #tpu.memory_space<vmem_shared>> -> memref<128x64xf32, #tpu.memory_space<vmem_shared>>
      %dma_wait3A_538 = arith.constant 0 : i32
      %dma_wait3A_539 = tpu.memref_slice %arg11[%add3A_91, %dma_wait3A_538] : memref<10240x64xf32, #tpu.memory_space<vmem_shared>> -> memref<128x64xf32, #tpu.memory_space<vmem_shared>>
      tpu.wait_dma2 semaphore(%run_scoped3A_533 : memref<!tpu.dma_semaphore, #tpu.memory_space<semaphore_mem>>) src(%arg9 : memref<128x64xf32, #tpu.memory_space<vmem>>) dst(%dma_wait3A_539 : memref<128x64xf32, #tpu.memory_space<vmem_shared>>)
      tpu.yield
    }) : () -> ()
    %barrier3A_92 = arith.constant 0 : index
    tpu.barrier barrier_id(%barrier3A_92)
    %scan3A_93 = arith.constant 0 : i32
    %scan3A_94 = arith.constant 0 : i32
    %scan3A_95 = arith.constant 123 : i32
    %scan3A_96 = arith.addi %scan3A_94, %scan3A_95 : i32
    %scan3A_97 = arith.constant 1 : i32
    scf.for %scan3A_533 = %scan3A_94 to %scan3A_96 step %scan3A_97  : i32 {
      %add3A_534 = arith.constant 0 : i32
      %add3A_535 = arith.addi %add3A_534, %arg1 : i32
      %run_scoped3A_536 = arith.constant 0 : i32
      "tpu.region"() ({
        %run_scoped3A_644 = tpu.sem_alloc : memref<!tpu.dma_semaphore, #tpu.memory_space<semaphore_mem>>
        %dma_start3A = arith.constant 0 : i32
        %dma_start3A_645 = tpu.memref_slice %arg6[%dma_start3A] : memref<96xi32, #tpu.memory_space<vmem>> -> memref<88xi32, #tpu.memory_space<vmem>>
        %dma_start3A_646 = arith.constant 0 : i32
        %dma_start3A_647 = tpu.memref_slice %arg3[%add3A_535, %scan3A_533, %run_scoped3A_536, %dma_start3A_646] : memref<64x123x1x88xi32, #tpu.memory_space<hbm>> -> memref<1x1x1x88xi32, #tpu.memory_space<hbm>>
        %dma_start3A_648 = tpu.memref_squeeze %dma_start3A_647 : memref<1x1x1x88xi32, #tpu.memory_space<hbm>> -> memref<88xi32, #tpu.memory_space<hbm>>
        %dma_start3A_649 = arith.constant 0 : i32
        %dma_start3A_650 = tpu.memref_slice %arg6[%dma_start3A_649] : memref<96xi32, #tpu.memory_space<vmem>> -> memref<88xi32, #tpu.memory_space<vmem>>
        %dma_start3A_651 = arith.constant 0 : i32
        %dma_start3A_652 = tpu.memref_slice %arg3[%add3A_535, %scan3A_533, %run_scoped3A_536, %dma_start3A_651] : memref<64x123x1x88xi32, #tpu.memory_space<hbm>> -> memref<1x1x1x88xi32, #tpu.memory_space<hbm>>
        %dma_start3A_653 = tpu.memref_squeeze %dma_start3A_652 : memref<1x1x1x88xi32, #tpu.memory_space<hbm>> -> memref<88xi32, #tpu.memory_space<hbm>>
        tpu.enqueue_dma source(%dma_start3A_653 : memref<88xi32, #tpu.memory_space<hbm>>) target(%dma_start3A_650 : memref<88xi32, #tpu.memory_space<vmem>>) target_semaphore(%run_scoped3A_644 : memref<!tpu.dma_semaphore, #tpu.memory_space<semaphore_mem>>)
        %dma_wait3A = arith.constant 0 : i32
        %dma_wait3A_654 = tpu.memref_slice %arg6[%dma_wait3A] : memref<96xi32, #tpu.memory_space<vmem>> -> memref<88xi32, #tpu.memory_space<vmem>>
        %dma_wait3A_655 = arith.constant 0 : i32
        %dma_wait3A_656 = tpu.memref_slice %arg3[%add3A_535, %scan3A_533, %run_scoped3A_536, %dma_wait3A_655] : memref<64x123x1x88xi32, #tpu.memory_space<hbm>> -> memref<1x1x1x88xi32, #tpu.memory_space<hbm>>
        %dma_wait3A_657 = tpu.memref_squeeze %dma_wait3A_656 : memref<1x1x1x88xi32, #tpu.memory_space<hbm>> -> memref<88xi32, #tpu.memory_space<hbm>>
        %dma_wait3A_658 = arith.constant 0 : i32
        %dma_wait3A_659 = tpu.memref_slice %arg6[%dma_wait3A_658] : memref<96xi32, #tpu.memory_space<vmem>> -> memref<88xi32, #tpu.memory_space<vmem>>
        %dma_wait3A_660 = arith.constant 0 : i32
        %dma_wait3A_661 = tpu.memref_slice %arg3[%add3A_535, %scan3A_533, %run_scoped3A_536, %dma_wait3A_660] : memref<64x123x1x88xi32, #tpu.memory_space<hbm>> -> memref<1x1x1x88xi32, #tpu.memory_space<hbm>>
        %dma_wait3A_662 = tpu.memref_squeeze %dma_wait3A_661 : memref<1x1x1x88xi32, #tpu.memory_space<hbm>> -> memref<88xi32, #tpu.memory_space<hbm>>
        tpu.wait_dma2 semaphore(%run_scoped3A_644 : memref<!tpu.dma_semaphore, #tpu.memory_space<semaphore_mem>>) src(%dma_wait3A_662 : memref<88xi32, #tpu.memory_space<hbm>>) dst(%dma_wait3A_659 : memref<88xi32, #tpu.memory_space<vmem>>)
        tpu.yield
      }) : () -> ()
      %add3A_537 = arith.constant 0 : i32
      %add3A_538 = arith.addi %add3A_537, %arg1 : i32
      "tpu.region"() ({
        %run_scoped3A_644 = tpu.sem_alloc : memref<!tpu.dma_semaphore, #tpu.memory_space<semaphore_mem>>
        %dma_start3A = arith.constant 0 : i32
        %dma_start3A_645 = arith.constant 0 : i32
        %dma_start3A_646 = tpu.memref_slice %arg8[%dma_start3A, %dma_start3A_645] : memref<96x64xf32, #tpu.memory_space<vmem>> -> memref<88x64xf32, #tpu.memory_space<vmem>>
        %dma_start3A_647 = arith.constant 0 : i32
        %dma_start3A_648 = arith.constant 0 : i32
        %dma_start3A_649 = tpu.memref_slice %arg2[%add3A_538, %scan3A_533, %dma_start3A_647, %dma_start3A_648] : memref<64x123x88x64xf32, #tpu.memory_space<hbm>> -> memref<1x1x88x64xf32, #tpu.memory_space<hbm>>
        %dma_start3A_650 = tpu.memref_squeeze %dma_start3A_649 : memref<1x1x88x64xf32, #tpu.memory_space<hbm>> -> memref<88x64xf32, #tpu.memory_space<hbm>>
        %dma_start3A_651 = arith.constant 0 : i32
        %dma_start3A_652 = arith.constant 0 : i32
        %dma_start3A_653 = tpu.memref_slice %arg8[%dma_start3A_651, %dma_start3A_652] : memref<96x64xf32, #tpu.memory_space<vmem>> -> memref<88x64xf32, #tpu.memory_space<vmem>>
        %dma_start3A_654 = arith.constant 0 : i32
        %dma_start3A_655 = arith.constant 0 : i32
        %dma_start3A_656 = tpu.memref_slice %arg2[%add3A_538, %scan3A_533, %dma_start3A_654, %dma_start3A_655] : memref<64x123x88x64xf32, #tpu.memory_space<hbm>> -> memref<1x1x88x64xf32, #tpu.memory_space<hbm>>
        %dma_start3A_657 = tpu.memref_squeeze %dma_start3A_656 : memref<1x1x88x64xf32, #tpu.memory_space<hbm>> -> memref<88x64xf32, #tpu.memory_space<hbm>>
        tpu.enqueue_dma source(%dma_start3A_657 : memref<88x64xf32, #tpu.memory_space<hbm>>) target(%dma_start3A_653 : memref<88x64xf32, #tpu.memory_space<vmem>>) target_semaphore(%run_scoped3A_644 : memref<!tpu.dma_semaphore, #tpu.memory_space<semaphore_mem>>)
        %dma_wait3A = arith.constant 0 : i32
        %dma_wait3A_658 = arith.constant 0 : i32
        %dma_wait3A_659 = tpu.memref_slice %arg8[%dma_wait3A, %dma_wait3A_658] : memref<96x64xf32, #tpu.memory_space<vmem>> -> memref<88x64xf32, #tpu.memory_space<vmem>>
        %dma_wait3A_660 = arith.constant 0 : i32
        %dma_wait3A_661 = arith.constant 0 : i32
        %dma_wait3A_662 = tpu.memref_slice %arg2[%add3A_538, %scan3A_533, %dma_wait3A_660, %dma_wait3A_661] : memref<64x123x88x64xf32, #tpu.memory_space<hbm>> -> memref<1x1x88x64xf32, #tpu.memory_space<hbm>>
        %dma_wait3A_663 = tpu.memref_squeeze %dma_wait3A_662 : memref<1x1x88x64xf32, #tpu.memory_space<hbm>> -> memref<88x64xf32, #tpu.memory_space<hbm>>
        %dma_wait3A_664 = arith.constant 0 : i32
        %dma_wait3A_665 = arith.constant 0 : i32
        %dma_wait3A_666 = tpu.memref_slice %arg8[%dma_wait3A_664, %dma_wait3A_665] : memref<96x64xf32, #tpu.memory_space<vmem>> -> memref<88x64xf32, #tpu.memory_space<vmem>>
        %dma_wait3A_667 = arith.constant 0 : i32
        %dma_wait3A_668 = arith.constant 0 : i32
        %dma_wait3A_669 = tpu.memref_slice %arg2[%add3A_538, %scan3A_533, %dma_wait3A_667, %dma_wait3A_668] : memref<64x123x88x64xf32, #tpu.memory_space<hbm>> -> memref<1x1x88x64xf32, #tpu.memory_space<hbm>>
        %dma_wait3A_670 = tpu.memref_squeeze %dma_wait3A_669 : memref<1x1x88x64xf32, #tpu.memory_space<hbm>> -> memref<88x64xf32, #tpu.memory_space<hbm>>
        tpu.wait_dma2 semaphore(%run_scoped3A_644 : memref<!tpu.dma_semaphore, #tpu.memory_space<semaphore_mem>>) src(%dma_wait3A_670 : memref<88x64xf32, #tpu.memory_space<hbm>>) dst(%dma_wait3A_666 : memref<88x64xf32, #tpu.memory_space<vmem>>)
        tpu.yield
      }) : () -> ()
      %get3A = arith.constant 0 : index
      %get3A_539 = tpu.vector_load %arg6[%get3A] {strides = array<i32>} : memref<96xi32, #tpu.memory_space<vmem>>, vector<16xi32>,
      %get3A_540 = vector.shape_cast %get3A_539 : vector<16xi32> to vector<16xi32>
      %ge3A = vector.broadcast %mul3A_69 : i32 to vector<16xi32>
      %ge3A_541 = arith.cmpi sge, %get3A_540, %ge3A : vector<16xi32>
      %lt3A = vector.broadcast %add3A_71 : i32 to vector<16xi32>
      %lt3A_542 = arith.cmpi slt, %get3A_540, %lt3A : vector<16xi32>
      %and3A = arith.andi %ge3A_541, %lt3A_542 : vector<16xi1>
      %sub3A = vector.broadcast %mul3A_69 : i32 to vector<16xi32>
      %sub3A_543 = arith.subi %get3A_540, %sub3A : vector<16xi32>
      %broadcast_in_dim3A = vector.broadcast %add3A_0 : i32 to vector<16xi32>
      %select_n3A = arith.select %and3A, %sub3A_543, %broadcast_in_dim3A : vector<16xi1>, vector<16xi32>
      %swap3A = arith.constant 0 : i32
      %swap3A_544 = arith.index_cast %swap3A : i32 to index
      %swap3A_545 = arith.constant 0 : index
      %swap3A_546 = tpu.vector_load %arg7[%swap3A_544, %swap3A_545] {strides = array<i32>} : memref<1x96xi32, #tpu.memory_space<vmem>>, vector<1x16xi32>,
      %swap3A_547 = vector.shape_cast %swap3A_546 : vector<1x16xi32> to vector<16xi32>
      %swap3A_548 = vector.shape_cast %select_n3A : vector<16xi32> to vector<1x16xi32>
      tpu.vector_store %arg7[%swap3A_544, %swap3A_545], %swap3A_548 {strides = array<i32>} : memref<1x96xi32, #tpu.memory_space<vmem>>, vector<1x16xi32>,
      %get3A_549 = arith.constant 16 : index
      %get3A_550 = tpu.vector_load %arg6[%get3A_549] {strides = array<i32>} : memref<96xi32, #tpu.memory_space<vmem>>, vector<16xi32>,
      %get3A_551 = vector.shape_cast %get3A_550 : vector<16xi32> to vector<16xi32>
      %ge3A_552 = vector.broadcast %mul3A_69 : i32 to vector<16xi32>
      %ge3A_553 = arith.cmpi sge, %get3A_551, %ge3A_552 : vector<16xi32>
      %lt3A_554 = vector.broadcast %add3A_71 : i32 to vector<16xi32>
      %lt3A_555 = arith.cmpi slt, %get3A_551, %lt3A_554 : vector<16xi32>
      %and3A_556 = arith.andi %ge3A_553, %lt3A_555 : vector<16xi1>
      %sub3A_557 = vector.broadcast %mul3A_69 : i32 to vector<16xi32>
      %sub3A_558 = arith.subi %get3A_551, %sub3A_557 : vector<16xi32>
      %broadcast_in_dim3A_559 = vector.broadcast %add3A_0 : i32 to vector<16xi32>
      %select_n3A_560 = arith.select %and3A_556, %sub3A_558, %broadcast_in_dim3A_559 : vector<16xi1>, vector<16xi32>
      %swap3A_561 = arith.constant 0 : i32
      %swap3A_562 = arith.index_cast %swap3A_561 : i32 to index
      %swap3A_563 = arith.constant 16 : index
      %swap3A_564 = tpu.vector_load %arg7[%swap3A_562, %swap3A_563] {strides = array<i32>} : memref<1x96xi32, #tpu.memory_space<vmem>>, vector<1x16xi32>,
      %swap3A_565 = vector.shape_cast %swap3A_564 : vector<1x16xi32> to vector<16xi32>
      %swap3A_566 = vector.shape_cast %select_n3A_560 : vector<16xi32> to vector<1x16xi32>
      tpu.vector_store %arg7[%swap3A_562, %swap3A_563], %swap3A_566 {strides = array<i32>} : memref<1x96xi32, #tpu.memory_space<vmem>>, vector<1x16xi32>,
      %get3A_567 = arith.constant 32 : index
      %get3A_568 = tpu.vector_load %arg6[%get3A_567] {strides = array<i32>} : memref<96xi32, #tpu.memory_space<vmem>>, vector<16xi32>,
      %get3A_569 = vector.shape_cast %get3A_568 : vector<16xi32> to vector<16xi32>
      %ge3A_570 = vector.broadcast %mul3A_69 : i32 to vector<16xi32>
      %ge3A_571 = arith.cmpi sge, %get3A_569, %ge3A_570 : vector<16xi32>
      %lt3A_572 = vector.broadcast %add3A_71 : i32 to vector<16xi32>
      %lt3A_573 = arith.cmpi slt, %get3A_569, %lt3A_572 : vector<16xi32>
      %and3A_574 = arith.andi %ge3A_571, %lt3A_573 : vector<16xi1>
      %sub3A_575 = vector.broadcast %mul3A_69 : i32 to vector<16xi32>
      %sub3A_576 = arith.subi %get3A_569, %sub3A_575 : vector<16xi32>
      %broadcast_in_dim3A_577 = vector.broadcast %add3A_0 : i32 to vector<16xi32>
      %select_n3A_578 = arith.select %and3A_574, %sub3A_576, %broadcast_in_dim3A_577 : vector<16xi1>, vector<16xi32>
      %swap3A_579 = arith.constant 0 : i32
      %swap3A_580 = arith.index_cast %swap3A_579 : i32 to index
      %swap3A_581 = arith.constant 32 : index
      %swap3A_582 = tpu.vector_load %arg7[%swap3A_580, %swap3A_581] {strides = array<i32>} : memref<1x96xi32, #tpu.memory_space<vmem>>, vector<1x16xi32>,
      %swap3A_583 = vector.shape_cast %swap3A_582 : vector<1x16xi32> to vector<16xi32>
      %swap3A_584 = vector.shape_cast %select_n3A_578 : vector<16xi32> to vector<1x16xi32>
      tpu.vector_store %arg7[%swap3A_580, %swap3A_581], %swap3A_584 {strides = array<i32>} : memref<1x96xi32, #tpu.memory_space<vmem>>, vector<1x16xi32>,
      %get3A_585 = arith.constant 48 : index
      %get3A_586 = tpu.vector_load %arg6[%get3A_585] {strides = array<i32>} : memref<96xi32, #tpu.memory_space<vmem>>, vector<16xi32>,
      %get3A_587 = vector.shape_cast %get3A_586 : vector<16xi32> to vector<16xi32>
      %ge3A_588 = vector.broadcast %mul3A_69 : i32 to vector<16xi32>
      %ge3A_589 = arith.cmpi sge, %get3A_587, %ge3A_588 : vector<16xi32>
      %lt3A_590 = vector.broadcast %add3A_71 : i32 to vector<16xi32>
      %lt3A_591 = arith.cmpi slt, %get3A_587, %lt3A_590 : vector<16xi32>
      %and3A_592 = arith.andi %ge3A_589, %lt3A_591 : vector<16xi1>
      %sub3A_593 = vector.broadcast %mul3A_69 : i32 to vector<16xi32>
      %sub3A_594 = arith.subi %get3A_587, %sub3A_593 : vector<16xi32>
      %broadcast_in_dim3A_595 = vector.broadcast %add3A_0 : i32 to vector<16xi32>
      %select_n3A_596 = arith.select %and3A_592, %sub3A_594, %broadcast_in_dim3A_595 : vector<16xi1>, vector<16xi32>
      %swap3A_597 = arith.constant 0 : i32
      %swap3A_598 = arith.index_cast %swap3A_597 : i32 to index
      %swap3A_599 = arith.constant 48 : index
      %swap3A_600 = tpu.vector_load %arg7[%swap3A_598, %swap3A_599] {strides = array<i32>} : memref<1x96xi32, #tpu.memory_space<vmem>>, vector<1x16xi32>,
      %swap3A_601 = vector.shape_cast %swap3A_600 : vector<1x16xi32> to vector<16xi32>
      %swap3A_602 = vector.shape_cast %select_n3A_596 : vector<16xi32> to vector<1x16xi32>
      tpu.vector_store %arg7[%swap3A_598, %swap3A_599], %swap3A_602 {strides = array<i32>} : memref<1x96xi32, #tpu.memory_space<vmem>>, vector<1x16xi32>,
      %get3A_603 = arith.constant 64 : index
      %get3A_604 = tpu.vector_load %arg6[%get3A_603] {strides = array<i32>} : memref<96xi32, #tpu.memory_space<vmem>>, vector<16xi32>,
      %get3A_605 = vector.shape_cast %get3A_604 : vector<16xi32> to vector<16xi32>
      %ge3A_606 = vector.broadcast %mul3A_69 : i32 to vector<16xi32>
      %ge3A_607 = arith.cmpi sge, %get3A_605, %ge3A_606 : vector<16xi32>
      %lt3A_608 = vector.broadcast %add3A_71 : i32 to vector<16xi32>
      %lt3A_609 = arith.cmpi slt, %get3A_605, %lt3A_608 : vector<16xi32>
      %and3A_610 = arith.andi %ge3A_607, %lt3A_609 : vector<16xi1>
      %sub3A_611 = vector.broadcast %mul3A_69 : i32 to vector<16xi32>
      %sub3A_612 = arith.subi %get3A_605, %sub3A_611 : vector<16xi32>
      %broadcast_in_dim3A_613 = vector.broadcast %add3A_0 : i32 to vector<16xi32>
      %select_n3A_614 = arith.select %and3A_610, %sub3A_612, %broadcast_in_dim3A_613 : vector<16xi1>, vector<16xi32>
      %swap3A_615 = arith.constant 0 : i32
      %swap3A_616 = arith.index_cast %swap3A_615 : i32 to index
      %swap3A_617 = arith.constant 64 : index
      %swap3A_618 = tpu.vector_load %arg7[%swap3A_616, %swap3A_617] {strides = array<i32>} : memref<1x96xi32, #tpu.memory_space<vmem>>, vector<1x16xi32>,
      %swap3A_619 = vector.shape_cast %swap3A_618 : vector<1x16xi32> to vector<16xi32>
      %swap3A_620 = vector.shape_cast %select_n3A_614 : vector<16xi32> to vector<1x16xi32>
      tpu.vector_store %arg7[%swap3A_616, %swap3A_617], %swap3A_620 {strides = array<i32>} : memref<1x96xi32, #tpu.memory_space<vmem>>, vector<1x16xi32>,
      %get3A_621 = arith.constant 80 : index
      %get3A_622 = tpu.vector_load %arg6[%get3A_621] {strides = array<i32>} : memref<96xi32, #tpu.memory_space<vmem>>, vector<16xi32>,
      %get3A_623 = vector.shape_cast %get3A_622 : vector<16xi32> to vector<16xi32>
      %ge3A_624 = vector.broadcast %mul3A_69 : i32 to vector<16xi32>
      %ge3A_625 = arith.cmpi sge, %get3A_623, %ge3A_624 : vector<16xi32>
      %lt3A_626 = vector.broadcast %add3A_71 : i32 to vector<16xi32>
      %lt3A_627 = arith.cmpi slt, %get3A_623, %lt3A_626 : vector<16xi32>
      %and3A_628 = arith.andi %ge3A_625, %lt3A_627 : vector<16xi1>
      %lt3A_629 = arith.constant 8 : i32
      %lt3A_630 = vector.broadcast %lt3A_629 : i32 to vector<16xi32>
      %lt3A_631 = arith.cmpi slt, %iota3A, %lt3A_630 : vector<16xi32>
      %and3A_632 = arith.andi %and3A_628, %lt3A_631 : vector<16xi1>
      %sub3A_633 = vector.broadcast %mul3A_69 : i32 to vector<16xi32>
      %sub3A_634 = arith.subi %get3A_623, %sub3A_633 : vector<16xi32>
      %broadcast_in_dim3A_635 = vector.broadcast %add3A_0 : i32 to vector<16xi32>
      %select_n3A_636 = arith.select %and3A_632, %sub3A_634, %broadcast_in_dim3A_635 : vector<16xi1>, vector<16xi32>
      %swap3A_637 = arith.constant 0 : i32
      %swap3A_638 = arith.index_cast %swap3A_637 : i32 to index
      %swap3A_639 = arith.constant 80 : index
      %swap3A_640 = tpu.vector_load %arg7[%swap3A_638, %swap3A_639] {strides = array<i32>} : memref<1x96xi32, #tpu.memory_space<vmem>>, vector<1x16xi32>,
      %swap3A_641 = vector.shape_cast %swap3A_640 : vector<1x16xi32> to vector<16xi32>
      %swap3A_642 = vector.shape_cast %select_n3A_636 : vector<16xi32> to vector<1x16xi32>
      tpu.vector_store %arg7[%swap3A_638, %swap3A_639], %swap3A_642 {strides = array<i32>} : memref<1x96xi32, #tpu.memory_space<vmem>>, vector<1x16xi32>,
      %run_scoped3A_643 = arith.constant 0 : i32
      "tpu.region"() ({
        %run_scoped3A_644 = tpu.sem_alloc : memref<!tpu.dma_semaphore, #tpu.memory_space<semaphore_mem>>
        %dma_start3A = arith.constant 0 : i32
        %dma_start3A_645 = tpu.memref_slice %arg7[%run_scoped3A_643, %dma_start3A] : memref<1x96xi32, #tpu.memory_space<vmem>> -> memref<1x96xi32, #tpu.memory_space<vmem>>
        %dma_start3A_646 = tpu.memref_squeeze %dma_start3A_645 : memref<1x96xi32, #tpu.memory_space<vmem>> -> memref<96xi32, #tpu.memory_space<vmem>>
        %dma_start3A_647 = arith.constant 0 : i32
        %dma_start3A_648 = arith.constant 0 : i32
        %dma_start3A_649 = tpu.memref_slice %arg11[%dma_start3A_647, %dma_start3A_648] : memref<10240x64xf32, #tpu.memory_space<vmem_shared>> -> memref<10240x64xf32, #tpu.memory_space<vmem_shared>>
        tpu.enqueue_indirect_dma source(%arg8 : memref<96x64xf32, #tpu.memory_space<vmem>>) target(%dma_start3A_649 : memref<10240x64xf32, #tpu.memory_space<vmem_shared>>) offsets(%dma_start3A_646 : memref<96xi32, #tpu.memory_space<vmem>>) semaphore(%run_scoped3A_644 : memref<!tpu.dma_semaphore, #tpu.memory_space<semaphore_mem>>) {add = true}
        %dma_wait3A = arith.constant 0 : i32
        %dma_wait3A_650 = tpu.memref_slice %arg7[%run_scoped3A_643, %dma_wait3A] : memref<1x96xi32, #tpu.memory_space<vmem>> -> memref<1x96xi32, #tpu.memory_space<vmem>>
        %dma_wait3A_651 = tpu.memref_squeeze %dma_wait3A_650 : memref<1x96xi32, #tpu.memory_space<vmem>> -> memref<96xi32, #tpu.memory_space<vmem>>
        %dma_wait3A_652 = arith.constant 0 : i32
        %dma_wait3A_653 = arith.constant 0 : i32
        %dma_wait3A_654 = tpu.memref_slice %arg11[%dma_wait3A_652, %dma_wait3A_653] : memref<10240x64xf32, #tpu.memory_space<vmem_shared>> -> memref<10240x64xf32, #tpu.memory_space<vmem_shared>>
        tpu.wait_indirect_dma semaphore(%run_scoped3A_644 : memref<!tpu.dma_semaphore, #tpu.memory_space<semaphore_mem>>) src(%arg8 : memref<96x64xf32, #tpu.memory_space<vmem>>) dst(%dma_wait3A_654 : memref<10240x64xf32, #tpu.memory_space<vmem_shared>>)
        tpu.yield
      }) : () -> ()
    }
    %scan3A_98 = arith.constant 123 : i32
    %barrier3A_99 = arith.constant 0 : index
    tpu.barrier barrier_id(%barrier3A_99)
    %mul3A_100 = arith.constant 640 : i32
    %mul3A_101 = arith.muli %arg1, %mul3A_100 : i32
    %add3A_102 = arith.constant 0 : i32
    %add3A_103 = arith.addi %mul3A_101, %add3A_102 : i32
    "tpu.region"() ({
      %run_scoped3A_533 = tpu.sem_alloc : memref<!tpu.dma_semaphore, #tpu.memory_space<semaphore_mem>>
      %dma_start3A = arith.constant 0 : i32
      %dma_start3A_534 = tpu.memref_slice %arg11[%add3A_103, %dma_start3A] : memref<10240x64xf32, #tpu.memory_space<vmem_shared>> -> memref<128x64xf32, #tpu.memory_space<vmem_shared>>
      %dma_start3A_535 = arith.constant 0 : i32
      %dma_start3A_536 = tpu.memref_slice %arg11[%add3A_103, %dma_start3A_535] : memref<10240x64xf32, #tpu.memory_space<vmem_shared>> -> memref<128x64xf32, #tpu.memory_space<vmem_shared>>
      tpu.enqueue_dma source(%dma_start3A_536 : memref<128x64xf32, #tpu.memory_space<vmem_shared>>) target(%arg10 : memref<128x64xf32, #tpu.memory_space<vmem>>) target_semaphore(%run_scoped3A_533 : memref<!tpu.dma_semaphore, #tpu.memory_space<semaphore_mem>>)
      %dma_wait3A = arith.constant 0 : i32
      %dma_wait3A_537 = tpu.memref_slice %arg11[%add3A_103, %dma_wait3A] : memref<10240x64xf32, #tpu.memory_space<vmem_shared>> -> memref<128x64xf32, #tpu.memory_space<vmem_shared>>
      %dma_wait3A_538 = arith.constant 0 : i32
      %dma_wait3A_539 = tpu.memref_slice %arg11[%add3A_103, %dma_wait3A_538] : memref<10240x64xf32, #tpu.memory_space<vmem_shared>> -> memref<128x64xf32, #tpu.memory_space<vmem_shared>>
      tpu.wait_dma2 semaphore(%run_scoped3A_533 : memref<!tpu.dma_semaphore, #tpu.memory_space<semaphore_mem>>) src(%dma_wait3A_539 : memref<128x64xf32, #tpu.memory_space<vmem_shared>>) dst(%arg10 : memref<128x64xf32, #tpu.memory_space<vmem>>)
      tpu.yield
    }) : () -> ()
    %run_scoped3A_104 = arith.constant 0 : i32
    %run_scoped3A_105 = arith.constant 1 : i32
    "tpu.region"() ({
      %run_scoped3A_533 = tpu.sem_alloc : memref<!tpu.dma_semaphore, #tpu.memory_space<semaphore_mem>>
      %dma_start3A = arith.constant 0 : i32
      %dma_start3A_534 = tpu.memref_slice %arg5[%run_scoped3A_104, %arg0, %run_scoped3A_105, %add3A_103, %dma_start3A] : memref<4x2x2x10240x64xf32, #tpu.memory_space<hbm>> -> memref<1x1x1x128x64xf32, #tpu.memory_space<hbm>>
      %dma_start3A_535 = tpu.memref_squeeze %dma_start3A_534 : memref<1x1x1x128x64xf32, #tpu.memory_space<hbm>> -> memref<128x64xf32, #tpu.memory_space<hbm>>
      %dma_start3A_536 = arith.constant 0 : i32
      %dma_start3A_537 = tpu.memref_slice %arg5[%run_scoped3A_104, %arg0, %run_scoped3A_105, %add3A_103, %dma_start3A_536] : memref<4x2x2x10240x64xf32, #tpu.memory_space<hbm>> -> memref<1x1x1x128x64xf32, #tpu.memory_space<hbm>>
      %dma_start3A_538 = tpu.memref_squeeze %dma_start3A_537 : memref<1x1x1x128x64xf32, #tpu.memory_space<hbm>> -> memref<128x64xf32, #tpu.memory_space<hbm>>
      tpu.enqueue_dma source(%arg10 : memref<128x64xf32, #tpu.memory_space<vmem>>) target(%dma_start3A_538 : memref<128x64xf32, #tpu.memory_space<hbm>>) target_semaphore(%run_scoped3A_533 : memref<!tpu.dma_semaphore, #tpu.memory_space<semaphore_mem>>)
      %dma_wait3A = arith.constant 0 : i32
      %dma_wait3A_539 = tpu.memref_slice %arg5[%run_scoped3A_104, %arg0, %run_scoped3A_105, %add3A_103, %dma_wait3A] : memref<4x2x2x10240x64xf32, #tpu.memory_space<hbm>> -> memref<1x1x1x128x64xf32, #tpu.memory_space<hbm>>
      %dma_wait3A_540 = tpu.memref_squeeze %dma_wait3A_539 : memref<1x1x1x128x64xf32, #tpu.memory_space<hbm>> -> memref<128x64xf32, #tpu.memory_space<hbm>>
      %dma_wait3A_541 = arith.constant 0 : i32
      %dma_wait3A_542 = tpu.memref_slice %arg5[%run_scoped3A_104, %arg0, %run_scoped3A_105, %add3A_103, %dma_wait3A_541] : memref<4x2x2x10240x64xf32, #tpu.memory_space<hbm>> -> memref<1x1x1x128x64xf32, #tpu.memory_space<hbm>>
      %dma_wait3A_543 = tpu.memref_squeeze %dma_wait3A_542 : memref<1x1x1x128x64xf32, #tpu.memory_space<hbm>> -> memref<128x64xf32, #tpu.memory_space<hbm>>
      tpu.wait_dma2 semaphore(%run_scoped3A_533 : memref<!tpu.dma_semaphore, #tpu.memory_space<semaphore_mem>>) src(%arg10 : memref<128x64xf32, #tpu.memory_space<vmem>>) dst(%dma_wait3A_543 : memref<128x64xf32, #tpu.memory_space<hbm>>)
      tpu.yield
    }) : () -> ()
    %mul3A_106 = arith.constant 640 : i32
    %mul3A_107 = arith.muli %arg1, %mul3A_106 : i32
    %add3A_108 = arith.constant 128 : i32
    %add3A_109 = arith.addi %mul3A_107, %add3A_108 : i32
    "tpu.region"() ({
      %run_scoped3A_533 = tpu.sem_alloc : memref<!tpu.dma_semaphore, #tpu.memory_space<semaphore_mem>>
      %dma_start3A = arith.constant 0 : i32
      %dma_start3A_534 = tpu.memref_slice %arg11[%add3A_109, %dma_start3A] : memref<10240x64xf32, #tpu.memory_space<vmem_shared>> -> memref<128x64xf32, #tpu.memory_space<vmem_shared>>
      %dma_start3A_535 = arith.constant 0 : i32
      %dma_start3A_536 = tpu.memref_slice %arg11[%add3A_109, %dma_start3A_535] : memref<10240x64xf32, #tpu.memory_space<vmem_shared>> -> memref<128x64xf32, #tpu.memory_space<vmem_shared>>
      tpu.enqueue_dma source(%dma_start3A_536 : memref<128x64xf32, #tpu.memory_space<vmem_shared>>) target(%arg10 : memref<128x64xf32, #tpu.memory_space<vmem>>) target_semaphore(%run_scoped3A_533 : memref<!tpu.dma_semaphore, #tpu.memory_space<semaphore_mem>>)
      %dma_wait3A = arith.constant 0 : i32
      %dma_wait3A_537 = tpu.memref_slice %arg11[%add3A_109, %dma_wait3A] : memref<10240x64xf32, #tpu.memory_space<vmem_shared>> -> memref<128x64xf32, #tpu.memory_space<vmem_shared>>
      %dma_wait3A_538 = arith.constant 0 : i32
      %dma_wait3A_539 = tpu.memref_slice %arg11[%add3A_109, %dma_wait3A_538] : memref<10240x64xf32, #tpu.memory_space<vmem_shared>> -> memref<128x64xf32, #tpu.memory_space<vmem_shared>>
      tpu.wait_dma2 semaphore(%run_scoped3A_533 : memref<!tpu.dma_semaphore, #tpu.memory_space<semaphore_mem>>) src(%dma_wait3A_539 : memref<128x64xf32, #tpu.memory_space<vmem_shared>>) dst(%arg10 : memref<128x64xf32, #tpu.memory_space<vmem>>)
      tpu.yield
    }) : () -> ()
    %run_scoped3A_110 = arith.constant 0 : i32
    %run_scoped3A_111 = arith.constant 1 : i32
    "tpu.region"() ({
      %run_scoped3A_533 = tpu.sem_alloc : memref<!tpu.dma_semaphore, #tpu.memory_space<semaphore_mem>>
      %dma_start3A = arith.constant 0 : i32
      %dma_start3A_534 = tpu.memref_slice %arg5[%run_scoped3A_110, %arg0, %run_scoped3A_111, %add3A_109, %dma_start3A] : memref<4x2x2x10240x64xf32, #tpu.memory_space<hbm>> -> memref<1x1x1x128x64xf32, #tpu.memory_space<hbm>>
      %dma_start3A_535 = tpu.memref_squeeze %dma_start3A_534 : memref<1x1x1x128x64xf32, #tpu.memory_space<hbm>> -> memref<128x64xf32, #tpu.memory_space<hbm>>
      %dma_start3A_536 = arith.constant 0 : i32
      %dma_start3A_537 = tpu.memref_slice %arg5[%run_scoped3A_110, %arg0, %run_scoped3A_111, %add3A_109, %dma_start3A_536] : memref<4x2x2x10240x64xf32, #tpu.memory_space<hbm>> -> memref<1x1x1x128x64xf32, #tpu.memory_space<hbm>>
      %dma_start3A_538 = tpu.memref_squeeze %dma_start3A_537 : memref<1x1x1x128x64xf32, #tpu.memory_space<hbm>> -> memref<128x64xf32, #tpu.memory_space<hbm>>
      tpu.enqueue_dma source(%arg10 : memref<128x64xf32, #tpu.memory_space<vmem>>) target(%dma_start3A_538 : memref<128x64xf32, #tpu.memory_space<hbm>>) target_semaphore(%run_scoped3A_533 : memref<!tpu.dma_semaphore, #tpu.memory_space<semaphore_mem>>)
      %dma_wait3A = arith.constant 0 : i32
      %dma_wait3A_539 = tpu.memref_slice %arg5[%run_scoped3A_110, %arg0, %run_scoped3A_111, %add3A_109, %dma_wait3A] : memref<4x2x2x10240x64xf32, #tpu.memory_space<hbm>> -> memref<1x1x1x128x64xf32, #tpu.memory_space<hbm>>
      %dma_wait3A_540 = tpu.memref_squeeze %dma_wait3A_539 : memref<1x1x1x128x64xf32, #tpu.memory_space<hbm>> -> memref<128x64xf32, #tpu.memory_space<hbm>>
      %dma_wait3A_541 = arith.constant 0 : i32
      %dma_wait3A_542 = tpu.memref_slice %arg5[%run_scoped3A_110, %arg0, %run_scoped3A_111, %add3A_109, %dma_wait3A_541] : memref<4x2x2x10240x64xf32, #tpu.memory_space<hbm>> -> memref<1x1x1x128x64xf32, #tpu.memory_space<hbm>>
      %dma_wait3A_543 = tpu.memref_squeeze %dma_wait3A_542 : memref<1x1x1x128x64xf32, #tpu.memory_space<hbm>> -> memref<128x64xf32, #tpu.memory_space<hbm>>
      tpu.wait_dma2 semaphore(%run_scoped3A_533 : memref<!tpu.dma_semaphore, #tpu.memory_space<semaphore_mem>>) src(%arg10 : memref<128x64xf32, #tpu.memory_space<vmem>>) dst(%dma_wait3A_543 : memref<128x64xf32, #tpu.memory_space<hbm>>)
      tpu.yield
    }) : () -> ()
    %mul3A_112 = arith.constant 640 : i32
    %mul3A_113 = arith.muli %arg1, %mul3A_112 : i32
    %add3A_114 = arith.constant 256 : i32
    %add3A_115 = arith.addi %mul3A_113, %add3A_114 : i32
    "tpu.region"() ({
      %run_scoped3A_533 = tpu.sem_alloc : memref<!tpu.dma_semaphore, #tpu.memory_space<semaphore_mem>>
      %dma_start3A = arith.constant 0 : i32
      %dma_start3A_534 = tpu.memref_slice %arg11[%add3A_115, %dma_start3A] : memref<10240x64xf32, #tpu.memory_space<vmem_shared>> -> memref<128x64xf32, #tpu.memory_space<vmem_shared>>
      %dma_start3A_535 = arith.constant 0 : i32
      %dma_start3A_536 = tpu.memref_slice %arg11[%add3A_115, %dma_start3A_535] : memref<10240x64xf32, #tpu.memory_space<vmem_shared>> -> memref<128x64xf32, #tpu.memory_space<vmem_shared>>
      tpu.enqueue_dma source(%dma_start3A_536 : memref<128x64xf32, #tpu.memory_space<vmem_shared>>) target(%arg10 : memref<128x64xf32, #tpu.memory_space<vmem>>) target_semaphore(%run_scoped3A_533 : memref<!tpu.dma_semaphore, #tpu.memory_space<semaphore_mem>>)
      %dma_wait3A = arith.constant 0 : i32
      %dma_wait3A_537 = tpu.memref_slice %arg11[%add3A_115, %dma_wait3A] : memref<10240x64xf32, #tpu.memory_space<vmem_shared>> -> memref<128x64xf32, #tpu.memory_space<vmem_shared>>
      %dma_wait3A_538 = arith.constant 0 : i32
      %dma_wait3A_539 = tpu.memref_slice %arg11[%add3A_115, %dma_wait3A_538] : memref<10240x64xf32, #tpu.memory_space<vmem_shared>> -> memref<128x64xf32, #tpu.memory_space<vmem_shared>>
      tpu.wait_dma2 semaphore(%run_scoped3A_533 : memref<!tpu.dma_semaphore, #tpu.memory_space<semaphore_mem>>) src(%dma_wait3A_539 : memref<128x64xf32, #tpu.memory_space<vmem_shared>>) dst(%arg10 : memref<128x64xf32, #tpu.memory_space<vmem>>)
      tpu.yield
    }) : () -> ()
    %run_scoped3A_116 = arith.constant 0 : i32
    %run_scoped3A_117 = arith.constant 1 : i32
    "tpu.region"() ({
      %run_scoped3A_533 = tpu.sem_alloc : memref<!tpu.dma_semaphore, #tpu.memory_space<semaphore_mem>>
      %dma_start3A = arith.constant 0 : i32
      %dma_start3A_534 = tpu.memref_slice %arg5[%run_scoped3A_116, %arg0, %run_scoped3A_117, %add3A_115, %dma_start3A] : memref<4x2x2x10240x64xf32, #tpu.memory_space<hbm>> -> memref<1x1x1x128x64xf32, #tpu.memory_space<hbm>>
      %dma_start3A_535 = tpu.memref_squeeze %dma_start3A_534 : memref<1x1x1x128x64xf32, #tpu.memory_space<hbm>> -> memref<128x64xf32, #tpu.memory_space<hbm>>
      %dma_start3A_536 = arith.constant 0 : i32
      %dma_start3A_537 = tpu.memref_slice %arg5[%run_scoped3A_116, %arg0, %run_scoped3A_117, %add3A_115, %dma_start3A_536] : memref<4x2x2x10240x64xf32, #tpu.memory_space<hbm>> -> memref<1x1x1x128x64xf32, #tpu.memory_space<hbm>>
      %dma_start3A_538 = tpu.memref_squeeze %dma_start3A_537 : memref<1x1x1x128x64xf32, #tpu.memory_space<hbm>> -> memref<128x64xf32, #tpu.memory_space<hbm>>
      tpu.enqueue_dma source(%arg10 : memref<128x64xf32, #tpu.memory_space<vmem>>) target(%dma_start3A_538 : memref<128x64xf32, #tpu.memory_space<hbm>>) target_semaphore(%run_scoped3A_533 : memref<!tpu.dma_semaphore, #tpu.memory_space<semaphore_mem>>)
      %dma_wait3A = arith.constant 0 : i32
      %dma_wait3A_539 = tpu.memref_slice %arg5[%run_scoped3A_116, %arg0, %run_scoped3A_117, %add3A_115, %dma_wait3A] : memref<4x2x2x10240x64xf32, #tpu.memory_space<hbm>> -> memref<1x1x1x128x64xf32, #tpu.memory_space<hbm>>
      %dma_wait3A_540 = tpu.memref_squeeze %dma_wait3A_539 : memref<1x1x1x128x64xf32, #tpu.memory_space<hbm>> -> memref<128x64xf32, #tpu.memory_space<hbm>>
      %dma_wait3A_541 = arith.constant 0 : i32
      %dma_wait3A_542 = tpu.memref_slice %arg5[%run_scoped3A_116, %arg0, %run_scoped3A_117, %add3A_115, %dma_wait3A_541] : memref<4x2x2x10240x64xf32, #tpu.memory_space<hbm>> -> memref<1x1x1x128x64xf32, #tpu.memory_space<hbm>>
      %dma_wait3A_543 = tpu.memref_squeeze %dma_wait3A_542 : memref<1x1x1x128x64xf32, #tpu.memory_space<hbm>> -> memref<128x64xf32, #tpu.memory_space<hbm>>
      tpu.wait_dma2 semaphore(%run_scoped3A_533 : memref<!tpu.dma_semaphore, #tpu.memory_space<semaphore_mem>>) src(%arg10 : memref<128x64xf32, #tpu.memory_space<vmem>>) dst(%dma_wait3A_543 : memref<128x64xf32, #tpu.memory_space<hbm>>)
      tpu.yield
    }) : () -> ()
    %mul3A_118 = arith.constant 640 : i32
    %mul3A_119 = arith.muli %arg1, %mul3A_118 : i32
    %add3A_120 = arith.constant 384 : i32
    %add3A_121 = arith.addi %mul3A_119, %add3A_120 : i32
    "tpu.region"() ({
      %run_scoped3A_533 = tpu.sem_alloc : memref<!tpu.dma_semaphore, #tpu.memory_space<semaphore_mem>>
      %dma_start3A = arith.constant 0 : i32
      %dma_start3A_534 = tpu.memref_slice %arg11[%add3A_121, %dma_start3A] : memref<10240x64xf32, #tpu.memory_space<vmem_shared>> -> memref<128x64xf32, #tpu.memory_space<vmem_shared>>
      %dma_start3A_535 = arith.constant 0 : i32
      %dma_start3A_536 = tpu.memref_slice %arg11[%add3A_121, %dma_start3A_535] : memref<10240x64xf32, #tpu.memory_space<vmem_shared>> -> memref<128x64xf32, #tpu.memory_space<vmem_shared>>
      tpu.enqueue_dma source(%dma_start3A_536 : memref<128x64xf32, #tpu.memory_space<vmem_shared>>) target(%arg10 : memref<128x64xf32, #tpu.memory_space<vmem>>) target_semaphore(%run_scoped3A_533 : memref<!tpu.dma_semaphore, #tpu.memory_space<semaphore_mem>>)
      %dma_wait3A = arith.constant 0 : i32
      %dma_wait3A_537 = tpu.memref_slice %arg11[%add3A_121, %dma_wait3A] : memref<10240x64xf32, #tpu.memory_space<vmem_shared>> -> memref<128x64xf32, #tpu.memory_space<vmem_shared>>
      %dma_wait3A_538 = arith.constant 0 : i32
      %dma_wait3A_539 = tpu.memref_slice %arg11[%add3A_121, %dma_wait3A_538] : memref<10240x64xf32, #tpu.memory_space<vmem_shared>> -> memref<128x64xf32, #tpu.memory_space<vmem_shared>>
      tpu.wait_dma2 semaphore(%run_scoped3A_533 : memref<!tpu.dma_semaphore, #tpu.memory_space<semaphore_mem>>) src(%dma_wait3A_539 : memref<128x64xf32, #tpu.memory_space<vmem_shared>>) dst(%arg10 : memref<128x64xf32, #tpu.memory_space<vmem>>)
      tpu.yield
    }) : () -> ()
    %run_scoped3A_122 = arith.constant 0 : i32
    %run_scoped3A_123 = arith.constant 1 : i32
    "tpu.region"() ({
      %run_scoped3A_533 = tpu.sem_alloc : memref<!tpu.dma_semaphore, #tpu.memory_space<semaphore_mem>>
      %dma_start3A = arith.constant 0 : i32
      %dma_start3A_534 = tpu.memref_slice %arg5[%run_scoped3A_122, %arg0, %run_scoped3A_123, %add3A_121, %dma_start3A] : memref<4x2x2x10240x64xf32, #tpu.memory_space<hbm>> -> memref<1x1x1x128x64xf32, #tpu.memory_space<hbm>>
      %dma_start3A_535 = tpu.memref_squeeze %dma_start3A_534 : memref<1x1x1x128x64xf32, #tpu.memory_space<hbm>> -> memref<128x64xf32, #tpu.memory_space<hbm>>
      %dma_start3A_536 = arith.constant 0 : i32
      %dma_start3A_537 = tpu.memref_slice %arg5[%run_scoped3A_122, %arg0, %run_scoped3A_123, %add3A_121, %dma_start3A_536] : memref<4x2x2x10240x64xf32, #tpu.memory_space<hbm>> -> memref<1x1x1x128x64xf32, #tpu.memory_space<hbm>>
      %dma_start3A_538 = tpu.memref_squeeze %dma_start3A_537 : memref<1x1x1x128x64xf32, #tpu.memory_space<hbm>> -> memref<128x64xf32, #tpu.memory_space<hbm>>
      tpu.enqueue_dma source(%arg10 : memref<128x64xf32, #tpu.memory_space<vmem>>) target(%dma_start3A_538 : memref<128x64xf32, #tpu.memory_space<hbm>>) target_semaphore(%run_scoped3A_533 : memref<!tpu.dma_semaphore, #tpu.memory_space<semaphore_mem>>)
      %dma_wait3A = arith.constant 0 : i32
      %dma_wait3A_539 = tpu.memref_slice %arg5[%run_scoped3A_122, %arg0, %run_scoped3A_123, %add3A_121, %dma_wait3A] : memref<4x2x2x10240x64xf32, #tpu.memory_space<hbm>> -> memref<1x1x1x128x64xf32, #tpu.memory_space<hbm>>
      %dma_wait3A_540 = tpu.memref_squeeze %dma_wait3A_539 : memref<1x1x1x128x64xf32, #tpu.memory_space<hbm>> -> memref<128x64xf32, #tpu.memory_space<hbm>>
      %dma_wait3A_541 = arith.constant 0 : i32
      %dma_wait3A_542 = tpu.memref_slice %arg5[%run_scoped3A_122, %arg0, %run_scoped3A_123, %add3A_121, %dma_wait3A_541] : memref<4x2x2x10240x64xf32, #tpu.memory_space<hbm>> -> memref<1x1x1x128x64xf32, #tpu.memory_space<hbm>>
      %dma_wait3A_543 = tpu.memref_squeeze %dma_wait3A_542 : memref<1x1x1x128x64xf32, #tpu.memory_space<hbm>> -> memref<128x64xf32, #tpu.memory_space<hbm>>
      tpu.wait_dma2 semaphore(%run_scoped3A_533 : memref<!tpu.dma_semaphore, #tpu.memory_space<semaphore_mem>>) src(%arg10 : memref<128x64xf32, #tpu.memory_space<vmem>>) dst(%dma_wait3A_543 : memref<128x64xf32, #tpu.memory_space<hbm>>)
      tpu.yield
    }) : () -> ()
    %mul3A_124 = arith.constant 640 : i32
    %mul3A_125 = arith.muli %arg1, %mul3A_124 : i32
    %add3A_126 = arith.constant 512 : i32
    %add3A_127 = arith.addi %mul3A_125, %add3A_126 : i32
    "tpu.region"() ({
      %run_scoped3A_533 = tpu.sem_alloc : memref<!tpu.dma_semaphore, #tpu.memory_space<semaphore_mem>>
      %dma_start3A = arith.constant 0 : i32
      %dma_start3A_534 = tpu.memref_slice %arg11[%add3A_127, %dma_start3A] : memref<10240x64xf32, #tpu.memory_space<vmem_shared>> -> memref<128x64xf32, #tpu.memory_space<vmem_shared>>
      %dma_start3A_535 = arith.constant 0 : i32
      %dma_start3A_536 = tpu.memref_slice %arg11[%add3A_127, %dma_start3A_535] : memref<10240x64xf32, #tpu.memory_space<vmem_shared>> -> memref<128x64xf32, #tpu.memory_space<vmem_shared>>
      tpu.enqueue_dma source(%dma_start3A_536 : memref<128x64xf32, #tpu.memory_space<vmem_shared>>) target(%arg10 : memref<128x64xf32, #tpu.memory_space<vmem>>) target_semaphore(%run_scoped3A_533 : memref<!tpu.dma_semaphore, #tpu.memory_space<semaphore_mem>>)
      %dma_wait3A = arith.constant 0 : i32
      %dma_wait3A_537 = tpu.memref_slice %arg11[%add3A_127, %dma_wait3A] : memref<10240x64xf32, #tpu.memory_space<vmem_shared>> -> memref<128x64xf32, #tpu.memory_space<vmem_shared>>
      %dma_wait3A_538 = arith.constant 0 : i32
      %dma_wait3A_539 = tpu.memref_slice %arg11[%add3A_127, %dma_wait3A_538] : memref<10240x64xf32, #tpu.memory_space<vmem_shared>> -> memref<128x64xf32, #tpu.memory_space<vmem_shared>>
      tpu.wait_dma2 semaphore(%run_scoped3A_533 : memref<!tpu.dma_semaphore, #tpu.memory_space<semaphore_mem>>) src(%dma_wait3A_539 : memref<128x64xf32, #tpu.memory_space<vmem_shared>>) dst(%arg10 : memref<128x64xf32, #tpu.memory_space<vmem>>)
      tpu.yield
    }) : () -> ()
    %run_scoped3A_128 = arith.constant 0 : i32
    %run_scoped3A_129 = arith.constant 1 : i32
    "tpu.region"() ({
      %run_scoped3A_533 = tpu.sem_alloc : memref<!tpu.dma_semaphore, #tpu.memory_space<semaphore_mem>>
      %dma_start3A = arith.constant 0 : i32
      %dma_start3A_534 = tpu.memref_slice %arg5[%run_scoped3A_128, %arg0, %run_scoped3A_129, %add3A_127, %dma_start3A] : memref<4x2x2x10240x64xf32, #tpu.memory_space<hbm>> -> memref<1x1x1x128x64xf32, #tpu.memory_space<hbm>>
      %dma_start3A_535 = tpu.memref_squeeze %dma_start3A_534 : memref<1x1x1x128x64xf32, #tpu.memory_space<hbm>> -> memref<128x64xf32, #tpu.memory_space<hbm>>
      %dma_start3A_536 = arith.constant 0 : i32
      %dma_start3A_537 = tpu.memref_slice %arg5[%run_scoped3A_128, %arg0, %run_scoped3A_129, %add3A_127, %dma_start3A_536] : memref<4x2x2x10240x64xf32, #tpu.memory_space<hbm>> -> memref<1x1x1x128x64xf32, #tpu.memory_space<hbm>>
      %dma_start3A_538 = tpu.memref_squeeze %dma_start3A_537 : memref<1x1x1x128x64xf32, #tpu.memory_space<hbm>> -> memref<128x64xf32, #tpu.memory_space<hbm>>
      tpu.enqueue_dma source(%arg10 : memref<128x64xf32, #tpu.memory_space<vmem>>) target(%dma_start3A_538 : memref<128x64xf32, #tpu.memory_space<hbm>>) target_semaphore(%run_scoped3A_533 : memref<!tpu.dma_semaphore, #tpu.memory_space<semaphore_mem>>)
      %dma_wait3A = arith.constant 0 : i32
      %dma_wait3A_539 = tpu.memref_slice %arg5[%run_scoped3A_128, %arg0, %run_scoped3A_129, %add3A_127, %dma_wait3A] : memref<4x2x2x10240x64xf32, #tpu.memory_space<hbm>> -> memref<1x1x1x128x64xf32, #tpu.memory_space<hbm>>
      %dma_wait3A_540 = tpu.memref_squeeze %dma_wait3A_539 : memref<1x1x1x128x64xf32, #tpu.memory_space<hbm>> -> memref<128x64xf32, #tpu.memory_space<hbm>>
      %dma_wait3A_541 = arith.constant 0 : i32
      %dma_wait3A_542 = tpu.memref_slice %arg5[%run_scoped3A_128, %arg0, %run_scoped3A_129, %add3A_127, %dma_wait3A_541] : memref<4x2x2x10240x64xf32, #tpu.memory_space<hbm>> -> memref<1x1x1x128x64xf32, #tpu.memory_space<hbm>>
      %dma_wait3A_543 = tpu.memref_squeeze %dma_wait3A_542 : memref<1x1x1x128x64xf32, #tpu.memory_space<hbm>> -> memref<128x64xf32, #tpu.memory_space<hbm>>
      tpu.wait_dma2 semaphore(%run_scoped3A_533 : memref<!tpu.dma_semaphore, #tpu.memory_space<semaphore_mem>>) src(%arg10 : memref<128x64xf32, #tpu.memory_space<vmem>>) dst(%dma_wait3A_543 : memref<128x64xf32, #tpu.memory_space<hbm>>)
      tpu.yield
    }) : () -> ()
    %barrier3A_130 = arith.constant 0 : index
    tpu.barrier barrier_id(%barrier3A_130)
    %mul3A_131 = arith.constant 2 : i32
    %mul3A_132 = arith.muli %arg0, %mul3A_131 : i32
    %add3A_133 = arith.constant 0 : i32
    %add3A_134 = arith.addi %mul3A_132, %add3A_133 : i32
    %mul3A_135 = arith.constant 10000 : i32
    %mul3A_136 = arith.muli %add3A_134, %mul3A_135 : i32
    %add3A_137 = arith.constant 10000 : i32
    %add3A_138 = arith.addi %mul3A_136, %add3A_137 : i32
    %mul3A_139 = arith.constant 640 : i32
    %mul3A_140 = arith.muli %arg1, %mul3A_139 : i32
    %add3A_141 = arith.constant 0 : i32
    %add3A_142 = arith.addi %mul3A_140, %add3A_141 : i32
    "tpu.region"() ({
      %run_scoped3A_533 = tpu.sem_alloc : memref<!tpu.dma_semaphore, #tpu.memory_space<semaphore_mem>>
      %dma_start3A = arith.constant 0 : i32
      %dma_start3A_534 = tpu.memref_slice %arg11[%add3A_142, %dma_start3A] : memref<10240x64xf32, #tpu.memory_space<vmem_shared>> -> memref<128x64xf32, #tpu.memory_space<vmem_shared>>
      %dma_start3A_535 = arith.constant 0 : i32
      %dma_start3A_536 = tpu.memref_slice %arg11[%add3A_142, %dma_start3A_535] : memref<10240x64xf32, #tpu.memory_space<vmem_shared>> -> memref<128x64xf32, #tpu.memory_space<vmem_shared>>
      tpu.enqueue_dma source(%arg9 : memref<128x64xf32, #tpu.memory_space<vmem>>) target(%dma_start3A_536 : memref<128x64xf32, #tpu.memory_space<vmem_shared>>) target_semaphore(%run_scoped3A_533 : memref<!tpu.dma_semaphore, #tpu.memory_space<semaphore_mem>>)
      %dma_wait3A = arith.constant 0 : i32
      %dma_wait3A_537 = tpu.memref_slice %arg11[%add3A_142, %dma_wait3A] : memref<10240x64xf32, #tpu.memory_space<vmem_shared>> -> memref<128x64xf32, #tpu.memory_space<vmem_shared>>
      %dma_wait3A_538 = arith.constant 0 : i32
      %dma_wait3A_539 = tpu.memref_slice %arg11[%add3A_142, %dma_wait3A_538] : memref<10240x64xf32, #tpu.memory_space<vmem_shared>> -> memref<128x64xf32, #tpu.memory_space<vmem_shared>>
      tpu.wait_dma2 semaphore(%run_scoped3A_533 : memref<!tpu.dma_semaphore, #tpu.memory_space<semaphore_mem>>) src(%arg9 : memref<128x64xf32, #tpu.memory_space<vmem>>) dst(%dma_wait3A_539 : memref<128x64xf32, #tpu.memory_space<vmem_shared>>)
      tpu.yield
    }) : () -> ()
    %mul3A_143 = arith.constant 640 : i32
    %mul3A_144 = arith.muli %arg1, %mul3A_143 : i32
    %add3A_145 = arith.constant 128 : i32
    %add3A_146 = arith.addi %mul3A_144, %add3A_145 : i32
    "tpu.region"() ({
      %run_scoped3A_533 = tpu.sem_alloc : memref<!tpu.dma_semaphore, #tpu.memory_space<semaphore_mem>>
      %dma_start3A = arith.constant 0 : i32
      %dma_start3A_534 = tpu.memref_slice %arg11[%add3A_146, %dma_start3A] : memref<10240x64xf32, #tpu.memory_space<vmem_shared>> -> memref<128x64xf32, #tpu.memory_space<vmem_shared>>
      %dma_start3A_535 = arith.constant 0 : i32
      %dma_start3A_536 = tpu.memref_slice %arg11[%add3A_146, %dma_start3A_535] : memref<10240x64xf32, #tpu.memory_space<vmem_shared>> -> memref<128x64xf32, #tpu.memory_space<vmem_shared>>
      tpu.enqueue_dma source(%arg9 : memref<128x64xf32, #tpu.memory_space<vmem>>) target(%dma_start3A_536 : memref<128x64xf32, #tpu.memory_space<vmem_shared>>) target_semaphore(%run_scoped3A_533 : memref<!tpu.dma_semaphore, #tpu.memory_space<semaphore_mem>>)
      %dma_wait3A = arith.constant 0 : i32
      %dma_wait3A_537 = tpu.memref_slice %arg11[%add3A_146, %dma_wait3A] : memref<10240x64xf32, #tpu.memory_space<vmem_shared>> -> memref<128x64xf32, #tpu.memory_space<vmem_shared>>
      %dma_wait3A_538 = arith.constant 0 : i32
      %dma_wait3A_539 = tpu.memref_slice %arg11[%add3A_146, %dma_wait3A_538] : memref<10240x64xf32, #tpu.memory_space<vmem_shared>> -> memref<128x64xf32, #tpu.memory_space<vmem_shared>>
      tpu.wait_dma2 semaphore(%run_scoped3A_533 : memref<!tpu.dma_semaphore, #tpu.memory_space<semaphore_mem>>) src(%arg9 : memref<128x64xf32, #tpu.memory_space<vmem>>) dst(%dma_wait3A_539 : memref<128x64xf32, #tpu.memory_space<vmem_shared>>)
      tpu.yield
    }) : () -> ()
    %mul3A_147 = arith.constant 640 : i32
    %mul3A_148 = arith.muli %arg1, %mul3A_147 : i32
    %add3A_149 = arith.constant 256 : i32
    %add3A_150 = arith.addi %mul3A_148, %add3A_149 : i32
    "tpu.region"() ({
      %run_scoped3A_533 = tpu.sem_alloc : memref<!tpu.dma_semaphore, #tpu.memory_space<semaphore_mem>>
      %dma_start3A = arith.constant 0 : i32
      %dma_start3A_534 = tpu.memref_slice %arg11[%add3A_150, %dma_start3A] : memref<10240x64xf32, #tpu.memory_space<vmem_shared>> -> memref<128x64xf32, #tpu.memory_space<vmem_shared>>
      %dma_start3A_535 = arith.constant 0 : i32
      %dma_start3A_536 = tpu.memref_slice %arg11[%add3A_150, %dma_start3A_535] : memref<10240x64xf32, #tpu.memory_space<vmem_shared>> -> memref<128x64xf32, #tpu.memory_space<vmem_shared>>
      tpu.enqueue_dma source(%arg9 : memref<128x64xf32, #tpu.memory_space<vmem>>) target(%dma_start3A_536 : memref<128x64xf32, #tpu.memory_space<vmem_shared>>) target_semaphore(%run_scoped3A_533 : memref<!tpu.dma_semaphore, #tpu.memory_space<semaphore_mem>>)
      %dma_wait3A = arith.constant 0 : i32
      %dma_wait3A_537 = tpu.memref_slice %arg11[%add3A_150, %dma_wait3A] : memref<10240x64xf32, #tpu.memory_space<vmem_shared>> -> memref<128x64xf32, #tpu.memory_space<vmem_shared>>
      %dma_wait3A_538 = arith.constant 0 : i32
      %dma_wait3A_539 = tpu.memref_slice %arg11[%add3A_150, %dma_wait3A_538] : memref<10240x64xf32, #tpu.memory_space<vmem_shared>> -> memref<128x64xf32, #tpu.memory_space<vmem_shared>>
      tpu.wait_dma2 semaphore(%run_scoped3A_533 : memref<!tpu.dma_semaphore, #tpu.memory_space<semaphore_mem>>) src(%arg9 : memref<128x64xf32, #tpu.memory_space<vmem>>) dst(%dma_wait3A_539 : memref<128x64xf32, #tpu.memory_space<vmem_shared>>)
      tpu.yield
    }) : () -> ()
    %mul3A_151 = arith.constant 640 : i32
    %mul3A_152 = arith.muli %arg1, %mul3A_151 : i32
    %add3A_153 = arith.constant 384 : i32
    %add3A_154 = arith.addi %mul3A_152, %add3A_153 : i32
    "tpu.region"() ({
      %run_scoped3A_533 = tpu.sem_alloc : memref<!tpu.dma_semaphore, #tpu.memory_space<semaphore_mem>>
      %dma_start3A = arith.constant 0 : i32
      %dma_start3A_534 = tpu.memref_slice %arg11[%add3A_154, %dma_start3A] : memref<10240x64xf32, #tpu.memory_space<vmem_shared>> -> memref<128x64xf32, #tpu.memory_space<vmem_shared>>
      %dma_start3A_535 = arith.constant 0 : i32
      %dma_start3A_536 = tpu.memref_slice %arg11[%add3A_154, %dma_start3A_535] : memref<10240x64xf32, #tpu.memory_space<vmem_shared>> -> memref<128x64xf32, #tpu.memory_space<vmem_shared>>
      tpu.enqueue_dma source(%arg9 : memref<128x64xf32, #tpu.memory_space<vmem>>) target(%dma_start3A_536 : memref<128x64xf32, #tpu.memory_space<vmem_shared>>) target_semaphore(%run_scoped3A_533 : memref<!tpu.dma_semaphore, #tpu.memory_space<semaphore_mem>>)
      %dma_wait3A = arith.constant 0 : i32
      %dma_wait3A_537 = tpu.memref_slice %arg11[%add3A_154, %dma_wait3A] : memref<10240x64xf32, #tpu.memory_space<vmem_shared>> -> memref<128x64xf32, #tpu.memory_space<vmem_shared>>
      %dma_wait3A_538 = arith.constant 0 : i32
      %dma_wait3A_539 = tpu.memref_slice %arg11[%add3A_154, %dma_wait3A_538] : memref<10240x64xf32, #tpu.memory_space<vmem_shared>> -> memref<128x64xf32, #tpu.memory_space<vmem_shared>>
      tpu.wait_dma2 semaphore(%run_scoped3A_533 : memref<!tpu.dma_semaphore, #tpu.memory_space<semaphore_mem>>) src(%arg9 : memref<128x64xf32, #tpu.memory_space<vmem>>) dst(%dma_wait3A_539 : memref<128x64xf32, #tpu.memory_space<vmem_shared>>)
      tpu.yield
    }) : () -> ()
    %mul3A_155 = arith.constant 640 : i32
    %mul3A_156 = arith.muli %arg1, %mul3A_155 : i32
    %add3A_157 = arith.constant 512 : i32
    %add3A_158 = arith.addi %mul3A_156, %add3A_157 : i32
    "tpu.region"() ({
      %run_scoped3A_533 = tpu.sem_alloc : memref<!tpu.dma_semaphore, #tpu.memory_space<semaphore_mem>>
      %dma_start3A = arith.constant 0 : i32
      %dma_start3A_534 = tpu.memref_slice %arg11[%add3A_158, %dma_start3A] : memref<10240x64xf32, #tpu.memory_space<vmem_shared>> -> memref<128x64xf32, #tpu.memory_space<vmem_shared>>
      %dma_start3A_535 = arith.constant 0 : i32
      %dma_start3A_536 = tpu.memref_slice %arg11[%add3A_158, %dma_start3A_535] : memref<10240x64xf32, #tpu.memory_space<vmem_shared>> -> memref<128x64xf32, #tpu.memory_space<vmem_shared>>
      tpu.enqueue_dma source(%arg9 : memref<128x64xf32, #tpu.memory_space<vmem>>) target(%dma_start3A_536 : memref<128x64xf32, #tpu.memory_space<vmem_shared>>) target_semaphore(%run_scoped3A_533 : memref<!tpu.dma_semaphore, #tpu.memory_space<semaphore_mem>>)
      %dma_wait3A = arith.constant 0 : i32
      %dma_wait3A_537 = tpu.memref_slice %arg11[%add3A_158, %dma_wait3A] : memref<10240x64xf32, #tpu.memory_space<vmem_shared>> -> memref<128x64xf32, #tpu.memory_space<vmem_shared>>
      %dma_wait3A_538 = arith.constant 0 : i32
      %dma_wait3A_539 = tpu.memref_slice %arg11[%add3A_158, %dma_wait3A_538] : memref<10240x64xf32, #tpu.memory_space<vmem_shared>> -> memref<128x64xf32, #tpu.memory_space<vmem_shared>>
      tpu.wait_dma2 semaphore(%run_scoped3A_533 : memref<!tpu.dma_semaphore, #tpu.memory_space<semaphore_mem>>) src(%arg9 : memref<128x64xf32, #tpu.memory_space<vmem>>) dst(%dma_wait3A_539 : memref<128x64xf32, #tpu.memory_space<vmem_shared>>)
      tpu.yield
    }) : () -> ()
    %barrier3A_159 = arith.constant 0 : index
    tpu.barrier barrier_id(%barrier3A_159)
    %scan3A_160 = arith.constant 0 : i32
    %scan3A_161 = arith.constant 0 : i32
    %scan3A_162 = arith.constant 123 : i32
    %scan3A_163 = arith.addi %scan3A_161, %scan3A_162 : i32
    %scan3A_164 = arith.constant 1 : i32
    scf.for %scan3A_533 = %scan3A_161 to %scan3A_163 step %scan3A_164  : i32 {
      %add3A_534 = arith.constant 16 : i32
      %add3A_535 = arith.addi %add3A_534, %arg1 : i32
      %run_scoped3A_536 = arith.constant 0 : i32
      "tpu.region"() ({
        %run_scoped3A_644 = tpu.sem_alloc : memref<!tpu.dma_semaphore, #tpu.memory_space<semaphore_mem>>
        %dma_start3A = arith.constant 0 : i32
        %dma_start3A_645 = tpu.memref_slice %arg6[%dma_start3A] : memref<96xi32, #tpu.memory_space<vmem>> -> memref<88xi32, #tpu.memory_space<vmem>>
        %dma_start3A_646 = arith.constant 0 : i32
        %dma_start3A_647 = tpu.memref_slice %arg3[%add3A_535, %scan3A_533, %run_scoped3A_536, %dma_start3A_646] : memref<64x123x1x88xi32, #tpu.memory_space<hbm>> -> memref<1x1x1x88xi32, #tpu.memory_space<hbm>>
        %dma_start3A_648 = tpu.memref_squeeze %dma_start3A_647 : memref<1x1x1x88xi32, #tpu.memory_space<hbm>> -> memref<88xi32, #tpu.memory_space<hbm>>
        %dma_start3A_649 = arith.constant 0 : i32
        %dma_start3A_650 = tpu.memref_slice %arg6[%dma_start3A_649] : memref<96xi32, #tpu.memory_space<vmem>> -> memref<88xi32, #tpu.memory_space<vmem>>
        %dma_start3A_651 = arith.constant 0 : i32
        %dma_start3A_652 = tpu.memref_slice %arg3[%add3A_535, %scan3A_533, %run_scoped3A_536, %dma_start3A_651] : memref<64x123x1x88xi32, #tpu.memory_space<hbm>> -> memref<1x1x1x88xi32, #tpu.memory_space<hbm>>
        %dma_start3A_653 = tpu.memref_squeeze %dma_start3A_652 : memref<1x1x1x88xi32, #tpu.memory_space<hbm>> -> memref<88xi32, #tpu.memory_space<hbm>>
        tpu.enqueue_dma source(%dma_start3A_653 : memref<88xi32, #tpu.memory_space<hbm>>) target(%dma_start3A_650 : memref<88xi32, #tpu.memory_space<vmem>>) target_semaphore(%run_scoped3A_644 : memref<!tpu.dma_semaphore, #tpu.memory_space<semaphore_mem>>)
        %dma_wait3A = arith.constant 0 : i32
        %dma_wait3A_654 = tpu.memref_slice %arg6[%dma_wait3A] : memref<96xi32, #tpu.memory_space<vmem>> -> memref<88xi32, #tpu.memory_space<vmem>>
        %dma_wait3A_655 = arith.constant 0 : i32
        %dma_wait3A_656 = tpu.memref_slice %arg3[%add3A_535, %scan3A_533, %run_scoped3A_536, %dma_wait3A_655] : memref<64x123x1x88xi32, #tpu.memory_space<hbm>> -> memref<1x1x1x88xi32, #tpu.memory_space<hbm>>
        %dma_wait3A_657 = tpu.memref_squeeze %dma_wait3A_656 : memref<1x1x1x88xi32, #tpu.memory_space<hbm>> -> memref<88xi32, #tpu.memory_space<hbm>>
        %dma_wait3A_658 = arith.constant 0 : i32
        %dma_wait3A_659 = tpu.memref_slice %arg6[%dma_wait3A_658] : memref<96xi32, #tpu.memory_space<vmem>> -> memref<88xi32, #tpu.memory_space<vmem>>
        %dma_wait3A_660 = arith.constant 0 : i32
        %dma_wait3A_661 = tpu.memref_slice %arg3[%add3A_535, %scan3A_533, %run_scoped3A_536, %dma_wait3A_660] : memref<64x123x1x88xi32, #tpu.memory_space<hbm>> -> memref<1x1x1x88xi32, #tpu.memory_space<hbm>>
        %dma_wait3A_662 = tpu.memref_squeeze %dma_wait3A_661 : memref<1x1x1x88xi32, #tpu.memory_space<hbm>> -> memref<88xi32, #tpu.memory_space<hbm>>
        tpu.wait_dma2 semaphore(%run_scoped3A_644 : memref<!tpu.dma_semaphore, #tpu.memory_space<semaphore_mem>>) src(%dma_wait3A_662 : memref<88xi32, #tpu.memory_space<hbm>>) dst(%dma_wait3A_659 : memref<88xi32, #tpu.memory_space<vmem>>)
        tpu.yield
      }) : () -> ()
      %add3A_537 = arith.constant 16 : i32
      %add3A_538 = arith.addi %add3A_537, %arg1 : i32
      "tpu.region"() ({
        %run_scoped3A_644 = tpu.sem_alloc : memref<!tpu.dma_semaphore, #tpu.memory_space<semaphore_mem>>
        %dma_start3A = arith.constant 0 : i32
        %dma_start3A_645 = arith.constant 0 : i32
        %dma_start3A_646 = tpu.memref_slice %arg8[%dma_start3A, %dma_start3A_645] : memref<96x64xf32, #tpu.memory_space<vmem>> -> memref<88x64xf32, #tpu.memory_space<vmem>>
        %dma_start3A_647 = arith.constant 0 : i32
        %dma_start3A_648 = arith.constant 0 : i32
        %dma_start3A_649 = tpu.memref_slice %arg2[%add3A_538, %scan3A_533, %dma_start3A_647, %dma_start3A_648] : memref<64x123x88x64xf32, #tpu.memory_space<hbm>> -> memref<1x1x88x64xf32, #tpu.memory_space<hbm>>
        %dma_start3A_650 = tpu.memref_squeeze %dma_start3A_649 : memref<1x1x88x64xf32, #tpu.memory_space<hbm>> -> memref<88x64xf32, #tpu.memory_space<hbm>>
        %dma_start3A_651 = arith.constant 0 : i32
        %dma_start3A_652 = arith.constant 0 : i32
        %dma_start3A_653 = tpu.memref_slice %arg8[%dma_start3A_651, %dma_start3A_652] : memref<96x64xf32, #tpu.memory_space<vmem>> -> memref<88x64xf32, #tpu.memory_space<vmem>>
        %dma_start3A_654 = arith.constant 0 : i32
        %dma_start3A_655 = arith.constant 0 : i32
        %dma_start3A_656 = tpu.memref_slice %arg2[%add3A_538, %scan3A_533, %dma_start3A_654, %dma_start3A_655] : memref<64x123x88x64xf32, #tpu.memory_space<hbm>> -> memref<1x1x88x64xf32, #tpu.memory_space<hbm>>
        %dma_start3A_657 = tpu.memref_squeeze %dma_start3A_656 : memref<1x1x88x64xf32, #tpu.memory_space<hbm>> -> memref<88x64xf32, #tpu.memory_space<hbm>>
        tpu.enqueue_dma source(%dma_start3A_657 : memref<88x64xf32, #tpu.memory_space<hbm>>) target(%dma_start3A_653 : memref<88x64xf32, #tpu.memory_space<vmem>>) target_semaphore(%run_scoped3A_644 : memref<!tpu.dma_semaphore, #tpu.memory_space<semaphore_mem>>)
        %dma_wait3A = arith.constant 0 : i32
        %dma_wait3A_658 = arith.constant 0 : i32
        %dma_wait3A_659 = tpu.memref_slice %arg8[%dma_wait3A, %dma_wait3A_658] : memref<96x64xf32, #tpu.memory_space<vmem>> -> memref<88x64xf32, #tpu.memory_space<vmem>>
        %dma_wait3A_660 = arith.constant 0 : i32
        %dma_wait3A_661 = arith.constant 0 : i32
        %dma_wait3A_662 = tpu.memref_slice %arg2[%add3A_538, %scan3A_533, %dma_wait3A_660, %dma_wait3A_661] : memref<64x123x88x64xf32, #tpu.memory_space<hbm>> -> memref<1x1x88x64xf32, #tpu.memory_space<hbm>>
        %dma_wait3A_663 = tpu.memref_squeeze %dma_wait3A_662 : memref<1x1x88x64xf32, #tpu.memory_space<hbm>> -> memref<88x64xf32, #tpu.memory_space<hbm>>
        %dma_wait3A_664 = arith.constant 0 : i32
        %dma_wait3A_665 = arith.constant 0 : i32
        %dma_wait3A_666 = tpu.memref_slice %arg8[%dma_wait3A_664, %dma_wait3A_665] : memref<96x64xf32, #tpu.memory_space<vmem>> -> memref<88x64xf32, #tpu.memory_space<vmem>>
        %dma_wait3A_667 = arith.constant 0 : i32
        %dma_wait3A_668 = arith.constant 0 : i32
        %dma_wait3A_669 = tpu.memref_slice %arg2[%add3A_538, %scan3A_533, %dma_wait3A_667, %dma_wait3A_668] : memref<64x123x88x64xf32, #tpu.memory_space<hbm>> -> memref<1x1x88x64xf32, #tpu.memory_space<hbm>>
        %dma_wait3A_670 = tpu.memref_squeeze %dma_wait3A_669 : memref<1x1x88x64xf32, #tpu.memory_space<hbm>> -> memref<88x64xf32, #tpu.memory_space<hbm>>
        tpu.wait_dma2 semaphore(%run_scoped3A_644 : memref<!tpu.dma_semaphore, #tpu.memory_space<semaphore_mem>>) src(%dma_wait3A_670 : memref<88x64xf32, #tpu.memory_space<hbm>>) dst(%dma_wait3A_666 : memref<88x64xf32, #tpu.memory_space<vmem>>)
        tpu.yield
      }) : () -> ()
      %get3A = arith.constant 0 : index
      %get3A_539 = tpu.vector_load %arg6[%get3A] {strides = array<i32>} : memref<96xi32, #tpu.memory_space<vmem>>, vector<16xi32>,
      %get3A_540 = vector.shape_cast %get3A_539 : vector<16xi32> to vector<16xi32>
      %ge3A = vector.broadcast %mul3A_136 : i32 to vector<16xi32>
      %ge3A_541 = arith.cmpi sge, %get3A_540, %ge3A : vector<16xi32>
      %lt3A = vector.broadcast %add3A_138 : i32 to vector<16xi32>
      %lt3A_542 = arith.cmpi slt, %get3A_540, %lt3A : vector<16xi32>
      %and3A = arith.andi %ge3A_541, %lt3A_542 : vector<16xi1>
      %sub3A = vector.broadcast %mul3A_136 : i32 to vector<16xi32>
      %sub3A_543 = arith.subi %get3A_540, %sub3A : vector<16xi32>
      %broadcast_in_dim3A = vector.broadcast %add3A_0 : i32 to vector<16xi32>
      %select_n3A = arith.select %and3A, %sub3A_543, %broadcast_in_dim3A : vector<16xi1>, vector<16xi32>
      %swap3A = arith.constant 0 : i32
      %swap3A_544 = arith.index_cast %swap3A : i32 to index
      %swap3A_545 = arith.constant 0 : index
      %swap3A_546 = tpu.vector_load %arg7[%swap3A_544, %swap3A_545] {strides = array<i32>} : memref<1x96xi32, #tpu.memory_space<vmem>>, vector<1x16xi32>,
      %swap3A_547 = vector.shape_cast %swap3A_546 : vector<1x16xi32> to vector<16xi32>
      %swap3A_548 = vector.shape_cast %select_n3A : vector<16xi32> to vector<1x16xi32>
      tpu.vector_store %arg7[%swap3A_544, %swap3A_545], %swap3A_548 {strides = array<i32>} : memref<1x96xi32, #tpu.memory_space<vmem>>, vector<1x16xi32>,
      %get3A_549 = arith.constant 16 : index
      %get3A_550 = tpu.vector_load %arg6[%get3A_549] {strides = array<i32>} : memref<96xi32, #tpu.memory_space<vmem>>, vector<16xi32>,
      %get3A_551 = vector.shape_cast %get3A_550 : vector<16xi32> to vector<16xi32>
      %ge3A_552 = vector.broadcast %mul3A_136 : i32 to vector<16xi32>
      %ge3A_553 = arith.cmpi sge, %get3A_551, %ge3A_552 : vector<16xi32>
      %lt3A_554 = vector.broadcast %add3A_138 : i32 to vector<16xi32>
      %lt3A_555 = arith.cmpi slt, %get3A_551, %lt3A_554 : vector<16xi32>
      %and3A_556 = arith.andi %ge3A_553, %lt3A_555 : vector<16xi1>
      %sub3A_557 = vector.broadcast %mul3A_136 : i32 to vector<16xi32>
      %sub3A_558 = arith.subi %get3A_551, %sub3A_557 : vector<16xi32>
      %broadcast_in_dim3A_559 = vector.broadcast %add3A_0 : i32 to vector<16xi32>
      %select_n3A_560 = arith.select %and3A_556, %sub3A_558, %broadcast_in_dim3A_559 : vector<16xi1>, vector<16xi32>
      %swap3A_561 = arith.constant 0 : i32
      %swap3A_562 = arith.index_cast %swap3A_561 : i32 to index
      %swap3A_563 = arith.constant 16 : index
      %swap3A_564 = tpu.vector_load %arg7[%swap3A_562, %swap3A_563] {strides = array<i32>} : memref<1x96xi32, #tpu.memory_space<vmem>>, vector<1x16xi32>,
      %swap3A_565 = vector.shape_cast %swap3A_564 : vector<1x16xi32> to vector<16xi32>
      %swap3A_566 = vector.shape_cast %select_n3A_560 : vector<16xi32> to vector<1x16xi32>
      tpu.vector_store %arg7[%swap3A_562, %swap3A_563], %swap3A_566 {strides = array<i32>} : memref<1x96xi32, #tpu.memory_space<vmem>>, vector<1x16xi32>,
      %get3A_567 = arith.constant 32 : index
      %get3A_568 = tpu.vector_load %arg6[%get3A_567] {strides = array<i32>} : memref<96xi32, #tpu.memory_space<vmem>>, vector<16xi32>,
      %get3A_569 = vector.shape_cast %get3A_568 : vector<16xi32> to vector<16xi32>
      %ge3A_570 = vector.broadcast %mul3A_136 : i32 to vector<16xi32>
      %ge3A_571 = arith.cmpi sge, %get3A_569, %ge3A_570 : vector<16xi32>
      %lt3A_572 = vector.broadcast %add3A_138 : i32 to vector<16xi32>
      %lt3A_573 = arith.cmpi slt, %get3A_569, %lt3A_572 : vector<16xi32>
      %and3A_574 = arith.andi %ge3A_571, %lt3A_573 : vector<16xi1>
      %sub3A_575 = vector.broadcast %mul3A_136 : i32 to vector<16xi32>
      %sub3A_576 = arith.subi %get3A_569, %sub3A_575 : vector<16xi32>
      %broadcast_in_dim3A_577 = vector.broadcast %add3A_0 : i32 to vector<16xi32>
      %select_n3A_578 = arith.select %and3A_574, %sub3A_576, %broadcast_in_dim3A_577 : vector<16xi1>, vector<16xi32>
      %swap3A_579 = arith.constant 0 : i32
      %swap3A_580 = arith.index_cast %swap3A_579 : i32 to index
      %swap3A_581 = arith.constant 32 : index
      %swap3A_582 = tpu.vector_load %arg7[%swap3A_580, %swap3A_581] {strides = array<i32>} : memref<1x96xi32, #tpu.memory_space<vmem>>, vector<1x16xi32>,
      %swap3A_583 = vector.shape_cast %swap3A_582 : vector<1x16xi32> to vector<16xi32>
      %swap3A_584 = vector.shape_cast %select_n3A_578 : vector<16xi32> to vector<1x16xi32>
      tpu.vector_store %arg7[%swap3A_580, %swap3A_581], %swap3A_584 {strides = array<i32>} : memref<1x96xi32, #tpu.memory_space<vmem>>, vector<1x16xi32>,
      %get3A_585 = arith.constant 48 : index
      %get3A_586 = tpu.vector_load %arg6[%get3A_585] {strides = array<i32>} : memref<96xi32, #tpu.memory_space<vmem>>, vector<16xi32>,
      %get3A_587 = vector.shape_cast %get3A_586 : vector<16xi32> to vector<16xi32>
      %ge3A_588 = vector.broadcast %mul3A_136 : i32 to vector<16xi32>
      %ge3A_589 = arith.cmpi sge, %get3A_587, %ge3A_588 : vector<16xi32>
      %lt3A_590 = vector.broadcast %add3A_138 : i32 to vector<16xi32>
      %lt3A_591 = arith.cmpi slt, %get3A_587, %lt3A_590 : vector<16xi32>
      %and3A_592 = arith.andi %ge3A_589, %lt3A_591 : vector<16xi1>
      %sub3A_593 = vector.broadcast %mul3A_136 : i32 to vector<16xi32>
      %sub3A_594 = arith.subi %get3A_587, %sub3A_593 : vector<16xi32>
      %broadcast_in_dim3A_595 = vector.broadcast %add3A_0 : i32 to vector<16xi32>
      %select_n3A_596 = arith.select %and3A_592, %sub3A_594, %broadcast_in_dim3A_595 : vector<16xi1>, vector<16xi32>
      %swap3A_597 = arith.constant 0 : i32
      %swap3A_598 = arith.index_cast %swap3A_597 : i32 to index
      %swap3A_599 = arith.constant 48 : index
      %swap3A_600 = tpu.vector_load %arg7[%swap3A_598, %swap3A_599] {strides = array<i32>} : memref<1x96xi32, #tpu.memory_space<vmem>>, vector<1x16xi32>,
      %swap3A_601 = vector.shape_cast %swap3A_600 : vector<1x16xi32> to vector<16xi32>
      %swap3A_602 = vector.shape_cast %select_n3A_596 : vector<16xi32> to vector<1x16xi32>
      tpu.vector_store %arg7[%swap3A_598, %swap3A_599], %swap3A_602 {strides = array<i32>} : memref<1x96xi32, #tpu.memory_space<vmem>>, vector<1x16xi32>,
      %get3A_603 = arith.constant 64 : index
      %get3A_604 = tpu.vector_load %arg6[%get3A_603] {strides = array<i32>} : memref<96xi32, #tpu.memory_space<vmem>>, vector<16xi32>,
      %get3A_605 = vector.shape_cast %get3A_604 : vector<16xi32> to vector<16xi32>
      %ge3A_606 = vector.broadcast %mul3A_136 : i32 to vector<16xi32>
      %ge3A_607 = arith.cmpi sge, %get3A_605, %ge3A_606 : vector<16xi32>
      %lt3A_608 = vector.broadcast %add3A_138 : i32 to vector<16xi32>
      %lt3A_609 = arith.cmpi slt, %get3A_605, %lt3A_608 : vector<16xi32>
      %and3A_610 = arith.andi %ge3A_607, %lt3A_609 : vector<16xi1>
      %sub3A_611 = vector.broadcast %mul3A_136 : i32 to vector<16xi32>
      %sub3A_612 = arith.subi %get3A_605, %sub3A_611 : vector<16xi32>
      %broadcast_in_dim3A_613 = vector.broadcast %add3A_0 : i32 to vector<16xi32>
      %select_n3A_614 = arith.select %and3A_610, %sub3A_612, %broadcast_in_dim3A_613 : vector<16xi1>, vector<16xi32>
      %swap3A_615 = arith.constant 0 : i32
      %swap3A_616 = arith.index_cast %swap3A_615 : i32 to index
      %swap3A_617 = arith.constant 64 : index
      %swap3A_618 = tpu.vector_load %arg7[%swap3A_616, %swap3A_617] {strides = array<i32>} : memref<1x96xi32, #tpu.memory_space<vmem>>, vector<1x16xi32>,
      %swap3A_619 = vector.shape_cast %swap3A_618 : vector<1x16xi32> to vector<16xi32>
      %swap3A_620 = vector.shape_cast %select_n3A_614 : vector<16xi32> to vector<1x16xi32>
      tpu.vector_store %arg7[%swap3A_616, %swap3A_617], %swap3A_620 {strides = array<i32>} : memref<1x96xi32, #tpu.memory_space<vmem>>, vector<1x16xi32>,
      %get3A_621 = arith.constant 80 : index
      %get3A_622 = tpu.vector_load %arg6[%get3A_621] {strides = array<i32>} : memref<96xi32, #tpu.memory_space<vmem>>, vector<16xi32>,
      %get3A_623 = vector.shape_cast %get3A_622 : vector<16xi32> to vector<16xi32>
      %ge3A_624 = vector.broadcast %mul3A_136 : i32 to vector<16xi32>
      %ge3A_625 = arith.cmpi sge, %get3A_623, %ge3A_624 : vector<16xi32>
      %lt3A_626 = vector.broadcast %add3A_138 : i32 to vector<16xi32>
      %lt3A_627 = arith.cmpi slt, %get3A_623, %lt3A_626 : vector<16xi32>
      %and3A_628 = arith.andi %ge3A_625, %lt3A_627 : vector<16xi1>
      %lt3A_629 = arith.constant 8 : i32
      %lt3A_630 = vector.broadcast %lt3A_629 : i32 to vector<16xi32>
      %lt3A_631 = arith.cmpi slt, %iota3A, %lt3A_630 : vector<16xi32>
      %and3A_632 = arith.andi %and3A_628, %lt3A_631 : vector<16xi1>
      %sub3A_633 = vector.broadcast %mul3A_136 : i32 to vector<16xi32>
      %sub3A_634 = arith.subi %get3A_623, %sub3A_633 : vector<16xi32>
      %broadcast_in_dim3A_635 = vector.broadcast %add3A_0 : i32 to vector<16xi32>
      %select_n3A_636 = arith.select %and3A_632, %sub3A_634, %broadcast_in_dim3A_635 : vector<16xi1>, vector<16xi32>
      %swap3A_637 = arith.constant 0 : i32
      %swap3A_638 = arith.index_cast %swap3A_637 : i32 to index
      %swap3A_639 = arith.constant 80 : index
      %swap3A_640 = tpu.vector_load %arg7[%swap3A_638, %swap3A_639] {strides = array<i32>} : memref<1x96xi32, #tpu.memory_space<vmem>>, vector<1x16xi32>,
      %swap3A_641 = vector.shape_cast %swap3A_640 : vector<1x16xi32> to vector<16xi32>
      %swap3A_642 = vector.shape_cast %select_n3A_636 : vector<16xi32> to vector<1x16xi32>
      tpu.vector_store %arg7[%swap3A_638, %swap3A_639], %swap3A_642 {strides = array<i32>} : memref<1x96xi32, #tpu.memory_space<vmem>>, vector<1x16xi32>,
      %run_scoped3A_643 = arith.constant 0 : i32
      "tpu.region"() ({
        %run_scoped3A_644 = tpu.sem_alloc : memref<!tpu.dma_semaphore, #tpu.memory_space<semaphore_mem>>
        %dma_start3A = arith.constant 0 : i32
        %dma_start3A_645 = tpu.memref_slice %arg7[%run_scoped3A_643, %dma_start3A] : memref<1x96xi32, #tpu.memory_space<vmem>> -> memref<1x96xi32, #tpu.memory_space<vmem>>
        %dma_start3A_646 = tpu.memref_squeeze %dma_start3A_645 : memref<1x96xi32, #tpu.memory_space<vmem>> -> memref<96xi32, #tpu.memory_space<vmem>>
        %dma_start3A_647 = arith.constant 0 : i32
        %dma_start3A_648 = arith.constant 0 : i32
        %dma_start3A_649 = tpu.memref_slice %arg11[%dma_start3A_647, %dma_start3A_648] : memref<10240x64xf32, #tpu.memory_space<vmem_shared>> -> memref<10240x64xf32, #tpu.memory_space<vmem_shared>>
        tpu.enqueue_indirect_dma source(%arg8 : memref<96x64xf32, #tpu.memory_space<vmem>>) target(%dma_start3A_649 : memref<10240x64xf32, #tpu.memory_space<vmem_shared>>) offsets(%dma_start3A_646 : memref<96xi32, #tpu.memory_space<vmem>>) semaphore(%run_scoped3A_644 : memref<!tpu.dma_semaphore, #tpu.memory_space<semaphore_mem>>) {add = true}
        %dma_wait3A = arith.constant 0 : i32
        %dma_wait3A_650 = tpu.memref_slice %arg7[%run_scoped3A_643, %dma_wait3A] : memref<1x96xi32, #tpu.memory_space<vmem>> -> memref<1x96xi32, #tpu.memory_space<vmem>>
        %dma_wait3A_651 = tpu.memref_squeeze %dma_wait3A_650 : memref<1x96xi32, #tpu.memory_space<vmem>> -> memref<96xi32, #tpu.memory_space<vmem>>
        %dma_wait3A_652 = arith.constant 0 : i32
        %dma_wait3A_653 = arith.constant 0 : i32
        %dma_wait3A_654 = tpu.memref_slice %arg11[%dma_wait3A_652, %dma_wait3A_653] : memref<10240x64xf32, #tpu.memory_space<vmem_shared>> -> memref<10240x64xf32, #tpu.memory_space<vmem_shared>>
        tpu.wait_indirect_dma semaphore(%run_scoped3A_644 : memref<!tpu.dma_semaphore, #tpu.memory_space<semaphore_mem>>) src(%arg8 : memref<96x64xf32, #tpu.memory_space<vmem>>) dst(%dma_wait3A_654 : memref<10240x64xf32, #tpu.memory_space<vmem_shared>>)
        tpu.yield
      }) : () -> ()
    }
    %scan3A_165 = arith.constant 123 : i32
    %barrier3A_166 = arith.constant 0 : index
    tpu.barrier barrier_id(%barrier3A_166)
    %mul3A_167 = arith.constant 640 : i32
    %mul3A_168 = arith.muli %arg1, %mul3A_167 : i32
    %add3A_169 = arith.constant 0 : i32
    %add3A_170 = arith.addi %mul3A_168, %add3A_169 : i32
    "tpu.region"() ({
      %run_scoped3A_533 = tpu.sem_alloc : memref<!tpu.dma_semaphore, #tpu.memory_space<semaphore_mem>>
      %dma_start3A = arith.constant 0 : i32
      %dma_start3A_534 = tpu.memref_slice %arg11[%add3A_170, %dma_start3A] : memref<10240x64xf32, #tpu.memory_space<vmem_shared>> -> memref<128x64xf32, #tpu.memory_space<vmem_shared>>
      %dma_start3A_535 = arith.constant 0 : i32
      %dma_start3A_536 = tpu.memref_slice %arg11[%add3A_170, %dma_start3A_535] : memref<10240x64xf32, #tpu.memory_space<vmem_shared>> -> memref<128x64xf32, #tpu.memory_space<vmem_shared>>
      tpu.enqueue_dma source(%dma_start3A_536 : memref<128x64xf32, #tpu.memory_space<vmem_shared>>) target(%arg10 : memref<128x64xf32, #tpu.memory_space<vmem>>) target_semaphore(%run_scoped3A_533 : memref<!tpu.dma_semaphore, #tpu.memory_space<semaphore_mem>>)
      %dma_wait3A = arith.constant 0 : i32
      %dma_wait3A_537 = tpu.memref_slice %arg11[%add3A_170, %dma_wait3A] : memref<10240x64xf32, #tpu.memory_space<vmem_shared>> -> memref<128x64xf32, #tpu.memory_space<vmem_shared>>
      %dma_wait3A_538 = arith.constant 0 : i32
      %dma_wait3A_539 = tpu.memref_slice %arg11[%add3A_170, %dma_wait3A_538] : memref<10240x64xf32, #tpu.memory_space<vmem_shared>> -> memref<128x64xf32, #tpu.memory_space<vmem_shared>>
      tpu.wait_dma2 semaphore(%run_scoped3A_533 : memref<!tpu.dma_semaphore, #tpu.memory_space<semaphore_mem>>) src(%dma_wait3A_539 : memref<128x64xf32, #tpu.memory_space<vmem_shared>>) dst(%arg10 : memref<128x64xf32, #tpu.memory_space<vmem>>)
      tpu.yield
    }) : () -> ()
    %run_scoped3A_171 = arith.constant 1 : i32
    %run_scoped3A_172 = arith.constant 0 : i32
    "tpu.region"() ({
      %run_scoped3A_533 = tpu.sem_alloc : memref<!tpu.dma_semaphore, #tpu.memory_space<semaphore_mem>>
      %dma_start3A = arith.constant 0 : i32
      %dma_start3A_534 = tpu.memref_slice %arg5[%run_scoped3A_171, %arg0, %run_scoped3A_172, %add3A_170, %dma_start3A] : memref<4x2x2x10240x64xf32, #tpu.memory_space<hbm>> -> memref<1x1x1x128x64xf32, #tpu.memory_space<hbm>>
      %dma_start3A_535 = tpu.memref_squeeze %dma_start3A_534 : memref<1x1x1x128x64xf32, #tpu.memory_space<hbm>> -> memref<128x64xf32, #tpu.memory_space<hbm>>
      %dma_start3A_536 = arith.constant 0 : i32
      %dma_start3A_537 = tpu.memref_slice %arg5[%run_scoped3A_171, %arg0, %run_scoped3A_172, %add3A_170, %dma_start3A_536] : memref<4x2x2x10240x64xf32, #tpu.memory_space<hbm>> -> memref<1x1x1x128x64xf32, #tpu.memory_space<hbm>>
      %dma_start3A_538 = tpu.memref_squeeze %dma_start3A_537 : memref<1x1x1x128x64xf32, #tpu.memory_space<hbm>> -> memref<128x64xf32, #tpu.memory_space<hbm>>
      tpu.enqueue_dma source(%arg10 : memref<128x64xf32, #tpu.memory_space<vmem>>) target(%dma_start3A_538 : memref<128x64xf32, #tpu.memory_space<hbm>>) target_semaphore(%run_scoped3A_533 : memref<!tpu.dma_semaphore, #tpu.memory_space<semaphore_mem>>)
      %dma_wait3A = arith.constant 0 : i32
      %dma_wait3A_539 = tpu.memref_slice %arg5[%run_scoped3A_171, %arg0, %run_scoped3A_172, %add3A_170, %dma_wait3A] : memref<4x2x2x10240x64xf32, #tpu.memory_space<hbm>> -> memref<1x1x1x128x64xf32, #tpu.memory_space<hbm>>
      %dma_wait3A_540 = tpu.memref_squeeze %dma_wait3A_539 : memref<1x1x1x128x64xf32, #tpu.memory_space<hbm>> -> memref<128x64xf32, #tpu.memory_space<hbm>>
      %dma_wait3A_541 = arith.constant 0 : i32
      %dma_wait3A_542 = tpu.memref_slice %arg5[%run_scoped3A_171, %arg0, %run_scoped3A_172, %add3A_170, %dma_wait3A_541] : memref<4x2x2x10240x64xf32, #tpu.memory_space<hbm>> -> memref<1x1x1x128x64xf32, #tpu.memory_space<hbm>>
      %dma_wait3A_543 = tpu.memref_squeeze %dma_wait3A_542 : memref<1x1x1x128x64xf32, #tpu.memory_space<hbm>> -> memref<128x64xf32, #tpu.memory_space<hbm>>
      tpu.wait_dma2 semaphore(%run_scoped3A_533 : memref<!tpu.dma_semaphore, #tpu.memory_space<semaphore_mem>>) src(%arg10 : memref<128x64xf32, #tpu.memory_space<vmem>>) dst(%dma_wait3A_543 : memref<128x64xf32, #tpu.memory_space<hbm>>)
      tpu.yield
    }) : () -> ()
    %mul3A_173 = arith.constant 640 : i32
    %mul3A_174 = arith.muli %arg1, %mul3A_173 : i32
    %add3A_175 = arith.constant 128 : i32
    %add3A_176 = arith.addi %mul3A_174, %add3A_175 : i32
    "tpu.region"() ({
      %run_scoped3A_533 = tpu.sem_alloc : memref<!tpu.dma_semaphore, #tpu.memory_space<semaphore_mem>>
      %dma_start3A = arith.constant 0 : i32
      %dma_start3A_534 = tpu.memref_slice %arg11[%add3A_176, %dma_start3A] : memref<10240x64xf32, #tpu.memory_space<vmem_shared>> -> memref<128x64xf32, #tpu.memory_space<vmem_shared>>
      %dma_start3A_535 = arith.constant 0 : i32
      %dma_start3A_536 = tpu.memref_slice %arg11[%add3A_176, %dma_start3A_535] : memref<10240x64xf32, #tpu.memory_space<vmem_shared>> -> memref<128x64xf32, #tpu.memory_space<vmem_shared>>
      tpu.enqueue_dma source(%dma_start3A_536 : memref<128x64xf32, #tpu.memory_space<vmem_shared>>) target(%arg10 : memref<128x64xf32, #tpu.memory_space<vmem>>) target_semaphore(%run_scoped3A_533 : memref<!tpu.dma_semaphore, #tpu.memory_space<semaphore_mem>>)
      %dma_wait3A = arith.constant 0 : i32
      %dma_wait3A_537 = tpu.memref_slice %arg11[%add3A_176, %dma_wait3A] : memref<10240x64xf32, #tpu.memory_space<vmem_shared>> -> memref<128x64xf32, #tpu.memory_space<vmem_shared>>
      %dma_wait3A_538 = arith.constant 0 : i32
      %dma_wait3A_539 = tpu.memref_slice %arg11[%add3A_176, %dma_wait3A_538] : memref<10240x64xf32, #tpu.memory_space<vmem_shared>> -> memref<128x64xf32, #tpu.memory_space<vmem_shared>>
      tpu.wait_dma2 semaphore(%run_scoped3A_533 : memref<!tpu.dma_semaphore, #tpu.memory_space<semaphore_mem>>) src(%dma_wait3A_539 : memref<128x64xf32, #tpu.memory_space<vmem_shared>>) dst(%arg10 : memref<128x64xf32, #tpu.memory_space<vmem>>)
      tpu.yield
    }) : () -> ()
    %run_scoped3A_177 = arith.constant 1 : i32
    %run_scoped3A_178 = arith.constant 0 : i32
    "tpu.region"() ({
      %run_scoped3A_533 = tpu.sem_alloc : memref<!tpu.dma_semaphore, #tpu.memory_space<semaphore_mem>>
      %dma_start3A = arith.constant 0 : i32
      %dma_start3A_534 = tpu.memref_slice %arg5[%run_scoped3A_177, %arg0, %run_scoped3A_178, %add3A_176, %dma_start3A] : memref<4x2x2x10240x64xf32, #tpu.memory_space<hbm>> -> memref<1x1x1x128x64xf32, #tpu.memory_space<hbm>>
      %dma_start3A_535 = tpu.memref_squeeze %dma_start3A_534 : memref<1x1x1x128x64xf32, #tpu.memory_space<hbm>> -> memref<128x64xf32, #tpu.memory_space<hbm>>
      %dma_start3A_536 = arith.constant 0 : i32
      %dma_start3A_537 = tpu.memref_slice %arg5[%run_scoped3A_177, %arg0, %run_scoped3A_178, %add3A_176, %dma_start3A_536] : memref<4x2x2x10240x64xf32, #tpu.memory_space<hbm>> -> memref<1x1x1x128x64xf32, #tpu.memory_space<hbm>>
      %dma_start3A_538 = tpu.memref_squeeze %dma_start3A_537 : memref<1x1x1x128x64xf32, #tpu.memory_space<hbm>> -> memref<128x64xf32, #tpu.memory_space<hbm>>
      tpu.enqueue_dma source(%arg10 : memref<128x64xf32, #tpu.memory_space<vmem>>) target(%dma_start3A_538 : memref<128x64xf32, #tpu.memory_space<hbm>>) target_semaphore(%run_scoped3A_533 : memref<!tpu.dma_semaphore, #tpu.memory_space<semaphore_mem>>)
      %dma_wait3A = arith.constant 0 : i32
      %dma_wait3A_539 = tpu.memref_slice %arg5[%run_scoped3A_177, %arg0, %run_scoped3A_178, %add3A_176, %dma_wait3A] : memref<4x2x2x10240x64xf32, #tpu.memory_space<hbm>> -> memref<1x1x1x128x64xf32, #tpu.memory_space<hbm>>
      %dma_wait3A_540 = tpu.memref_squeeze %dma_wait3A_539 : memref<1x1x1x128x64xf32, #tpu.memory_space<hbm>> -> memref<128x64xf32, #tpu.memory_space<hbm>>
      %dma_wait3A_541 = arith.constant 0 : i32
      %dma_wait3A_542 = tpu.memref_slice %arg5[%run_scoped3A_177, %arg0, %run_scoped3A_178, %add3A_176, %dma_wait3A_541] : memref<4x2x2x10240x64xf32, #tpu.memory_space<hbm>> -> memref<1x1x1x128x64xf32, #tpu.memory_space<hbm>>
      %dma_wait3A_543 = tpu.memref_squeeze %dma_wait3A_542 : memref<1x1x1x128x64xf32, #tpu.memory_space<hbm>> -> memref<128x64xf32, #tpu.memory_space<hbm>>
      tpu.wait_dma2 semaphore(%run_scoped3A_533 : memref<!tpu.dma_semaphore, #tpu.memory_space<semaphore_mem>>) src(%arg10 : memref<128x64xf32, #tpu.memory_space<vmem>>) dst(%dma_wait3A_543 : memref<128x64xf32, #tpu.memory_space<hbm>>)
      tpu.yield
    }) : () -> ()
    %mul3A_179 = arith.constant 640 : i32
    %mul3A_180 = arith.muli %arg1, %mul3A_179 : i32
    %add3A_181 = arith.constant 256 : i32
    %add3A_182 = arith.addi %mul3A_180, %add3A_181 : i32
    "tpu.region"() ({
      %run_scoped3A_533 = tpu.sem_alloc : memref<!tpu.dma_semaphore, #tpu.memory_space<semaphore_mem>>
      %dma_start3A = arith.constant 0 : i32
      %dma_start3A_534 = tpu.memref_slice %arg11[%add3A_182, %dma_start3A] : memref<10240x64xf32, #tpu.memory_space<vmem_shared>> -> memref<128x64xf32, #tpu.memory_space<vmem_shared>>
      %dma_start3A_535 = arith.constant 0 : i32
      %dma_start3A_536 = tpu.memref_slice %arg11[%add3A_182, %dma_start3A_535] : memref<10240x64xf32, #tpu.memory_space<vmem_shared>> -> memref<128x64xf32, #tpu.memory_space<vmem_shared>>
      tpu.enqueue_dma source(%dma_start3A_536 : memref<128x64xf32, #tpu.memory_space<vmem_shared>>) target(%arg10 : memref<128x64xf32, #tpu.memory_space<vmem>>) target_semaphore(%run_scoped3A_533 : memref<!tpu.dma_semaphore, #tpu.memory_space<semaphore_mem>>)
      %dma_wait3A = arith.constant 0 : i32
      %dma_wait3A_537 = tpu.memref_slice %arg11[%add3A_182, %dma_wait3A] : memref<10240x64xf32, #tpu.memory_space<vmem_shared>> -> memref<128x64xf32, #tpu.memory_space<vmem_shared>>
      %dma_wait3A_538 = arith.constant 0 : i32
      %dma_wait3A_539 = tpu.memref_slice %arg11[%add3A_182, %dma_wait3A_538] : memref<10240x64xf32, #tpu.memory_space<vmem_shared>> -> memref<128x64xf32, #tpu.memory_space<vmem_shared>>
      tpu.wait_dma2 semaphore(%run_scoped3A_533 : memref<!tpu.dma_semaphore, #tpu.memory_space<semaphore_mem>>) src(%dma_wait3A_539 : memref<128x64xf32, #tpu.memory_space<vmem_shared>>) dst(%arg10 : memref<128x64xf32, #tpu.memory_space<vmem>>)
      tpu.yield
    }) : () -> ()
    %run_scoped3A_183 = arith.constant 1 : i32
    %run_scoped3A_184 = arith.constant 0 : i32
    "tpu.region"() ({
      %run_scoped3A_533 = tpu.sem_alloc : memref<!tpu.dma_semaphore, #tpu.memory_space<semaphore_mem>>
      %dma_start3A = arith.constant 0 : i32
      %dma_start3A_534 = tpu.memref_slice %arg5[%run_scoped3A_183, %arg0, %run_scoped3A_184, %add3A_182, %dma_start3A] : memref<4x2x2x10240x64xf32, #tpu.memory_space<hbm>> -> memref<1x1x1x128x64xf32, #tpu.memory_space<hbm>>
      %dma_start3A_535 = tpu.memref_squeeze %dma_start3A_534 : memref<1x1x1x128x64xf32, #tpu.memory_space<hbm>> -> memref<128x64xf32, #tpu.memory_space<hbm>>
      %dma_start3A_536 = arith.constant 0 : i32
      %dma_start3A_537 = tpu.memref_slice %arg5[%run_scoped3A_183, %arg0, %run_scoped3A_184, %add3A_182, %dma_start3A_536] : memref<4x2x2x10240x64xf32, #tpu.memory_space<hbm>> -> memref<1x1x1x128x64xf32, #tpu.memory_space<hbm>>
      %dma_start3A_538 = tpu.memref_squeeze %dma_start3A_537 : memref<1x1x1x128x64xf32, #tpu.memory_space<hbm>> -> memref<128x64xf32, #tpu.memory_space<hbm>>
      tpu.enqueue_dma source(%arg10 : memref<128x64xf32, #tpu.memory_space<vmem>>) target(%dma_start3A_538 : memref<128x64xf32, #tpu.memory_space<hbm>>) target_semaphore(%run_scoped3A_533 : memref<!tpu.dma_semaphore, #tpu.memory_space<semaphore_mem>>)
      %dma_wait3A = arith.constant 0 : i32
      %dma_wait3A_539 = tpu.memref_slice %arg5[%run_scoped3A_183, %arg0, %run_scoped3A_184, %add3A_182, %dma_wait3A] : memref<4x2x2x10240x64xf32, #tpu.memory_space<hbm>> -> memref<1x1x1x128x64xf32, #tpu.memory_space<hbm>>
      %dma_wait3A_540 = tpu.memref_squeeze %dma_wait3A_539 : memref<1x1x1x128x64xf32, #tpu.memory_space<hbm>> -> memref<128x64xf32, #tpu.memory_space<hbm>>
      %dma_wait3A_541 = arith.constant 0 : i32
      %dma_wait3A_542 = tpu.memref_slice %arg5[%run_scoped3A_183, %arg0, %run_scoped3A_184, %add3A_182, %dma_wait3A_541] : memref<4x2x2x10240x64xf32, #tpu.memory_space<hbm>> -> memref<1x1x1x128x64xf32, #tpu.memory_space<hbm>>
      %dma_wait3A_543 = tpu.memref_squeeze %dma_wait3A_542 : memref<1x1x1x128x64xf32, #tpu.memory_space<hbm>> -> memref<128x64xf32, #tpu.memory_space<hbm>>
      tpu.wait_dma2 semaphore(%run_scoped3A_533 : memref<!tpu.dma_semaphore, #tpu.memory_space<semaphore_mem>>) src(%arg10 : memref<128x64xf32, #tpu.memory_space<vmem>>) dst(%dma_wait3A_543 : memref<128x64xf32, #tpu.memory_space<hbm>>)
      tpu.yield
    }) : () -> ()
    %mul3A_185 = arith.constant 640 : i32
    %mul3A_186 = arith.muli %arg1, %mul3A_185 : i32
    %add3A_187 = arith.constant 384 : i32
    %add3A_188 = arith.addi %mul3A_186, %add3A_187 : i32
    "tpu.region"() ({
      %run_scoped3A_533 = tpu.sem_alloc : memref<!tpu.dma_semaphore, #tpu.memory_space<semaphore_mem>>
      %dma_start3A = arith.constant 0 : i32
      %dma_start3A_534 = tpu.memref_slice %arg11[%add3A_188, %dma_start3A] : memref<10240x64xf32, #tpu.memory_space<vmem_shared>> -> memref<128x64xf32, #tpu.memory_space<vmem_shared>>
      %dma_start3A_535 = arith.constant 0 : i32
      %dma_start3A_536 = tpu.memref_slice %arg11[%add3A_188, %dma_start3A_535] : memref<10240x64xf32, #tpu.memory_space<vmem_shared>> -> memref<128x64xf32, #tpu.memory_space<vmem_shared>>
      tpu.enqueue_dma source(%dma_start3A_536 : memref<128x64xf32, #tpu.memory_space<vmem_shared>>) target(%arg10 : memref<128x64xf32, #tpu.memory_space<vmem>>) target_semaphore(%run_scoped3A_533 : memref<!tpu.dma_semaphore, #tpu.memory_space<semaphore_mem>>)
      %dma_wait3A = arith.constant 0 : i32
      %dma_wait3A_537 = tpu.memref_slice %arg11[%add3A_188, %dma_wait3A] : memref<10240x64xf32, #tpu.memory_space<vmem_shared>> -> memref<128x64xf32, #tpu.memory_space<vmem_shared>>
      %dma_wait3A_538 = arith.constant 0 : i32
      %dma_wait3A_539 = tpu.memref_slice %arg11[%add3A_188, %dma_wait3A_538] : memref<10240x64xf32, #tpu.memory_space<vmem_shared>> -> memref<128x64xf32, #tpu.memory_space<vmem_shared>>
      tpu.wait_dma2 semaphore(%run_scoped3A_533 : memref<!tpu.dma_semaphore, #tpu.memory_space<semaphore_mem>>) src(%dma_wait3A_539 : memref<128x64xf32, #tpu.memory_space<vmem_shared>>) dst(%arg10 : memref<128x64xf32, #tpu.memory_space<vmem>>)
      tpu.yield
    }) : () -> ()
    %run_scoped3A_189 = arith.constant 1 : i32
    %run_scoped3A_190 = arith.constant 0 : i32
    "tpu.region"() ({
      %run_scoped3A_533 = tpu.sem_alloc : memref<!tpu.dma_semaphore, #tpu.memory_space<semaphore_mem>>
      %dma_start3A = arith.constant 0 : i32
      %dma_start3A_534 = tpu.memref_slice %arg5[%run_scoped3A_189, %arg0, %run_scoped3A_190, %add3A_188, %dma_start3A] : memref<4x2x2x10240x64xf32, #tpu.memory_space<hbm>> -> memref<1x1x1x128x64xf32, #tpu.memory_space<hbm>>
      %dma_start3A_535 = tpu.memref_squeeze %dma_start3A_534 : memref<1x1x1x128x64xf32, #tpu.memory_space<hbm>> -> memref<128x64xf32, #tpu.memory_space<hbm>>
      %dma_start3A_536 = arith.constant 0 : i32
      %dma_start3A_537 = tpu.memref_slice %arg5[%run_scoped3A_189, %arg0, %run_scoped3A_190, %add3A_188, %dma_start3A_536] : memref<4x2x2x10240x64xf32, #tpu.memory_space<hbm>> -> memref<1x1x1x128x64xf32, #tpu.memory_space<hbm>>
      %dma_start3A_538 = tpu.memref_squeeze %dma_start3A_537 : memref<1x1x1x128x64xf32, #tpu.memory_space<hbm>> -> memref<128x64xf32, #tpu.memory_space<hbm>>
      tpu.enqueue_dma source(%arg10 : memref<128x64xf32, #tpu.memory_space<vmem>>) target(%dma_start3A_538 : memref<128x64xf32, #tpu.memory_space<hbm>>) target_semaphore(%run_scoped3A_533 : memref<!tpu.dma_semaphore, #tpu.memory_space<semaphore_mem>>)
      %dma_wait3A = arith.constant 0 : i32
      %dma_wait3A_539 = tpu.memref_slice %arg5[%run_scoped3A_189, %arg0, %run_scoped3A_190, %add3A_188, %dma_wait3A] : memref<4x2x2x10240x64xf32, #tpu.memory_space<hbm>> -> memref<1x1x1x128x64xf32, #tpu.memory_space<hbm>>
      %dma_wait3A_540 = tpu.memref_squeeze %dma_wait3A_539 : memref<1x1x1x128x64xf32, #tpu.memory_space<hbm>> -> memref<128x64xf32, #tpu.memory_space<hbm>>
      %dma_wait3A_541 = arith.constant 0 : i32
      %dma_wait3A_542 = tpu.memref_slice %arg5[%run_scoped3A_189, %arg0, %run_scoped3A_190, %add3A_188, %dma_wait3A_541] : memref<4x2x2x10240x64xf32, #tpu.memory_space<hbm>> -> memref<1x1x1x128x64xf32, #tpu.memory_space<hbm>>
      %dma_wait3A_543 = tpu.memref_squeeze %dma_wait3A_542 : memref<1x1x1x128x64xf32, #tpu.memory_space<hbm>> -> memref<128x64xf32, #tpu.memory_space<hbm>>
      tpu.wait_dma2 semaphore(%run_scoped3A_533 : memref<!tpu.dma_semaphore, #tpu.memory_space<semaphore_mem>>) src(%arg10 : memref<128x64xf32, #tpu.memory_space<vmem>>) dst(%dma_wait3A_543 : memref<128x64xf32, #tpu.memory_space<hbm>>)
      tpu.yield
    }) : () -> ()
    %mul3A_191 = arith.constant 640 : i32
    %mul3A_192 = arith.muli %arg1, %mul3A_191 : i32
    %add3A_193 = arith.constant 512 : i32
    %add3A_194 = arith.addi %mul3A_192, %add3A_193 : i32
    "tpu.region"() ({
      %run_scoped3A_533 = tpu.sem_alloc : memref<!tpu.dma_semaphore, #tpu.memory_space<semaphore_mem>>
      %dma_start3A = arith.constant 0 : i32
      %dma_start3A_534 = tpu.memref_slice %arg11[%add3A_194, %dma_start3A] : memref<10240x64xf32, #tpu.memory_space<vmem_shared>> -> memref<128x64xf32, #tpu.memory_space<vmem_shared>>
      %dma_start3A_535 = arith.constant 0 : i32
      %dma_start3A_536 = tpu.memref_slice %arg11[%add3A_194, %dma_start3A_535] : memref<10240x64xf32, #tpu.memory_space<vmem_shared>> -> memref<128x64xf32, #tpu.memory_space<vmem_shared>>
      tpu.enqueue_dma source(%dma_start3A_536 : memref<128x64xf32, #tpu.memory_space<vmem_shared>>) target(%arg10 : memref<128x64xf32, #tpu.memory_space<vmem>>) target_semaphore(%run_scoped3A_533 : memref<!tpu.dma_semaphore, #tpu.memory_space<semaphore_mem>>)
      %dma_wait3A = arith.constant 0 : i32
      %dma_wait3A_537 = tpu.memref_slice %arg11[%add3A_194, %dma_wait3A] : memref<10240x64xf32, #tpu.memory_space<vmem_shared>> -> memref<128x64xf32, #tpu.memory_space<vmem_shared>>
      %dma_wait3A_538 = arith.constant 0 : i32
      %dma_wait3A_539 = tpu.memref_slice %arg11[%add3A_194, %dma_wait3A_538] : memref<10240x64xf32, #tpu.memory_space<vmem_shared>> -> memref<128x64xf32, #tpu.memory_space<vmem_shared>>
      tpu.wait_dma2 semaphore(%run_scoped3A_533 : memref<!tpu.dma_semaphore, #tpu.memory_space<semaphore_mem>>) src(%dma_wait3A_539 : memref<128x64xf32, #tpu.memory_space<vmem_shared>>) dst(%arg10 : memref<128x64xf32, #tpu.memory_space<vmem>>)
      tpu.yield
    }) : () -> ()
    %run_scoped3A_195 = arith.constant 1 : i32
    %run_scoped3A_196 = arith.constant 0 : i32
    "tpu.region"() ({
      %run_scoped3A_533 = tpu.sem_alloc : memref<!tpu.dma_semaphore, #tpu.memory_space<semaphore_mem>>
      %dma_start3A = arith.constant 0 : i32
      %dma_start3A_534 = tpu.memref_slice %arg5[%run_scoped3A_195, %arg0, %run_scoped3A_196, %add3A_194, %dma_start3A] : memref<4x2x2x10240x64xf32, #tpu.memory_space<hbm>> -> memref<1x1x1x128x64xf32, #tpu.memory_space<hbm>>
      %dma_start3A_535 = tpu.memref_squeeze %dma_start3A_534 : memref<1x1x1x128x64xf32, #tpu.memory_space<hbm>> -> memref<128x64xf32, #tpu.memory_space<hbm>>
      %dma_start3A_536 = arith.constant 0 : i32
      %dma_start3A_537 = tpu.memref_slice %arg5[%run_scoped3A_195, %arg0, %run_scoped3A_196, %add3A_194, %dma_start3A_536] : memref<4x2x2x10240x64xf32, #tpu.memory_space<hbm>> -> memref<1x1x1x128x64xf32, #tpu.memory_space<hbm>>
      %dma_start3A_538 = tpu.memref_squeeze %dma_start3A_537 : memref<1x1x1x128x64xf32, #tpu.memory_space<hbm>> -> memref<128x64xf32, #tpu.memory_space<hbm>>
      tpu.enqueue_dma source(%arg10 : memref<128x64xf32, #tpu.memory_space<vmem>>) target(%dma_start3A_538 : memref<128x64xf32, #tpu.memory_space<hbm>>) target_semaphore(%run_scoped3A_533 : memref<!tpu.dma_semaphore, #tpu.memory_space<semaphore_mem>>)
      %dma_wait3A = arith.constant 0 : i32
      %dma_wait3A_539 = tpu.memref_slice %arg5[%run_scoped3A_195, %arg0, %run_scoped3A_196, %add3A_194, %dma_wait3A] : memref<4x2x2x10240x64xf32, #tpu.memory_space<hbm>> -> memref<1x1x1x128x64xf32, #tpu.memory_space<hbm>>
      %dma_wait3A_540 = tpu.memref_squeeze %dma_wait3A_539 : memref<1x1x1x128x64xf32, #tpu.memory_space<hbm>> -> memref<128x64xf32, #tpu.memory_space<hbm>>
      %dma_wait3A_541 = arith.constant 0 : i32
      %dma_wait3A_542 = tpu.memref_slice %arg5[%run_scoped3A_195, %arg0, %run_scoped3A_196, %add3A_194, %dma_wait3A_541] : memref<4x2x2x10240x64xf32, #tpu.memory_space<hbm>> -> memref<1x1x1x128x64xf32, #tpu.memory_space<hbm>>
      %dma_wait3A_543 = tpu.memref_squeeze %dma_wait3A_542 : memref<1x1x1x128x64xf32, #tpu.memory_space<hbm>> -> memref<128x64xf32, #tpu.memory_space<hbm>>
      tpu.wait_dma2 semaphore(%run_scoped3A_533 : memref<!tpu.dma_semaphore, #tpu.memory_space<semaphore_mem>>) src(%arg10 : memref<128x64xf32, #tpu.memory_space<vmem>>) dst(%dma_wait3A_543 : memref<128x64xf32, #tpu.memory_space<hbm>>)
      tpu.yield
    }) : () -> ()
    %barrier3A_197 = arith.constant 0 : index
    tpu.barrier barrier_id(%barrier3A_197)
    %mul3A_198 = arith.constant 2 : i32
    %mul3A_199 = arith.muli %arg0, %mul3A_198 : i32
    %add3A_200 = arith.constant 1 : i32
    %add3A_201 = arith.addi %mul3A_199, %add3A_200 : i32
    %mul3A_202 = arith.constant 10000 : i32
    %mul3A_203 = arith.muli %add3A_201, %mul3A_202 : i32
    %add3A_204 = arith.constant 10000 : i32
    %add3A_205 = arith.addi %mul3A_203, %add3A_204 : i32
    %mul3A_206 = arith.constant 640 : i32
    %mul3A_207 = arith.muli %arg1, %mul3A_206 : i32
    %add3A_208 = arith.constant 0 : i32
    %add3A_209 = arith.addi %mul3A_207, %add3A_208 : i32
    "tpu.region"() ({
      %run_scoped3A_533 = tpu.sem_alloc : memref<!tpu.dma_semaphore, #tpu.memory_space<semaphore_mem>>
      %dma_start3A = arith.constant 0 : i32
      %dma_start3A_534 = tpu.memref_slice %arg11[%add3A_209, %dma_start3A] : memref<10240x64xf32, #tpu.memory_space<vmem_shared>> -> memref<128x64xf32, #tpu.memory_space<vmem_shared>>
      %dma_start3A_535 = arith.constant 0 : i32
      %dma_start3A_536 = tpu.memref_slice %arg11[%add3A_209, %dma_start3A_535] : memref<10240x64xf32, #tpu.memory_space<vmem_shared>> -> memref<128x64xf32, #tpu.memory_space<vmem_shared>>
      tpu.enqueue_dma source(%arg9 : memref<128x64xf32, #tpu.memory_space<vmem>>) target(%dma_start3A_536 : memref<128x64xf32, #tpu.memory_space<vmem_shared>>) target_semaphore(%run_scoped3A_533 : memref<!tpu.dma_semaphore, #tpu.memory_space<semaphore_mem>>)
      %dma_wait3A = arith.constant 0 : i32
      %dma_wait3A_537 = tpu.memref_slice %arg11[%add3A_209, %dma_wait3A] : memref<10240x64xf32, #tpu.memory_space<vmem_shared>> -> memref<128x64xf32, #tpu.memory_space<vmem_shared>>
      %dma_wait3A_538 = arith.constant 0 : i32
      %dma_wait3A_539 = tpu.memref_slice %arg11[%add3A_209, %dma_wait3A_538] : memref<10240x64xf32, #tpu.memory_space<vmem_shared>> -> memref<128x64xf32, #tpu.memory_space<vmem_shared>>
      tpu.wait_dma2 semaphore(%run_scoped3A_533 : memref<!tpu.dma_semaphore, #tpu.memory_space<semaphore_mem>>) src(%arg9 : memref<128x64xf32, #tpu.memory_space<vmem>>) dst(%dma_wait3A_539 : memref<128x64xf32, #tpu.memory_space<vmem_shared>>)
      tpu.yield
    }) : () -> ()
    %mul3A_210 = arith.constant 640 : i32
    %mul3A_211 = arith.muli %arg1, %mul3A_210 : i32
    %add3A_212 = arith.constant 128 : i32
    %add3A_213 = arith.addi %mul3A_211, %add3A_212 : i32
    "tpu.region"() ({
      %run_scoped3A_533 = tpu.sem_alloc : memref<!tpu.dma_semaphore, #tpu.memory_space<semaphore_mem>>
      %dma_start3A = arith.constant 0 : i32
      %dma_start3A_534 = tpu.memref_slice %arg11[%add3A_213, %dma_start3A] : memref<10240x64xf32, #tpu.memory_space<vmem_shared>> -> memref<128x64xf32, #tpu.memory_space<vmem_shared>>
      %dma_start3A_535 = arith.constant 0 : i32
      %dma_start3A_536 = tpu.memref_slice %arg11[%add3A_213, %dma_start3A_535] : memref<10240x64xf32, #tpu.memory_space<vmem_shared>> -> memref<128x64xf32, #tpu.memory_space<vmem_shared>>
      tpu.enqueue_dma source(%arg9 : memref<128x64xf32, #tpu.memory_space<vmem>>) target(%dma_start3A_536 : memref<128x64xf32, #tpu.memory_space<vmem_shared>>) target_semaphore(%run_scoped3A_533 : memref<!tpu.dma_semaphore, #tpu.memory_space<semaphore_mem>>)
      %dma_wait3A = arith.constant 0 : i32
      %dma_wait3A_537 = tpu.memref_slice %arg11[%add3A_213, %dma_wait3A] : memref<10240x64xf32, #tpu.memory_space<vmem_shared>> -> memref<128x64xf32, #tpu.memory_space<vmem_shared>>
      %dma_wait3A_538 = arith.constant 0 : i32
      %dma_wait3A_539 = tpu.memref_slice %arg11[%add3A_213, %dma_wait3A_538] : memref<10240x64xf32, #tpu.memory_space<vmem_shared>> -> memref<128x64xf32, #tpu.memory_space<vmem_shared>>
      tpu.wait_dma2 semaphore(%run_scoped3A_533 : memref<!tpu.dma_semaphore, #tpu.memory_space<semaphore_mem>>) src(%arg9 : memref<128x64xf32, #tpu.memory_space<vmem>>) dst(%dma_wait3A_539 : memref<128x64xf32, #tpu.memory_space<vmem_shared>>)
      tpu.yield
    }) : () -> ()
    %mul3A_214 = arith.constant 640 : i32
    %mul3A_215 = arith.muli %arg1, %mul3A_214 : i32
    %add3A_216 = arith.constant 256 : i32
    %add3A_217 = arith.addi %mul3A_215, %add3A_216 : i32
    "tpu.region"() ({
      %run_scoped3A_533 = tpu.sem_alloc : memref<!tpu.dma_semaphore, #tpu.memory_space<semaphore_mem>>
      %dma_start3A = arith.constant 0 : i32
      %dma_start3A_534 = tpu.memref_slice %arg11[%add3A_217, %dma_start3A] : memref<10240x64xf32, #tpu.memory_space<vmem_shared>> -> memref<128x64xf32, #tpu.memory_space<vmem_shared>>
      %dma_start3A_535 = arith.constant 0 : i32
      %dma_start3A_536 = tpu.memref_slice %arg11[%add3A_217, %dma_start3A_535] : memref<10240x64xf32, #tpu.memory_space<vmem_shared>> -> memref<128x64xf32, #tpu.memory_space<vmem_shared>>
      tpu.enqueue_dma source(%arg9 : memref<128x64xf32, #tpu.memory_space<vmem>>) target(%dma_start3A_536 : memref<128x64xf32, #tpu.memory_space<vmem_shared>>) target_semaphore(%run_scoped3A_533 : memref<!tpu.dma_semaphore, #tpu.memory_space<semaphore_mem>>)
      %dma_wait3A = arith.constant 0 : i32
      %dma_wait3A_537 = tpu.memref_slice %arg11[%add3A_217, %dma_wait3A] : memref<10240x64xf32, #tpu.memory_space<vmem_shared>> -> memref<128x64xf32, #tpu.memory_space<vmem_shared>>
      %dma_wait3A_538 = arith.constant 0 : i32
      %dma_wait3A_539 = tpu.memref_slice %arg11[%add3A_217, %dma_wait3A_538] : memref<10240x64xf32, #tpu.memory_space<vmem_shared>> -> memref<128x64xf32, #tpu.memory_space<vmem_shared>>
      tpu.wait_dma2 semaphore(%run_scoped3A_533 : memref<!tpu.dma_semaphore, #tpu.memory_space<semaphore_mem>>) src(%arg9 : memref<128x64xf32, #tpu.memory_space<vmem>>) dst(%dma_wait3A_539 : memref<128x64xf32, #tpu.memory_space<vmem_shared>>)
      tpu.yield
    }) : () -> ()
    %mul3A_218 = arith.constant 640 : i32
    %mul3A_219 = arith.muli %arg1, %mul3A_218 : i32
    %add3A_220 = arith.constant 384 : i32
    %add3A_221 = arith.addi %mul3A_219, %add3A_220 : i32
    "tpu.region"() ({
      %run_scoped3A_533 = tpu.sem_alloc : memref<!tpu.dma_semaphore, #tpu.memory_space<semaphore_mem>>
      %dma_start3A = arith.constant 0 : i32
      %dma_start3A_534 = tpu.memref_slice %arg11[%add3A_221, %dma_start3A] : memref<10240x64xf32, #tpu.memory_space<vmem_shared>> -> memref<128x64xf32, #tpu.memory_space<vmem_shared>>
      %dma_start3A_535 = arith.constant 0 : i32
      %dma_start3A_536 = tpu.memref_slice %arg11[%add3A_221, %dma_start3A_535] : memref<10240x64xf32, #tpu.memory_space<vmem_shared>> -> memref<128x64xf32, #tpu.memory_space<vmem_shared>>
      tpu.enqueue_dma source(%arg9 : memref<128x64xf32, #tpu.memory_space<vmem>>) target(%dma_start3A_536 : memref<128x64xf32, #tpu.memory_space<vmem_shared>>) target_semaphore(%run_scoped3A_533 : memref<!tpu.dma_semaphore, #tpu.memory_space<semaphore_mem>>)
      %dma_wait3A = arith.constant 0 : i32
      %dma_wait3A_537 = tpu.memref_slice %arg11[%add3A_221, %dma_wait3A] : memref<10240x64xf32, #tpu.memory_space<vmem_shared>> -> memref<128x64xf32, #tpu.memory_space<vmem_shared>>
      %dma_wait3A_538 = arith.constant 0 : i32
      %dma_wait3A_539 = tpu.memref_slice %arg11[%add3A_221, %dma_wait3A_538] : memref<10240x64xf32, #tpu.memory_space<vmem_shared>> -> memref<128x64xf32, #tpu.memory_space<vmem_shared>>
      tpu.wait_dma2 semaphore(%run_scoped3A_533 : memref<!tpu.dma_semaphore, #tpu.memory_space<semaphore_mem>>) src(%arg9 : memref<128x64xf32, #tpu.memory_space<vmem>>) dst(%dma_wait3A_539 : memref<128x64xf32, #tpu.memory_space<vmem_shared>>)
      tpu.yield
    }) : () -> ()
    %mul3A_222 = arith.constant 640 : i32
    %mul3A_223 = arith.muli %arg1, %mul3A_222 : i32
    %add3A_224 = arith.constant 512 : i32
    %add3A_225 = arith.addi %mul3A_223, %add3A_224 : i32
    "tpu.region"() ({
      %run_scoped3A_533 = tpu.sem_alloc : memref<!tpu.dma_semaphore, #tpu.memory_space<semaphore_mem>>
      %dma_start3A = arith.constant 0 : i32
      %dma_start3A_534 = tpu.memref_slice %arg11[%add3A_225, %dma_start3A] : memref<10240x64xf32, #tpu.memory_space<vmem_shared>> -> memref<128x64xf32, #tpu.memory_space<vmem_shared>>
      %dma_start3A_535 = arith.constant 0 : i32
      %dma_start3A_536 = tpu.memref_slice %arg11[%add3A_225, %dma_start3A_535] : memref<10240x64xf32, #tpu.memory_space<vmem_shared>> -> memref<128x64xf32, #tpu.memory_space<vmem_shared>>
      tpu.enqueue_dma source(%arg9 : memref<128x64xf32, #tpu.memory_space<vmem>>) target(%dma_start3A_536 : memref<128x64xf32, #tpu.memory_space<vmem_shared>>) target_semaphore(%run_scoped3A_533 : memref<!tpu.dma_semaphore, #tpu.memory_space<semaphore_mem>>)
      %dma_wait3A = arith.constant 0 : i32
      %dma_wait3A_537 = tpu.memref_slice %arg11[%add3A_225, %dma_wait3A] : memref<10240x64xf32, #tpu.memory_space<vmem_shared>> -> memref<128x64xf32, #tpu.memory_space<vmem_shared>>
      %dma_wait3A_538 = arith.constant 0 : i32
      %dma_wait3A_539 = tpu.memref_slice %arg11[%add3A_225, %dma_wait3A_538] : memref<10240x64xf32, #tpu.memory_space<vmem_shared>> -> memref<128x64xf32, #tpu.memory_space<vmem_shared>>
      tpu.wait_dma2 semaphore(%run_scoped3A_533 : memref<!tpu.dma_semaphore, #tpu.memory_space<semaphore_mem>>) src(%arg9 : memref<128x64xf32, #tpu.memory_space<vmem>>) dst(%dma_wait3A_539 : memref<128x64xf32, #tpu.memory_space<vmem_shared>>)
      tpu.yield
    }) : () -> ()
    %barrier3A_226 = arith.constant 0 : index
    tpu.barrier barrier_id(%barrier3A_226)
    %scan3A_227 = arith.constant 0 : i32
    %scan3A_228 = arith.constant 0 : i32
    %scan3A_229 = arith.constant 123 : i32
    %scan3A_230 = arith.addi %scan3A_228, %scan3A_229 : i32
    %scan3A_231 = arith.constant 1 : i32
    scf.for %scan3A_533 = %scan3A_228 to %scan3A_230 step %scan3A_231  : i32 {
      %add3A_534 = arith.constant 16 : i32
      %add3A_535 = arith.addi %add3A_534, %arg1 : i32
      %run_scoped3A_536 = arith.constant 0 : i32
      "tpu.region"() ({
        %run_scoped3A_644 = tpu.sem_alloc : memref<!tpu.dma_semaphore, #tpu.memory_space<semaphore_mem>>
        %dma_start3A = arith.constant 0 : i32
        %dma_start3A_645 = tpu.memref_slice %arg6[%dma_start3A] : memref<96xi32, #tpu.memory_space<vmem>> -> memref<88xi32, #tpu.memory_space<vmem>>
        %dma_start3A_646 = arith.constant 0 : i32
        %dma_start3A_647 = tpu.memref_slice %arg3[%add3A_535, %scan3A_533, %run_scoped3A_536, %dma_start3A_646] : memref<64x123x1x88xi32, #tpu.memory_space<hbm>> -> memref<1x1x1x88xi32, #tpu.memory_space<hbm>>
        %dma_start3A_648 = tpu.memref_squeeze %dma_start3A_647 : memref<1x1x1x88xi32, #tpu.memory_space<hbm>> -> memref<88xi32, #tpu.memory_space<hbm>>
        %dma_start3A_649 = arith.constant 0 : i32
        %dma_start3A_650 = tpu.memref_slice %arg6[%dma_start3A_649] : memref<96xi32, #tpu.memory_space<vmem>> -> memref<88xi32, #tpu.memory_space<vmem>>
        %dma_start3A_651 = arith.constant 0 : i32
        %dma_start3A_652 = tpu.memref_slice %arg3[%add3A_535, %scan3A_533, %run_scoped3A_536, %dma_start3A_651] : memref<64x123x1x88xi32, #tpu.memory_space<hbm>> -> memref<1x1x1x88xi32, #tpu.memory_space<hbm>>
        %dma_start3A_653 = tpu.memref_squeeze %dma_start3A_652 : memref<1x1x1x88xi32, #tpu.memory_space<hbm>> -> memref<88xi32, #tpu.memory_space<hbm>>
        tpu.enqueue_dma source(%dma_start3A_653 : memref<88xi32, #tpu.memory_space<hbm>>) target(%dma_start3A_650 : memref<88xi32, #tpu.memory_space<vmem>>) target_semaphore(%run_scoped3A_644 : memref<!tpu.dma_semaphore, #tpu.memory_space<semaphore_mem>>)
        %dma_wait3A = arith.constant 0 : i32
        %dma_wait3A_654 = tpu.memref_slice %arg6[%dma_wait3A] : memref<96xi32, #tpu.memory_space<vmem>> -> memref<88xi32, #tpu.memory_space<vmem>>
        %dma_wait3A_655 = arith.constant 0 : i32
        %dma_wait3A_656 = tpu.memref_slice %arg3[%add3A_535, %scan3A_533, %run_scoped3A_536, %dma_wait3A_655] : memref<64x123x1x88xi32, #tpu.memory_space<hbm>> -> memref<1x1x1x88xi32, #tpu.memory_space<hbm>>
        %dma_wait3A_657 = tpu.memref_squeeze %dma_wait3A_656 : memref<1x1x1x88xi32, #tpu.memory_space<hbm>> -> memref<88xi32, #tpu.memory_space<hbm>>
        %dma_wait3A_658 = arith.constant 0 : i32
        %dma_wait3A_659 = tpu.memref_slice %arg6[%dma_wait3A_658] : memref<96xi32, #tpu.memory_space<vmem>> -> memref<88xi32, #tpu.memory_space<vmem>>
        %dma_wait3A_660 = arith.constant 0 : i32
        %dma_wait3A_661 = tpu.memref_slice %arg3[%add3A_535, %scan3A_533, %run_scoped3A_536, %dma_wait3A_660] : memref<64x123x1x88xi32, #tpu.memory_space<hbm>> -> memref<1x1x1x88xi32, #tpu.memory_space<hbm>>
        %dma_wait3A_662 = tpu.memref_squeeze %dma_wait3A_661 : memref<1x1x1x88xi32, #tpu.memory_space<hbm>> -> memref<88xi32, #tpu.memory_space<hbm>>
        tpu.wait_dma2 semaphore(%run_scoped3A_644 : memref<!tpu.dma_semaphore, #tpu.memory_space<semaphore_mem>>) src(%dma_wait3A_662 : memref<88xi32, #tpu.memory_space<hbm>>) dst(%dma_wait3A_659 : memref<88xi32, #tpu.memory_space<vmem>>)
        tpu.yield
      }) : () -> ()
      %add3A_537 = arith.constant 16 : i32
      %add3A_538 = arith.addi %add3A_537, %arg1 : i32
      "tpu.region"() ({
        %run_scoped3A_644 = tpu.sem_alloc : memref<!tpu.dma_semaphore, #tpu.memory_space<semaphore_mem>>
        %dma_start3A = arith.constant 0 : i32
        %dma_start3A_645 = arith.constant 0 : i32
        %dma_start3A_646 = tpu.memref_slice %arg8[%dma_start3A, %dma_start3A_645] : memref<96x64xf32, #tpu.memory_space<vmem>> -> memref<88x64xf32, #tpu.memory_space<vmem>>
        %dma_start3A_647 = arith.constant 0 : i32
        %dma_start3A_648 = arith.constant 0 : i32
        %dma_start3A_649 = tpu.memref_slice %arg2[%add3A_538, %scan3A_533, %dma_start3A_647, %dma_start3A_648] : memref<64x123x88x64xf32, #tpu.memory_space<hbm>> -> memref<1x1x88x64xf32, #tpu.memory_space<hbm>>
        %dma_start3A_650 = tpu.memref_squeeze %dma_start3A_649 : memref<1x1x88x64xf32, #tpu.memory_space<hbm>> -> memref<88x64xf32, #tpu.memory_space<hbm>>
        %dma_start3A_651 = arith.constant 0 : i32
        %dma_start3A_652 = arith.constant 0 : i32
        %dma_start3A_653 = tpu.memref_slice %arg8[%dma_start3A_651, %dma_start3A_652] : memref<96x64xf32, #tpu.memory_space<vmem>> -> memref<88x64xf32, #tpu.memory_space<vmem>>
        %dma_start3A_654 = arith.constant 0 : i32
        %dma_start3A_655 = arith.constant 0 : i32
        %dma_start3A_656 = tpu.memref_slice %arg2[%add3A_538, %scan3A_533, %dma_start3A_654, %dma_start3A_655] : memref<64x123x88x64xf32, #tpu.memory_space<hbm>> -> memref<1x1x88x64xf32, #tpu.memory_space<hbm>>
        %dma_start3A_657 = tpu.memref_squeeze %dma_start3A_656 : memref<1x1x88x64xf32, #tpu.memory_space<hbm>> -> memref<88x64xf32, #tpu.memory_space<hbm>>
        tpu.enqueue_dma source(%dma_start3A_657 : memref<88x64xf32, #tpu.memory_space<hbm>>) target(%dma_start3A_653 : memref<88x64xf32, #tpu.memory_space<vmem>>) target_semaphore(%run_scoped3A_644 : memref<!tpu.dma_semaphore, #tpu.memory_space<semaphore_mem>>)
        %dma_wait3A = arith.constant 0 : i32
        %dma_wait3A_658 = arith.constant 0 : i32
        %dma_wait3A_659 = tpu.memref_slice %arg8[%dma_wait3A, %dma_wait3A_658] : memref<96x64xf32, #tpu.memory_space<vmem>> -> memref<88x64xf32, #tpu.memory_space<vmem>>
        %dma_wait3A_660 = arith.constant 0 : i32
        %dma_wait3A_661 = arith.constant 0 : i32
        %dma_wait3A_662 = tpu.memref_slice %arg2[%add3A_538, %scan3A_533, %dma_wait3A_660, %dma_wait3A_661] : memref<64x123x88x64xf32, #tpu.memory_space<hbm>> -> memref<1x1x88x64xf32, #tpu.memory_space<hbm>>
        %dma_wait3A_663 = tpu.memref_squeeze %dma_wait3A_662 : memref<1x1x88x64xf32, #tpu.memory_space<hbm>> -> memref<88x64xf32, #tpu.memory_space<hbm>>
        %dma_wait3A_664 = arith.constant 0 : i32
        %dma_wait3A_665 = arith.constant 0 : i32
        %dma_wait3A_666 = tpu.memref_slice %arg8[%dma_wait3A_664, %dma_wait3A_665] : memref<96x64xf32, #tpu.memory_space<vmem>> -> memref<88x64xf32, #tpu.memory_space<vmem>>
        %dma_wait3A_667 = arith.constant 0 : i32
        %dma_wait3A_668 = arith.constant 0 : i32
        %dma_wait3A_669 = tpu.memref_slice %arg2[%add3A_538, %scan3A_533, %dma_wait3A_667, %dma_wait3A_668] : memref<64x123x88x64xf32, #tpu.memory_space<hbm>> -> memref<1x1x88x64xf32, #tpu.memory_space<hbm>>
        %dma_wait3A_670 = tpu.memref_squeeze %dma_wait3A_669 : memref<1x1x88x64xf32, #tpu.memory_space<hbm>> -> memref<88x64xf32, #tpu.memory_space<hbm>>
        tpu.wait_dma2 semaphore(%run_scoped3A_644 : memref<!tpu.dma_semaphore, #tpu.memory_space<semaphore_mem>>) src(%dma_wait3A_670 : memref<88x64xf32, #tpu.memory_space<hbm>>) dst(%dma_wait3A_666 : memref<88x64xf32, #tpu.memory_space<vmem>>)
        tpu.yield
      }) : () -> ()
      %get3A = arith.constant 0 : index
      %get3A_539 = tpu.vector_load %arg6[%get3A] {strides = array<i32>} : memref<96xi32, #tpu.memory_space<vmem>>, vector<16xi32>,
      %get3A_540 = vector.shape_cast %get3A_539 : vector<16xi32> to vector<16xi32>
      %ge3A = vector.broadcast %mul3A_203 : i32 to vector<16xi32>
      %ge3A_541 = arith.cmpi sge, %get3A_540, %ge3A : vector<16xi32>
      %lt3A = vector.broadcast %add3A_205 : i32 to vector<16xi32>
      %lt3A_542 = arith.cmpi slt, %get3A_540, %lt3A : vector<16xi32>
      %and3A = arith.andi %ge3A_541, %lt3A_542 : vector<16xi1>
      %sub3A = vector.broadcast %mul3A_203 : i32 to vector<16xi32>
      %sub3A_543 = arith.subi %get3A_540, %sub3A : vector<16xi32>
      %broadcast_in_dim3A = vector.broadcast %add3A_0 : i32 to vector<16xi32>
      %select_n3A = arith.select %and3A, %sub3A_543, %broadcast_in_dim3A : vector<16xi1>, vector<16xi32>
      %swap3A = arith.constant 0 : i32
      %swap3A_544 = arith.index_cast %swap3A : i32 to index
      %swap3A_545 = arith.constant 0 : index
      %swap3A_546 = tpu.vector_load %arg7[%swap3A_544, %swap3A_545] {strides = array<i32>} : memref<1x96xi32, #tpu.memory_space<vmem>>, vector<1x16xi32>,
      %swap3A_547 = vector.shape_cast %swap3A_546 : vector<1x16xi32> to vector<16xi32>
      %swap3A_548 = vector.shape_cast %select_n3A : vector<16xi32> to vector<1x16xi32>
      tpu.vector_store %arg7[%swap3A_544, %swap3A_545], %swap3A_548 {strides = array<i32>} : memref<1x96xi32, #tpu.memory_space<vmem>>, vector<1x16xi32>,
      %get3A_549 = arith.constant 16 : index
      %get3A_550 = tpu.vector_load %arg6[%get3A_549] {strides = array<i32>} : memref<96xi32, #tpu.memory_space<vmem>>, vector<16xi32>,
      %get3A_551 = vector.shape_cast %get3A_550 : vector<16xi32> to vector<16xi32>
      %ge3A_552 = vector.broadcast %mul3A_203 : i32 to vector<16xi32>
      %ge3A_553 = arith.cmpi sge, %get3A_551, %ge3A_552 : vector<16xi32>
      %lt3A_554 = vector.broadcast %add3A_205 : i32 to vector<16xi32>
      %lt3A_555 = arith.cmpi slt, %get3A_551, %lt3A_554 : vector<16xi32>
      %and3A_556 = arith.andi %ge3A_553, %lt3A_555 : vector<16xi1>
      %sub3A_557 = vector.broadcast %mul3A_203 : i32 to vector<16xi32>
      %sub3A_558 = arith.subi %get3A_551, %sub3A_557 : vector<16xi32>
      %broadcast_in_dim3A_559 = vector.broadcast %add3A_0 : i32 to vector<16xi32>
      %select_n3A_560 = arith.select %and3A_556, %sub3A_558, %broadcast_in_dim3A_559 : vector<16xi1>, vector<16xi32>
      %swap3A_561 = arith.constant 0 : i32
      %swap3A_562 = arith.index_cast %swap3A_561 : i32 to index
      %swap3A_563 = arith.constant 16 : index
      %swap3A_564 = tpu.vector_load %arg7[%swap3A_562, %swap3A_563] {strides = array<i32>} : memref<1x96xi32, #tpu.memory_space<vmem>>, vector<1x16xi32>,
      %swap3A_565 = vector.shape_cast %swap3A_564 : vector<1x16xi32> to vector<16xi32>
      %swap3A_566 = vector.shape_cast %select_n3A_560 : vector<16xi32> to vector<1x16xi32>
      tpu.vector_store %arg7[%swap3A_562, %swap3A_563], %swap3A_566 {strides = array<i32>} : memref<1x96xi32, #tpu.memory_space<vmem>>, vector<1x16xi32>,
      %get3A_567 = arith.constant 32 : index
      %get3A_568 = tpu.vector_load %arg6[%get3A_567] {strides = array<i32>} : memref<96xi32, #tpu.memory_space<vmem>>, vector<16xi32>,
      %get3A_569 = vector.shape_cast %get3A_568 : vector<16xi32> to vector<16xi32>
      %ge3A_570 = vector.broadcast %mul3A_203 : i32 to vector<16xi32>
      %ge3A_571 = arith.cmpi sge, %get3A_569, %ge3A_570 : vector<16xi32>
      %lt3A_572 = vector.broadcast %add3A_205 : i32 to vector<16xi32>
      %lt3A_573 = arith.cmpi slt, %get3A_569, %lt3A_572 : vector<16xi32>
      %and3A_574 = arith.andi %ge3A_571, %lt3A_573 : vector<16xi1>
      %sub3A_575 = vector.broadcast %mul3A_203 : i32 to vector<16xi32>
      %sub3A_576 = arith.subi %get3A_569, %sub3A_575 : vector<16xi32>
      %broadcast_in_dim3A_577 = vector.broadcast %add3A_0 : i32 to vector<16xi32>
      %select_n3A_578 = arith.select %and3A_574, %sub3A_576, %broadcast_in_dim3A_577 : vector<16xi1>, vector<16xi32>
      %swap3A_579 = arith.constant 0 : i32
      %swap3A_580 = arith.index_cast %swap3A_579 : i32 to index
      %swap3A_581 = arith.constant 32 : index
      %swap3A_582 = tpu.vector_load %arg7[%swap3A_580, %swap3A_581] {strides = array<i32>} : memref<1x96xi32, #tpu.memory_space<vmem>>, vector<1x16xi32>,
      %swap3A_583 = vector.shape_cast %swap3A_582 : vector<1x16xi32> to vector<16xi32>
      %swap3A_584 = vector.shape_cast %select_n3A_578 : vector<16xi32> to vector<1x16xi32>
      tpu.vector_store %arg7[%swap3A_580, %swap3A_581], %swap3A_584 {strides = array<i32>} : memref<1x96xi32, #tpu.memory_space<vmem>>, vector<1x16xi32>,
      %get3A_585 = arith.constant 48 : index
      %get3A_586 = tpu.vector_load %arg6[%get3A_585] {strides = array<i32>} : memref<96xi32, #tpu.memory_space<vmem>>, vector<16xi32>,
      %get3A_587 = vector.shape_cast %get3A_586 : vector<16xi32> to vector<16xi32>
      %ge3A_588 = vector.broadcast %mul3A_203 : i32 to vector<16xi32>
      %ge3A_589 = arith.cmpi sge, %get3A_587, %ge3A_588 : vector<16xi32>
      %lt3A_590 = vector.broadcast %add3A_205 : i32 to vector<16xi32>
      %lt3A_591 = arith.cmpi slt, %get3A_587, %lt3A_590 : vector<16xi32>
      %and3A_592 = arith.andi %ge3A_589, %lt3A_591 : vector<16xi1>
      %sub3A_593 = vector.broadcast %mul3A_203 : i32 to vector<16xi32>
      %sub3A_594 = arith.subi %get3A_587, %sub3A_593 : vector<16xi32>
      %broadcast_in_dim3A_595 = vector.broadcast %add3A_0 : i32 to vector<16xi32>
      %select_n3A_596 = arith.select %and3A_592, %sub3A_594, %broadcast_in_dim3A_595 : vector<16xi1>, vector<16xi32>
      %swap3A_597 = arith.constant 0 : i32
      %swap3A_598 = arith.index_cast %swap3A_597 : i32 to index
      %swap3A_599 = arith.constant 48 : index
      %swap3A_600 = tpu.vector_load %arg7[%swap3A_598, %swap3A_599] {strides = array<i32>} : memref<1x96xi32, #tpu.memory_space<vmem>>, vector<1x16xi32>,
      %swap3A_601 = vector.shape_cast %swap3A_600 : vector<1x16xi32> to vector<16xi32>
      %swap3A_602 = vector.shape_cast %select_n3A_596 : vector<16xi32> to vector<1x16xi32>
      tpu.vector_store %arg7[%swap3A_598, %swap3A_599], %swap3A_602 {strides = array<i32>} : memref<1x96xi32, #tpu.memory_space<vmem>>, vector<1x16xi32>,
      %get3A_603 = arith.constant 64 : index
      %get3A_604 = tpu.vector_load %arg6[%get3A_603] {strides = array<i32>} : memref<96xi32, #tpu.memory_space<vmem>>, vector<16xi32>,
      %get3A_605 = vector.shape_cast %get3A_604 : vector<16xi32> to vector<16xi32>
      %ge3A_606 = vector.broadcast %mul3A_203 : i32 to vector<16xi32>
      %ge3A_607 = arith.cmpi sge, %get3A_605, %ge3A_606 : vector<16xi32>
      %lt3A_608 = vector.broadcast %add3A_205 : i32 to vector<16xi32>
      %lt3A_609 = arith.cmpi slt, %get3A_605, %lt3A_608 : vector<16xi32>
      %and3A_610 = arith.andi %ge3A_607, %lt3A_609 : vector<16xi1>
      %sub3A_611 = vector.broadcast %mul3A_203 : i32 to vector<16xi32>
      %sub3A_612 = arith.subi %get3A_605, %sub3A_611 : vector<16xi32>
      %broadcast_in_dim3A_613 = vector.broadcast %add3A_0 : i32 to vector<16xi32>
      %select_n3A_614 = arith.select %and3A_610, %sub3A_612, %broadcast_in_dim3A_613 : vector<16xi1>, vector<16xi32>
      %swap3A_615 = arith.constant 0 : i32
      %swap3A_616 = arith.index_cast %swap3A_615 : i32 to index
      %swap3A_617 = arith.constant 64 : index
      %swap3A_618 = tpu.vector_load %arg7[%swap3A_616, %swap3A_617] {strides = array<i32>} : memref<1x96xi32, #tpu.memory_space<vmem>>, vector<1x16xi32>,
      %swap3A_619 = vector.shape_cast %swap3A_618 : vector<1x16xi32> to vector<16xi32>
      %swap3A_620 = vector.shape_cast %select_n3A_614 : vector<16xi32> to vector<1x16xi32>
      tpu.vector_store %arg7[%swap3A_616, %swap3A_617], %swap3A_620 {strides = array<i32>} : memref<1x96xi32, #tpu.memory_space<vmem>>, vector<1x16xi32>,
      %get3A_621 = arith.constant 80 : index
      %get3A_622 = tpu.vector_load %arg6[%get3A_621] {strides = array<i32>} : memref<96xi32, #tpu.memory_space<vmem>>, vector<16xi32>,
      %get3A_623 = vector.shape_cast %get3A_622 : vector<16xi32> to vector<16xi32>
      %ge3A_624 = vector.broadcast %mul3A_203 : i32 to vector<16xi32>
      %ge3A_625 = arith.cmpi sge, %get3A_623, %ge3A_624 : vector<16xi32>
      %lt3A_626 = vector.broadcast %add3A_205 : i32 to vector<16xi32>
      %lt3A_627 = arith.cmpi slt, %get3A_623, %lt3A_626 : vector<16xi32>
      %and3A_628 = arith.andi %ge3A_625, %lt3A_627 : vector<16xi1>
      %lt3A_629 = arith.constant 8 : i32
      %lt3A_630 = vector.broadcast %lt3A_629 : i32 to vector<16xi32>
      %lt3A_631 = arith.cmpi slt, %iota3A, %lt3A_630 : vector<16xi32>
      %and3A_632 = arith.andi %and3A_628, %lt3A_631 : vector<16xi1>
      %sub3A_633 = vector.broadcast %mul3A_203 : i32 to vector<16xi32>
      %sub3A_634 = arith.subi %get3A_623, %sub3A_633 : vector<16xi32>
      %broadcast_in_dim3A_635 = vector.broadcast %add3A_0 : i32 to vector<16xi32>
      %select_n3A_636 = arith.select %and3A_632, %sub3A_634, %broadcast_in_dim3A_635 : vector<16xi1>, vector<16xi32>
      %swap3A_637 = arith.constant 0 : i32
      %swap3A_638 = arith.index_cast %swap3A_637 : i32 to index
      %swap3A_639 = arith.constant 80 : index
      %swap3A_640 = tpu.vector_load %arg7[%swap3A_638, %swap3A_639] {strides = array<i32>} : memref<1x96xi32, #tpu.memory_space<vmem>>, vector<1x16xi32>,
      %swap3A_641 = vector.shape_cast %swap3A_640 : vector<1x16xi32> to vector<16xi32>
      %swap3A_642 = vector.shape_cast %select_n3A_636 : vector<16xi32> to vector<1x16xi32>
      tpu.vector_store %arg7[%swap3A_638, %swap3A_639], %swap3A_642 {strides = array<i32>} : memref<1x96xi32, #tpu.memory_space<vmem>>, vector<1x16xi32>,
      %run_scoped3A_643 = arith.constant 0 : i32
      "tpu.region"() ({
        %run_scoped3A_644 = tpu.sem_alloc : memref<!tpu.dma_semaphore, #tpu.memory_space<semaphore_mem>>
        %dma_start3A = arith.constant 0 : i32
        %dma_start3A_645 = tpu.memref_slice %arg7[%run_scoped3A_643, %dma_start3A] : memref<1x96xi32, #tpu.memory_space<vmem>> -> memref<1x96xi32, #tpu.memory_space<vmem>>
        %dma_start3A_646 = tpu.memref_squeeze %dma_start3A_645 : memref<1x96xi32, #tpu.memory_space<vmem>> -> memref<96xi32, #tpu.memory_space<vmem>>
        %dma_start3A_647 = arith.constant 0 : i32
        %dma_start3A_648 = arith.constant 0 : i32
        %dma_start3A_649 = tpu.memref_slice %arg11[%dma_start3A_647, %dma_start3A_648] : memref<10240x64xf32, #tpu.memory_space<vmem_shared>> -> memref<10240x64xf32, #tpu.memory_space<vmem_shared>>
        tpu.enqueue_indirect_dma source(%arg8 : memref<96x64xf32, #tpu.memory_space<vmem>>) target(%dma_start3A_649 : memref<10240x64xf32, #tpu.memory_space<vmem_shared>>) offsets(%dma_start3A_646 : memref<96xi32, #tpu.memory_space<vmem>>) semaphore(%run_scoped3A_644 : memref<!tpu.dma_semaphore, #tpu.memory_space<semaphore_mem>>) {add = true}
        %dma_wait3A = arith.constant 0 : i32
        %dma_wait3A_650 = tpu.memref_slice %arg7[%run_scoped3A_643, %dma_wait3A] : memref<1x96xi32, #tpu.memory_space<vmem>> -> memref<1x96xi32, #tpu.memory_space<vmem>>
        %dma_wait3A_651 = tpu.memref_squeeze %dma_wait3A_650 : memref<1x96xi32, #tpu.memory_space<vmem>> -> memref<96xi32, #tpu.memory_space<vmem>>
        %dma_wait3A_652 = arith.constant 0 : i32
        %dma_wait3A_653 = arith.constant 0 : i32
        %dma_wait3A_654 = tpu.memref_slice %arg11[%dma_wait3A_652, %dma_wait3A_653] : memref<10240x64xf32, #tpu.memory_space<vmem_shared>> -> memref<10240x64xf32, #tpu.memory_space<vmem_shared>>
        tpu.wait_indirect_dma semaphore(%run_scoped3A_644 : memref<!tpu.dma_semaphore, #tpu.memory_space<semaphore_mem>>) src(%arg8 : memref<96x64xf32, #tpu.memory_space<vmem>>) dst(%dma_wait3A_654 : memref<10240x64xf32, #tpu.memory_space<vmem_shared>>)
        tpu.yield
      }) : () -> ()
    }
    %scan3A_232 = arith.constant 123 : i32
    %barrier3A_233 = arith.constant 0 : index
    tpu.barrier barrier_id(%barrier3A_233)
    %mul3A_234 = arith.constant 640 : i32
    %mul3A_235 = arith.muli %arg1, %mul3A_234 : i32
    %add3A_236 = arith.constant 0 : i32
    %add3A_237 = arith.addi %mul3A_235, %add3A_236 : i32
    "tpu.region"() ({
      %run_scoped3A_533 = tpu.sem_alloc : memref<!tpu.dma_semaphore, #tpu.memory_space<semaphore_mem>>
      %dma_start3A = arith.constant 0 : i32
      %dma_start3A_534 = tpu.memref_slice %arg11[%add3A_237, %dma_start3A] : memref<10240x64xf32, #tpu.memory_space<vmem_shared>> -> memref<128x64xf32, #tpu.memory_space<vmem_shared>>
      %dma_start3A_535 = arith.constant 0 : i32
      %dma_start3A_536 = tpu.memref_slice %arg11[%add3A_237, %dma_start3A_535] : memref<10240x64xf32, #tpu.memory_space<vmem_shared>> -> memref<128x64xf32, #tpu.memory_space<vmem_shared>>
      tpu.enqueue_dma source(%dma_start3A_536 : memref<128x64xf32, #tpu.memory_space<vmem_shared>>) target(%arg10 : memref<128x64xf32, #tpu.memory_space<vmem>>) target_semaphore(%run_scoped3A_533 : memref<!tpu.dma_semaphore, #tpu.memory_space<semaphore_mem>>)
      %dma_wait3A = arith.constant 0 : i32
      %dma_wait3A_537 = tpu.memref_slice %arg11[%add3A_237, %dma_wait3A] : memref<10240x64xf32, #tpu.memory_space<vmem_shared>> -> memref<128x64xf32, #tpu.memory_space<vmem_shared>>
      %dma_wait3A_538 = arith.constant 0 : i32
      %dma_wait3A_539 = tpu.memref_slice %arg11[%add3A_237, %dma_wait3A_538] : memref<10240x64xf32, #tpu.memory_space<vmem_shared>> -> memref<128x64xf32, #tpu.memory_space<vmem_shared>>
      tpu.wait_dma2 semaphore(%run_scoped3A_533 : memref<!tpu.dma_semaphore, #tpu.memory_space<semaphore_mem>>) src(%dma_wait3A_539 : memref<128x64xf32, #tpu.memory_space<vmem_shared>>) dst(%arg10 : memref<128x64xf32, #tpu.memory_space<vmem>>)
      tpu.yield
    }) : () -> ()
    %run_scoped3A_238 = arith.constant 1 : i32
    %run_scoped3A_239 = arith.constant 1 : i32
    "tpu.region"() ({
      %run_scoped3A_533 = tpu.sem_alloc : memref<!tpu.dma_semaphore, #tpu.memory_space<semaphore_mem>>
      %dma_start3A = arith.constant 0 : i32
      %dma_start3A_534 = tpu.memref_slice %arg5[%run_scoped3A_238, %arg0, %run_scoped3A_239, %add3A_237, %dma_start3A] : memref<4x2x2x10240x64xf32, #tpu.memory_space<hbm>> -> memref<1x1x1x128x64xf32, #tpu.memory_space<hbm>>
      %dma_start3A_535 = tpu.memref_squeeze %dma_start3A_534 : memref<1x1x1x128x64xf32, #tpu.memory_space<hbm>> -> memref<128x64xf32, #tpu.memory_space<hbm>>
      %dma_start3A_536 = arith.constant 0 : i32
      %dma_start3A_537 = tpu.memref_slice %arg5[%run_scoped3A_238, %arg0, %run_scoped3A_239, %add3A_237, %dma_start3A_536] : memref<4x2x2x10240x64xf32, #tpu.memory_space<hbm>> -> memref<1x1x1x128x64xf32, #tpu.memory_space<hbm>>
      %dma_start3A_538 = tpu.memref_squeeze %dma_start3A_537 : memref<1x1x1x128x64xf32, #tpu.memory_space<hbm>> -> memref<128x64xf32, #tpu.memory_space<hbm>>
      tpu.enqueue_dma source(%arg10 : memref<128x64xf32, #tpu.memory_space<vmem>>) target(%dma_start3A_538 : memref<128x64xf32, #tpu.memory_space<hbm>>) target_semaphore(%run_scoped3A_533 : memref<!tpu.dma_semaphore, #tpu.memory_space<semaphore_mem>>)
      %dma_wait3A = arith.constant 0 : i32
      %dma_wait3A_539 = tpu.memref_slice %arg5[%run_scoped3A_238, %arg0, %run_scoped3A_239, %add3A_237, %dma_wait3A] : memref<4x2x2x10240x64xf32, #tpu.memory_space<hbm>> -> memref<1x1x1x128x64xf32, #tpu.memory_space<hbm>>
      %dma_wait3A_540 = tpu.memref_squeeze %dma_wait3A_539 : memref<1x1x1x128x64xf32, #tpu.memory_space<hbm>> -> memref<128x64xf32, #tpu.memory_space<hbm>>
      %dma_wait3A_541 = arith.constant 0 : i32
      %dma_wait3A_542 = tpu.memref_slice %arg5[%run_scoped3A_238, %arg0, %run_scoped3A_239, %add3A_237, %dma_wait3A_541] : memref<4x2x2x10240x64xf32, #tpu.memory_space<hbm>> -> memref<1x1x1x128x64xf32, #tpu.memory_space<hbm>>
      %dma_wait3A_543 = tpu.memref_squeeze %dma_wait3A_542 : memref<1x1x1x128x64xf32, #tpu.memory_space<hbm>> -> memref<128x64xf32, #tpu.memory_space<hbm>>
      tpu.wait_dma2 semaphore(%run_scoped3A_533 : memref<!tpu.dma_semaphore, #tpu.memory_space<semaphore_mem>>) src(%arg10 : memref<128x64xf32, #tpu.memory_space<vmem>>) dst(%dma_wait3A_543 : memref<128x64xf32, #tpu.memory_space<hbm>>)
      tpu.yield
    }) : () -> ()
    %mul3A_240 = arith.constant 640 : i32
    %mul3A_241 = arith.muli %arg1, %mul3A_240 : i32
    %add3A_242 = arith.constant 128 : i32
    %add3A_243 = arith.addi %mul3A_241, %add3A_242 : i32
    "tpu.region"() ({
      %run_scoped3A_533 = tpu.sem_alloc : memref<!tpu.dma_semaphore, #tpu.memory_space<semaphore_mem>>
      %dma_start3A = arith.constant 0 : i32
      %dma_start3A_534 = tpu.memref_slice %arg11[%add3A_243, %dma_start3A] : memref<10240x64xf32, #tpu.memory_space<vmem_shared>> -> memref<128x64xf32, #tpu.memory_space<vmem_shared>>
      %dma_start3A_535 = arith.constant 0 : i32
      %dma_start3A_536 = tpu.memref_slice %arg11[%add3A_243, %dma_start3A_535] : memref<10240x64xf32, #tpu.memory_space<vmem_shared>> -> memref<128x64xf32, #tpu.memory_space<vmem_shared>>
      tpu.enqueue_dma source(%dma_start3A_536 : memref<128x64xf32, #tpu.memory_space<vmem_shared>>) target(%arg10 : memref<128x64xf32, #tpu.memory_space<vmem>>) target_semaphore(%run_scoped3A_533 : memref<!tpu.dma_semaphore, #tpu.memory_space<semaphore_mem>>)
      %dma_wait3A = arith.constant 0 : i32
      %dma_wait3A_537 = tpu.memref_slice %arg11[%add3A_243, %dma_wait3A] : memref<10240x64xf32, #tpu.memory_space<vmem_shared>> -> memref<128x64xf32, #tpu.memory_space<vmem_shared>>
      %dma_wait3A_538 = arith.constant 0 : i32
      %dma_wait3A_539 = tpu.memref_slice %arg11[%add3A_243, %dma_wait3A_538] : memref<10240x64xf32, #tpu.memory_space<vmem_shared>> -> memref<128x64xf32, #tpu.memory_space<vmem_shared>>
      tpu.wait_dma2 semaphore(%run_scoped3A_533 : memref<!tpu.dma_semaphore, #tpu.memory_space<semaphore_mem>>) src(%dma_wait3A_539 : memref<128x64xf32, #tpu.memory_space<vmem_shared>>) dst(%arg10 : memref<128x64xf32, #tpu.memory_space<vmem>>)
      tpu.yield
    }) : () -> ()
    %run_scoped3A_244 = arith.constant 1 : i32
    %run_scoped3A_245 = arith.constant 1 : i32
    "tpu.region"() ({
      %run_scoped3A_533 = tpu.sem_alloc : memref<!tpu.dma_semaphore, #tpu.memory_space<semaphore_mem>>
      %dma_start3A = arith.constant 0 : i32
      %dma_start3A_534 = tpu.memref_slice %arg5[%run_scoped3A_244, %arg0, %run_scoped3A_245, %add3A_243, %dma_start3A] : memref<4x2x2x10240x64xf32, #tpu.memory_space<hbm>> -> memref<1x1x1x128x64xf32, #tpu.memory_space<hbm>>
      %dma_start3A_535 = tpu.memref_squeeze %dma_start3A_534 : memref<1x1x1x128x64xf32, #tpu.memory_space<hbm>> -> memref<128x64xf32, #tpu.memory_space<hbm>>
      %dma_start3A_536 = arith.constant 0 : i32
      %dma_start3A_537 = tpu.memref_slice %arg5[%run_scoped3A_244, %arg0, %run_scoped3A_245, %add3A_243, %dma_start3A_536] : memref<4x2x2x10240x64xf32, #tpu.memory_space<hbm>> -> memref<1x1x1x128x64xf32, #tpu.memory_space<hbm>>
      %dma_start3A_538 = tpu.memref_squeeze %dma_start3A_537 : memref<1x1x1x128x64xf32, #tpu.memory_space<hbm>> -> memref<128x64xf32, #tpu.memory_space<hbm>>
      tpu.enqueue_dma source(%arg10 : memref<128x64xf32, #tpu.memory_space<vmem>>) target(%dma_start3A_538 : memref<128x64xf32, #tpu.memory_space<hbm>>) target_semaphore(%run_scoped3A_533 : memref<!tpu.dma_semaphore, #tpu.memory_space<semaphore_mem>>)
      %dma_wait3A = arith.constant 0 : i32
      %dma_wait3A_539 = tpu.memref_slice %arg5[%run_scoped3A_244, %arg0, %run_scoped3A_245, %add3A_243, %dma_wait3A] : memref<4x2x2x10240x64xf32, #tpu.memory_space<hbm>> -> memref<1x1x1x128x64xf32, #tpu.memory_space<hbm>>
      %dma_wait3A_540 = tpu.memref_squeeze %dma_wait3A_539 : memref<1x1x1x128x64xf32, #tpu.memory_space<hbm>> -> memref<128x64xf32, #tpu.memory_space<hbm>>
      %dma_wait3A_541 = arith.constant 0 : i32
      %dma_wait3A_542 = tpu.memref_slice %arg5[%run_scoped3A_244, %arg0, %run_scoped3A_245, %add3A_243, %dma_wait3A_541] : memref<4x2x2x10240x64xf32, #tpu.memory_space<hbm>> -> memref<1x1x1x128x64xf32, #tpu.memory_space<hbm>>
      %dma_wait3A_543 = tpu.memref_squeeze %dma_wait3A_542 : memref<1x1x1x128x64xf32, #tpu.memory_space<hbm>> -> memref<128x64xf32, #tpu.memory_space<hbm>>
      tpu.wait_dma2 semaphore(%run_scoped3A_533 : memref<!tpu.dma_semaphore, #tpu.memory_space<semaphore_mem>>) src(%arg10 : memref<128x64xf32, #tpu.memory_space<vmem>>) dst(%dma_wait3A_543 : memref<128x64xf32, #tpu.memory_space<hbm>>)
      tpu.yield
    }) : () -> ()
    %mul3A_246 = arith.constant 640 : i32
    %mul3A_247 = arith.muli %arg1, %mul3A_246 : i32
    %add3A_248 = arith.constant 256 : i32
    %add3A_249 = arith.addi %mul3A_247, %add3A_248 : i32
    "tpu.region"() ({
      %run_scoped3A_533 = tpu.sem_alloc : memref<!tpu.dma_semaphore, #tpu.memory_space<semaphore_mem>>
      %dma_start3A = arith.constant 0 : i32
      %dma_start3A_534 = tpu.memref_slice %arg11[%add3A_249, %dma_start3A] : memref<10240x64xf32, #tpu.memory_space<vmem_shared>> -> memref<128x64xf32, #tpu.memory_space<vmem_shared>>
      %dma_start3A_535 = arith.constant 0 : i32
      %dma_start3A_536 = tpu.memref_slice %arg11[%add3A_249, %dma_start3A_535] : memref<10240x64xf32, #tpu.memory_space<vmem_shared>> -> memref<128x64xf32, #tpu.memory_space<vmem_shared>>
      tpu.enqueue_dma source(%dma_start3A_536 : memref<128x64xf32, #tpu.memory_space<vmem_shared>>) target(%arg10 : memref<128x64xf32, #tpu.memory_space<vmem>>) target_semaphore(%run_scoped3A_533 : memref<!tpu.dma_semaphore, #tpu.memory_space<semaphore_mem>>)
      %dma_wait3A = arith.constant 0 : i32
      %dma_wait3A_537 = tpu.memref_slice %arg11[%add3A_249, %dma_wait3A] : memref<10240x64xf32, #tpu.memory_space<vmem_shared>> -> memref<128x64xf32, #tpu.memory_space<vmem_shared>>
      %dma_wait3A_538 = arith.constant 0 : i32
      %dma_wait3A_539 = tpu.memref_slice %arg11[%add3A_249, %dma_wait3A_538] : memref<10240x64xf32, #tpu.memory_space<vmem_shared>> -> memref<128x64xf32, #tpu.memory_space<vmem_shared>>
      tpu.wait_dma2 semaphore(%run_scoped3A_533 : memref<!tpu.dma_semaphore, #tpu.memory_space<semaphore_mem>>) src(%dma_wait3A_539 : memref<128x64xf32, #tpu.memory_space<vmem_shared>>) dst(%arg10 : memref<128x64xf32, #tpu.memory_space<vmem>>)
      tpu.yield
    }) : () -> ()
    %run_scoped3A_250 = arith.constant 1 : i32
    %run_scoped3A_251 = arith.constant 1 : i32
    "tpu.region"() ({
      %run_scoped3A_533 = tpu.sem_alloc : memref<!tpu.dma_semaphore, #tpu.memory_space<semaphore_mem>>
      %dma_start3A = arith.constant 0 : i32
      %dma_start3A_534 = tpu.memref_slice %arg5[%run_scoped3A_250, %arg0, %run_scoped3A_251, %add3A_249, %dma_start3A] : memref<4x2x2x10240x64xf32, #tpu.memory_space<hbm>> -> memref<1x1x1x128x64xf32, #tpu.memory_space<hbm>>
      %dma_start3A_535 = tpu.memref_squeeze %dma_start3A_534 : memref<1x1x1x128x64xf32, #tpu.memory_space<hbm>> -> memref<128x64xf32, #tpu.memory_space<hbm>>
      %dma_start3A_536 = arith.constant 0 : i32
      %dma_start3A_537 = tpu.memref_slice %arg5[%run_scoped3A_250, %arg0, %run_scoped3A_251, %add3A_249, %dma_start3A_536] : memref<4x2x2x10240x64xf32, #tpu.memory_space<hbm>> -> memref<1x1x1x128x64xf32, #tpu.memory_space<hbm>>
      %dma_start3A_538 = tpu.memref_squeeze %dma_start3A_537 : memref<1x1x1x128x64xf32, #tpu.memory_space<hbm>> -> memref<128x64xf32, #tpu.memory_space<hbm>>
      tpu.enqueue_dma source(%arg10 : memref<128x64xf32, #tpu.memory_space<vmem>>) target(%dma_start3A_538 : memref<128x64xf32, #tpu.memory_space<hbm>>) target_semaphore(%run_scoped3A_533 : memref<!tpu.dma_semaphore, #tpu.memory_space<semaphore_mem>>)
      %dma_wait3A = arith.constant 0 : i32
      %dma_wait3A_539 = tpu.memref_slice %arg5[%run_scoped3A_250, %arg0, %run_scoped3A_251, %add3A_249, %dma_wait3A] : memref<4x2x2x10240x64xf32, #tpu.memory_space<hbm>> -> memref<1x1x1x128x64xf32, #tpu.memory_space<hbm>>
      %dma_wait3A_540 = tpu.memref_squeeze %dma_wait3A_539 : memref<1x1x1x128x64xf32, #tpu.memory_space<hbm>> -> memref<128x64xf32, #tpu.memory_space<hbm>>
      %dma_wait3A_541 = arith.constant 0 : i32
      %dma_wait3A_542 = tpu.memref_slice %arg5[%run_scoped3A_250, %arg0, %run_scoped3A_251, %add3A_249, %dma_wait3A_541] : memref<4x2x2x10240x64xf32, #tpu.memory_space<hbm>> -> memref<1x1x1x128x64xf32, #tpu.memory_space<hbm>>
      %dma_wait3A_543 = tpu.memref_squeeze %dma_wait3A_542 : memref<1x1x1x128x64xf32, #tpu.memory_space<hbm>> -> memref<128x64xf32, #tpu.memory_space<hbm>>
      tpu.wait_dma2 semaphore(%run_scoped3A_533 : memref<!tpu.dma_semaphore, #tpu.memory_space<semaphore_mem>>) src(%arg10 : memref<128x64xf32, #tpu.memory_space<vmem>>) dst(%dma_wait3A_543 : memref<128x64xf32, #tpu.memory_space<hbm>>)
      tpu.yield
    }) : () -> ()
    %mul3A_252 = arith.constant 640 : i32
    %mul3A_253 = arith.muli %arg1, %mul3A_252 : i32
    %add3A_254 = arith.constant 384 : i32
    %add3A_255 = arith.addi %mul3A_253, %add3A_254 : i32
    "tpu.region"() ({
      %run_scoped3A_533 = tpu.sem_alloc : memref<!tpu.dma_semaphore, #tpu.memory_space<semaphore_mem>>
      %dma_start3A = arith.constant 0 : i32
      %dma_start3A_534 = tpu.memref_slice %arg11[%add3A_255, %dma_start3A] : memref<10240x64xf32, #tpu.memory_space<vmem_shared>> -> memref<128x64xf32, #tpu.memory_space<vmem_shared>>
      %dma_start3A_535 = arith.constant 0 : i32
      %dma_start3A_536 = tpu.memref_slice %arg11[%add3A_255, %dma_start3A_535] : memref<10240x64xf32, #tpu.memory_space<vmem_shared>> -> memref<128x64xf32, #tpu.memory_space<vmem_shared>>
      tpu.enqueue_dma source(%dma_start3A_536 : memref<128x64xf32, #tpu.memory_space<vmem_shared>>) target(%arg10 : memref<128x64xf32, #tpu.memory_space<vmem>>) target_semaphore(%run_scoped3A_533 : memref<!tpu.dma_semaphore, #tpu.memory_space<semaphore_mem>>)
      %dma_wait3A = arith.constant 0 : i32
      %dma_wait3A_537 = tpu.memref_slice %arg11[%add3A_255, %dma_wait3A] : memref<10240x64xf32, #tpu.memory_space<vmem_shared>> -> memref<128x64xf32, #tpu.memory_space<vmem_shared>>
      %dma_wait3A_538 = arith.constant 0 : i32
      %dma_wait3A_539 = tpu.memref_slice %arg11[%add3A_255, %dma_wait3A_538] : memref<10240x64xf32, #tpu.memory_space<vmem_shared>> -> memref<128x64xf32, #tpu.memory_space<vmem_shared>>
      tpu.wait_dma2 semaphore(%run_scoped3A_533 : memref<!tpu.dma_semaphore, #tpu.memory_space<semaphore_mem>>) src(%dma_wait3A_539 : memref<128x64xf32, #tpu.memory_space<vmem_shared>>) dst(%arg10 : memref<128x64xf32, #tpu.memory_space<vmem>>)
      tpu.yield
    }) : () -> ()
    %run_scoped3A_256 = arith.constant 1 : i32
    %run_scoped3A_257 = arith.constant 1 : i32
    "tpu.region"() ({
      %run_scoped3A_533 = tpu.sem_alloc : memref<!tpu.dma_semaphore, #tpu.memory_space<semaphore_mem>>
      %dma_start3A = arith.constant 0 : i32
      %dma_start3A_534 = tpu.memref_slice %arg5[%run_scoped3A_256, %arg0, %run_scoped3A_257, %add3A_255, %dma_start3A] : memref<4x2x2x10240x64xf32, #tpu.memory_space<hbm>> -> memref<1x1x1x128x64xf32, #tpu.memory_space<hbm>>
      %dma_start3A_535 = tpu.memref_squeeze %dma_start3A_534 : memref<1x1x1x128x64xf32, #tpu.memory_space<hbm>> -> memref<128x64xf32, #tpu.memory_space<hbm>>
      %dma_start3A_536 = arith.constant 0 : i32
      %dma_start3A_537 = tpu.memref_slice %arg5[%run_scoped3A_256, %arg0, %run_scoped3A_257, %add3A_255, %dma_start3A_536] : memref<4x2x2x10240x64xf32, #tpu.memory_space<hbm>> -> memref<1x1x1x128x64xf32, #tpu.memory_space<hbm>>
      %dma_start3A_538 = tpu.memref_squeeze %dma_start3A_537 : memref<1x1x1x128x64xf32, #tpu.memory_space<hbm>> -> memref<128x64xf32, #tpu.memory_space<hbm>>
      tpu.enqueue_dma source(%arg10 : memref<128x64xf32, #tpu.memory_space<vmem>>) target(%dma_start3A_538 : memref<128x64xf32, #tpu.memory_space<hbm>>) target_semaphore(%run_scoped3A_533 : memref<!tpu.dma_semaphore, #tpu.memory_space<semaphore_mem>>)
      %dma_wait3A = arith.constant 0 : i32
      %dma_wait3A_539 = tpu.memref_slice %arg5[%run_scoped3A_256, %arg0, %run_scoped3A_257, %add3A_255, %dma_wait3A] : memref<4x2x2x10240x64xf32, #tpu.memory_space<hbm>> -> memref<1x1x1x128x64xf32, #tpu.memory_space<hbm>>
      %dma_wait3A_540 = tpu.memref_squeeze %dma_wait3A_539 : memref<1x1x1x128x64xf32, #tpu.memory_space<hbm>> -> memref<128x64xf32, #tpu.memory_space<hbm>>
      %dma_wait3A_541 = arith.constant 0 : i32
      %dma_wait3A_542 = tpu.memref_slice %arg5[%run_scoped3A_256, %arg0, %run_scoped3A_257, %add3A_255, %dma_wait3A_541] : memref<4x2x2x10240x64xf32, #tpu.memory_space<hbm>> -> memref<1x1x1x128x64xf32, #tpu.memory_space<hbm>>
      %dma_wait3A_543 = tpu.memref_squeeze %dma_wait3A_542 : memref<1x1x1x128x64xf32, #tpu.memory_space<hbm>> -> memref<128x64xf32, #tpu.memory_space<hbm>>
      tpu.wait_dma2 semaphore(%run_scoped3A_533 : memref<!tpu.dma_semaphore, #tpu.memory_space<semaphore_mem>>) src(%arg10 : memref<128x64xf32, #tpu.memory_space<vmem>>) dst(%dma_wait3A_543 : memref<128x64xf32, #tpu.memory_space<hbm>>)
      tpu.yield
    }) : () -> ()
    %mul3A_258 = arith.constant 640 : i32
    %mul3A_259 = arith.muli %arg1, %mul3A_258 : i32
    %add3A_260 = arith.constant 512 : i32
    %add3A_261 = arith.addi %mul3A_259, %add3A_260 : i32
    "tpu.region"() ({
      %run_scoped3A_533 = tpu.sem_alloc : memref<!tpu.dma_semaphore, #tpu.memory_space<semaphore_mem>>
      %dma_start3A = arith.constant 0 : i32
      %dma_start3A_534 = tpu.memref_slice %arg11[%add3A_261, %dma_start3A] : memref<10240x64xf32, #tpu.memory_space<vmem_shared>> -> memref<128x64xf32, #tpu.memory_space<vmem_shared>>
      %dma_start3A_535 = arith.constant 0 : i32
      %dma_start3A_536 = tpu.memref_slice %arg11[%add3A_261, %dma_start3A_535] : memref<10240x64xf32, #tpu.memory_space<vmem_shared>> -> memref<128x64xf32, #tpu.memory_space<vmem_shared>>
      tpu.enqueue_dma source(%dma_start3A_536 : memref<128x64xf32, #tpu.memory_space<vmem_shared>>) target(%arg10 : memref<128x64xf32, #tpu.memory_space<vmem>>) target_semaphore(%run_scoped3A_533 : memref<!tpu.dma_semaphore, #tpu.memory_space<semaphore_mem>>)
      %dma_wait3A = arith.constant 0 : i32
      %dma_wait3A_537 = tpu.memref_slice %arg11[%add3A_261, %dma_wait3A] : memref<10240x64xf32, #tpu.memory_space<vmem_shared>> -> memref<128x64xf32, #tpu.memory_space<vmem_shared>>
      %dma_wait3A_538 = arith.constant 0 : i32
      %dma_wait3A_539 = tpu.memref_slice %arg11[%add3A_261, %dma_wait3A_538] : memref<10240x64xf32, #tpu.memory_space<vmem_shared>> -> memref<128x64xf32, #tpu.memory_space<vmem_shared>>
      tpu.wait_dma2 semaphore(%run_scoped3A_533 : memref<!tpu.dma_semaphore, #tpu.memory_space<semaphore_mem>>) src(%dma_wait3A_539 : memref<128x64xf32, #tpu.memory_space<vmem_shared>>) dst(%arg10 : memref<128x64xf32, #tpu.memory_space<vmem>>)
      tpu.yield
    }) : () -> ()
    %run_scoped3A_262 = arith.constant 1 : i32
    %run_scoped3A_263 = arith.constant 1 : i32
    "tpu.region"() ({
      %run_scoped3A_533 = tpu.sem_alloc : memref<!tpu.dma_semaphore, #tpu.memory_space<semaphore_mem>>
      %dma_start3A = arith.constant 0 : i32
      %dma_start3A_534 = tpu.memref_slice %arg5[%run_scoped3A_262, %arg0, %run_scoped3A_263, %add3A_261, %dma_start3A] : memref<4x2x2x10240x64xf32, #tpu.memory_space<hbm>> -> memref<1x1x1x128x64xf32, #tpu.memory_space<hbm>>
      %dma_start3A_535 = tpu.memref_squeeze %dma_start3A_534 : memref<1x1x1x128x64xf32, #tpu.memory_space<hbm>> -> memref<128x64xf32, #tpu.memory_space<hbm>>
      %dma_start3A_536 = arith.constant 0 : i32
      %dma_start3A_537 = tpu.memref_slice %arg5[%run_scoped3A_262, %arg0, %run_scoped3A_263, %add3A_261, %dma_start3A_536] : memref<4x2x2x10240x64xf32, #tpu.memory_space<hbm>> -> memref<1x1x1x128x64xf32, #tpu.memory_space<hbm>>
      %dma_start3A_538 = tpu.memref_squeeze %dma_start3A_537 : memref<1x1x1x128x64xf32, #tpu.memory_space<hbm>> -> memref<128x64xf32, #tpu.memory_space<hbm>>
      tpu.enqueue_dma source(%arg10 : memref<128x64xf32, #tpu.memory_space<vmem>>) target(%dma_start3A_538 : memref<128x64xf32, #tpu.memory_space<hbm>>) target_semaphore(%run_scoped3A_533 : memref<!tpu.dma_semaphore, #tpu.memory_space<semaphore_mem>>)
      %dma_wait3A = arith.constant 0 : i32
      %dma_wait3A_539 = tpu.memref_slice %arg5[%run_scoped3A_262, %arg0, %run_scoped3A_263, %add3A_261, %dma_wait3A] : memref<4x2x2x10240x64xf32, #tpu.memory_space<hbm>> -> memref<1x1x1x128x64xf32, #tpu.memory_space<hbm>>
      %dma_wait3A_540 = tpu.memref_squeeze %dma_wait3A_539 : memref<1x1x1x128x64xf32, #tpu.memory_space<hbm>> -> memref<128x64xf32, #tpu.memory_space<hbm>>
      %dma_wait3A_541 = arith.constant 0 : i32
      %dma_wait3A_542 = tpu.memref_slice %arg5[%run_scoped3A_262, %arg0, %run_scoped3A_263, %add3A_261, %dma_wait3A_541] : memref<4x2x2x10240x64xf32, #tpu.memory_space<hbm>> -> memref<1x1x1x128x64xf32, #tpu.memory_space<hbm>>
      %dma_wait3A_543 = tpu.memref_squeeze %dma_wait3A_542 : memref<1x1x1x128x64xf32, #tpu.memory_space<hbm>> -> memref<128x64xf32, #tpu.memory_space<hbm>>
      tpu.wait_dma2 semaphore(%run_scoped3A_533 : memref<!tpu.dma_semaphore, #tpu.memory_space<semaphore_mem>>) src(%arg10 : memref<128x64xf32, #tpu.memory_space<vmem>>) dst(%dma_wait3A_543 : memref<128x64xf32, #tpu.memory_space<hbm>>)
      tpu.yield
    }) : () -> ()
    %barrier3A_264 = arith.constant 0 : index
    tpu.barrier barrier_id(%barrier3A_264)
    %mul3A_265 = arith.constant 2 : i32
    %mul3A_266 = arith.muli %arg0, %mul3A_265 : i32
    %add3A_267 = arith.constant 0 : i32
    %add3A_268 = arith.addi %mul3A_266, %add3A_267 : i32
    %mul3A_269 = arith.constant 10000 : i32
    %mul3A_270 = arith.muli %add3A_268, %mul3A_269 : i32
    %add3A_271 = arith.constant 10000 : i32
    %add3A_272 = arith.addi %mul3A_270, %add3A_271 : i32
    %mul3A_273 = arith.constant 640 : i32
    %mul3A_274 = arith.muli %arg1, %mul3A_273 : i32
    %add3A_275 = arith.constant 0 : i32
    %add3A_276 = arith.addi %mul3A_274, %add3A_275 : i32
    "tpu.region"() ({
      %run_scoped3A_533 = tpu.sem_alloc : memref<!tpu.dma_semaphore, #tpu.memory_space<semaphore_mem>>
      %dma_start3A = arith.constant 0 : i32
      %dma_start3A_534 = tpu.memref_slice %arg11[%add3A_276, %dma_start3A] : memref<10240x64xf32, #tpu.memory_space<vmem_shared>> -> memref<128x64xf32, #tpu.memory_space<vmem_shared>>
      %dma_start3A_535 = arith.constant 0 : i32
      %dma_start3A_536 = tpu.memref_slice %arg11[%add3A_276, %dma_start3A_535] : memref<10240x64xf32, #tpu.memory_space<vmem_shared>> -> memref<128x64xf32, #tpu.memory_space<vmem_shared>>
      tpu.enqueue_dma source(%arg9 : memref<128x64xf32, #tpu.memory_space<vmem>>) target(%dma_start3A_536 : memref<128x64xf32, #tpu.memory_space<vmem_shared>>) target_semaphore(%run_scoped3A_533 : memref<!tpu.dma_semaphore, #tpu.memory_space<semaphore_mem>>)
      %dma_wait3A = arith.constant 0 : i32
      %dma_wait3A_537 = tpu.memref_slice %arg11[%add3A_276, %dma_wait3A] : memref<10240x64xf32, #tpu.memory_space<vmem_shared>> -> memref<128x64xf32, #tpu.memory_space<vmem_shared>>
      %dma_wait3A_538 = arith.constant 0 : i32
      %dma_wait3A_539 = tpu.memref_slice %arg11[%add3A_276, %dma_wait3A_538] : memref<10240x64xf32, #tpu.memory_space<vmem_shared>> -> memref<128x64xf32, #tpu.memory_space<vmem_shared>>
      tpu.wait_dma2 semaphore(%run_scoped3A_533 : memref<!tpu.dma_semaphore, #tpu.memory_space<semaphore_mem>>) src(%arg9 : memref<128x64xf32, #tpu.memory_space<vmem>>) dst(%dma_wait3A_539 : memref<128x64xf32, #tpu.memory_space<vmem_shared>>)
      tpu.yield
    }) : () -> ()
    %mul3A_277 = arith.constant 640 : i32
    %mul3A_278 = arith.muli %arg1, %mul3A_277 : i32
    %add3A_279 = arith.constant 128 : i32
    %add3A_280 = arith.addi %mul3A_278, %add3A_279 : i32
    "tpu.region"() ({
      %run_scoped3A_533 = tpu.sem_alloc : memref<!tpu.dma_semaphore, #tpu.memory_space<semaphore_mem>>
      %dma_start3A = arith.constant 0 : i32
      %dma_start3A_534 = tpu.memref_slice %arg11[%add3A_280, %dma_start3A] : memref<10240x64xf32, #tpu.memory_space<vmem_shared>> -> memref<128x64xf32, #tpu.memory_space<vmem_shared>>
      %dma_start3A_535 = arith.constant 0 : i32
      %dma_start3A_536 = tpu.memref_slice %arg11[%add3A_280, %dma_start3A_535] : memref<10240x64xf32, #tpu.memory_space<vmem_shared>> -> memref<128x64xf32, #tpu.memory_space<vmem_shared>>
      tpu.enqueue_dma source(%arg9 : memref<128x64xf32, #tpu.memory_space<vmem>>) target(%dma_start3A_536 : memref<128x64xf32, #tpu.memory_space<vmem_shared>>) target_semaphore(%run_scoped3A_533 : memref<!tpu.dma_semaphore, #tpu.memory_space<semaphore_mem>>)
      %dma_wait3A = arith.constant 0 : i32
      %dma_wait3A_537 = tpu.memref_slice %arg11[%add3A_280, %dma_wait3A] : memref<10240x64xf32, #tpu.memory_space<vmem_shared>> -> memref<128x64xf32, #tpu.memory_space<vmem_shared>>
      %dma_wait3A_538 = arith.constant 0 : i32
      %dma_wait3A_539 = tpu.memref_slice %arg11[%add3A_280, %dma_wait3A_538] : memref<10240x64xf32, #tpu.memory_space<vmem_shared>> -> memref<128x64xf32, #tpu.memory_space<vmem_shared>>
      tpu.wait_dma2 semaphore(%run_scoped3A_533 : memref<!tpu.dma_semaphore, #tpu.memory_space<semaphore_mem>>) src(%arg9 : memref<128x64xf32, #tpu.memory_space<vmem>>) dst(%dma_wait3A_539 : memref<128x64xf32, #tpu.memory_space<vmem_shared>>)
      tpu.yield
    }) : () -> ()
    %mul3A_281 = arith.constant 640 : i32
    %mul3A_282 = arith.muli %arg1, %mul3A_281 : i32
    %add3A_283 = arith.constant 256 : i32
    %add3A_284 = arith.addi %mul3A_282, %add3A_283 : i32
    "tpu.region"() ({
      %run_scoped3A_533 = tpu.sem_alloc : memref<!tpu.dma_semaphore, #tpu.memory_space<semaphore_mem>>
      %dma_start3A = arith.constant 0 : i32
      %dma_start3A_534 = tpu.memref_slice %arg11[%add3A_284, %dma_start3A] : memref<10240x64xf32, #tpu.memory_space<vmem_shared>> -> memref<128x64xf32, #tpu.memory_space<vmem_shared>>
      %dma_start3A_535 = arith.constant 0 : i32
      %dma_start3A_536 = tpu.memref_slice %arg11[%add3A_284, %dma_start3A_535] : memref<10240x64xf32, #tpu.memory_space<vmem_shared>> -> memref<128x64xf32, #tpu.memory_space<vmem_shared>>
      tpu.enqueue_dma source(%arg9 : memref<128x64xf32, #tpu.memory_space<vmem>>) target(%dma_start3A_536 : memref<128x64xf32, #tpu.memory_space<vmem_shared>>) target_semaphore(%run_scoped3A_533 : memref<!tpu.dma_semaphore, #tpu.memory_space<semaphore_mem>>)
      %dma_wait3A = arith.constant 0 : i32
      %dma_wait3A_537 = tpu.memref_slice %arg11[%add3A_284, %dma_wait3A] : memref<10240x64xf32, #tpu.memory_space<vmem_shared>> -> memref<128x64xf32, #tpu.memory_space<vmem_shared>>
      %dma_wait3A_538 = arith.constant 0 : i32
      %dma_wait3A_539 = tpu.memref_slice %arg11[%add3A_284, %dma_wait3A_538] : memref<10240x64xf32, #tpu.memory_space<vmem_shared>> -> memref<128x64xf32, #tpu.memory_space<vmem_shared>>
      tpu.wait_dma2 semaphore(%run_scoped3A_533 : memref<!tpu.dma_semaphore, #tpu.memory_space<semaphore_mem>>) src(%arg9 : memref<128x64xf32, #tpu.memory_space<vmem>>) dst(%dma_wait3A_539 : memref<128x64xf32, #tpu.memory_space<vmem_shared>>)
      tpu.yield
    }) : () -> ()
    %mul3A_285 = arith.constant 640 : i32
    %mul3A_286 = arith.muli %arg1, %mul3A_285 : i32
    %add3A_287 = arith.constant 384 : i32
    %add3A_288 = arith.addi %mul3A_286, %add3A_287 : i32
    "tpu.region"() ({
      %run_scoped3A_533 = tpu.sem_alloc : memref<!tpu.dma_semaphore, #tpu.memory_space<semaphore_mem>>
      %dma_start3A = arith.constant 0 : i32
      %dma_start3A_534 = tpu.memref_slice %arg11[%add3A_288, %dma_start3A] : memref<10240x64xf32, #tpu.memory_space<vmem_shared>> -> memref<128x64xf32, #tpu.memory_space<vmem_shared>>
      %dma_start3A_535 = arith.constant 0 : i32
      %dma_start3A_536 = tpu.memref_slice %arg11[%add3A_288, %dma_start3A_535] : memref<10240x64xf32, #tpu.memory_space<vmem_shared>> -> memref<128x64xf32, #tpu.memory_space<vmem_shared>>
      tpu.enqueue_dma source(%arg9 : memref<128x64xf32, #tpu.memory_space<vmem>>) target(%dma_start3A_536 : memref<128x64xf32, #tpu.memory_space<vmem_shared>>) target_semaphore(%run_scoped3A_533 : memref<!tpu.dma_semaphore, #tpu.memory_space<semaphore_mem>>)
      %dma_wait3A = arith.constant 0 : i32
      %dma_wait3A_537 = tpu.memref_slice %arg11[%add3A_288, %dma_wait3A] : memref<10240x64xf32, #tpu.memory_space<vmem_shared>> -> memref<128x64xf32, #tpu.memory_space<vmem_shared>>
      %dma_wait3A_538 = arith.constant 0 : i32
      %dma_wait3A_539 = tpu.memref_slice %arg11[%add3A_288, %dma_wait3A_538] : memref<10240x64xf32, #tpu.memory_space<vmem_shared>> -> memref<128x64xf32, #tpu.memory_space<vmem_shared>>
      tpu.wait_dma2 semaphore(%run_scoped3A_533 : memref<!tpu.dma_semaphore, #tpu.memory_space<semaphore_mem>>) src(%arg9 : memref<128x64xf32, #tpu.memory_space<vmem>>) dst(%dma_wait3A_539 : memref<128x64xf32, #tpu.memory_space<vmem_shared>>)
      tpu.yield
    }) : () -> ()
    %mul3A_289 = arith.constant 640 : i32
    %mul3A_290 = arith.muli %arg1, %mul3A_289 : i32
    %add3A_291 = arith.constant 512 : i32
    %add3A_292 = arith.addi %mul3A_290, %add3A_291 : i32
    "tpu.region"() ({
      %run_scoped3A_533 = tpu.sem_alloc : memref<!tpu.dma_semaphore, #tpu.memory_space<semaphore_mem>>
      %dma_start3A = arith.constant 0 : i32
      %dma_start3A_534 = tpu.memref_slice %arg11[%add3A_292, %dma_start3A] : memref<10240x64xf32, #tpu.memory_space<vmem_shared>> -> memref<128x64xf32, #tpu.memory_space<vmem_shared>>
      %dma_start3A_535 = arith.constant 0 : i32
      %dma_start3A_536 = tpu.memref_slice %arg11[%add3A_292, %dma_start3A_535] : memref<10240x64xf32, #tpu.memory_space<vmem_shared>> -> memref<128x64xf32, #tpu.memory_space<vmem_shared>>
      tpu.enqueue_dma source(%arg9 : memref<128x64xf32, #tpu.memory_space<vmem>>) target(%dma_start3A_536 : memref<128x64xf32, #tpu.memory_space<vmem_shared>>) target_semaphore(%run_scoped3A_533 : memref<!tpu.dma_semaphore, #tpu.memory_space<semaphore_mem>>)
      %dma_wait3A = arith.constant 0 : i32
      %dma_wait3A_537 = tpu.memref_slice %arg11[%add3A_292, %dma_wait3A] : memref<10240x64xf32, #tpu.memory_space<vmem_shared>> -> memref<128x64xf32, #tpu.memory_space<vmem_shared>>
      %dma_wait3A_538 = arith.constant 0 : i32
      %dma_wait3A_539 = tpu.memref_slice %arg11[%add3A_292, %dma_wait3A_538] : memref<10240x64xf32, #tpu.memory_space<vmem_shared>> -> memref<128x64xf32, #tpu.memory_space<vmem_shared>>
      tpu.wait_dma2 semaphore(%run_scoped3A_533 : memref<!tpu.dma_semaphore, #tpu.memory_space<semaphore_mem>>) src(%arg9 : memref<128x64xf32, #tpu.memory_space<vmem>>) dst(%dma_wait3A_539 : memref<128x64xf32, #tpu.memory_space<vmem_shared>>)
      tpu.yield
    }) : () -> ()
    %barrier3A_293 = arith.constant 0 : index
    tpu.barrier barrier_id(%barrier3A_293)
    %scan3A_294 = arith.constant 0 : i32
    %scan3A_295 = arith.constant 0 : i32
    %scan3A_296 = arith.constant 123 : i32
    %scan3A_297 = arith.addi %scan3A_295, %scan3A_296 : i32
    %scan3A_298 = arith.constant 1 : i32
    scf.for %scan3A_533 = %scan3A_295 to %scan3A_297 step %scan3A_298  : i32 {
      %add3A_534 = arith.constant 32 : i32
      %add3A_535 = arith.addi %add3A_534, %arg1 : i32
      %run_scoped3A_536 = arith.constant 0 : i32
      "tpu.region"() ({
        %run_scoped3A_644 = tpu.sem_alloc : memref<!tpu.dma_semaphore, #tpu.memory_space<semaphore_mem>>
        %dma_start3A = arith.constant 0 : i32
        %dma_start3A_645 = tpu.memref_slice %arg6[%dma_start3A] : memref<96xi32, #tpu.memory_space<vmem>> -> memref<88xi32, #tpu.memory_space<vmem>>
        %dma_start3A_646 = arith.constant 0 : i32
        %dma_start3A_647 = tpu.memref_slice %arg3[%add3A_535, %scan3A_533, %run_scoped3A_536, %dma_start3A_646] : memref<64x123x1x88xi32, #tpu.memory_space<hbm>> -> memref<1x1x1x88xi32, #tpu.memory_space<hbm>>
        %dma_start3A_648 = tpu.memref_squeeze %dma_start3A_647 : memref<1x1x1x88xi32, #tpu.memory_space<hbm>> -> memref<88xi32, #tpu.memory_space<hbm>>
        %dma_start3A_649 = arith.constant 0 : i32
        %dma_start3A_650 = tpu.memref_slice %arg6[%dma_start3A_649] : memref<96xi32, #tpu.memory_space<vmem>> -> memref<88xi32, #tpu.memory_space<vmem>>
        %dma_start3A_651 = arith.constant 0 : i32
        %dma_start3A_652 = tpu.memref_slice %arg3[%add3A_535, %scan3A_533, %run_scoped3A_536, %dma_start3A_651] : memref<64x123x1x88xi32, #tpu.memory_space<hbm>> -> memref<1x1x1x88xi32, #tpu.memory_space<hbm>>
        %dma_start3A_653 = tpu.memref_squeeze %dma_start3A_652 : memref<1x1x1x88xi32, #tpu.memory_space<hbm>> -> memref<88xi32, #tpu.memory_space<hbm>>
        tpu.enqueue_dma source(%dma_start3A_653 : memref<88xi32, #tpu.memory_space<hbm>>) target(%dma_start3A_650 : memref<88xi32, #tpu.memory_space<vmem>>) target_semaphore(%run_scoped3A_644 : memref<!tpu.dma_semaphore, #tpu.memory_space<semaphore_mem>>)
        %dma_wait3A = arith.constant 0 : i32
        %dma_wait3A_654 = tpu.memref_slice %arg6[%dma_wait3A] : memref<96xi32, #tpu.memory_space<vmem>> -> memref<88xi32, #tpu.memory_space<vmem>>
        %dma_wait3A_655 = arith.constant 0 : i32
        %dma_wait3A_656 = tpu.memref_slice %arg3[%add3A_535, %scan3A_533, %run_scoped3A_536, %dma_wait3A_655] : memref<64x123x1x88xi32, #tpu.memory_space<hbm>> -> memref<1x1x1x88xi32, #tpu.memory_space<hbm>>
        %dma_wait3A_657 = tpu.memref_squeeze %dma_wait3A_656 : memref<1x1x1x88xi32, #tpu.memory_space<hbm>> -> memref<88xi32, #tpu.memory_space<hbm>>
        %dma_wait3A_658 = arith.constant 0 : i32
        %dma_wait3A_659 = tpu.memref_slice %arg6[%dma_wait3A_658] : memref<96xi32, #tpu.memory_space<vmem>> -> memref<88xi32, #tpu.memory_space<vmem>>
        %dma_wait3A_660 = arith.constant 0 : i32
        %dma_wait3A_661 = tpu.memref_slice %arg3[%add3A_535, %scan3A_533, %run_scoped3A_536, %dma_wait3A_660] : memref<64x123x1x88xi32, #tpu.memory_space<hbm>> -> memref<1x1x1x88xi32, #tpu.memory_space<hbm>>
        %dma_wait3A_662 = tpu.memref_squeeze %dma_wait3A_661 : memref<1x1x1x88xi32, #tpu.memory_space<hbm>> -> memref<88xi32, #tpu.memory_space<hbm>>
        tpu.wait_dma2 semaphore(%run_scoped3A_644 : memref<!tpu.dma_semaphore, #tpu.memory_space<semaphore_mem>>) src(%dma_wait3A_662 : memref<88xi32, #tpu.memory_space<hbm>>) dst(%dma_wait3A_659 : memref<88xi32, #tpu.memory_space<vmem>>)
        tpu.yield
      }) : () -> ()
      %add3A_537 = arith.constant 32 : i32
      %add3A_538 = arith.addi %add3A_537, %arg1 : i32
      "tpu.region"() ({
        %run_scoped3A_644 = tpu.sem_alloc : memref<!tpu.dma_semaphore, #tpu.memory_space<semaphore_mem>>
        %dma_start3A = arith.constant 0 : i32
        %dma_start3A_645 = arith.constant 0 : i32
        %dma_start3A_646 = tpu.memref_slice %arg8[%dma_start3A, %dma_start3A_645] : memref<96x64xf32, #tpu.memory_space<vmem>> -> memref<88x64xf32, #tpu.memory_space<vmem>>
        %dma_start3A_647 = arith.constant 0 : i32
        %dma_start3A_648 = arith.constant 0 : i32
        %dma_start3A_649 = tpu.memref_slice %arg2[%add3A_538, %scan3A_533, %dma_start3A_647, %dma_start3A_648] : memref<64x123x88x64xf32, #tpu.memory_space<hbm>> -> memref<1x1x88x64xf32, #tpu.memory_space<hbm>>
        %dma_start3A_650 = tpu.memref_squeeze %dma_start3A_649 : memref<1x1x88x64xf32, #tpu.memory_space<hbm>> -> memref<88x64xf32, #tpu.memory_space<hbm>>
        %dma_start3A_651 = arith.constant 0 : i32
        %dma_start3A_652 = arith.constant 0 : i32
        %dma_start3A_653 = tpu.memref_slice %arg8[%dma_start3A_651, %dma_start3A_652] : memref<96x64xf32, #tpu.memory_space<vmem>> -> memref<88x64xf32, #tpu.memory_space<vmem>>
        %dma_start3A_654 = arith.constant 0 : i32
        %dma_start3A_655 = arith.constant 0 : i32
        %dma_start3A_656 = tpu.memref_slice %arg2[%add3A_538, %scan3A_533, %dma_start3A_654, %dma_start3A_655] : memref<64x123x88x64xf32, #tpu.memory_space<hbm>> -> memref<1x1x88x64xf32, #tpu.memory_space<hbm>>
        %dma_start3A_657 = tpu.memref_squeeze %dma_start3A_656 : memref<1x1x88x64xf32, #tpu.memory_space<hbm>> -> memref<88x64xf32, #tpu.memory_space<hbm>>
        tpu.enqueue_dma source(%dma_start3A_657 : memref<88x64xf32, #tpu.memory_space<hbm>>) target(%dma_start3A_653 : memref<88x64xf32, #tpu.memory_space<vmem>>) target_semaphore(%run_scoped3A_644 : memref<!tpu.dma_semaphore, #tpu.memory_space<semaphore_mem>>)
        %dma_wait3A = arith.constant 0 : i32
        %dma_wait3A_658 = arith.constant 0 : i32
        %dma_wait3A_659 = tpu.memref_slice %arg8[%dma_wait3A, %dma_wait3A_658] : memref<96x64xf32, #tpu.memory_space<vmem>> -> memref<88x64xf32, #tpu.memory_space<vmem>>
        %dma_wait3A_660 = arith.constant 0 : i32
        %dma_wait3A_661 = arith.constant 0 : i32
        %dma_wait3A_662 = tpu.memref_slice %arg2[%add3A_538, %scan3A_533, %dma_wait3A_660, %dma_wait3A_661] : memref<64x123x88x64xf32, #tpu.memory_space<hbm>> -> memref<1x1x88x64xf32, #tpu.memory_space<hbm>>
        %dma_wait3A_663 = tpu.memref_squeeze %dma_wait3A_662 : memref<1x1x88x64xf32, #tpu.memory_space<hbm>> -> memref<88x64xf32, #tpu.memory_space<hbm>>
        %dma_wait3A_664 = arith.constant 0 : i32
        %dma_wait3A_665 = arith.constant 0 : i32
        %dma_wait3A_666 = tpu.memref_slice %arg8[%dma_wait3A_664, %dma_wait3A_665] : memref<96x64xf32, #tpu.memory_space<vmem>> -> memref<88x64xf32, #tpu.memory_space<vmem>>
        %dma_wait3A_667 = arith.constant 0 : i32
        %dma_wait3A_668 = arith.constant 0 : i32
        %dma_wait3A_669 = tpu.memref_slice %arg2[%add3A_538, %scan3A_533, %dma_wait3A_667, %dma_wait3A_668] : memref<64x123x88x64xf32, #tpu.memory_space<hbm>> -> memref<1x1x88x64xf32, #tpu.memory_space<hbm>>
        %dma_wait3A_670 = tpu.memref_squeeze %dma_wait3A_669 : memref<1x1x88x64xf32, #tpu.memory_space<hbm>> -> memref<88x64xf32, #tpu.memory_space<hbm>>
        tpu.wait_dma2 semaphore(%run_scoped3A_644 : memref<!tpu.dma_semaphore, #tpu.memory_space<semaphore_mem>>) src(%dma_wait3A_670 : memref<88x64xf32, #tpu.memory_space<hbm>>) dst(%dma_wait3A_666 : memref<88x64xf32, #tpu.memory_space<vmem>>)
        tpu.yield
      }) : () -> ()
      %get3A = arith.constant 0 : index
      %get3A_539 = tpu.vector_load %arg6[%get3A] {strides = array<i32>} : memref<96xi32, #tpu.memory_space<vmem>>, vector<16xi32>,
      %get3A_540 = vector.shape_cast %get3A_539 : vector<16xi32> to vector<16xi32>
      %ge3A = vector.broadcast %mul3A_270 : i32 to vector<16xi32>
      %ge3A_541 = arith.cmpi sge, %get3A_540, %ge3A : vector<16xi32>
      %lt3A = vector.broadcast %add3A_272 : i32 to vector<16xi32>
      %lt3A_542 = arith.cmpi slt, %get3A_540, %lt3A : vector<16xi32>
      %and3A = arith.andi %ge3A_541, %lt3A_542 : vector<16xi1>
      %sub3A = vector.broadcast %mul3A_270 : i32 to vector<16xi32>
      %sub3A_543 = arith.subi %get3A_540, %sub3A : vector<16xi32>
      %broadcast_in_dim3A = vector.broadcast %add3A_0 : i32 to vector<16xi32>
      %select_n3A = arith.select %and3A, %sub3A_543, %broadcast_in_dim3A : vector<16xi1>, vector<16xi32>
      %swap3A = arith.constant 0 : i32
      %swap3A_544 = arith.index_cast %swap3A : i32 to index
      %swap3A_545 = arith.constant 0 : index
      %swap3A_546 = tpu.vector_load %arg7[%swap3A_544, %swap3A_545] {strides = array<i32>} : memref<1x96xi32, #tpu.memory_space<vmem>>, vector<1x16xi32>,
      %swap3A_547 = vector.shape_cast %swap3A_546 : vector<1x16xi32> to vector<16xi32>
      %swap3A_548 = vector.shape_cast %select_n3A : vector<16xi32> to vector<1x16xi32>
      tpu.vector_store %arg7[%swap3A_544, %swap3A_545], %swap3A_548 {strides = array<i32>} : memref<1x96xi32, #tpu.memory_space<vmem>>, vector<1x16xi32>,
      %get3A_549 = arith.constant 16 : index
      %get3A_550 = tpu.vector_load %arg6[%get3A_549] {strides = array<i32>} : memref<96xi32, #tpu.memory_space<vmem>>, vector<16xi32>,
      %get3A_551 = vector.shape_cast %get3A_550 : vector<16xi32> to vector<16xi32>
      %ge3A_552 = vector.broadcast %mul3A_270 : i32 to vector<16xi32>
      %ge3A_553 = arith.cmpi sge, %get3A_551, %ge3A_552 : vector<16xi32>
      %lt3A_554 = vector.broadcast %add3A_272 : i32 to vector<16xi32>
      %lt3A_555 = arith.cmpi slt, %get3A_551, %lt3A_554 : vector<16xi32>
      %and3A_556 = arith.andi %ge3A_553, %lt3A_555 : vector<16xi1>
      %sub3A_557 = vector.broadcast %mul3A_270 : i32 to vector<16xi32>
      %sub3A_558 = arith.subi %get3A_551, %sub3A_557 : vector<16xi32>
      %broadcast_in_dim3A_559 = vector.broadcast %add3A_0 : i32 to vector<16xi32>
      %select_n3A_560 = arith.select %and3A_556, %sub3A_558, %broadcast_in_dim3A_559 : vector<16xi1>, vector<16xi32>
      %swap3A_561 = arith.constant 0 : i32
      %swap3A_562 = arith.index_cast %swap3A_561 : i32 to index
      %swap3A_563 = arith.constant 16 : index
      %swap3A_564 = tpu.vector_load %arg7[%swap3A_562, %swap3A_563] {strides = array<i32>} : memref<1x96xi32, #tpu.memory_space<vmem>>, vector<1x16xi32>,
      %swap3A_565 = vector.shape_cast %swap3A_564 : vector<1x16xi32> to vector<16xi32>
      %swap3A_566 = vector.shape_cast %select_n3A_560 : vector<16xi32> to vector<1x16xi32>
      tpu.vector_store %arg7[%swap3A_562, %swap3A_563], %swap3A_566 {strides = array<i32>} : memref<1x96xi32, #tpu.memory_space<vmem>>, vector<1x16xi32>,
      %get3A_567 = arith.constant 32 : index
      %get3A_568 = tpu.vector_load %arg6[%get3A_567] {strides = array<i32>} : memref<96xi32, #tpu.memory_space<vmem>>, vector<16xi32>,
      %get3A_569 = vector.shape_cast %get3A_568 : vector<16xi32> to vector<16xi32>
      %ge3A_570 = vector.broadcast %mul3A_270 : i32 to vector<16xi32>
      %ge3A_571 = arith.cmpi sge, %get3A_569, %ge3A_570 : vector<16xi32>
      %lt3A_572 = vector.broadcast %add3A_272 : i32 to vector<16xi32>
      %lt3A_573 = arith.cmpi slt, %get3A_569, %lt3A_572 : vector<16xi32>
      %and3A_574 = arith.andi %ge3A_571, %lt3A_573 : vector<16xi1>
      %sub3A_575 = vector.broadcast %mul3A_270 : i32 to vector<16xi32>
      %sub3A_576 = arith.subi %get3A_569, %sub3A_575 : vector<16xi32>
      %broadcast_in_dim3A_577 = vector.broadcast %add3A_0 : i32 to vector<16xi32>
      %select_n3A_578 = arith.select %and3A_574, %sub3A_576, %broadcast_in_dim3A_577 : vector<16xi1>, vector<16xi32>
      %swap3A_579 = arith.constant 0 : i32
      %swap3A_580 = arith.index_cast %swap3A_579 : i32 to index
      %swap3A_581 = arith.constant 32 : index
      %swap3A_582 = tpu.vector_load %arg7[%swap3A_580, %swap3A_581] {strides = array<i32>} : memref<1x96xi32, #tpu.memory_space<vmem>>, vector<1x16xi32>,
      %swap3A_583 = vector.shape_cast %swap3A_582 : vector<1x16xi32> to vector<16xi32>
      %swap3A_584 = vector.shape_cast %select_n3A_578 : vector<16xi32> to vector<1x16xi32>
      tpu.vector_store %arg7[%swap3A_580, %swap3A_581], %swap3A_584 {strides = array<i32>} : memref<1x96xi32, #tpu.memory_space<vmem>>, vector<1x16xi32>,
      %get3A_585 = arith.constant 48 : index
      %get3A_586 = tpu.vector_load %arg6[%get3A_585] {strides = array<i32>} : memref<96xi32, #tpu.memory_space<vmem>>, vector<16xi32>,
      %get3A_587 = vector.shape_cast %get3A_586 : vector<16xi32> to vector<16xi32>
      %ge3A_588 = vector.broadcast %mul3A_270 : i32 to vector<16xi32>
      %ge3A_589 = arith.cmpi sge, %get3A_587, %ge3A_588 : vector<16xi32>
      %lt3A_590 = vector.broadcast %add3A_272 : i32 to vector<16xi32>
      %lt3A_591 = arith.cmpi slt, %get3A_587, %lt3A_590 : vector<16xi32>
      %and3A_592 = arith.andi %ge3A_589, %lt3A_591 : vector<16xi1>
      %sub3A_593 = vector.broadcast %mul3A_270 : i32 to vector<16xi32>
      %sub3A_594 = arith.subi %get3A_587, %sub3A_593 : vector<16xi32>
      %broadcast_in_dim3A_595 = vector.broadcast %add3A_0 : i32 to vector<16xi32>
      %select_n3A_596 = arith.select %and3A_592, %sub3A_594, %broadcast_in_dim3A_595 : vector<16xi1>, vector<16xi32>
      %swap3A_597 = arith.constant 0 : i32
      %swap3A_598 = arith.index_cast %swap3A_597 : i32 to index
      %swap3A_599 = arith.constant 48 : index
      %swap3A_600 = tpu.vector_load %arg7[%swap3A_598, %swap3A_599] {strides = array<i32>} : memref<1x96xi32, #tpu.memory_space<vmem>>, vector<1x16xi32>,
      %swap3A_601 = vector.shape_cast %swap3A_600 : vector<1x16xi32> to vector<16xi32>
      %swap3A_602 = vector.shape_cast %select_n3A_596 : vector<16xi32> to vector<1x16xi32>
      tpu.vector_store %arg7[%swap3A_598, %swap3A_599], %swap3A_602 {strides = array<i32>} : memref<1x96xi32, #tpu.memory_space<vmem>>, vector<1x16xi32>,
      %get3A_603 = arith.constant 64 : index
      %get3A_604 = tpu.vector_load %arg6[%get3A_603] {strides = array<i32>} : memref<96xi32, #tpu.memory_space<vmem>>, vector<16xi32>,
      %get3A_605 = vector.shape_cast %get3A_604 : vector<16xi32> to vector<16xi32>
      %ge3A_606 = vector.broadcast %mul3A_270 : i32 to vector<16xi32>
      %ge3A_607 = arith.cmpi sge, %get3A_605, %ge3A_606 : vector<16xi32>
      %lt3A_608 = vector.broadcast %add3A_272 : i32 to vector<16xi32>
      %lt3A_609 = arith.cmpi slt, %get3A_605, %lt3A_608 : vector<16xi32>
      %and3A_610 = arith.andi %ge3A_607, %lt3A_609 : vector<16xi1>
      %sub3A_611 = vector.broadcast %mul3A_270 : i32 to vector<16xi32>
      %sub3A_612 = arith.subi %get3A_605, %sub3A_611 : vector<16xi32>
      %broadcast_in_dim3A_613 = vector.broadcast %add3A_0 : i32 to vector<16xi32>
      %select_n3A_614 = arith.select %and3A_610, %sub3A_612, %broadcast_in_dim3A_613 : vector<16xi1>, vector<16xi32>
      %swap3A_615 = arith.constant 0 : i32
      %swap3A_616 = arith.index_cast %swap3A_615 : i32 to index
      %swap3A_617 = arith.constant 64 : index
      %swap3A_618 = tpu.vector_load %arg7[%swap3A_616, %swap3A_617] {strides = array<i32>} : memref<1x96xi32, #tpu.memory_space<vmem>>, vector<1x16xi32>,
      %swap3A_619 = vector.shape_cast %swap3A_618 : vector<1x16xi32> to vector<16xi32>
      %swap3A_620 = vector.shape_cast %select_n3A_614 : vector<16xi32> to vector<1x16xi32>
      tpu.vector_store %arg7[%swap3A_616, %swap3A_617], %swap3A_620 {strides = array<i32>} : memref<1x96xi32, #tpu.memory_space<vmem>>, vector<1x16xi32>,
      %get3A_621 = arith.constant 80 : index
      %get3A_622 = tpu.vector_load %arg6[%get3A_621] {strides = array<i32>} : memref<96xi32, #tpu.memory_space<vmem>>, vector<16xi32>,
      %get3A_623 = vector.shape_cast %get3A_622 : vector<16xi32> to vector<16xi32>
      %ge3A_624 = vector.broadcast %mul3A_270 : i32 to vector<16xi32>
      %ge3A_625 = arith.cmpi sge, %get3A_623, %ge3A_624 : vector<16xi32>
      %lt3A_626 = vector.broadcast %add3A_272 : i32 to vector<16xi32>
      %lt3A_627 = arith.cmpi slt, %get3A_623, %lt3A_626 : vector<16xi32>
      %and3A_628 = arith.andi %ge3A_625, %lt3A_627 : vector<16xi1>
      %lt3A_629 = arith.constant 8 : i32
      %lt3A_630 = vector.broadcast %lt3A_629 : i32 to vector<16xi32>
      %lt3A_631 = arith.cmpi slt, %iota3A, %lt3A_630 : vector<16xi32>
      %and3A_632 = arith.andi %and3A_628, %lt3A_631 : vector<16xi1>
      %sub3A_633 = vector.broadcast %mul3A_270 : i32 to vector<16xi32>
      %sub3A_634 = arith.subi %get3A_623, %sub3A_633 : vector<16xi32>
      %broadcast_in_dim3A_635 = vector.broadcast %add3A_0 : i32 to vector<16xi32>
      %select_n3A_636 = arith.select %and3A_632, %sub3A_634, %broadcast_in_dim3A_635 : vector<16xi1>, vector<16xi32>
      %swap3A_637 = arith.constant 0 : i32
      %swap3A_638 = arith.index_cast %swap3A_637 : i32 to index
      %swap3A_639 = arith.constant 80 : index
      %swap3A_640 = tpu.vector_load %arg7[%swap3A_638, %swap3A_639] {strides = array<i32>} : memref<1x96xi32, #tpu.memory_space<vmem>>, vector<1x16xi32>,
      %swap3A_641 = vector.shape_cast %swap3A_640 : vector<1x16xi32> to vector<16xi32>
      %swap3A_642 = vector.shape_cast %select_n3A_636 : vector<16xi32> to vector<1x16xi32>
      tpu.vector_store %arg7[%swap3A_638, %swap3A_639], %swap3A_642 {strides = array<i32>} : memref<1x96xi32, #tpu.memory_space<vmem>>, vector<1x16xi32>,
      %run_scoped3A_643 = arith.constant 0 : i32
      "tpu.region"() ({
        %run_scoped3A_644 = tpu.sem_alloc : memref<!tpu.dma_semaphore, #tpu.memory_space<semaphore_mem>>
        %dma_start3A = arith.constant 0 : i32
        %dma_start3A_645 = tpu.memref_slice %arg7[%run_scoped3A_643, %dma_start3A] : memref<1x96xi32, #tpu.memory_space<vmem>> -> memref<1x96xi32, #tpu.memory_space<vmem>>
        %dma_start3A_646 = tpu.memref_squeeze %dma_start3A_645 : memref<1x96xi32, #tpu.memory_space<vmem>> -> memref<96xi32, #tpu.memory_space<vmem>>
        %dma_start3A_647 = arith.constant 0 : i32
        %dma_start3A_648 = arith.constant 0 : i32
        %dma_start3A_649 = tpu.memref_slice %arg11[%dma_start3A_647, %dma_start3A_648] : memref<10240x64xf32, #tpu.memory_space<vmem_shared>> -> memref<10240x64xf32, #tpu.memory_space<vmem_shared>>
        tpu.enqueue_indirect_dma source(%arg8 : memref<96x64xf32, #tpu.memory_space<vmem>>) target(%dma_start3A_649 : memref<10240x64xf32, #tpu.memory_space<vmem_shared>>) offsets(%dma_start3A_646 : memref<96xi32, #tpu.memory_space<vmem>>) semaphore(%run_scoped3A_644 : memref<!tpu.dma_semaphore, #tpu.memory_space<semaphore_mem>>) {add = true}
        %dma_wait3A = arith.constant 0 : i32
        %dma_wait3A_650 = tpu.memref_slice %arg7[%run_scoped3A_643, %dma_wait3A] : memref<1x96xi32, #tpu.memory_space<vmem>> -> memref<1x96xi32, #tpu.memory_space<vmem>>
        %dma_wait3A_651 = tpu.memref_squeeze %dma_wait3A_650 : memref<1x96xi32, #tpu.memory_space<vmem>> -> memref<96xi32, #tpu.memory_space<vmem>>
        %dma_wait3A_652 = arith.constant 0 : i32
        %dma_wait3A_653 = arith.constant 0 : i32
        %dma_wait3A_654 = tpu.memref_slice %arg11[%dma_wait3A_652, %dma_wait3A_653] : memref<10240x64xf32, #tpu.memory_space<vmem_shared>> -> memref<10240x64xf32, #tpu.memory_space<vmem_shared>>
        tpu.wait_indirect_dma semaphore(%run_scoped3A_644 : memref<!tpu.dma_semaphore, #tpu.memory_space<semaphore_mem>>) src(%arg8 : memref<96x64xf32, #tpu.memory_space<vmem>>) dst(%dma_wait3A_654 : memref<10240x64xf32, #tpu.memory_space<vmem_shared>>)
        tpu.yield
      }) : () -> ()
    }
    %scan3A_299 = arith.constant 123 : i32
    %barrier3A_300 = arith.constant 0 : index
    tpu.barrier barrier_id(%barrier3A_300)
    %mul3A_301 = arith.constant 640 : i32
    %mul3A_302 = arith.muli %arg1, %mul3A_301 : i32
    %add3A_303 = arith.constant 0 : i32
    %add3A_304 = arith.addi %mul3A_302, %add3A_303 : i32
    "tpu.region"() ({
      %run_scoped3A_533 = tpu.sem_alloc : memref<!tpu.dma_semaphore, #tpu.memory_space<semaphore_mem>>
      %dma_start3A = arith.constant 0 : i32
      %dma_start3A_534 = tpu.memref_slice %arg11[%add3A_304, %dma_start3A] : memref<10240x64xf32, #tpu.memory_space<vmem_shared>> -> memref<128x64xf32, #tpu.memory_space<vmem_shared>>
      %dma_start3A_535 = arith.constant 0 : i32
      %dma_start3A_536 = tpu.memref_slice %arg11[%add3A_304, %dma_start3A_535] : memref<10240x64xf32, #tpu.memory_space<vmem_shared>> -> memref<128x64xf32, #tpu.memory_space<vmem_shared>>
      tpu.enqueue_dma source(%dma_start3A_536 : memref<128x64xf32, #tpu.memory_space<vmem_shared>>) target(%arg10 : memref<128x64xf32, #tpu.memory_space<vmem>>) target_semaphore(%run_scoped3A_533 : memref<!tpu.dma_semaphore, #tpu.memory_space<semaphore_mem>>)
      %dma_wait3A = arith.constant 0 : i32
      %dma_wait3A_537 = tpu.memref_slice %arg11[%add3A_304, %dma_wait3A] : memref<10240x64xf32, #tpu.memory_space<vmem_shared>> -> memref<128x64xf32, #tpu.memory_space<vmem_shared>>
      %dma_wait3A_538 = arith.constant 0 : i32
      %dma_wait3A_539 = tpu.memref_slice %arg11[%add3A_304, %dma_wait3A_538] : memref<10240x64xf32, #tpu.memory_space<vmem_shared>> -> memref<128x64xf32, #tpu.memory_space<vmem_shared>>
      tpu.wait_dma2 semaphore(%run_scoped3A_533 : memref<!tpu.dma_semaphore, #tpu.memory_space<semaphore_mem>>) src(%dma_wait3A_539 : memref<128x64xf32, #tpu.memory_space<vmem_shared>>) dst(%arg10 : memref<128x64xf32, #tpu.memory_space<vmem>>)
      tpu.yield
    }) : () -> ()
    %run_scoped3A_305 = arith.constant 2 : i32
    %run_scoped3A_306 = arith.constant 0 : i32
    "tpu.region"() ({
      %run_scoped3A_533 = tpu.sem_alloc : memref<!tpu.dma_semaphore, #tpu.memory_space<semaphore_mem>>
      %dma_start3A = arith.constant 0 : i32
      %dma_start3A_534 = tpu.memref_slice %arg5[%run_scoped3A_305, %arg0, %run_scoped3A_306, %add3A_304, %dma_start3A] : memref<4x2x2x10240x64xf32, #tpu.memory_space<hbm>> -> memref<1x1x1x128x64xf32, #tpu.memory_space<hbm>>
      %dma_start3A_535 = tpu.memref_squeeze %dma_start3A_534 : memref<1x1x1x128x64xf32, #tpu.memory_space<hbm>> -> memref<128x64xf32, #tpu.memory_space<hbm>>
      %dma_start3A_536 = arith.constant 0 : i32
      %dma_start3A_537 = tpu.memref_slice %arg5[%run_scoped3A_305, %arg0, %run_scoped3A_306, %add3A_304, %dma_start3A_536] : memref<4x2x2x10240x64xf32, #tpu.memory_space<hbm>> -> memref<1x1x1x128x64xf32, #tpu.memory_space<hbm>>
      %dma_start3A_538 = tpu.memref_squeeze %dma_start3A_537 : memref<1x1x1x128x64xf32, #tpu.memory_space<hbm>> -> memref<128x64xf32, #tpu.memory_space<hbm>>
      tpu.enqueue_dma source(%arg10 : memref<128x64xf32, #tpu.memory_space<vmem>>) target(%dma_start3A_538 : memref<128x64xf32, #tpu.memory_space<hbm>>) target_semaphore(%run_scoped3A_533 : memref<!tpu.dma_semaphore, #tpu.memory_space<semaphore_mem>>)
      %dma_wait3A = arith.constant 0 : i32
      %dma_wait3A_539 = tpu.memref_slice %arg5[%run_scoped3A_305, %arg0, %run_scoped3A_306, %add3A_304, %dma_wait3A] : memref<4x2x2x10240x64xf32, #tpu.memory_space<hbm>> -> memref<1x1x1x128x64xf32, #tpu.memory_space<hbm>>
      %dma_wait3A_540 = tpu.memref_squeeze %dma_wait3A_539 : memref<1x1x1x128x64xf32, #tpu.memory_space<hbm>> -> memref<128x64xf32, #tpu.memory_space<hbm>>
      %dma_wait3A_541 = arith.constant 0 : i32
      %dma_wait3A_542 = tpu.memref_slice %arg5[%run_scoped3A_305, %arg0, %run_scoped3A_306, %add3A_304, %dma_wait3A_541] : memref<4x2x2x10240x64xf32, #tpu.memory_space<hbm>> -> memref<1x1x1x128x64xf32, #tpu.memory_space<hbm>>
      %dma_wait3A_543 = tpu.memref_squeeze %dma_wait3A_542 : memref<1x1x1x128x64xf32, #tpu.memory_space<hbm>> -> memref<128x64xf32, #tpu.memory_space<hbm>>
      tpu.wait_dma2 semaphore(%run_scoped3A_533 : memref<!tpu.dma_semaphore, #tpu.memory_space<semaphore_mem>>) src(%arg10 : memref<128x64xf32, #tpu.memory_space<vmem>>) dst(%dma_wait3A_543 : memref<128x64xf32, #tpu.memory_space<hbm>>)
      tpu.yield
    }) : () -> ()
    %mul3A_307 = arith.constant 640 : i32
    %mul3A_308 = arith.muli %arg1, %mul3A_307 : i32
    %add3A_309 = arith.constant 128 : i32
    %add3A_310 = arith.addi %mul3A_308, %add3A_309 : i32
    "tpu.region"() ({
      %run_scoped3A_533 = tpu.sem_alloc : memref<!tpu.dma_semaphore, #tpu.memory_space<semaphore_mem>>
      %dma_start3A = arith.constant 0 : i32
      %dma_start3A_534 = tpu.memref_slice %arg11[%add3A_310, %dma_start3A] : memref<10240x64xf32, #tpu.memory_space<vmem_shared>> -> memref<128x64xf32, #tpu.memory_space<vmem_shared>>
      %dma_start3A_535 = arith.constant 0 : i32
      %dma_start3A_536 = tpu.memref_slice %arg11[%add3A_310, %dma_start3A_535] : memref<10240x64xf32, #tpu.memory_space<vmem_shared>> -> memref<128x64xf32, #tpu.memory_space<vmem_shared>>
      tpu.enqueue_dma source(%dma_start3A_536 : memref<128x64xf32, #tpu.memory_space<vmem_shared>>) target(%arg10 : memref<128x64xf32, #tpu.memory_space<vmem>>) target_semaphore(%run_scoped3A_533 : memref<!tpu.dma_semaphore, #tpu.memory_space<semaphore_mem>>)
      %dma_wait3A = arith.constant 0 : i32
      %dma_wait3A_537 = tpu.memref_slice %arg11[%add3A_310, %dma_wait3A] : memref<10240x64xf32, #tpu.memory_space<vmem_shared>> -> memref<128x64xf32, #tpu.memory_space<vmem_shared>>
      %dma_wait3A_538 = arith.constant 0 : i32
      %dma_wait3A_539 = tpu.memref_slice %arg11[%add3A_310, %dma_wait3A_538] : memref<10240x64xf32, #tpu.memory_space<vmem_shared>> -> memref<128x64xf32, #tpu.memory_space<vmem_shared>>
      tpu.wait_dma2 semaphore(%run_scoped3A_533 : memref<!tpu.dma_semaphore, #tpu.memory_space<semaphore_mem>>) src(%dma_wait3A_539 : memref<128x64xf32, #tpu.memory_space<vmem_shared>>) dst(%arg10 : memref<128x64xf32, #tpu.memory_space<vmem>>)
      tpu.yield
    }) : () -> ()
    %run_scoped3A_311 = arith.constant 2 : i32
    %run_scoped3A_312 = arith.constant 0 : i32
    "tpu.region"() ({
      %run_scoped3A_533 = tpu.sem_alloc : memref<!tpu.dma_semaphore, #tpu.memory_space<semaphore_mem>>
      %dma_start3A = arith.constant 0 : i32
      %dma_start3A_534 = tpu.memref_slice %arg5[%run_scoped3A_311, %arg0, %run_scoped3A_312, %add3A_310, %dma_start3A] : memref<4x2x2x10240x64xf32, #tpu.memory_space<hbm>> -> memref<1x1x1x128x64xf32, #tpu.memory_space<hbm>>
      %dma_start3A_535 = tpu.memref_squeeze %dma_start3A_534 : memref<1x1x1x128x64xf32, #tpu.memory_space<hbm>> -> memref<128x64xf32, #tpu.memory_space<hbm>>
      %dma_start3A_536 = arith.constant 0 : i32
      %dma_start3A_537 = tpu.memref_slice %arg5[%run_scoped3A_311, %arg0, %run_scoped3A_312, %add3A_310, %dma_start3A_536] : memref<4x2x2x10240x64xf32, #tpu.memory_space<hbm>> -> memref<1x1x1x128x64xf32, #tpu.memory_space<hbm>>
      %dma_start3A_538 = tpu.memref_squeeze %dma_start3A_537 : memref<1x1x1x128x64xf32, #tpu.memory_space<hbm>> -> memref<128x64xf32, #tpu.memory_space<hbm>>
      tpu.enqueue_dma source(%arg10 : memref<128x64xf32, #tpu.memory_space<vmem>>) target(%dma_start3A_538 : memref<128x64xf32, #tpu.memory_space<hbm>>) target_semaphore(%run_scoped3A_533 : memref<!tpu.dma_semaphore, #tpu.memory_space<semaphore_mem>>)
      %dma_wait3A = arith.constant 0 : i32
      %dma_wait3A_539 = tpu.memref_slice %arg5[%run_scoped3A_311, %arg0, %run_scoped3A_312, %add3A_310, %dma_wait3A] : memref<4x2x2x10240x64xf32, #tpu.memory_space<hbm>> -> memref<1x1x1x128x64xf32, #tpu.memory_space<hbm>>
      %dma_wait3A_540 = tpu.memref_squeeze %dma_wait3A_539 : memref<1x1x1x128x64xf32, #tpu.memory_space<hbm>> -> memref<128x64xf32, #tpu.memory_space<hbm>>
      %dma_wait3A_541 = arith.constant 0 : i32
      %dma_wait3A_542 = tpu.memref_slice %arg5[%run_scoped3A_311, %arg0, %run_scoped3A_312, %add3A_310, %dma_wait3A_541] : memref<4x2x2x10240x64xf32, #tpu.memory_space<hbm>> -> memref<1x1x1x128x64xf32, #tpu.memory_space<hbm>>
      %dma_wait3A_543 = tpu.memref_squeeze %dma_wait3A_542 : memref<1x1x1x128x64xf32, #tpu.memory_space<hbm>> -> memref<128x64xf32, #tpu.memory_space<hbm>>
      tpu.wait_dma2 semaphore(%run_scoped3A_533 : memref<!tpu.dma_semaphore, #tpu.memory_space<semaphore_mem>>) src(%arg10 : memref<128x64xf32, #tpu.memory_space<vmem>>) dst(%dma_wait3A_543 : memref<128x64xf32, #tpu.memory_space<hbm>>)
      tpu.yield
    }) : () -> ()
    %mul3A_313 = arith.constant 640 : i32
    %mul3A_314 = arith.muli %arg1, %mul3A_313 : i32
    %add3A_315 = arith.constant 256 : i32
    %add3A_316 = arith.addi %mul3A_314, %add3A_315 : i32
    "tpu.region"() ({
      %run_scoped3A_533 = tpu.sem_alloc : memref<!tpu.dma_semaphore, #tpu.memory_space<semaphore_mem>>
      %dma_start3A = arith.constant 0 : i32
      %dma_start3A_534 = tpu.memref_slice %arg11[%add3A_316, %dma_start3A] : memref<10240x64xf32, #tpu.memory_space<vmem_shared>> -> memref<128x64xf32, #tpu.memory_space<vmem_shared>>
      %dma_start3A_535 = arith.constant 0 : i32
      %dma_start3A_536 = tpu.memref_slice %arg11[%add3A_316, %dma_start3A_535] : memref<10240x64xf32, #tpu.memory_space<vmem_shared>> -> memref<128x64xf32, #tpu.memory_space<vmem_shared>>
      tpu.enqueue_dma source(%dma_start3A_536 : memref<128x64xf32, #tpu.memory_space<vmem_shared>>) target(%arg10 : memref<128x64xf32, #tpu.memory_space<vmem>>) target_semaphore(%run_scoped3A_533 : memref<!tpu.dma_semaphore, #tpu.memory_space<semaphore_mem>>)
      %dma_wait3A = arith.constant 0 : i32
      %dma_wait3A_537 = tpu.memref_slice %arg11[%add3A_316, %dma_wait3A] : memref<10240x64xf32, #tpu.memory_space<vmem_shared>> -> memref<128x64xf32, #tpu.memory_space<vmem_shared>>
      %dma_wait3A_538 = arith.constant 0 : i32
      %dma_wait3A_539 = tpu.memref_slice %arg11[%add3A_316, %dma_wait3A_538] : memref<10240x64xf32, #tpu.memory_space<vmem_shared>> -> memref<128x64xf32, #tpu.memory_space<vmem_shared>>
      tpu.wait_dma2 semaphore(%run_scoped3A_533 : memref<!tpu.dma_semaphore, #tpu.memory_space<semaphore_mem>>) src(%dma_wait3A_539 : memref<128x64xf32, #tpu.memory_space<vmem_shared>>) dst(%arg10 : memref<128x64xf32, #tpu.memory_space<vmem>>)
      tpu.yield
    }) : () -> ()
    %run_scoped3A_317 = arith.constant 2 : i32
    %run_scoped3A_318 = arith.constant 0 : i32
    "tpu.region"() ({
      %run_scoped3A_533 = tpu.sem_alloc : memref<!tpu.dma_semaphore, #tpu.memory_space<semaphore_mem>>
      %dma_start3A = arith.constant 0 : i32
      %dma_start3A_534 = tpu.memref_slice %arg5[%run_scoped3A_317, %arg0, %run_scoped3A_318, %add3A_316, %dma_start3A] : memref<4x2x2x10240x64xf32, #tpu.memory_space<hbm>> -> memref<1x1x1x128x64xf32, #tpu.memory_space<hbm>>
      %dma_start3A_535 = tpu.memref_squeeze %dma_start3A_534 : memref<1x1x1x128x64xf32, #tpu.memory_space<hbm>> -> memref<128x64xf32, #tpu.memory_space<hbm>>
      %dma_start3A_536 = arith.constant 0 : i32
      %dma_start3A_537 = tpu.memref_slice %arg5[%run_scoped3A_317, %arg0, %run_scoped3A_318, %add3A_316, %dma_start3A_536] : memref<4x2x2x10240x64xf32, #tpu.memory_space<hbm>> -> memref<1x1x1x128x64xf32, #tpu.memory_space<hbm>>
      %dma_start3A_538 = tpu.memref_squeeze %dma_start3A_537 : memref<1x1x1x128x64xf32, #tpu.memory_space<hbm>> -> memref<128x64xf32, #tpu.memory_space<hbm>>
      tpu.enqueue_dma source(%arg10 : memref<128x64xf32, #tpu.memory_space<vmem>>) target(%dma_start3A_538 : memref<128x64xf32, #tpu.memory_space<hbm>>) target_semaphore(%run_scoped3A_533 : memref<!tpu.dma_semaphore, #tpu.memory_space<semaphore_mem>>)
      %dma_wait3A = arith.constant 0 : i32
      %dma_wait3A_539 = tpu.memref_slice %arg5[%run_scoped3A_317, %arg0, %run_scoped3A_318, %add3A_316, %dma_wait3A] : memref<4x2x2x10240x64xf32, #tpu.memory_space<hbm>> -> memref<1x1x1x128x64xf32, #tpu.memory_space<hbm>>
      %dma_wait3A_540 = tpu.memref_squeeze %dma_wait3A_539 : memref<1x1x1x128x64xf32, #tpu.memory_space<hbm>> -> memref<128x64xf32, #tpu.memory_space<hbm>>
      %dma_wait3A_541 = arith.constant 0 : i32
      %dma_wait3A_542 = tpu.memref_slice %arg5[%run_scoped3A_317, %arg0, %run_scoped3A_318, %add3A_316, %dma_wait3A_541] : memref<4x2x2x10240x64xf32, #tpu.memory_space<hbm>> -> memref<1x1x1x128x64xf32, #tpu.memory_space<hbm>>
      %dma_wait3A_543 = tpu.memref_squeeze %dma_wait3A_542 : memref<1x1x1x128x64xf32, #tpu.memory_space<hbm>> -> memref<128x64xf32, #tpu.memory_space<hbm>>
      tpu.wait_dma2 semaphore(%run_scoped3A_533 : memref<!tpu.dma_semaphore, #tpu.memory_space<semaphore_mem>>) src(%arg10 : memref<128x64xf32, #tpu.memory_space<vmem>>) dst(%dma_wait3A_543 : memref<128x64xf32, #tpu.memory_space<hbm>>)
      tpu.yield
    }) : () -> ()
    %mul3A_319 = arith.constant 640 : i32
    %mul3A_320 = arith.muli %arg1, %mul3A_319 : i32
    %add3A_321 = arith.constant 384 : i32
    %add3A_322 = arith.addi %mul3A_320, %add3A_321 : i32
    "tpu.region"() ({
      %run_scoped3A_533 = tpu.sem_alloc : memref<!tpu.dma_semaphore, #tpu.memory_space<semaphore_mem>>
      %dma_start3A = arith.constant 0 : i32
      %dma_start3A_534 = tpu.memref_slice %arg11[%add3A_322, %dma_start3A] : memref<10240x64xf32, #tpu.memory_space<vmem_shared>> -> memref<128x64xf32, #tpu.memory_space<vmem_shared>>
      %dma_start3A_535 = arith.constant 0 : i32
      %dma_start3A_536 = tpu.memref_slice %arg11[%add3A_322, %dma_start3A_535] : memref<10240x64xf32, #tpu.memory_space<vmem_shared>> -> memref<128x64xf32, #tpu.memory_space<vmem_shared>>
      tpu.enqueue_dma source(%dma_start3A_536 : memref<128x64xf32, #tpu.memory_space<vmem_shared>>) target(%arg10 : memref<128x64xf32, #tpu.memory_space<vmem>>) target_semaphore(%run_scoped3A_533 : memref<!tpu.dma_semaphore, #tpu.memory_space<semaphore_mem>>)
      %dma_wait3A = arith.constant 0 : i32
      %dma_wait3A_537 = tpu.memref_slice %arg11[%add3A_322, %dma_wait3A] : memref<10240x64xf32, #tpu.memory_space<vmem_shared>> -> memref<128x64xf32, #tpu.memory_space<vmem_shared>>
      %dma_wait3A_538 = arith.constant 0 : i32
      %dma_wait3A_539 = tpu.memref_slice %arg11[%add3A_322, %dma_wait3A_538] : memref<10240x64xf32, #tpu.memory_space<vmem_shared>> -> memref<128x64xf32, #tpu.memory_space<vmem_shared>>
      tpu.wait_dma2 semaphore(%run_scoped3A_533 : memref<!tpu.dma_semaphore, #tpu.memory_space<semaphore_mem>>) src(%dma_wait3A_539 : memref<128x64xf32, #tpu.memory_space<vmem_shared>>) dst(%arg10 : memref<128x64xf32, #tpu.memory_space<vmem>>)
      tpu.yield
    }) : () -> ()
    %run_scoped3A_323 = arith.constant 2 : i32
    %run_scoped3A_324 = arith.constant 0 : i32
    "tpu.region"() ({
      %run_scoped3A_533 = tpu.sem_alloc : memref<!tpu.dma_semaphore, #tpu.memory_space<semaphore_mem>>
      %dma_start3A = arith.constant 0 : i32
      %dma_start3A_534 = tpu.memref_slice %arg5[%run_scoped3A_323, %arg0, %run_scoped3A_324, %add3A_322, %dma_start3A] : memref<4x2x2x10240x64xf32, #tpu.memory_space<hbm>> -> memref<1x1x1x128x64xf32, #tpu.memory_space<hbm>>
      %dma_start3A_535 = tpu.memref_squeeze %dma_start3A_534 : memref<1x1x1x128x64xf32, #tpu.memory_space<hbm>> -> memref<128x64xf32, #tpu.memory_space<hbm>>
      %dma_start3A_536 = arith.constant 0 : i32
      %dma_start3A_537 = tpu.memref_slice %arg5[%run_scoped3A_323, %arg0, %run_scoped3A_324, %add3A_322, %dma_start3A_536] : memref<4x2x2x10240x64xf32, #tpu.memory_space<hbm>> -> memref<1x1x1x128x64xf32, #tpu.memory_space<hbm>>
      %dma_start3A_538 = tpu.memref_squeeze %dma_start3A_537 : memref<1x1x1x128x64xf32, #tpu.memory_space<hbm>> -> memref<128x64xf32, #tpu.memory_space<hbm>>
      tpu.enqueue_dma source(%arg10 : memref<128x64xf32, #tpu.memory_space<vmem>>) target(%dma_start3A_538 : memref<128x64xf32, #tpu.memory_space<hbm>>) target_semaphore(%run_scoped3A_533 : memref<!tpu.dma_semaphore, #tpu.memory_space<semaphore_mem>>)
      %dma_wait3A = arith.constant 0 : i32
      %dma_wait3A_539 = tpu.memref_slice %arg5[%run_scoped3A_323, %arg0, %run_scoped3A_324, %add3A_322, %dma_wait3A] : memref<4x2x2x10240x64xf32, #tpu.memory_space<hbm>> -> memref<1x1x1x128x64xf32, #tpu.memory_space<hbm>>
      %dma_wait3A_540 = tpu.memref_squeeze %dma_wait3A_539 : memref<1x1x1x128x64xf32, #tpu.memory_space<hbm>> -> memref<128x64xf32, #tpu.memory_space<hbm>>
      %dma_wait3A_541 = arith.constant 0 : i32
      %dma_wait3A_542 = tpu.memref_slice %arg5[%run_scoped3A_323, %arg0, %run_scoped3A_324, %add3A_322, %dma_wait3A_541] : memref<4x2x2x10240x64xf32, #tpu.memory_space<hbm>> -> memref<1x1x1x128x64xf32, #tpu.memory_space<hbm>>
      %dma_wait3A_543 = tpu.memref_squeeze %dma_wait3A_542 : memref<1x1x1x128x64xf32, #tpu.memory_space<hbm>> -> memref<128x64xf32, #tpu.memory_space<hbm>>
      tpu.wait_dma2 semaphore(%run_scoped3A_533 : memref<!tpu.dma_semaphore, #tpu.memory_space<semaphore_mem>>) src(%arg10 : memref<128x64xf32, #tpu.memory_space<vmem>>) dst(%dma_wait3A_543 : memref<128x64xf32, #tpu.memory_space<hbm>>)
      tpu.yield
    }) : () -> ()
    %mul3A_325 = arith.constant 640 : i32
    %mul3A_326 = arith.muli %arg1, %mul3A_325 : i32
    %add3A_327 = arith.constant 512 : i32
    %add3A_328 = arith.addi %mul3A_326, %add3A_327 : i32
    "tpu.region"() ({
      %run_scoped3A_533 = tpu.sem_alloc : memref<!tpu.dma_semaphore, #tpu.memory_space<semaphore_mem>>
      %dma_start3A = arith.constant 0 : i32
      %dma_start3A_534 = tpu.memref_slice %arg11[%add3A_328, %dma_start3A] : memref<10240x64xf32, #tpu.memory_space<vmem_shared>> -> memref<128x64xf32, #tpu.memory_space<vmem_shared>>
      %dma_start3A_535 = arith.constant 0 : i32
      %dma_start3A_536 = tpu.memref_slice %arg11[%add3A_328, %dma_start3A_535] : memref<10240x64xf32, #tpu.memory_space<vmem_shared>> -> memref<128x64xf32, #tpu.memory_space<vmem_shared>>
      tpu.enqueue_dma source(%dma_start3A_536 : memref<128x64xf32, #tpu.memory_space<vmem_shared>>) target(%arg10 : memref<128x64xf32, #tpu.memory_space<vmem>>) target_semaphore(%run_scoped3A_533 : memref<!tpu.dma_semaphore, #tpu.memory_space<semaphore_mem>>)
      %dma_wait3A = arith.constant 0 : i32
      %dma_wait3A_537 = tpu.memref_slice %arg11[%add3A_328, %dma_wait3A] : memref<10240x64xf32, #tpu.memory_space<vmem_shared>> -> memref<128x64xf32, #tpu.memory_space<vmem_shared>>
      %dma_wait3A_538 = arith.constant 0 : i32
      %dma_wait3A_539 = tpu.memref_slice %arg11[%add3A_328, %dma_wait3A_538] : memref<10240x64xf32, #tpu.memory_space<vmem_shared>> -> memref<128x64xf32, #tpu.memory_space<vmem_shared>>
      tpu.wait_dma2 semaphore(%run_scoped3A_533 : memref<!tpu.dma_semaphore, #tpu.memory_space<semaphore_mem>>) src(%dma_wait3A_539 : memref<128x64xf32, #tpu.memory_space<vmem_shared>>) dst(%arg10 : memref<128x64xf32, #tpu.memory_space<vmem>>)
      tpu.yield
    }) : () -> ()
    %run_scoped3A_329 = arith.constant 2 : i32
    %run_scoped3A_330 = arith.constant 0 : i32
    "tpu.region"() ({
      %run_scoped3A_533 = tpu.sem_alloc : memref<!tpu.dma_semaphore, #tpu.memory_space<semaphore_mem>>
      %dma_start3A = arith.constant 0 : i32
      %dma_start3A_534 = tpu.memref_slice %arg5[%run_scoped3A_329, %arg0, %run_scoped3A_330, %add3A_328, %dma_start3A] : memref<4x2x2x10240x64xf32, #tpu.memory_space<hbm>> -> memref<1x1x1x128x64xf32, #tpu.memory_space<hbm>>
      %dma_start3A_535 = tpu.memref_squeeze %dma_start3A_534 : memref<1x1x1x128x64xf32, #tpu.memory_space<hbm>> -> memref<128x64xf32, #tpu.memory_space<hbm>>
      %dma_start3A_536 = arith.constant 0 : i32
      %dma_start3A_537 = tpu.memref_slice %arg5[%run_scoped3A_329, %arg0, %run_scoped3A_330, %add3A_328, %dma_start3A_536] : memref<4x2x2x10240x64xf32, #tpu.memory_space<hbm>> -> memref<1x1x1x128x64xf32, #tpu.memory_space<hbm>>
      %dma_start3A_538 = tpu.memref_squeeze %dma_start3A_537 : memref<1x1x1x128x64xf32, #tpu.memory_space<hbm>> -> memref<128x64xf32, #tpu.memory_space<hbm>>
      tpu.enqueue_dma source(%arg10 : memref<128x64xf32, #tpu.memory_space<vmem>>) target(%dma_start3A_538 : memref<128x64xf32, #tpu.memory_space<hbm>>) target_semaphore(%run_scoped3A_533 : memref<!tpu.dma_semaphore, #tpu.memory_space<semaphore_mem>>)
      %dma_wait3A = arith.constant 0 : i32
      %dma_wait3A_539 = tpu.memref_slice %arg5[%run_scoped3A_329, %arg0, %run_scoped3A_330, %add3A_328, %dma_wait3A] : memref<4x2x2x10240x64xf32, #tpu.memory_space<hbm>> -> memref<1x1x1x128x64xf32, #tpu.memory_space<hbm>>
      %dma_wait3A_540 = tpu.memref_squeeze %dma_wait3A_539 : memref<1x1x1x128x64xf32, #tpu.memory_space<hbm>> -> memref<128x64xf32, #tpu.memory_space<hbm>>
      %dma_wait3A_541 = arith.constant 0 : i32
      %dma_wait3A_542 = tpu.memref_slice %arg5[%run_scoped3A_329, %arg0, %run_scoped3A_330, %add3A_328, %dma_wait3A_541] : memref<4x2x2x10240x64xf32, #tpu.memory_space<hbm>> -> memref<1x1x1x128x64xf32, #tpu.memory_space<hbm>>
      %dma_wait3A_543 = tpu.memref_squeeze %dma_wait3A_542 : memref<1x1x1x128x64xf32, #tpu.memory_space<hbm>> -> memref<128x64xf32, #tpu.memory_space<hbm>>
      tpu.wait_dma2 semaphore(%run_scoped3A_533 : memref<!tpu.dma_semaphore, #tpu.memory_space<semaphore_mem>>) src(%arg10 : memref<128x64xf32, #tpu.memory_space<vmem>>) dst(%dma_wait3A_543 : memref<128x64xf32, #tpu.memory_space<hbm>>)
      tpu.yield
    }) : () -> ()
    %barrier3A_331 = arith.constant 0 : index
    tpu.barrier barrier_id(%barrier3A_331)
    %mul3A_332 = arith.constant 2 : i32
    %mul3A_333 = arith.muli %arg0, %mul3A_332 : i32
    %add3A_334 = arith.constant 1 : i32
    %add3A_335 = arith.addi %mul3A_333, %add3A_334 : i32
    %mul3A_336 = arith.constant 10000 : i32
    %mul3A_337 = arith.muli %add3A_335, %mul3A_336 : i32
    %add3A_338 = arith.constant 10000 : i32
    %add3A_339 = arith.addi %mul3A_337, %add3A_338 : i32
    %mul3A_340 = arith.constant 640 : i32
    %mul3A_341 = arith.muli %arg1, %mul3A_340 : i32
    %add3A_342 = arith.constant 0 : i32
    %add3A_343 = arith.addi %mul3A_341, %add3A_342 : i32
    "tpu.region"() ({
      %run_scoped3A_533 = tpu.sem_alloc : memref<!tpu.dma_semaphore, #tpu.memory_space<semaphore_mem>>
      %dma_start3A = arith.constant 0 : i32
      %dma_start3A_534 = tpu.memref_slice %arg11[%add3A_343, %dma_start3A] : memref<10240x64xf32, #tpu.memory_space<vmem_shared>> -> memref<128x64xf32, #tpu.memory_space<vmem_shared>>
      %dma_start3A_535 = arith.constant 0 : i32
      %dma_start3A_536 = tpu.memref_slice %arg11[%add3A_343, %dma_start3A_535] : memref<10240x64xf32, #tpu.memory_space<vmem_shared>> -> memref<128x64xf32, #tpu.memory_space<vmem_shared>>
      tpu.enqueue_dma source(%arg9 : memref<128x64xf32, #tpu.memory_space<vmem>>) target(%dma_start3A_536 : memref<128x64xf32, #tpu.memory_space<vmem_shared>>) target_semaphore(%run_scoped3A_533 : memref<!tpu.dma_semaphore, #tpu.memory_space<semaphore_mem>>)
      %dma_wait3A = arith.constant 0 : i32
      %dma_wait3A_537 = tpu.memref_slice %arg11[%add3A_343, %dma_wait3A] : memref<10240x64xf32, #tpu.memory_space<vmem_shared>> -> memref<128x64xf32, #tpu.memory_space<vmem_shared>>
      %dma_wait3A_538 = arith.constant 0 : i32
      %dma_wait3A_539 = tpu.memref_slice %arg11[%add3A_343, %dma_wait3A_538] : memref<10240x64xf32, #tpu.memory_space<vmem_shared>> -> memref<128x64xf32, #tpu.memory_space<vmem_shared>>
      tpu.wait_dma2 semaphore(%run_scoped3A_533 : memref<!tpu.dma_semaphore, #tpu.memory_space<semaphore_mem>>) src(%arg9 : memref<128x64xf32, #tpu.memory_space<vmem>>) dst(%dma_wait3A_539 : memref<128x64xf32, #tpu.memory_space<vmem_shared>>)
      tpu.yield
    }) : () -> ()
    %mul3A_344 = arith.constant 640 : i32
    %mul3A_345 = arith.muli %arg1, %mul3A_344 : i32
    %add3A_346 = arith.constant 128 : i32
    %add3A_347 = arith.addi %mul3A_345, %add3A_346 : i32
    "tpu.region"() ({
      %run_scoped3A_533 = tpu.sem_alloc : memref<!tpu.dma_semaphore, #tpu.memory_space<semaphore_mem>>
      %dma_start3A = arith.constant 0 : i32
      %dma_start3A_534 = tpu.memref_slice %arg11[%add3A_347, %dma_start3A] : memref<10240x64xf32, #tpu.memory_space<vmem_shared>> -> memref<128x64xf32, #tpu.memory_space<vmem_shared>>
      %dma_start3A_535 = arith.constant 0 : i32
      %dma_start3A_536 = tpu.memref_slice %arg11[%add3A_347, %dma_start3A_535] : memref<10240x64xf32, #tpu.memory_space<vmem_shared>> -> memref<128x64xf32, #tpu.memory_space<vmem_shared>>
      tpu.enqueue_dma source(%arg9 : memref<128x64xf32, #tpu.memory_space<vmem>>) target(%dma_start3A_536 : memref<128x64xf32, #tpu.memory_space<vmem_shared>>) target_semaphore(%run_scoped3A_533 : memref<!tpu.dma_semaphore, #tpu.memory_space<semaphore_mem>>)
      %dma_wait3A = arith.constant 0 : i32
      %dma_wait3A_537 = tpu.memref_slice %arg11[%add3A_347, %dma_wait3A] : memref<10240x64xf32, #tpu.memory_space<vmem_shared>> -> memref<128x64xf32, #tpu.memory_space<vmem_shared>>
      %dma_wait3A_538 = arith.constant 0 : i32
      %dma_wait3A_539 = tpu.memref_slice %arg11[%add3A_347, %dma_wait3A_538] : memref<10240x64xf32, #tpu.memory_space<vmem_shared>> -> memref<128x64xf32, #tpu.memory_space<vmem_shared>>
      tpu.wait_dma2 semaphore(%run_scoped3A_533 : memref<!tpu.dma_semaphore, #tpu.memory_space<semaphore_mem>>) src(%arg9 : memref<128x64xf32, #tpu.memory_space<vmem>>) dst(%dma_wait3A_539 : memref<128x64xf32, #tpu.memory_space<vmem_shared>>)
      tpu.yield
    }) : () -> ()
    %mul3A_348 = arith.constant 640 : i32
    %mul3A_349 = arith.muli %arg1, %mul3A_348 : i32
    %add3A_350 = arith.constant 256 : i32
    %add3A_351 = arith.addi %mul3A_349, %add3A_350 : i32
    "tpu.region"() ({
      %run_scoped3A_533 = tpu.sem_alloc : memref<!tpu.dma_semaphore, #tpu.memory_space<semaphore_mem>>
      %dma_start3A = arith.constant 0 : i32
      %dma_start3A_534 = tpu.memref_slice %arg11[%add3A_351, %dma_start3A] : memref<10240x64xf32, #tpu.memory_space<vmem_shared>> -> memref<128x64xf32, #tpu.memory_space<vmem_shared>>
      %dma_start3A_535 = arith.constant 0 : i32
      %dma_start3A_536 = tpu.memref_slice %arg11[%add3A_351, %dma_start3A_535] : memref<10240x64xf32, #tpu.memory_space<vmem_shared>> -> memref<128x64xf32, #tpu.memory_space<vmem_shared>>
      tpu.enqueue_dma source(%arg9 : memref<128x64xf32, #tpu.memory_space<vmem>>) target(%dma_start3A_536 : memref<128x64xf32, #tpu.memory_space<vmem_shared>>) target_semaphore(%run_scoped3A_533 : memref<!tpu.dma_semaphore, #tpu.memory_space<semaphore_mem>>)
      %dma_wait3A = arith.constant 0 : i32
      %dma_wait3A_537 = tpu.memref_slice %arg11[%add3A_351, %dma_wait3A] : memref<10240x64xf32, #tpu.memory_space<vmem_shared>> -> memref<128x64xf32, #tpu.memory_space<vmem_shared>>
      %dma_wait3A_538 = arith.constant 0 : i32
      %dma_wait3A_539 = tpu.memref_slice %arg11[%add3A_351, %dma_wait3A_538] : memref<10240x64xf32, #tpu.memory_space<vmem_shared>> -> memref<128x64xf32, #tpu.memory_space<vmem_shared>>
      tpu.wait_dma2 semaphore(%run_scoped3A_533 : memref<!tpu.dma_semaphore, #tpu.memory_space<semaphore_mem>>) src(%arg9 : memref<128x64xf32, #tpu.memory_space<vmem>>) dst(%dma_wait3A_539 : memref<128x64xf32, #tpu.memory_space<vmem_shared>>)
      tpu.yield
    }) : () -> ()
    %mul3A_352 = arith.constant 640 : i32
    %mul3A_353 = arith.muli %arg1, %mul3A_352 : i32
    %add3A_354 = arith.constant 384 : i32
    %add3A_355 = arith.addi %mul3A_353, %add3A_354 : i32
    "tpu.region"() ({
      %run_scoped3A_533 = tpu.sem_alloc : memref<!tpu.dma_semaphore, #tpu.memory_space<semaphore_mem>>
      %dma_start3A = arith.constant 0 : i32
      %dma_start3A_534 = tpu.memref_slice %arg11[%add3A_355, %dma_start3A] : memref<10240x64xf32, #tpu.memory_space<vmem_shared>> -> memref<128x64xf32, #tpu.memory_space<vmem_shared>>
      %dma_start3A_535 = arith.constant 0 : i32
      %dma_start3A_536 = tpu.memref_slice %arg11[%add3A_355, %dma_start3A_535] : memref<10240x64xf32, #tpu.memory_space<vmem_shared>> -> memref<128x64xf32, #tpu.memory_space<vmem_shared>>
      tpu.enqueue_dma source(%arg9 : memref<128x64xf32, #tpu.memory_space<vmem>>) target(%dma_start3A_536 : memref<128x64xf32, #tpu.memory_space<vmem_shared>>) target_semaphore(%run_scoped3A_533 : memref<!tpu.dma_semaphore, #tpu.memory_space<semaphore_mem>>)
      %dma_wait3A = arith.constant 0 : i32
      %dma_wait3A_537 = tpu.memref_slice %arg11[%add3A_355, %dma_wait3A] : memref<10240x64xf32, #tpu.memory_space<vmem_shared>> -> memref<128x64xf32, #tpu.memory_space<vmem_shared>>
      %dma_wait3A_538 = arith.constant 0 : i32
      %dma_wait3A_539 = tpu.memref_slice %arg11[%add3A_355, %dma_wait3A_538] : memref<10240x64xf32, #tpu.memory_space<vmem_shared>> -> memref<128x64xf32, #tpu.memory_space<vmem_shared>>
      tpu.wait_dma2 semaphore(%run_scoped3A_533 : memref<!tpu.dma_semaphore, #tpu.memory_space<semaphore_mem>>) src(%arg9 : memref<128x64xf32, #tpu.memory_space<vmem>>) dst(%dma_wait3A_539 : memref<128x64xf32, #tpu.memory_space<vmem_shared>>)
      tpu.yield
    }) : () -> ()
    %mul3A_356 = arith.constant 640 : i32
    %mul3A_357 = arith.muli %arg1, %mul3A_356 : i32
    %add3A_358 = arith.constant 512 : i32
    %add3A_359 = arith.addi %mul3A_357, %add3A_358 : i32
    "tpu.region"() ({
      %run_scoped3A_533 = tpu.sem_alloc : memref<!tpu.dma_semaphore, #tpu.memory_space<semaphore_mem>>
      %dma_start3A = arith.constant 0 : i32
      %dma_start3A_534 = tpu.memref_slice %arg11[%add3A_359, %dma_start3A] : memref<10240x64xf32, #tpu.memory_space<vmem_shared>> -> memref<128x64xf32, #tpu.memory_space<vmem_shared>>
      %dma_start3A_535 = arith.constant 0 : i32
      %dma_start3A_536 = tpu.memref_slice %arg11[%add3A_359, %dma_start3A_535] : memref<10240x64xf32, #tpu.memory_space<vmem_shared>> -> memref<128x64xf32, #tpu.memory_space<vmem_shared>>
      tpu.enqueue_dma source(%arg9 : memref<128x64xf32, #tpu.memory_space<vmem>>) target(%dma_start3A_536 : memref<128x64xf32, #tpu.memory_space<vmem_shared>>) target_semaphore(%run_scoped3A_533 : memref<!tpu.dma_semaphore, #tpu.memory_space<semaphore_mem>>)
      %dma_wait3A = arith.constant 0 : i32
      %dma_wait3A_537 = tpu.memref_slice %arg11[%add3A_359, %dma_wait3A] : memref<10240x64xf32, #tpu.memory_space<vmem_shared>> -> memref<128x64xf32, #tpu.memory_space<vmem_shared>>
      %dma_wait3A_538 = arith.constant 0 : i32
      %dma_wait3A_539 = tpu.memref_slice %arg11[%add3A_359, %dma_wait3A_538] : memref<10240x64xf32, #tpu.memory_space<vmem_shared>> -> memref<128x64xf32, #tpu.memory_space<vmem_shared>>
      tpu.wait_dma2 semaphore(%run_scoped3A_533 : memref<!tpu.dma_semaphore, #tpu.memory_space<semaphore_mem>>) src(%arg9 : memref<128x64xf32, #tpu.memory_space<vmem>>) dst(%dma_wait3A_539 : memref<128x64xf32, #tpu.memory_space<vmem_shared>>)
      tpu.yield
    }) : () -> ()
    %barrier3A_360 = arith.constant 0 : index
    tpu.barrier barrier_id(%barrier3A_360)
    %scan3A_361 = arith.constant 0 : i32
    %scan3A_362 = arith.constant 0 : i32
    %scan3A_363 = arith.constant 123 : i32
    %scan3A_364 = arith.addi %scan3A_362, %scan3A_363 : i32
    %scan3A_365 = arith.constant 1 : i32
    scf.for %scan3A_533 = %scan3A_362 to %scan3A_364 step %scan3A_365  : i32 {
      %add3A_534 = arith.constant 32 : i32
      %add3A_535 = arith.addi %add3A_534, %arg1 : i32
      %run_scoped3A_536 = arith.constant 0 : i32
      "tpu.region"() ({
        %run_scoped3A_644 = tpu.sem_alloc : memref<!tpu.dma_semaphore, #tpu.memory_space<semaphore_mem>>
        %dma_start3A = arith.constant 0 : i32
        %dma_start3A_645 = tpu.memref_slice %arg6[%dma_start3A] : memref<96xi32, #tpu.memory_space<vmem>> -> memref<88xi32, #tpu.memory_space<vmem>>
        %dma_start3A_646 = arith.constant 0 : i32
        %dma_start3A_647 = tpu.memref_slice %arg3[%add3A_535, %scan3A_533, %run_scoped3A_536, %dma_start3A_646] : memref<64x123x1x88xi32, #tpu.memory_space<hbm>> -> memref<1x1x1x88xi32, #tpu.memory_space<hbm>>
        %dma_start3A_648 = tpu.memref_squeeze %dma_start3A_647 : memref<1x1x1x88xi32, #tpu.memory_space<hbm>> -> memref<88xi32, #tpu.memory_space<hbm>>
        %dma_start3A_649 = arith.constant 0 : i32
        %dma_start3A_650 = tpu.memref_slice %arg6[%dma_start3A_649] : memref<96xi32, #tpu.memory_space<vmem>> -> memref<88xi32, #tpu.memory_space<vmem>>
        %dma_start3A_651 = arith.constant 0 : i32
        %dma_start3A_652 = tpu.memref_slice %arg3[%add3A_535, %scan3A_533, %run_scoped3A_536, %dma_start3A_651] : memref<64x123x1x88xi32, #tpu.memory_space<hbm>> -> memref<1x1x1x88xi32, #tpu.memory_space<hbm>>
        %dma_start3A_653 = tpu.memref_squeeze %dma_start3A_652 : memref<1x1x1x88xi32, #tpu.memory_space<hbm>> -> memref<88xi32, #tpu.memory_space<hbm>>
        tpu.enqueue_dma source(%dma_start3A_653 : memref<88xi32, #tpu.memory_space<hbm>>) target(%dma_start3A_650 : memref<88xi32, #tpu.memory_space<vmem>>) target_semaphore(%run_scoped3A_644 : memref<!tpu.dma_semaphore, #tpu.memory_space<semaphore_mem>>)
        %dma_wait3A = arith.constant 0 : i32
        %dma_wait3A_654 = tpu.memref_slice %arg6[%dma_wait3A] : memref<96xi32, #tpu.memory_space<vmem>> -> memref<88xi32, #tpu.memory_space<vmem>>
        %dma_wait3A_655 = arith.constant 0 : i32
        %dma_wait3A_656 = tpu.memref_slice %arg3[%add3A_535, %scan3A_533, %run_scoped3A_536, %dma_wait3A_655] : memref<64x123x1x88xi32, #tpu.memory_space<hbm>> -> memref<1x1x1x88xi32, #tpu.memory_space<hbm>>
        %dma_wait3A_657 = tpu.memref_squeeze %dma_wait3A_656 : memref<1x1x1x88xi32, #tpu.memory_space<hbm>> -> memref<88xi32, #tpu.memory_space<hbm>>
        %dma_wait3A_658 = arith.constant 0 : i32
        %dma_wait3A_659 = tpu.memref_slice %arg6[%dma_wait3A_658] : memref<96xi32, #tpu.memory_space<vmem>> -> memref<88xi32, #tpu.memory_space<vmem>>
        %dma_wait3A_660 = arith.constant 0 : i32
        %dma_wait3A_661 = tpu.memref_slice %arg3[%add3A_535, %scan3A_533, %run_scoped3A_536, %dma_wait3A_660] : memref<64x123x1x88xi32, #tpu.memory_space<hbm>> -> memref<1x1x1x88xi32, #tpu.memory_space<hbm>>
        %dma_wait3A_662 = tpu.memref_squeeze %dma_wait3A_661 : memref<1x1x1x88xi32, #tpu.memory_space<hbm>> -> memref<88xi32, #tpu.memory_space<hbm>>
        tpu.wait_dma2 semaphore(%run_scoped3A_644 : memref<!tpu.dma_semaphore, #tpu.memory_space<semaphore_mem>>) src(%dma_wait3A_662 : memref<88xi32, #tpu.memory_space<hbm>>) dst(%dma_wait3A_659 : memref<88xi32, #tpu.memory_space<vmem>>)
        tpu.yield
      }) : () -> ()
      %add3A_537 = arith.constant 32 : i32
      %add3A_538 = arith.addi %add3A_537, %arg1 : i32
      "tpu.region"() ({
        %run_scoped3A_644 = tpu.sem_alloc : memref<!tpu.dma_semaphore, #tpu.memory_space<semaphore_mem>>
        %dma_start3A = arith.constant 0 : i32
        %dma_start3A_645 = arith.constant 0 : i32
        %dma_start3A_646 = tpu.memref_slice %arg8[%dma_start3A, %dma_start3A_645] : memref<96x64xf32, #tpu.memory_space<vmem>> -> memref<88x64xf32, #tpu.memory_space<vmem>>
        %dma_start3A_647 = arith.constant 0 : i32
        %dma_start3A_648 = arith.constant 0 : i32
        %dma_start3A_649 = tpu.memref_slice %arg2[%add3A_538, %scan3A_533, %dma_start3A_647, %dma_start3A_648] : memref<64x123x88x64xf32, #tpu.memory_space<hbm>> -> memref<1x1x88x64xf32, #tpu.memory_space<hbm>>
        %dma_start3A_650 = tpu.memref_squeeze %dma_start3A_649 : memref<1x1x88x64xf32, #tpu.memory_space<hbm>> -> memref<88x64xf32, #tpu.memory_space<hbm>>
        %dma_start3A_651 = arith.constant 0 : i32
        %dma_start3A_652 = arith.constant 0 : i32
        %dma_start3A_653 = tpu.memref_slice %arg8[%dma_start3A_651, %dma_start3A_652] : memref<96x64xf32, #tpu.memory_space<vmem>> -> memref<88x64xf32, #tpu.memory_space<vmem>>
        %dma_start3A_654 = arith.constant 0 : i32
        %dma_start3A_655 = arith.constant 0 : i32
        %dma_start3A_656 = tpu.memref_slice %arg2[%add3A_538, %scan3A_533, %dma_start3A_654, %dma_start3A_655] : memref<64x123x88x64xf32, #tpu.memory_space<hbm>> -> memref<1x1x88x64xf32, #tpu.memory_space<hbm>>
        %dma_start3A_657 = tpu.memref_squeeze %dma_start3A_656 : memref<1x1x88x64xf32, #tpu.memory_space<hbm>> -> memref<88x64xf32, #tpu.memory_space<hbm>>
        tpu.enqueue_dma source(%dma_start3A_657 : memref<88x64xf32, #tpu.memory_space<hbm>>) target(%dma_start3A_653 : memref<88x64xf32, #tpu.memory_space<vmem>>) target_semaphore(%run_scoped3A_644 : memref<!tpu.dma_semaphore, #tpu.memory_space<semaphore_mem>>)
        %dma_wait3A = arith.constant 0 : i32
        %dma_wait3A_658 = arith.constant 0 : i32
        %dma_wait3A_659 = tpu.memref_slice %arg8[%dma_wait3A, %dma_wait3A_658] : memref<96x64xf32, #tpu.memory_space<vmem>> -> memref<88x64xf32, #tpu.memory_space<vmem>>
        %dma_wait3A_660 = arith.constant 0 : i32
        %dma_wait3A_661 = arith.constant 0 : i32
        %dma_wait3A_662 = tpu.memref_slice %arg2[%add3A_538, %scan3A_533, %dma_wait3A_660, %dma_wait3A_661] : memref<64x123x88x64xf32, #tpu.memory_space<hbm>> -> memref<1x1x88x64xf32, #tpu.memory_space<hbm>>
        %dma_wait3A_663 = tpu.memref_squeeze %dma_wait3A_662 : memref<1x1x88x64xf32, #tpu.memory_space<hbm>> -> memref<88x64xf32, #tpu.memory_space<hbm>>
        %dma_wait3A_664 = arith.constant 0 : i32
        %dma_wait3A_665 = arith.constant 0 : i32
        %dma_wait3A_666 = tpu.memref_slice %arg8[%dma_wait3A_664, %dma_wait3A_665] : memref<96x64xf32, #tpu.memory_space<vmem>> -> memref<88x64xf32, #tpu.memory_space<vmem>>
        %dma_wait3A_667 = arith.constant 0 : i32
        %dma_wait3A_668 = arith.constant 0 : i32
        %dma_wait3A_669 = tpu.memref_slice %arg2[%add3A_538, %scan3A_533, %dma_wait3A_667, %dma_wait3A_668] : memref<64x123x88x64xf32, #tpu.memory_space<hbm>> -> memref<1x1x88x64xf32, #tpu.memory_space<hbm>>
        %dma_wait3A_670 = tpu.memref_squeeze %dma_wait3A_669 : memref<1x1x88x64xf32, #tpu.memory_space<hbm>> -> memref<88x64xf32, #tpu.memory_space<hbm>>
        tpu.wait_dma2 semaphore(%run_scoped3A_644 : memref<!tpu.dma_semaphore, #tpu.memory_space<semaphore_mem>>) src(%dma_wait3A_670 : memref<88x64xf32, #tpu.memory_space<hbm>>) dst(%dma_wait3A_666 : memref<88x64xf32, #tpu.memory_space<vmem>>)
        tpu.yield
      }) : () -> ()
      %get3A = arith.constant 0 : index
      %get3A_539 = tpu.vector_load %arg6[%get3A] {strides = array<i32>} : memref<96xi32, #tpu.memory_space<vmem>>, vector<16xi32>,
      %get3A_540 = vector.shape_cast %get3A_539 : vector<16xi32> to vector<16xi32>
      %ge3A = vector.broadcast %mul3A_337 : i32 to vector<16xi32>
      %ge3A_541 = arith.cmpi sge, %get3A_540, %ge3A : vector<16xi32>
      %lt3A = vector.broadcast %add3A_339 : i32 to vector<16xi32>
      %lt3A_542 = arith.cmpi slt, %get3A_540, %lt3A : vector<16xi32>
      %and3A = arith.andi %ge3A_541, %lt3A_542 : vector<16xi1>
      %sub3A = vector.broadcast %mul3A_337 : i32 to vector<16xi32>
      %sub3A_543 = arith.subi %get3A_540, %sub3A : vector<16xi32>
      %broadcast_in_dim3A = vector.broadcast %add3A_0 : i32 to vector<16xi32>
      %select_n3A = arith.select %and3A, %sub3A_543, %broadcast_in_dim3A : vector<16xi1>, vector<16xi32>
      %swap3A = arith.constant 0 : i32
      %swap3A_544 = arith.index_cast %swap3A : i32 to index
      %swap3A_545 = arith.constant 0 : index
      %swap3A_546 = tpu.vector_load %arg7[%swap3A_544, %swap3A_545] {strides = array<i32>} : memref<1x96xi32, #tpu.memory_space<vmem>>, vector<1x16xi32>,
      %swap3A_547 = vector.shape_cast %swap3A_546 : vector<1x16xi32> to vector<16xi32>
      %swap3A_548 = vector.shape_cast %select_n3A : vector<16xi32> to vector<1x16xi32>
      tpu.vector_store %arg7[%swap3A_544, %swap3A_545], %swap3A_548 {strides = array<i32>} : memref<1x96xi32, #tpu.memory_space<vmem>>, vector<1x16xi32>,
      %get3A_549 = arith.constant 16 : index
      %get3A_550 = tpu.vector_load %arg6[%get3A_549] {strides = array<i32>} : memref<96xi32, #tpu.memory_space<vmem>>, vector<16xi32>,
      %get3A_551 = vector.shape_cast %get3A_550 : vector<16xi32> to vector<16xi32>
      %ge3A_552 = vector.broadcast %mul3A_337 : i32 to vector<16xi32>
      %ge3A_553 = arith.cmpi sge, %get3A_551, %ge3A_552 : vector<16xi32>
      %lt3A_554 = vector.broadcast %add3A_339 : i32 to vector<16xi32>
      %lt3A_555 = arith.cmpi slt, %get3A_551, %lt3A_554 : vector<16xi32>
      %and3A_556 = arith.andi %ge3A_553, %lt3A_555 : vector<16xi1>
      %sub3A_557 = vector.broadcast %mul3A_337 : i32 to vector<16xi32>
      %sub3A_558 = arith.subi %get3A_551, %sub3A_557 : vector<16xi32>
      %broadcast_in_dim3A_559 = vector.broadcast %add3A_0 : i32 to vector<16xi32>
      %select_n3A_560 = arith.select %and3A_556, %sub3A_558, %broadcast_in_dim3A_559 : vector<16xi1>, vector<16xi32>
      %swap3A_561 = arith.constant 0 : i32
      %swap3A_562 = arith.index_cast %swap3A_561 : i32 to index
      %swap3A_563 = arith.constant 16 : index
      %swap3A_564 = tpu.vector_load %arg7[%swap3A_562, %swap3A_563] {strides = array<i32>} : memref<1x96xi32, #tpu.memory_space<vmem>>, vector<1x16xi32>,
      %swap3A_565 = vector.shape_cast %swap3A_564 : vector<1x16xi32> to vector<16xi32>
      %swap3A_566 = vector.shape_cast %select_n3A_560 : vector<16xi32> to vector<1x16xi32>
      tpu.vector_store %arg7[%swap3A_562, %swap3A_563], %swap3A_566 {strides = array<i32>} : memref<1x96xi32, #tpu.memory_space<vmem>>, vector<1x16xi32>,
      %get3A_567 = arith.constant 32 : index
      %get3A_568 = tpu.vector_load %arg6[%get3A_567] {strides = array<i32>} : memref<96xi32, #tpu.memory_space<vmem>>, vector<16xi32>,
      %get3A_569 = vector.shape_cast %get3A_568 : vector<16xi32> to vector<16xi32>
      %ge3A_570 = vector.broadcast %mul3A_337 : i32 to vector<16xi32>
      %ge3A_571 = arith.cmpi sge, %get3A_569, %ge3A_570 : vector<16xi32>
      %lt3A_572 = vector.broadcast %add3A_339 : i32 to vector<16xi32>
      %lt3A_573 = arith.cmpi slt, %get3A_569, %lt3A_572 : vector<16xi32>
      %and3A_574 = arith.andi %ge3A_571, %lt3A_573 : vector<16xi1>
      %sub3A_575 = vector.broadcast %mul3A_337 : i32 to vector<16xi32>
      %sub3A_576 = arith.subi %get3A_569, %sub3A_575 : vector<16xi32>
      %broadcast_in_dim3A_577 = vector.broadcast %add3A_0 : i32 to vector<16xi32>
      %select_n3A_578 = arith.select %and3A_574, %sub3A_576, %broadcast_in_dim3A_577 : vector<16xi1>, vector<16xi32>
      %swap3A_579 = arith.constant 0 : i32
      %swap3A_580 = arith.index_cast %swap3A_579 : i32 to index
      %swap3A_581 = arith.constant 32 : index
      %swap3A_582 = tpu.vector_load %arg7[%swap3A_580, %swap3A_581] {strides = array<i32>} : memref<1x96xi32, #tpu.memory_space<vmem>>, vector<1x16xi32>,
      %swap3A_583 = vector.shape_cast %swap3A_582 : vector<1x16xi32> to vector<16xi32>
      %swap3A_584 = vector.shape_cast %select_n3A_578 : vector<16xi32> to vector<1x16xi32>
      tpu.vector_store %arg7[%swap3A_580, %swap3A_581], %swap3A_584 {strides = array<i32>} : memref<1x96xi32, #tpu.memory_space<vmem>>, vector<1x16xi32>,
      %get3A_585 = arith.constant 48 : index
      %get3A_586 = tpu.vector_load %arg6[%get3A_585] {strides = array<i32>} : memref<96xi32, #tpu.memory_space<vmem>>, vector<16xi32>,
      %get3A_587 = vector.shape_cast %get3A_586 : vector<16xi32> to vector<16xi32>
      %ge3A_588 = vector.broadcast %mul3A_337 : i32 to vector<16xi32>
      %ge3A_589 = arith.cmpi sge, %get3A_587, %ge3A_588 : vector<16xi32>
      %lt3A_590 = vector.broadcast %add3A_339 : i32 to vector<16xi32>
      %lt3A_591 = arith.cmpi slt, %get3A_587, %lt3A_590 : vector<16xi32>
      %and3A_592 = arith.andi %ge3A_589, %lt3A_591 : vector<16xi1>
      %sub3A_593 = vector.broadcast %mul3A_337 : i32 to vector<16xi32>
      %sub3A_594 = arith.subi %get3A_587, %sub3A_593 : vector<16xi32>
      %broadcast_in_dim3A_595 = vector.broadcast %add3A_0 : i32 to vector<16xi32>
      %select_n3A_596 = arith.select %and3A_592, %sub3A_594, %broadcast_in_dim3A_595 : vector<16xi1>, vector<16xi32>
      %swap3A_597 = arith.constant 0 : i32
      %swap3A_598 = arith.index_cast %swap3A_597 : i32 to index
      %swap3A_599 = arith.constant 48 : index
      %swap3A_600 = tpu.vector_load %arg7[%swap3A_598, %swap3A_599] {strides = array<i32>} : memref<1x96xi32, #tpu.memory_space<vmem>>, vector<1x16xi32>,
      %swap3A_601 = vector.shape_cast %swap3A_600 : vector<1x16xi32> to vector<16xi32>
      %swap3A_602 = vector.shape_cast %select_n3A_596 : vector<16xi32> to vector<1x16xi32>
      tpu.vector_store %arg7[%swap3A_598, %swap3A_599], %swap3A_602 {strides = array<i32>} : memref<1x96xi32, #tpu.memory_space<vmem>>, vector<1x16xi32>,
      %get3A_603 = arith.constant 64 : index
      %get3A_604 = tpu.vector_load %arg6[%get3A_603] {strides = array<i32>} : memref<96xi32, #tpu.memory_space<vmem>>, vector<16xi32>,
      %get3A_605 = vector.shape_cast %get3A_604 : vector<16xi32> to vector<16xi32>
      %ge3A_606 = vector.broadcast %mul3A_337 : i32 to vector<16xi32>
      %ge3A_607 = arith.cmpi sge, %get3A_605, %ge3A_606 : vector<16xi32>
      %lt3A_608 = vector.broadcast %add3A_339 : i32 to vector<16xi32>
      %lt3A_609 = arith.cmpi slt, %get3A_605, %lt3A_608 : vector<16xi32>
      %and3A_610 = arith.andi %ge3A_607, %lt3A_609 : vector<16xi1>
      %sub3A_611 = vector.broadcast %mul3A_337 : i32 to vector<16xi32>
      %sub3A_612 = arith.subi %get3A_605, %sub3A_611 : vector<16xi32>
      %broadcast_in_dim3A_613 = vector.broadcast %add3A_0 : i32 to vector<16xi32>
      %select_n3A_614 = arith.select %and3A_610, %sub3A_612, %broadcast_in_dim3A_613 : vector<16xi1>, vector<16xi32>
      %swap3A_615 = arith.constant 0 : i32
      %swap3A_616 = arith.index_cast %swap3A_615 : i32 to index
      %swap3A_617 = arith.constant 64 : index
      %swap3A_618 = tpu.vector_load %arg7[%swap3A_616, %swap3A_617] {strides = array<i32>} : memref<1x96xi32, #tpu.memory_space<vmem>>, vector<1x16xi32>,
      %swap3A_619 = vector.shape_cast %swap3A_618 : vector<1x16xi32> to vector<16xi32>
      %swap3A_620 = vector.shape_cast %select_n3A_614 : vector<16xi32> to vector<1x16xi32>
      tpu.vector_store %arg7[%swap3A_616, %swap3A_617], %swap3A_620 {strides = array<i32>} : memref<1x96xi32, #tpu.memory_space<vmem>>, vector<1x16xi32>,
      %get3A_621 = arith.constant 80 : index
      %get3A_622 = tpu.vector_load %arg6[%get3A_621] {strides = array<i32>} : memref<96xi32, #tpu.memory_space<vmem>>, vector<16xi32>,
      %get3A_623 = vector.shape_cast %get3A_622 : vector<16xi32> to vector<16xi32>
      %ge3A_624 = vector.broadcast %mul3A_337 : i32 to vector<16xi32>
      %ge3A_625 = arith.cmpi sge, %get3A_623, %ge3A_624 : vector<16xi32>
      %lt3A_626 = vector.broadcast %add3A_339 : i32 to vector<16xi32>
      %lt3A_627 = arith.cmpi slt, %get3A_623, %lt3A_626 : vector<16xi32>
      %and3A_628 = arith.andi %ge3A_625, %lt3A_627 : vector<16xi1>
      %lt3A_629 = arith.constant 8 : i32
      %lt3A_630 = vector.broadcast %lt3A_629 : i32 to vector<16xi32>
      %lt3A_631 = arith.cmpi slt, %iota3A, %lt3A_630 : vector<16xi32>
      %and3A_632 = arith.andi %and3A_628, %lt3A_631 : vector<16xi1>
      %sub3A_633 = vector.broadcast %mul3A_337 : i32 to vector<16xi32>
      %sub3A_634 = arith.subi %get3A_623, %sub3A_633 : vector<16xi32>
      %broadcast_in_dim3A_635 = vector.broadcast %add3A_0 : i32 to vector<16xi32>
      %select_n3A_636 = arith.select %and3A_632, %sub3A_634, %broadcast_in_dim3A_635 : vector<16xi1>, vector<16xi32>
      %swap3A_637 = arith.constant 0 : i32
      %swap3A_638 = arith.index_cast %swap3A_637 : i32 to index
      %swap3A_639 = arith.constant 80 : index
      %swap3A_640 = tpu.vector_load %arg7[%swap3A_638, %swap3A_639] {strides = array<i32>} : memref<1x96xi32, #tpu.memory_space<vmem>>, vector<1x16xi32>,
      %swap3A_641 = vector.shape_cast %swap3A_640 : vector<1x16xi32> to vector<16xi32>
      %swap3A_642 = vector.shape_cast %select_n3A_636 : vector<16xi32> to vector<1x16xi32>
      tpu.vector_store %arg7[%swap3A_638, %swap3A_639], %swap3A_642 {strides = array<i32>} : memref<1x96xi32, #tpu.memory_space<vmem>>, vector<1x16xi32>,
      %run_scoped3A_643 = arith.constant 0 : i32
      "tpu.region"() ({
        %run_scoped3A_644 = tpu.sem_alloc : memref<!tpu.dma_semaphore, #tpu.memory_space<semaphore_mem>>
        %dma_start3A = arith.constant 0 : i32
        %dma_start3A_645 = tpu.memref_slice %arg7[%run_scoped3A_643, %dma_start3A] : memref<1x96xi32, #tpu.memory_space<vmem>> -> memref<1x96xi32, #tpu.memory_space<vmem>>
        %dma_start3A_646 = tpu.memref_squeeze %dma_start3A_645 : memref<1x96xi32, #tpu.memory_space<vmem>> -> memref<96xi32, #tpu.memory_space<vmem>>
        %dma_start3A_647 = arith.constant 0 : i32
        %dma_start3A_648 = arith.constant 0 : i32
        %dma_start3A_649 = tpu.memref_slice %arg11[%dma_start3A_647, %dma_start3A_648] : memref<10240x64xf32, #tpu.memory_space<vmem_shared>> -> memref<10240x64xf32, #tpu.memory_space<vmem_shared>>
        tpu.enqueue_indirect_dma source(%arg8 : memref<96x64xf32, #tpu.memory_space<vmem>>) target(%dma_start3A_649 : memref<10240x64xf32, #tpu.memory_space<vmem_shared>>) offsets(%dma_start3A_646 : memref<96xi32, #tpu.memory_space<vmem>>) semaphore(%run_scoped3A_644 : memref<!tpu.dma_semaphore, #tpu.memory_space<semaphore_mem>>) {add = true}
        %dma_wait3A = arith.constant 0 : i32
        %dma_wait3A_650 = tpu.memref_slice %arg7[%run_scoped3A_643, %dma_wait3A] : memref<1x96xi32, #tpu.memory_space<vmem>> -> memref<1x96xi32, #tpu.memory_space<vmem>>
        %dma_wait3A_651 = tpu.memref_squeeze %dma_wait3A_650 : memref<1x96xi32, #tpu.memory_space<vmem>> -> memref<96xi32, #tpu.memory_space<vmem>>
        %dma_wait3A_652 = arith.constant 0 : i32
        %dma_wait3A_653 = arith.constant 0 : i32
        %dma_wait3A_654 = tpu.memref_slice %arg11[%dma_wait3A_652, %dma_wait3A_653] : memref<10240x64xf32, #tpu.memory_space<vmem_shared>> -> memref<10240x64xf32, #tpu.memory_space<vmem_shared>>
        tpu.wait_indirect_dma semaphore(%run_scoped3A_644 : memref<!tpu.dma_semaphore, #tpu.memory_space<semaphore_mem>>) src(%arg8 : memref<96x64xf32, #tpu.memory_space<vmem>>) dst(%dma_wait3A_654 : memref<10240x64xf32, #tpu.memory_space<vmem_shared>>)
        tpu.yield
      }) : () -> ()
    }
    %scan3A_366 = arith.constant 123 : i32
    %barrier3A_367 = arith.constant 0 : index
    tpu.barrier barrier_id(%barrier3A_367)
    %mul3A_368 = arith.constant 640 : i32
    %mul3A_369 = arith.muli %arg1, %mul3A_368 : i32
    %add3A_370 = arith.constant 0 : i32
    %add3A_371 = arith.addi %mul3A_369, %add3A_370 : i32
    "tpu.region"() ({
      %run_scoped3A_533 = tpu.sem_alloc : memref<!tpu.dma_semaphore, #tpu.memory_space<semaphore_mem>>
      %dma_start3A = arith.constant 0 : i32
      %dma_start3A_534 = tpu.memref_slice %arg11[%add3A_371, %dma_start3A] : memref<10240x64xf32, #tpu.memory_space<vmem_shared>> -> memref<128x64xf32, #tpu.memory_space<vmem_shared>>
      %dma_start3A_535 = arith.constant 0 : i32
      %dma_start3A_536 = tpu.memref_slice %arg11[%add3A_371, %dma_start3A_535] : memref<10240x64xf32, #tpu.memory_space<vmem_shared>> -> memref<128x64xf32, #tpu.memory_space<vmem_shared>>
      tpu.enqueue_dma source(%dma_start3A_536 : memref<128x64xf32, #tpu.memory_space<vmem_shared>>) target(%arg10 : memref<128x64xf32, #tpu.memory_space<vmem>>) target_semaphore(%run_scoped3A_533 : memref<!tpu.dma_semaphore, #tpu.memory_space<semaphore_mem>>)
      %dma_wait3A = arith.constant 0 : i32
      %dma_wait3A_537 = tpu.memref_slice %arg11[%add3A_371, %dma_wait3A] : memref<10240x64xf32, #tpu.memory_space<vmem_shared>> -> memref<128x64xf32, #tpu.memory_space<vmem_shared>>
      %dma_wait3A_538 = arith.constant 0 : i32
      %dma_wait3A_539 = tpu.memref_slice %arg11[%add3A_371, %dma_wait3A_538] : memref<10240x64xf32, #tpu.memory_space<vmem_shared>> -> memref<128x64xf32, #tpu.memory_space<vmem_shared>>
      tpu.wait_dma2 semaphore(%run_scoped3A_533 : memref<!tpu.dma_semaphore, #tpu.memory_space<semaphore_mem>>) src(%dma_wait3A_539 : memref<128x64xf32, #tpu.memory_space<vmem_shared>>) dst(%arg10 : memref<128x64xf32, #tpu.memory_space<vmem>>)
      tpu.yield
    }) : () -> ()
    %run_scoped3A_372 = arith.constant 2 : i32
    %run_scoped3A_373 = arith.constant 1 : i32
    "tpu.region"() ({
      %run_scoped3A_533 = tpu.sem_alloc : memref<!tpu.dma_semaphore, #tpu.memory_space<semaphore_mem>>
      %dma_start3A = arith.constant 0 : i32
      %dma_start3A_534 = tpu.memref_slice %arg5[%run_scoped3A_372, %arg0, %run_scoped3A_373, %add3A_371, %dma_start3A] : memref<4x2x2x10240x64xf32, #tpu.memory_space<hbm>> -> memref<1x1x1x128x64xf32, #tpu.memory_space<hbm>>
      %dma_start3A_535 = tpu.memref_squeeze %dma_start3A_534 : memref<1x1x1x128x64xf32, #tpu.memory_space<hbm>> -> memref<128x64xf32, #tpu.memory_space<hbm>>
      %dma_start3A_536 = arith.constant 0 : i32
      %dma_start3A_537 = tpu.memref_slice %arg5[%run_scoped3A_372, %arg0, %run_scoped3A_373, %add3A_371, %dma_start3A_536] : memref<4x2x2x10240x64xf32, #tpu.memory_space<hbm>> -> memref<1x1x1x128x64xf32, #tpu.memory_space<hbm>>
      %dma_start3A_538 = tpu.memref_squeeze %dma_start3A_537 : memref<1x1x1x128x64xf32, #tpu.memory_space<hbm>> -> memref<128x64xf32, #tpu.memory_space<hbm>>
      tpu.enqueue_dma source(%arg10 : memref<128x64xf32, #tpu.memory_space<vmem>>) target(%dma_start3A_538 : memref<128x64xf32, #tpu.memory_space<hbm>>) target_semaphore(%run_scoped3A_533 : memref<!tpu.dma_semaphore, #tpu.memory_space<semaphore_mem>>)
      %dma_wait3A = arith.constant 0 : i32
      %dma_wait3A_539 = tpu.memref_slice %arg5[%run_scoped3A_372, %arg0, %run_scoped3A_373, %add3A_371, %dma_wait3A] : memref<4x2x2x10240x64xf32, #tpu.memory_space<hbm>> -> memref<1x1x1x128x64xf32, #tpu.memory_space<hbm>>
      %dma_wait3A_540 = tpu.memref_squeeze %dma_wait3A_539 : memref<1x1x1x128x64xf32, #tpu.memory_space<hbm>> -> memref<128x64xf32, #tpu.memory_space<hbm>>
      %dma_wait3A_541 = arith.constant 0 : i32
      %dma_wait3A_542 = tpu.memref_slice %arg5[%run_scoped3A_372, %arg0, %run_scoped3A_373, %add3A_371, %dma_wait3A_541] : memref<4x2x2x10240x64xf32, #tpu.memory_space<hbm>> -> memref<1x1x1x128x64xf32, #tpu.memory_space<hbm>>
      %dma_wait3A_543 = tpu.memref_squeeze %dma_wait3A_542 : memref<1x1x1x128x64xf32, #tpu.memory_space<hbm>> -> memref<128x64xf32, #tpu.memory_space<hbm>>
      tpu.wait_dma2 semaphore(%run_scoped3A_533 : memref<!tpu.dma_semaphore, #tpu.memory_space<semaphore_mem>>) src(%arg10 : memref<128x64xf32, #tpu.memory_space<vmem>>) dst(%dma_wait3A_543 : memref<128x64xf32, #tpu.memory_space<hbm>>)
      tpu.yield
    }) : () -> ()
    %mul3A_374 = arith.constant 640 : i32
    %mul3A_375 = arith.muli %arg1, %mul3A_374 : i32
    %add3A_376 = arith.constant 128 : i32
    %add3A_377 = arith.addi %mul3A_375, %add3A_376 : i32
    "tpu.region"() ({
      %run_scoped3A_533 = tpu.sem_alloc : memref<!tpu.dma_semaphore, #tpu.memory_space<semaphore_mem>>
      %dma_start3A = arith.constant 0 : i32
      %dma_start3A_534 = tpu.memref_slice %arg11[%add3A_377, %dma_start3A] : memref<10240x64xf32, #tpu.memory_space<vmem_shared>> -> memref<128x64xf32, #tpu.memory_space<vmem_shared>>
      %dma_start3A_535 = arith.constant 0 : i32
      %dma_start3A_536 = tpu.memref_slice %arg11[%add3A_377, %dma_start3A_535] : memref<10240x64xf32, #tpu.memory_space<vmem_shared>> -> memref<128x64xf32, #tpu.memory_space<vmem_shared>>
      tpu.enqueue_dma source(%dma_start3A_536 : memref<128x64xf32, #tpu.memory_space<vmem_shared>>) target(%arg10 : memref<128x64xf32, #tpu.memory_space<vmem>>) target_semaphore(%run_scoped3A_533 : memref<!tpu.dma_semaphore, #tpu.memory_space<semaphore_mem>>)
      %dma_wait3A = arith.constant 0 : i32
      %dma_wait3A_537 = tpu.memref_slice %arg11[%add3A_377, %dma_wait3A] : memref<10240x64xf32, #tpu.memory_space<vmem_shared>> -> memref<128x64xf32, #tpu.memory_space<vmem_shared>>
      %dma_wait3A_538 = arith.constant 0 : i32
      %dma_wait3A_539 = tpu.memref_slice %arg11[%add3A_377, %dma_wait3A_538] : memref<10240x64xf32, #tpu.memory_space<vmem_shared>> -> memref<128x64xf32, #tpu.memory_space<vmem_shared>>
      tpu.wait_dma2 semaphore(%run_scoped3A_533 : memref<!tpu.dma_semaphore, #tpu.memory_space<semaphore_mem>>) src(%dma_wait3A_539 : memref<128x64xf32, #tpu.memory_space<vmem_shared>>) dst(%arg10 : memref<128x64xf32, #tpu.memory_space<vmem>>)
      tpu.yield
    }) : () -> ()
    %run_scoped3A_378 = arith.constant 2 : i32
    %run_scoped3A_379 = arith.constant 1 : i32
    "tpu.region"() ({
      %run_scoped3A_533 = tpu.sem_alloc : memref<!tpu.dma_semaphore, #tpu.memory_space<semaphore_mem>>
      %dma_start3A = arith.constant 0 : i32
      %dma_start3A_534 = tpu.memref_slice %arg5[%run_scoped3A_378, %arg0, %run_scoped3A_379, %add3A_377, %dma_start3A] : memref<4x2x2x10240x64xf32, #tpu.memory_space<hbm>> -> memref<1x1x1x128x64xf32, #tpu.memory_space<hbm>>
      %dma_start3A_535 = tpu.memref_squeeze %dma_start3A_534 : memref<1x1x1x128x64xf32, #tpu.memory_space<hbm>> -> memref<128x64xf32, #tpu.memory_space<hbm>>
      %dma_start3A_536 = arith.constant 0 : i32
      %dma_start3A_537 = tpu.memref_slice %arg5[%run_scoped3A_378, %arg0, %run_scoped3A_379, %add3A_377, %dma_start3A_536] : memref<4x2x2x10240x64xf32, #tpu.memory_space<hbm>> -> memref<1x1x1x128x64xf32, #tpu.memory_space<hbm>>
      %dma_start3A_538 = tpu.memref_squeeze %dma_start3A_537 : memref<1x1x1x128x64xf32, #tpu.memory_space<hbm>> -> memref<128x64xf32, #tpu.memory_space<hbm>>
      tpu.enqueue_dma source(%arg10 : memref<128x64xf32, #tpu.memory_space<vmem>>) target(%dma_start3A_538 : memref<128x64xf32, #tpu.memory_space<hbm>>) target_semaphore(%run_scoped3A_533 : memref<!tpu.dma_semaphore, #tpu.memory_space<semaphore_mem>>)
      %dma_wait3A = arith.constant 0 : i32
      %dma_wait3A_539 = tpu.memref_slice %arg5[%run_scoped3A_378, %arg0, %run_scoped3A_379, %add3A_377, %dma_wait3A] : memref<4x2x2x10240x64xf32, #tpu.memory_space<hbm>> -> memref<1x1x1x128x64xf32, #tpu.memory_space<hbm>>
      %dma_wait3A_540 = tpu.memref_squeeze %dma_wait3A_539 : memref<1x1x1x128x64xf32, #tpu.memory_space<hbm>> -> memref<128x64xf32, #tpu.memory_space<hbm>>
      %dma_wait3A_541 = arith.constant 0 : i32
      %dma_wait3A_542 = tpu.memref_slice %arg5[%run_scoped3A_378, %arg0, %run_scoped3A_379, %add3A_377, %dma_wait3A_541] : memref<4x2x2x10240x64xf32, #tpu.memory_space<hbm>> -> memref<1x1x1x128x64xf32, #tpu.memory_space<hbm>>
      %dma_wait3A_543 = tpu.memref_squeeze %dma_wait3A_542 : memref<1x1x1x128x64xf32, #tpu.memory_space<hbm>> -> memref<128x64xf32, #tpu.memory_space<hbm>>
      tpu.wait_dma2 semaphore(%run_scoped3A_533 : memref<!tpu.dma_semaphore, #tpu.memory_space<semaphore_mem>>) src(%arg10 : memref<128x64xf32, #tpu.memory_space<vmem>>) dst(%dma_wait3A_543 : memref<128x64xf32, #tpu.memory_space<hbm>>)
      tpu.yield
    }) : () -> ()
    %mul3A_380 = arith.constant 640 : i32
    %mul3A_381 = arith.muli %arg1, %mul3A_380 : i32
    %add3A_382 = arith.constant 256 : i32
    %add3A_383 = arith.addi %mul3A_381, %add3A_382 : i32
    "tpu.region"() ({
      %run_scoped3A_533 = tpu.sem_alloc : memref<!tpu.dma_semaphore, #tpu.memory_space<semaphore_mem>>
      %dma_start3A = arith.constant 0 : i32
      %dma_start3A_534 = tpu.memref_slice %arg11[%add3A_383, %dma_start3A] : memref<10240x64xf32, #tpu.memory_space<vmem_shared>> -> memref<128x64xf32, #tpu.memory_space<vmem_shared>>
      %dma_start3A_535 = arith.constant 0 : i32
      %dma_start3A_536 = tpu.memref_slice %arg11[%add3A_383, %dma_start3A_535] : memref<10240x64xf32, #tpu.memory_space<vmem_shared>> -> memref<128x64xf32, #tpu.memory_space<vmem_shared>>
      tpu.enqueue_dma source(%dma_start3A_536 : memref<128x64xf32, #tpu.memory_space<vmem_shared>>) target(%arg10 : memref<128x64xf32, #tpu.memory_space<vmem>>) target_semaphore(%run_scoped3A_533 : memref<!tpu.dma_semaphore, #tpu.memory_space<semaphore_mem>>)
      %dma_wait3A = arith.constant 0 : i32
      %dma_wait3A_537 = tpu.memref_slice %arg11[%add3A_383, %dma_wait3A] : memref<10240x64xf32, #tpu.memory_space<vmem_shared>> -> memref<128x64xf32, #tpu.memory_space<vmem_shared>>
      %dma_wait3A_538 = arith.constant 0 : i32
      %dma_wait3A_539 = tpu.memref_slice %arg11[%add3A_383, %dma_wait3A_538] : memref<10240x64xf32, #tpu.memory_space<vmem_shared>> -> memref<128x64xf32, #tpu.memory_space<vmem_shared>>
      tpu.wait_dma2 semaphore(%run_scoped3A_533 : memref<!tpu.dma_semaphore, #tpu.memory_space<semaphore_mem>>) src(%dma_wait3A_539 : memref<128x64xf32, #tpu.memory_space<vmem_shared>>) dst(%arg10 : memref<128x64xf32, #tpu.memory_space<vmem>>)
      tpu.yield
    }) : () -> ()
    %run_scoped3A_384 = arith.constant 2 : i32
    %run_scoped3A_385 = arith.constant 1 : i32
    "tpu.region"() ({
      %run_scoped3A_533 = tpu.sem_alloc : memref<!tpu.dma_semaphore, #tpu.memory_space<semaphore_mem>>
      %dma_start3A = arith.constant 0 : i32
      %dma_start3A_534 = tpu.memref_slice %arg5[%run_scoped3A_384, %arg0, %run_scoped3A_385, %add3A_383, %dma_start3A] : memref<4x2x2x10240x64xf32, #tpu.memory_space<hbm>> -> memref<1x1x1x128x64xf32, #tpu.memory_space<hbm>>
      %dma_start3A_535 = tpu.memref_squeeze %dma_start3A_534 : memref<1x1x1x128x64xf32, #tpu.memory_space<hbm>> -> memref<128x64xf32, #tpu.memory_space<hbm>>
      %dma_start3A_536 = arith.constant 0 : i32
      %dma_start3A_537 = tpu.memref_slice %arg5[%run_scoped3A_384, %arg0, %run_scoped3A_385, %add3A_383, %dma_start3A_536] : memref<4x2x2x10240x64xf32, #tpu.memory_space<hbm>> -> memref<1x1x1x128x64xf32, #tpu.memory_space<hbm>>
      %dma_start3A_538 = tpu.memref_squeeze %dma_start3A_537 : memref<1x1x1x128x64xf32, #tpu.memory_space<hbm>> -> memref<128x64xf32, #tpu.memory_space<hbm>>
      tpu.enqueue_dma source(%arg10 : memref<128x64xf32, #tpu.memory_space<vmem>>) target(%dma_start3A_538 : memref<128x64xf32, #tpu.memory_space<hbm>>) target_semaphore(%run_scoped3A_533 : memref<!tpu.dma_semaphore, #tpu.memory_space<semaphore_mem>>)
      %dma_wait3A = arith.constant 0 : i32
      %dma_wait3A_539 = tpu.memref_slice %arg5[%run_scoped3A_384, %arg0, %run_scoped3A_385, %add3A_383, %dma_wait3A] : memref<4x2x2x10240x64xf32, #tpu.memory_space<hbm>> -> memref<1x1x1x128x64xf32, #tpu.memory_space<hbm>>
      %dma_wait3A_540 = tpu.memref_squeeze %dma_wait3A_539 : memref<1x1x1x128x64xf32, #tpu.memory_space<hbm>> -> memref<128x64xf32, #tpu.memory_space<hbm>>
      %dma_wait3A_541 = arith.constant 0 : i32
      %dma_wait3A_542 = tpu.memref_slice %arg5[%run_scoped3A_384, %arg0, %run_scoped3A_385, %add3A_383, %dma_wait3A_541] : memref<4x2x2x10240x64xf32, #tpu.memory_space<hbm>> -> memref<1x1x1x128x64xf32, #tpu.memory_space<hbm>>
      %dma_wait3A_543 = tpu.memref_squeeze %dma_wait3A_542 : memref<1x1x1x128x64xf32, #tpu.memory_space<hbm>> -> memref<128x64xf32, #tpu.memory_space<hbm>>
      tpu.wait_dma2 semaphore(%run_scoped3A_533 : memref<!tpu.dma_semaphore, #tpu.memory_space<semaphore_mem>>) src(%arg10 : memref<128x64xf32, #tpu.memory_space<vmem>>) dst(%dma_wait3A_543 : memref<128x64xf32, #tpu.memory_space<hbm>>)
      tpu.yield
    }) : () -> ()
    %mul3A_386 = arith.constant 640 : i32
    %mul3A_387 = arith.muli %arg1, %mul3A_386 : i32
    %add3A_388 = arith.constant 384 : i32
    %add3A_389 = arith.addi %mul3A_387, %add3A_388 : i32
    "tpu.region"() ({
      %run_scoped3A_533 = tpu.sem_alloc : memref<!tpu.dma_semaphore, #tpu.memory_space<semaphore_mem>>
      %dma_start3A = arith.constant 0 : i32
      %dma_start3A_534 = tpu.memref_slice %arg11[%add3A_389, %dma_start3A] : memref<10240x64xf32, #tpu.memory_space<vmem_shared>> -> memref<128x64xf32, #tpu.memory_space<vmem_shared>>
      %dma_start3A_535 = arith.constant 0 : i32
      %dma_start3A_536 = tpu.memref_slice %arg11[%add3A_389, %dma_start3A_535] : memref<10240x64xf32, #tpu.memory_space<vmem_shared>> -> memref<128x64xf32, #tpu.memory_space<vmem_shared>>
      tpu.enqueue_dma source(%dma_start3A_536 : memref<128x64xf32, #tpu.memory_space<vmem_shared>>) target(%arg10 : memref<128x64xf32, #tpu.memory_space<vmem>>) target_semaphore(%run_scoped3A_533 : memref<!tpu.dma_semaphore, #tpu.memory_space<semaphore_mem>>)
      %dma_wait3A = arith.constant 0 : i32
      %dma_wait3A_537 = tpu.memref_slice %arg11[%add3A_389, %dma_wait3A] : memref<10240x64xf32, #tpu.memory_space<vmem_shared>> -> memref<128x64xf32, #tpu.memory_space<vmem_shared>>
      %dma_wait3A_538 = arith.constant 0 : i32
      %dma_wait3A_539 = tpu.memref_slice %arg11[%add3A_389, %dma_wait3A_538] : memref<10240x64xf32, #tpu.memory_space<vmem_shared>> -> memref<128x64xf32, #tpu.memory_space<vmem_shared>>
      tpu.wait_dma2 semaphore(%run_scoped3A_533 : memref<!tpu.dma_semaphore, #tpu.memory_space<semaphore_mem>>) src(%dma_wait3A_539 : memref<128x64xf32, #tpu.memory_space<vmem_shared>>) dst(%arg10 : memref<128x64xf32, #tpu.memory_space<vmem>>)
      tpu.yield
    }) : () -> ()
    %run_scoped3A_390 = arith.constant 2 : i32
    %run_scoped3A_391 = arith.constant 1 : i32
    "tpu.region"() ({
      %run_scoped3A_533 = tpu.sem_alloc : memref<!tpu.dma_semaphore, #tpu.memory_space<semaphore_mem>>
      %dma_start3A = arith.constant 0 : i32
      %dma_start3A_534 = tpu.memref_slice %arg5[%run_scoped3A_390, %arg0, %run_scoped3A_391, %add3A_389, %dma_start3A] : memref<4x2x2x10240x64xf32, #tpu.memory_space<hbm>> -> memref<1x1x1x128x64xf32, #tpu.memory_space<hbm>>
      %dma_start3A_535 = tpu.memref_squeeze %dma_start3A_534 : memref<1x1x1x128x64xf32, #tpu.memory_space<hbm>> -> memref<128x64xf32, #tpu.memory_space<hbm>>
      %dma_start3A_536 = arith.constant 0 : i32
      %dma_start3A_537 = tpu.memref_slice %arg5[%run_scoped3A_390, %arg0, %run_scoped3A_391, %add3A_389, %dma_start3A_536] : memref<4x2x2x10240x64xf32, #tpu.memory_space<hbm>> -> memref<1x1x1x128x64xf32, #tpu.memory_space<hbm>>
      %dma_start3A_538 = tpu.memref_squeeze %dma_start3A_537 : memref<1x1x1x128x64xf32, #tpu.memory_space<hbm>> -> memref<128x64xf32, #tpu.memory_space<hbm>>
      tpu.enqueue_dma source(%arg10 : memref<128x64xf32, #tpu.memory_space<vmem>>) target(%dma_start3A_538 : memref<128x64xf32, #tpu.memory_space<hbm>>) target_semaphore(%run_scoped3A_533 : memref<!tpu.dma_semaphore, #tpu.memory_space<semaphore_mem>>)
      %dma_wait3A = arith.constant 0 : i32
      %dma_wait3A_539 = tpu.memref_slice %arg5[%run_scoped3A_390, %arg0, %run_scoped3A_391, %add3A_389, %dma_wait3A] : memref<4x2x2x10240x64xf32, #tpu.memory_space<hbm>> -> memref<1x1x1x128x64xf32, #tpu.memory_space<hbm>>
      %dma_wait3A_540 = tpu.memref_squeeze %dma_wait3A_539 : memref<1x1x1x128x64xf32, #tpu.memory_space<hbm>> -> memref<128x64xf32, #tpu.memory_space<hbm>>
      %dma_wait3A_541 = arith.constant 0 : i32
      %dma_wait3A_542 = tpu.memref_slice %arg5[%run_scoped3A_390, %arg0, %run_scoped3A_391, %add3A_389, %dma_wait3A_541] : memref<4x2x2x10240x64xf32, #tpu.memory_space<hbm>> -> memref<1x1x1x128x64xf32, #tpu.memory_space<hbm>>
      %dma_wait3A_543 = tpu.memref_squeeze %dma_wait3A_542 : memref<1x1x1x128x64xf32, #tpu.memory_space<hbm>> -> memref<128x64xf32, #tpu.memory_space<hbm>>
      tpu.wait_dma2 semaphore(%run_scoped3A_533 : memref<!tpu.dma_semaphore, #tpu.memory_space<semaphore_mem>>) src(%arg10 : memref<128x64xf32, #tpu.memory_space<vmem>>) dst(%dma_wait3A_543 : memref<128x64xf32, #tpu.memory_space<hbm>>)
      tpu.yield
    }) : () -> ()
    %mul3A_392 = arith.constant 640 : i32
    %mul3A_393 = arith.muli %arg1, %mul3A_392 : i32
    %add3A_394 = arith.constant 512 : i32
    %add3A_395 = arith.addi %mul3A_393, %add3A_394 : i32
    "tpu.region"() ({
      %run_scoped3A_533 = tpu.sem_alloc : memref<!tpu.dma_semaphore, #tpu.memory_space<semaphore_mem>>
      %dma_start3A = arith.constant 0 : i32
      %dma_start3A_534 = tpu.memref_slice %arg11[%add3A_395, %dma_start3A] : memref<10240x64xf32, #tpu.memory_space<vmem_shared>> -> memref<128x64xf32, #tpu.memory_space<vmem_shared>>
      %dma_start3A_535 = arith.constant 0 : i32
      %dma_start3A_536 = tpu.memref_slice %arg11[%add3A_395, %dma_start3A_535] : memref<10240x64xf32, #tpu.memory_space<vmem_shared>> -> memref<128x64xf32, #tpu.memory_space<vmem_shared>>
      tpu.enqueue_dma source(%dma_start3A_536 : memref<128x64xf32, #tpu.memory_space<vmem_shared>>) target(%arg10 : memref<128x64xf32, #tpu.memory_space<vmem>>) target_semaphore(%run_scoped3A_533 : memref<!tpu.dma_semaphore, #tpu.memory_space<semaphore_mem>>)
      %dma_wait3A = arith.constant 0 : i32
      %dma_wait3A_537 = tpu.memref_slice %arg11[%add3A_395, %dma_wait3A] : memref<10240x64xf32, #tpu.memory_space<vmem_shared>> -> memref<128x64xf32, #tpu.memory_space<vmem_shared>>
      %dma_wait3A_538 = arith.constant 0 : i32
      %dma_wait3A_539 = tpu.memref_slice %arg11[%add3A_395, %dma_wait3A_538] : memref<10240x64xf32, #tpu.memory_space<vmem_shared>> -> memref<128x64xf32, #tpu.memory_space<vmem_shared>>
      tpu.wait_dma2 semaphore(%run_scoped3A_533 : memref<!tpu.dma_semaphore, #tpu.memory_space<semaphore_mem>>) src(%dma_wait3A_539 : memref<128x64xf32, #tpu.memory_space<vmem_shared>>) dst(%arg10 : memref<128x64xf32, #tpu.memory_space<vmem>>)
      tpu.yield
    }) : () -> ()
    %run_scoped3A_396 = arith.constant 2 : i32
    %run_scoped3A_397 = arith.constant 1 : i32
    "tpu.region"() ({
      %run_scoped3A_533 = tpu.sem_alloc : memref<!tpu.dma_semaphore, #tpu.memory_space<semaphore_mem>>
      %dma_start3A = arith.constant 0 : i32
      %dma_start3A_534 = tpu.memref_slice %arg5[%run_scoped3A_396, %arg0, %run_scoped3A_397, %add3A_395, %dma_start3A] : memref<4x2x2x10240x64xf32, #tpu.memory_space<hbm>> -> memref<1x1x1x128x64xf32, #tpu.memory_space<hbm>>
      %dma_start3A_535 = tpu.memref_squeeze %dma_start3A_534 : memref<1x1x1x128x64xf32, #tpu.memory_space<hbm>> -> memref<128x64xf32, #tpu.memory_space<hbm>>
      %dma_start3A_536 = arith.constant 0 : i32
      %dma_start3A_537 = tpu.memref_slice %arg5[%run_scoped3A_396, %arg0, %run_scoped3A_397, %add3A_395, %dma_start3A_536] : memref<4x2x2x10240x64xf32, #tpu.memory_space<hbm>> -> memref<1x1x1x128x64xf32, #tpu.memory_space<hbm>>
      %dma_start3A_538 = tpu.memref_squeeze %dma_start3A_537 : memref<1x1x1x128x64xf32, #tpu.memory_space<hbm>> -> memref<128x64xf32, #tpu.memory_space<hbm>>
      tpu.enqueue_dma source(%arg10 : memref<128x64xf32, #tpu.memory_space<vmem>>) target(%dma_start3A_538 : memref<128x64xf32, #tpu.memory_space<hbm>>) target_semaphore(%run_scoped3A_533 : memref<!tpu.dma_semaphore, #tpu.memory_space<semaphore_mem>>)
      %dma_wait3A = arith.constant 0 : i32
      %dma_wait3A_539 = tpu.memref_slice %arg5[%run_scoped3A_396, %arg0, %run_scoped3A_397, %add3A_395, %dma_wait3A] : memref<4x2x2x10240x64xf32, #tpu.memory_space<hbm>> -> memref<1x1x1x128x64xf32, #tpu.memory_space<hbm>>
      %dma_wait3A_540 = tpu.memref_squeeze %dma_wait3A_539 : memref<1x1x1x128x64xf32, #tpu.memory_space<hbm>> -> memref<128x64xf32, #tpu.memory_space<hbm>>
      %dma_wait3A_541 = arith.constant 0 : i32
      %dma_wait3A_542 = tpu.memref_slice %arg5[%run_scoped3A_396, %arg0, %run_scoped3A_397, %add3A_395, %dma_wait3A_541] : memref<4x2x2x10240x64xf32, #tpu.memory_space<hbm>> -> memref<1x1x1x128x64xf32, #tpu.memory_space<hbm>>
      %dma_wait3A_543 = tpu.memref_squeeze %dma_wait3A_542 : memref<1x1x1x128x64xf32, #tpu.memory_space<hbm>> -> memref<128x64xf32, #tpu.memory_space<hbm>>
      tpu.wait_dma2 semaphore(%run_scoped3A_533 : memref<!tpu.dma_semaphore, #tpu.memory_space<semaphore_mem>>) src(%arg10 : memref<128x64xf32, #tpu.memory_space<vmem>>) dst(%dma_wait3A_543 : memref<128x64xf32, #tpu.memory_space<hbm>>)
      tpu.yield
    }) : () -> ()
    %barrier3A_398 = arith.constant 0 : index
    tpu.barrier barrier_id(%barrier3A_398)
    %mul3A_399 = arith.constant 2 : i32
    %mul3A_400 = arith.muli %arg0, %mul3A_399 : i32
    %add3A_401 = arith.constant 0 : i32
    %add3A_402 = arith.addi %mul3A_400, %add3A_401 : i32
    %mul3A_403 = arith.constant 10000 : i32
    %mul3A_404 = arith.muli %add3A_402, %mul3A_403 : i32
    %add3A_405 = arith.constant 10000 : i32
    %add3A_406 = arith.addi %mul3A_404, %add3A_405 : i32
    %mul3A_407 = arith.constant 640 : i32
    %mul3A_408 = arith.muli %arg1, %mul3A_407 : i32
    %add3A_409 = arith.constant 0 : i32
    %add3A_410 = arith.addi %mul3A_408, %add3A_409 : i32
    "tpu.region"() ({
      %run_scoped3A_533 = tpu.sem_alloc : memref<!tpu.dma_semaphore, #tpu.memory_space<semaphore_mem>>
      %dma_start3A = arith.constant 0 : i32
      %dma_start3A_534 = tpu.memref_slice %arg11[%add3A_410, %dma_start3A] : memref<10240x64xf32, #tpu.memory_space<vmem_shared>> -> memref<128x64xf32, #tpu.memory_space<vmem_shared>>
      %dma_start3A_535 = arith.constant 0 : i32
      %dma_start3A_536 = tpu.memref_slice %arg11[%add3A_410, %dma_start3A_535] : memref<10240x64xf32, #tpu.memory_space<vmem_shared>> -> memref<128x64xf32, #tpu.memory_space<vmem_shared>>
      tpu.enqueue_dma source(%arg9 : memref<128x64xf32, #tpu.memory_space<vmem>>) target(%dma_start3A_536 : memref<128x64xf32, #tpu.memory_space<vmem_shared>>) target_semaphore(%run_scoped3A_533 : memref<!tpu.dma_semaphore, #tpu.memory_space<semaphore_mem>>)
      %dma_wait3A = arith.constant 0 : i32
      %dma_wait3A_537 = tpu.memref_slice %arg11[%add3A_410, %dma_wait3A] : memref<10240x64xf32, #tpu.memory_space<vmem_shared>> -> memref<128x64xf32, #tpu.memory_space<vmem_shared>>
      %dma_wait3A_538 = arith.constant 0 : i32
      %dma_wait3A_539 = tpu.memref_slice %arg11[%add3A_410, %dma_wait3A_538] : memref<10240x64xf32, #tpu.memory_space<vmem_shared>> -> memref<128x64xf32, #tpu.memory_space<vmem_shared>>
      tpu.wait_dma2 semaphore(%run_scoped3A_533 : memref<!tpu.dma_semaphore, #tpu.memory_space<semaphore_mem>>) src(%arg9 : memref<128x64xf32, #tpu.memory_space<vmem>>) dst(%dma_wait3A_539 : memref<128x64xf32, #tpu.memory_space<vmem_shared>>)
      tpu.yield
    }) : () -> ()
    %mul3A_411 = arith.constant 640 : i32
    %mul3A_412 = arith.muli %arg1, %mul3A_411 : i32
    %add3A_413 = arith.constant 128 : i32
    %add3A_414 = arith.addi %mul3A_412, %add3A_413 : i32
    "tpu.region"() ({
      %run_scoped3A_533 = tpu.sem_alloc : memref<!tpu.dma_semaphore, #tpu.memory_space<semaphore_mem>>
      %dma_start3A = arith.constant 0 : i32
      %dma_start3A_534 = tpu.memref_slice %arg11[%add3A_414, %dma_start3A] : memref<10240x64xf32, #tpu.memory_space<vmem_shared>> -> memref<128x64xf32, #tpu.memory_space<vmem_shared>>
      %dma_start3A_535 = arith.constant 0 : i32
      %dma_start3A_536 = tpu.memref_slice %arg11[%add3A_414, %dma_start3A_535] : memref<10240x64xf32, #tpu.memory_space<vmem_shared>> -> memref<128x64xf32, #tpu.memory_space<vmem_shared>>
      tpu.enqueue_dma source(%arg9 : memref<128x64xf32, #tpu.memory_space<vmem>>) target(%dma_start3A_536 : memref<128x64xf32, #tpu.memory_space<vmem_shared>>) target_semaphore(%run_scoped3A_533 : memref<!tpu.dma_semaphore, #tpu.memory_space<semaphore_mem>>)
      %dma_wait3A = arith.constant 0 : i32
      %dma_wait3A_537 = tpu.memref_slice %arg11[%add3A_414, %dma_wait3A] : memref<10240x64xf32, #tpu.memory_space<vmem_shared>> -> memref<128x64xf32, #tpu.memory_space<vmem_shared>>
      %dma_wait3A_538 = arith.constant 0 : i32
      %dma_wait3A_539 = tpu.memref_slice %arg11[%add3A_414, %dma_wait3A_538] : memref<10240x64xf32, #tpu.memory_space<vmem_shared>> -> memref<128x64xf32, #tpu.memory_space<vmem_shared>>
      tpu.wait_dma2 semaphore(%run_scoped3A_533 : memref<!tpu.dma_semaphore, #tpu.memory_space<semaphore_mem>>) src(%arg9 : memref<128x64xf32, #tpu.memory_space<vmem>>) dst(%dma_wait3A_539 : memref<128x64xf32, #tpu.memory_space<vmem_shared>>)
      tpu.yield
    }) : () -> ()
    %mul3A_415 = arith.constant 640 : i32
    %mul3A_416 = arith.muli %arg1, %mul3A_415 : i32
    %add3A_417 = arith.constant 256 : i32
    %add3A_418 = arith.addi %mul3A_416, %add3A_417 : i32
    "tpu.region"() ({
      %run_scoped3A_533 = tpu.sem_alloc : memref<!tpu.dma_semaphore, #tpu.memory_space<semaphore_mem>>
      %dma_start3A = arith.constant 0 : i32
      %dma_start3A_534 = tpu.memref_slice %arg11[%add3A_418, %dma_start3A] : memref<10240x64xf32, #tpu.memory_space<vmem_shared>> -> memref<128x64xf32, #tpu.memory_space<vmem_shared>>
      %dma_start3A_535 = arith.constant 0 : i32
      %dma_start3A_536 = tpu.memref_slice %arg11[%add3A_418, %dma_start3A_535] : memref<10240x64xf32, #tpu.memory_space<vmem_shared>> -> memref<128x64xf32, #tpu.memory_space<vmem_shared>>
      tpu.enqueue_dma source(%arg9 : memref<128x64xf32, #tpu.memory_space<vmem>>) target(%dma_start3A_536 : memref<128x64xf32, #tpu.memory_space<vmem_shared>>) target_semaphore(%run_scoped3A_533 : memref<!tpu.dma_semaphore, #tpu.memory_space<semaphore_mem>>)
      %dma_wait3A = arith.constant 0 : i32
      %dma_wait3A_537 = tpu.memref_slice %arg11[%add3A_418, %dma_wait3A] : memref<10240x64xf32, #tpu.memory_space<vmem_shared>> -> memref<128x64xf32, #tpu.memory_space<vmem_shared>>
      %dma_wait3A_538 = arith.constant 0 : i32
      %dma_wait3A_539 = tpu.memref_slice %arg11[%add3A_418, %dma_wait3A_538] : memref<10240x64xf32, #tpu.memory_space<vmem_shared>> -> memref<128x64xf32, #tpu.memory_space<vmem_shared>>
      tpu.wait_dma2 semaphore(%run_scoped3A_533 : memref<!tpu.dma_semaphore, #tpu.memory_space<semaphore_mem>>) src(%arg9 : memref<128x64xf32, #tpu.memory_space<vmem>>) dst(%dma_wait3A_539 : memref<128x64xf32, #tpu.memory_space<vmem_shared>>)
      tpu.yield
    }) : () -> ()
    %mul3A_419 = arith.constant 640 : i32
    %mul3A_420 = arith.muli %arg1, %mul3A_419 : i32
    %add3A_421 = arith.constant 384 : i32
    %add3A_422 = arith.addi %mul3A_420, %add3A_421 : i32
    "tpu.region"() ({
      %run_scoped3A_533 = tpu.sem_alloc : memref<!tpu.dma_semaphore, #tpu.memory_space<semaphore_mem>>
      %dma_start3A = arith.constant 0 : i32
      %dma_start3A_534 = tpu.memref_slice %arg11[%add3A_422, %dma_start3A] : memref<10240x64xf32, #tpu.memory_space<vmem_shared>> -> memref<128x64xf32, #tpu.memory_space<vmem_shared>>
      %dma_start3A_535 = arith.constant 0 : i32
      %dma_start3A_536 = tpu.memref_slice %arg11[%add3A_422, %dma_start3A_535] : memref<10240x64xf32, #tpu.memory_space<vmem_shared>> -> memref<128x64xf32, #tpu.memory_space<vmem_shared>>
      tpu.enqueue_dma source(%arg9 : memref<128x64xf32, #tpu.memory_space<vmem>>) target(%dma_start3A_536 : memref<128x64xf32, #tpu.memory_space<vmem_shared>>) target_semaphore(%run_scoped3A_533 : memref<!tpu.dma_semaphore, #tpu.memory_space<semaphore_mem>>)
      %dma_wait3A = arith.constant 0 : i32
      %dma_wait3A_537 = tpu.memref_slice %arg11[%add3A_422, %dma_wait3A] : memref<10240x64xf32, #tpu.memory_space<vmem_shared>> -> memref<128x64xf32, #tpu.memory_space<vmem_shared>>
      %dma_wait3A_538 = arith.constant 0 : i32
      %dma_wait3A_539 = tpu.memref_slice %arg11[%add3A_422, %dma_wait3A_538] : memref<10240x64xf32, #tpu.memory_space<vmem_shared>> -> memref<128x64xf32, #tpu.memory_space<vmem_shared>>
      tpu.wait_dma2 semaphore(%run_scoped3A_533 : memref<!tpu.dma_semaphore, #tpu.memory_space<semaphore_mem>>) src(%arg9 : memref<128x64xf32, #tpu.memory_space<vmem>>) dst(%dma_wait3A_539 : memref<128x64xf32, #tpu.memory_space<vmem_shared>>)
      tpu.yield
    }) : () -> ()
    %mul3A_423 = arith.constant 640 : i32
    %mul3A_424 = arith.muli %arg1, %mul3A_423 : i32
    %add3A_425 = arith.constant 512 : i32
    %add3A_426 = arith.addi %mul3A_424, %add3A_425 : i32
    "tpu.region"() ({
      %run_scoped3A_533 = tpu.sem_alloc : memref<!tpu.dma_semaphore, #tpu.memory_space<semaphore_mem>>
      %dma_start3A = arith.constant 0 : i32
      %dma_start3A_534 = tpu.memref_slice %arg11[%add3A_426, %dma_start3A] : memref<10240x64xf32, #tpu.memory_space<vmem_shared>> -> memref<128x64xf32, #tpu.memory_space<vmem_shared>>
      %dma_start3A_535 = arith.constant 0 : i32
      %dma_start3A_536 = tpu.memref_slice %arg11[%add3A_426, %dma_start3A_535] : memref<10240x64xf32, #tpu.memory_space<vmem_shared>> -> memref<128x64xf32, #tpu.memory_space<vmem_shared>>
      tpu.enqueue_dma source(%arg9 : memref<128x64xf32, #tpu.memory_space<vmem>>) target(%dma_start3A_536 : memref<128x64xf32, #tpu.memory_space<vmem_shared>>) target_semaphore(%run_scoped3A_533 : memref<!tpu.dma_semaphore, #tpu.memory_space<semaphore_mem>>)
      %dma_wait3A = arith.constant 0 : i32
      %dma_wait3A_537 = tpu.memref_slice %arg11[%add3A_426, %dma_wait3A] : memref<10240x64xf32, #tpu.memory_space<vmem_shared>> -> memref<128x64xf32, #tpu.memory_space<vmem_shared>>
      %dma_wait3A_538 = arith.constant 0 : i32
      %dma_wait3A_539 = tpu.memref_slice %arg11[%add3A_426, %dma_wait3A_538] : memref<10240x64xf32, #tpu.memory_space<vmem_shared>> -> memref<128x64xf32, #tpu.memory_space<vmem_shared>>
      tpu.wait_dma2 semaphore(%run_scoped3A_533 : memref<!tpu.dma_semaphore, #tpu.memory_space<semaphore_mem>>) src(%arg9 : memref<128x64xf32, #tpu.memory_space<vmem>>) dst(%dma_wait3A_539 : memref<128x64xf32, #tpu.memory_space<vmem_shared>>)
      tpu.yield
    }) : () -> ()
    %barrier3A_427 = arith.constant 0 : index
    tpu.barrier barrier_id(%barrier3A_427)
    %scan3A_428 = arith.constant 0 : i32
    %scan3A_429 = arith.constant 0 : i32
    %scan3A_430 = arith.constant 123 : i32
    %scan3A_431 = arith.addi %scan3A_429, %scan3A_430 : i32
    %scan3A_432 = arith.constant 1 : i32
    scf.for %scan3A_533 = %scan3A_429 to %scan3A_431 step %scan3A_432  : i32 {
      %add3A_534 = arith.constant 48 : i32
      %add3A_535 = arith.addi %add3A_534, %arg1 : i32
      %run_scoped3A_536 = arith.constant 0 : i32
      "tpu.region"() ({
        %run_scoped3A_644 = tpu.sem_alloc : memref<!tpu.dma_semaphore, #tpu.memory_space<semaphore_mem>>
        %dma_start3A = arith.constant 0 : i32
        %dma_start3A_645 = tpu.memref_slice %arg6[%dma_start3A] : memref<96xi32, #tpu.memory_space<vmem>> -> memref<88xi32, #tpu.memory_space<vmem>>
        %dma_start3A_646 = arith.constant 0 : i32
        %dma_start3A_647 = tpu.memref_slice %arg3[%add3A_535, %scan3A_533, %run_scoped3A_536, %dma_start3A_646] : memref<64x123x1x88xi32, #tpu.memory_space<hbm>> -> memref<1x1x1x88xi32, #tpu.memory_space<hbm>>
        %dma_start3A_648 = tpu.memref_squeeze %dma_start3A_647 : memref<1x1x1x88xi32, #tpu.memory_space<hbm>> -> memref<88xi32, #tpu.memory_space<hbm>>
        %dma_start3A_649 = arith.constant 0 : i32
        %dma_start3A_650 = tpu.memref_slice %arg6[%dma_start3A_649] : memref<96xi32, #tpu.memory_space<vmem>> -> memref<88xi32, #tpu.memory_space<vmem>>
        %dma_start3A_651 = arith.constant 0 : i32
        %dma_start3A_652 = tpu.memref_slice %arg3[%add3A_535, %scan3A_533, %run_scoped3A_536, %dma_start3A_651] : memref<64x123x1x88xi32, #tpu.memory_space<hbm>> -> memref<1x1x1x88xi32, #tpu.memory_space<hbm>>
        %dma_start3A_653 = tpu.memref_squeeze %dma_start3A_652 : memref<1x1x1x88xi32, #tpu.memory_space<hbm>> -> memref<88xi32, #tpu.memory_space<hbm>>
        tpu.enqueue_dma source(%dma_start3A_653 : memref<88xi32, #tpu.memory_space<hbm>>) target(%dma_start3A_650 : memref<88xi32, #tpu.memory_space<vmem>>) target_semaphore(%run_scoped3A_644 : memref<!tpu.dma_semaphore, #tpu.memory_space<semaphore_mem>>)
        %dma_wait3A = arith.constant 0 : i32
        %dma_wait3A_654 = tpu.memref_slice %arg6[%dma_wait3A] : memref<96xi32, #tpu.memory_space<vmem>> -> memref<88xi32, #tpu.memory_space<vmem>>
        %dma_wait3A_655 = arith.constant 0 : i32
        %dma_wait3A_656 = tpu.memref_slice %arg3[%add3A_535, %scan3A_533, %run_scoped3A_536, %dma_wait3A_655] : memref<64x123x1x88xi32, #tpu.memory_space<hbm>> -> memref<1x1x1x88xi32, #tpu.memory_space<hbm>>
        %dma_wait3A_657 = tpu.memref_squeeze %dma_wait3A_656 : memref<1x1x1x88xi32, #tpu.memory_space<hbm>> -> memref<88xi32, #tpu.memory_space<hbm>>
        %dma_wait3A_658 = arith.constant 0 : i32
        %dma_wait3A_659 = tpu.memref_slice %arg6[%dma_wait3A_658] : memref<96xi32, #tpu.memory_space<vmem>> -> memref<88xi32, #tpu.memory_space<vmem>>
        %dma_wait3A_660 = arith.constant 0 : i32
        %dma_wait3A_661 = tpu.memref_slice %arg3[%add3A_535, %scan3A_533, %run_scoped3A_536, %dma_wait3A_660] : memref<64x123x1x88xi32, #tpu.memory_space<hbm>> -> memref<1x1x1x88xi32, #tpu.memory_space<hbm>>
        %dma_wait3A_662 = tpu.memref_squeeze %dma_wait3A_661 : memref<1x1x1x88xi32, #tpu.memory_space<hbm>> -> memref<88xi32, #tpu.memory_space<hbm>>
        tpu.wait_dma2 semaphore(%run_scoped3A_644 : memref<!tpu.dma_semaphore, #tpu.memory_space<semaphore_mem>>) src(%dma_wait3A_662 : memref<88xi32, #tpu.memory_space<hbm>>) dst(%dma_wait3A_659 : memref<88xi32, #tpu.memory_space<vmem>>)
        tpu.yield
      }) : () -> ()
      %add3A_537 = arith.constant 48 : i32
      %add3A_538 = arith.addi %add3A_537, %arg1 : i32
      "tpu.region"() ({
        %run_scoped3A_644 = tpu.sem_alloc : memref<!tpu.dma_semaphore, #tpu.memory_space<semaphore_mem>>
        %dma_start3A = arith.constant 0 : i32
        %dma_start3A_645 = arith.constant 0 : i32
        %dma_start3A_646 = tpu.memref_slice %arg8[%dma_start3A, %dma_start3A_645] : memref<96x64xf32, #tpu.memory_space<vmem>> -> memref<88x64xf32, #tpu.memory_space<vmem>>
        %dma_start3A_647 = arith.constant 0 : i32
        %dma_start3A_648 = arith.constant 0 : i32
        %dma_start3A_649 = tpu.memref_slice %arg2[%add3A_538, %scan3A_533, %dma_start3A_647, %dma_start3A_648] : memref<64x123x88x64xf32, #tpu.memory_space<hbm>> -> memref<1x1x88x64xf32, #tpu.memory_space<hbm>>
        %dma_start3A_650 = tpu.memref_squeeze %dma_start3A_649 : memref<1x1x88x64xf32, #tpu.memory_space<hbm>> -> memref<88x64xf32, #tpu.memory_space<hbm>>
        %dma_start3A_651 = arith.constant 0 : i32
        %dma_start3A_652 = arith.constant 0 : i32
        %dma_start3A_653 = tpu.memref_slice %arg8[%dma_start3A_651, %dma_start3A_652] : memref<96x64xf32, #tpu.memory_space<vmem>> -> memref<88x64xf32, #tpu.memory_space<vmem>>
        %dma_start3A_654 = arith.constant 0 : i32
        %dma_start3A_655 = arith.constant 0 : i32
        %dma_start3A_656 = tpu.memref_slice %arg2[%add3A_538, %scan3A_533, %dma_start3A_654, %dma_start3A_655] : memref<64x123x88x64xf32, #tpu.memory_space<hbm>> -> memref<1x1x88x64xf32, #tpu.memory_space<hbm>>
        %dma_start3A_657 = tpu.memref_squeeze %dma_start3A_656 : memref<1x1x88x64xf32, #tpu.memory_space<hbm>> -> memref<88x64xf32, #tpu.memory_space<hbm>>
        tpu.enqueue_dma source(%dma_start3A_657 : memref<88x64xf32, #tpu.memory_space<hbm>>) target(%dma_start3A_653 : memref<88x64xf32, #tpu.memory_space<vmem>>) target_semaphore(%run_scoped3A_644 : memref<!tpu.dma_semaphore, #tpu.memory_space<semaphore_mem>>)
        %dma_wait3A = arith.constant 0 : i32
        %dma_wait3A_658 = arith.constant 0 : i32
        %dma_wait3A_659 = tpu.memref_slice %arg8[%dma_wait3A, %dma_wait3A_658] : memref<96x64xf32, #tpu.memory_space<vmem>> -> memref<88x64xf32, #tpu.memory_space<vmem>>
        %dma_wait3A_660 = arith.constant 0 : i32
        %dma_wait3A_661 = arith.constant 0 : i32
        %dma_wait3A_662 = tpu.memref_slice %arg2[%add3A_538, %scan3A_533, %dma_wait3A_660, %dma_wait3A_661] : memref<64x123x88x64xf32, #tpu.memory_space<hbm>> -> memref<1x1x88x64xf32, #tpu.memory_space<hbm>>
        %dma_wait3A_663 = tpu.memref_squeeze %dma_wait3A_662 : memref<1x1x88x64xf32, #tpu.memory_space<hbm>> -> memref<88x64xf32, #tpu.memory_space<hbm>>
        %dma_wait3A_664 = arith.constant 0 : i32
        %dma_wait3A_665 = arith.constant 0 : i32
        %dma_wait3A_666 = tpu.memref_slice %arg8[%dma_wait3A_664, %dma_wait3A_665] : memref<96x64xf32, #tpu.memory_space<vmem>> -> memref<88x64xf32, #tpu.memory_space<vmem>>
        %dma_wait3A_667 = arith.constant 0 : i32
        %dma_wait3A_668 = arith.constant 0 : i32
        %dma_wait3A_669 = tpu.memref_slice %arg2[%add3A_538, %scan3A_533, %dma_wait3A_667, %dma_wait3A_668] : memref<64x123x88x64xf32, #tpu.memory_space<hbm>> -> memref<1x1x88x64xf32, #tpu.memory_space<hbm>>
        %dma_wait3A_670 = tpu.memref_squeeze %dma_wait3A_669 : memref<1x1x88x64xf32, #tpu.memory_space<hbm>> -> memref<88x64xf32, #tpu.memory_space<hbm>>
        tpu.wait_dma2 semaphore(%run_scoped3A_644 : memref<!tpu.dma_semaphore, #tpu.memory_space<semaphore_mem>>) src(%dma_wait3A_670 : memref<88x64xf32, #tpu.memory_space<hbm>>) dst(%dma_wait3A_666 : memref<88x64xf32, #tpu.memory_space<vmem>>)
        tpu.yield
      }) : () -> ()
      %get3A = arith.constant 0 : index
      %get3A_539 = tpu.vector_load %arg6[%get3A] {strides = array<i32>} : memref<96xi32, #tpu.memory_space<vmem>>, vector<16xi32>,
      %get3A_540 = vector.shape_cast %get3A_539 : vector<16xi32> to vector<16xi32>
      %ge3A = vector.broadcast %mul3A_404 : i32 to vector<16xi32>
      %ge3A_541 = arith.cmpi sge, %get3A_540, %ge3A : vector<16xi32>
      %lt3A = vector.broadcast %add3A_406 : i32 to vector<16xi32>
      %lt3A_542 = arith.cmpi slt, %get3A_540, %lt3A : vector<16xi32>
      %and3A = arith.andi %ge3A_541, %lt3A_542 : vector<16xi1>
      %sub3A = vector.broadcast %mul3A_404 : i32 to vector<16xi32>
      %sub3A_543 = arith.subi %get3A_540, %sub3A : vector<16xi32>
      %broadcast_in_dim3A = vector.broadcast %add3A_0 : i32 to vector<16xi32>
      %select_n3A = arith.select %and3A, %sub3A_543, %broadcast_in_dim3A : vector<16xi1>, vector<16xi32>
      %swap3A = arith.constant 0 : i32
      %swap3A_544 = arith.index_cast %swap3A : i32 to index
      %swap3A_545 = arith.constant 0 : index
      %swap3A_546 = tpu.vector_load %arg7[%swap3A_544, %swap3A_545] {strides = array<i32>} : memref<1x96xi32, #tpu.memory_space<vmem>>, vector<1x16xi32>,
      %swap3A_547 = vector.shape_cast %swap3A_546 : vector<1x16xi32> to vector<16xi32>
      %swap3A_548 = vector.shape_cast %select_n3A : vector<16xi32> to vector<1x16xi32>
      tpu.vector_store %arg7[%swap3A_544, %swap3A_545], %swap3A_548 {strides = array<i32>} : memref<1x96xi32, #tpu.memory_space<vmem>>, vector<1x16xi32>,
      %get3A_549 = arith.constant 16 : index
      %get3A_550 = tpu.vector_load %arg6[%get3A_549] {strides = array<i32>} : memref<96xi32, #tpu.memory_space<vmem>>, vector<16xi32>,
      %get3A_551 = vector.shape_cast %get3A_550 : vector<16xi32> to vector<16xi32>
      %ge3A_552 = vector.broadcast %mul3A_404 : i32 to vector<16xi32>
      %ge3A_553 = arith.cmpi sge, %get3A_551, %ge3A_552 : vector<16xi32>
      %lt3A_554 = vector.broadcast %add3A_406 : i32 to vector<16xi32>
      %lt3A_555 = arith.cmpi slt, %get3A_551, %lt3A_554 : vector<16xi32>
      %and3A_556 = arith.andi %ge3A_553, %lt3A_555 : vector<16xi1>
      %sub3A_557 = vector.broadcast %mul3A_404 : i32 to vector<16xi32>
      %sub3A_558 = arith.subi %get3A_551, %sub3A_557 : vector<16xi32>
      %broadcast_in_dim3A_559 = vector.broadcast %add3A_0 : i32 to vector<16xi32>
      %select_n3A_560 = arith.select %and3A_556, %sub3A_558, %broadcast_in_dim3A_559 : vector<16xi1>, vector<16xi32>
      %swap3A_561 = arith.constant 0 : i32
      %swap3A_562 = arith.index_cast %swap3A_561 : i32 to index
      %swap3A_563 = arith.constant 16 : index
      %swap3A_564 = tpu.vector_load %arg7[%swap3A_562, %swap3A_563] {strides = array<i32>} : memref<1x96xi32, #tpu.memory_space<vmem>>, vector<1x16xi32>,
      %swap3A_565 = vector.shape_cast %swap3A_564 : vector<1x16xi32> to vector<16xi32>
      %swap3A_566 = vector.shape_cast %select_n3A_560 : vector<16xi32> to vector<1x16xi32>
      tpu.vector_store %arg7[%swap3A_562, %swap3A_563], %swap3A_566 {strides = array<i32>} : memref<1x96xi32, #tpu.memory_space<vmem>>, vector<1x16xi32>,
      %get3A_567 = arith.constant 32 : index
      %get3A_568 = tpu.vector_load %arg6[%get3A_567] {strides = array<i32>} : memref<96xi32, #tpu.memory_space<vmem>>, vector<16xi32>,
      %get3A_569 = vector.shape_cast %get3A_568 : vector<16xi32> to vector<16xi32>
      %ge3A_570 = vector.broadcast %mul3A_404 : i32 to vector<16xi32>
      %ge3A_571 = arith.cmpi sge, %get3A_569, %ge3A_570 : vector<16xi32>
      %lt3A_572 = vector.broadcast %add3A_406 : i32 to vector<16xi32>
      %lt3A_573 = arith.cmpi slt, %get3A_569, %lt3A_572 : vector<16xi32>
      %and3A_574 = arith.andi %ge3A_571, %lt3A_573 : vector<16xi1>
      %sub3A_575 = vector.broadcast %mul3A_404 : i32 to vector<16xi32>
      %sub3A_576 = arith.subi %get3A_569, %sub3A_575 : vector<16xi32>
      %broadcast_in_dim3A_577 = vector.broadcast %add3A_0 : i32 to vector<16xi32>
      %select_n3A_578 = arith.select %and3A_574, %sub3A_576, %broadcast_in_dim3A_577 : vector<16xi1>, vector<16xi32>
      %swap3A_579 = arith.constant 0 : i32
      %swap3A_580 = arith.index_cast %swap3A_579 : i32 to index
      %swap3A_581 = arith.constant 32 : index
      %swap3A_582 = tpu.vector_load %arg7[%swap3A_580, %swap3A_581] {strides = array<i32>} : memref<1x96xi32, #tpu.memory_space<vmem>>, vector<1x16xi32>,
      %swap3A_583 = vector.shape_cast %swap3A_582 : vector<1x16xi32> to vector<16xi32>
      %swap3A_584 = vector.shape_cast %select_n3A_578 : vector<16xi32> to vector<1x16xi32>
      tpu.vector_store %arg7[%swap3A_580, %swap3A_581], %swap3A_584 {strides = array<i32>} : memref<1x96xi32, #tpu.memory_space<vmem>>, vector<1x16xi32>,
      %get3A_585 = arith.constant 48 : index
      %get3A_586 = tpu.vector_load %arg6[%get3A_585] {strides = array<i32>} : memref<96xi32, #tpu.memory_space<vmem>>, vector<16xi32>,
      %get3A_587 = vector.shape_cast %get3A_586 : vector<16xi32> to vector<16xi32>
      %ge3A_588 = vector.broadcast %mul3A_404 : i32 to vector<16xi32>
      %ge3A_589 = arith.cmpi sge, %get3A_587, %ge3A_588 : vector<16xi32>
      %lt3A_590 = vector.broadcast %add3A_406 : i32 to vector<16xi32>
      %lt3A_591 = arith.cmpi slt, %get3A_587, %lt3A_590 : vector<16xi32>
      %and3A_592 = arith.andi %ge3A_589, %lt3A_591 : vector<16xi1>
      %sub3A_593 = vector.broadcast %mul3A_404 : i32 to vector<16xi32>
      %sub3A_594 = arith.subi %get3A_587, %sub3A_593 : vector<16xi32>
      %broadcast_in_dim3A_595 = vector.broadcast %add3A_0 : i32 to vector<16xi32>
      %select_n3A_596 = arith.select %and3A_592, %sub3A_594, %broadcast_in_dim3A_595 : vector<16xi1>, vector<16xi32>
      %swap3A_597 = arith.constant 0 : i32
      %swap3A_598 = arith.index_cast %swap3A_597 : i32 to index
      %swap3A_599 = arith.constant 48 : index
      %swap3A_600 = tpu.vector_load %arg7[%swap3A_598, %swap3A_599] {strides = array<i32>} : memref<1x96xi32, #tpu.memory_space<vmem>>, vector<1x16xi32>,
      %swap3A_601 = vector.shape_cast %swap3A_600 : vector<1x16xi32> to vector<16xi32>
      %swap3A_602 = vector.shape_cast %select_n3A_596 : vector<16xi32> to vector<1x16xi32>
      tpu.vector_store %arg7[%swap3A_598, %swap3A_599], %swap3A_602 {strides = array<i32>} : memref<1x96xi32, #tpu.memory_space<vmem>>, vector<1x16xi32>,
      %get3A_603 = arith.constant 64 : index
      %get3A_604 = tpu.vector_load %arg6[%get3A_603] {strides = array<i32>} : memref<96xi32, #tpu.memory_space<vmem>>, vector<16xi32>,
      %get3A_605 = vector.shape_cast %get3A_604 : vector<16xi32> to vector<16xi32>
      %ge3A_606 = vector.broadcast %mul3A_404 : i32 to vector<16xi32>
      %ge3A_607 = arith.cmpi sge, %get3A_605, %ge3A_606 : vector<16xi32>
      %lt3A_608 = vector.broadcast %add3A_406 : i32 to vector<16xi32>
      %lt3A_609 = arith.cmpi slt, %get3A_605, %lt3A_608 : vector<16xi32>
      %and3A_610 = arith.andi %ge3A_607, %lt3A_609 : vector<16xi1>
      %sub3A_611 = vector.broadcast %mul3A_404 : i32 to vector<16xi32>
      %sub3A_612 = arith.subi %get3A_605, %sub3A_611 : vector<16xi32>
      %broadcast_in_dim3A_613 = vector.broadcast %add3A_0 : i32 to vector<16xi32>
      %select_n3A_614 = arith.select %and3A_610, %sub3A_612, %broadcast_in_dim3A_613 : vector<16xi1>, vector<16xi32>
      %swap3A_615 = arith.constant 0 : i32
      %swap3A_616 = arith.index_cast %swap3A_615 : i32 to index
      %swap3A_617 = arith.constant 64 : index
      %swap3A_618 = tpu.vector_load %arg7[%swap3A_616, %swap3A_617] {strides = array<i32>} : memref<1x96xi32, #tpu.memory_space<vmem>>, vector<1x16xi32>,
      %swap3A_619 = vector.shape_cast %swap3A_618 : vector<1x16xi32> to vector<16xi32>
      %swap3A_620 = vector.shape_cast %select_n3A_614 : vector<16xi32> to vector<1x16xi32>
      tpu.vector_store %arg7[%swap3A_616, %swap3A_617], %swap3A_620 {strides = array<i32>} : memref<1x96xi32, #tpu.memory_space<vmem>>, vector<1x16xi32>,
      %get3A_621 = arith.constant 80 : index
      %get3A_622 = tpu.vector_load %arg6[%get3A_621] {strides = array<i32>} : memref<96xi32, #tpu.memory_space<vmem>>, vector<16xi32>,
      %get3A_623 = vector.shape_cast %get3A_622 : vector<16xi32> to vector<16xi32>
      %ge3A_624 = vector.broadcast %mul3A_404 : i32 to vector<16xi32>
      %ge3A_625 = arith.cmpi sge, %get3A_623, %ge3A_624 : vector<16xi32>
      %lt3A_626 = vector.broadcast %add3A_406 : i32 to vector<16xi32>
      %lt3A_627 = arith.cmpi slt, %get3A_623, %lt3A_626 : vector<16xi32>
      %and3A_628 = arith.andi %ge3A_625, %lt3A_627 : vector<16xi1>
      %lt3A_629 = arith.constant 8 : i32
      %lt3A_630 = vector.broadcast %lt3A_629 : i32 to vector<16xi32>
      %lt3A_631 = arith.cmpi slt, %iota3A, %lt3A_630 : vector<16xi32>
      %and3A_632 = arith.andi %and3A_628, %lt3A_631 : vector<16xi1>
      %sub3A_633 = vector.broadcast %mul3A_404 : i32 to vector<16xi32>
      %sub3A_634 = arith.subi %get3A_623, %sub3A_633 : vector<16xi32>
      %broadcast_in_dim3A_635 = vector.broadcast %add3A_0 : i32 to vector<16xi32>
      %select_n3A_636 = arith.select %and3A_632, %sub3A_634, %broadcast_in_dim3A_635 : vector<16xi1>, vector<16xi32>
      %swap3A_637 = arith.constant 0 : i32
      %swap3A_638 = arith.index_cast %swap3A_637 : i32 to index
      %swap3A_639 = arith.constant 80 : index
      %swap3A_640 = tpu.vector_load %arg7[%swap3A_638, %swap3A_639] {strides = array<i32>} : memref<1x96xi32, #tpu.memory_space<vmem>>, vector<1x16xi32>,
      %swap3A_641 = vector.shape_cast %swap3A_640 : vector<1x16xi32> to vector<16xi32>
      %swap3A_642 = vector.shape_cast %select_n3A_636 : vector<16xi32> to vector<1x16xi32>
      tpu.vector_store %arg7[%swap3A_638, %swap3A_639], %swap3A_642 {strides = array<i32>} : memref<1x96xi32, #tpu.memory_space<vmem>>, vector<1x16xi32>,
      %run_scoped3A_643 = arith.constant 0 : i32
      "tpu.region"() ({
        %run_scoped3A_644 = tpu.sem_alloc : memref<!tpu.dma_semaphore, #tpu.memory_space<semaphore_mem>>
        %dma_start3A = arith.constant 0 : i32
        %dma_start3A_645 = tpu.memref_slice %arg7[%run_scoped3A_643, %dma_start3A] : memref<1x96xi32, #tpu.memory_space<vmem>> -> memref<1x96xi32, #tpu.memory_space<vmem>>
        %dma_start3A_646 = tpu.memref_squeeze %dma_start3A_645 : memref<1x96xi32, #tpu.memory_space<vmem>> -> memref<96xi32, #tpu.memory_space<vmem>>
        %dma_start3A_647 = arith.constant 0 : i32
        %dma_start3A_648 = arith.constant 0 : i32
        %dma_start3A_649 = tpu.memref_slice %arg11[%dma_start3A_647, %dma_start3A_648] : memref<10240x64xf32, #tpu.memory_space<vmem_shared>> -> memref<10240x64xf32, #tpu.memory_space<vmem_shared>>
        tpu.enqueue_indirect_dma source(%arg8 : memref<96x64xf32, #tpu.memory_space<vmem>>) target(%dma_start3A_649 : memref<10240x64xf32, #tpu.memory_space<vmem_shared>>) offsets(%dma_start3A_646 : memref<96xi32, #tpu.memory_space<vmem>>) semaphore(%run_scoped3A_644 : memref<!tpu.dma_semaphore, #tpu.memory_space<semaphore_mem>>) {add = true}
        %dma_wait3A = arith.constant 0 : i32
        %dma_wait3A_650 = tpu.memref_slice %arg7[%run_scoped3A_643, %dma_wait3A] : memref<1x96xi32, #tpu.memory_space<vmem>> -> memref<1x96xi32, #tpu.memory_space<vmem>>
        %dma_wait3A_651 = tpu.memref_squeeze %dma_wait3A_650 : memref<1x96xi32, #tpu.memory_space<vmem>> -> memref<96xi32, #tpu.memory_space<vmem>>
        %dma_wait3A_652 = arith.constant 0 : i32
        %dma_wait3A_653 = arith.constant 0 : i32
        %dma_wait3A_654 = tpu.memref_slice %arg11[%dma_wait3A_652, %dma_wait3A_653] : memref<10240x64xf32, #tpu.memory_space<vmem_shared>> -> memref<10240x64xf32, #tpu.memory_space<vmem_shared>>
        tpu.wait_indirect_dma semaphore(%run_scoped3A_644 : memref<!tpu.dma_semaphore, #tpu.memory_space<semaphore_mem>>) src(%arg8 : memref<96x64xf32, #tpu.memory_space<vmem>>) dst(%dma_wait3A_654 : memref<10240x64xf32, #tpu.memory_space<vmem_shared>>)
        tpu.yield
      }) : () -> ()
    }
    %scan3A_433 = arith.constant 123 : i32
    %barrier3A_434 = arith.constant 0 : index
    tpu.barrier barrier_id(%barrier3A_434)
    %mul3A_435 = arith.constant 640 : i32
    %mul3A_436 = arith.muli %arg1, %mul3A_435 : i32
    %add3A_437 = arith.constant 0 : i32
    %add3A_438 = arith.addi %mul3A_436, %add3A_437 : i32
    "tpu.region"() ({
      %run_scoped3A_533 = tpu.sem_alloc : memref<!tpu.dma_semaphore, #tpu.memory_space<semaphore_mem>>
      %dma_start3A = arith.constant 0 : i32
      %dma_start3A_534 = tpu.memref_slice %arg11[%add3A_438, %dma_start3A] : memref<10240x64xf32, #tpu.memory_space<vmem_shared>> -> memref<128x64xf32, #tpu.memory_space<vmem_shared>>
      %dma_start3A_535 = arith.constant 0 : i32
      %dma_start3A_536 = tpu.memref_slice %arg11[%add3A_438, %dma_start3A_535] : memref<10240x64xf32, #tpu.memory_space<vmem_shared>> -> memref<128x64xf32, #tpu.memory_space<vmem_shared>>
      tpu.enqueue_dma source(%dma_start3A_536 : memref<128x64xf32, #tpu.memory_space<vmem_shared>>) target(%arg10 : memref<128x64xf32, #tpu.memory_space<vmem>>) target_semaphore(%run_scoped3A_533 : memref<!tpu.dma_semaphore, #tpu.memory_space<semaphore_mem>>)
      %dma_wait3A = arith.constant 0 : i32
      %dma_wait3A_537 = tpu.memref_slice %arg11[%add3A_438, %dma_wait3A] : memref<10240x64xf32, #tpu.memory_space<vmem_shared>> -> memref<128x64xf32, #tpu.memory_space<vmem_shared>>
      %dma_wait3A_538 = arith.constant 0 : i32
      %dma_wait3A_539 = tpu.memref_slice %arg11[%add3A_438, %dma_wait3A_538] : memref<10240x64xf32, #tpu.memory_space<vmem_shared>> -> memref<128x64xf32, #tpu.memory_space<vmem_shared>>
      tpu.wait_dma2 semaphore(%run_scoped3A_533 : memref<!tpu.dma_semaphore, #tpu.memory_space<semaphore_mem>>) src(%dma_wait3A_539 : memref<128x64xf32, #tpu.memory_space<vmem_shared>>) dst(%arg10 : memref<128x64xf32, #tpu.memory_space<vmem>>)
      tpu.yield
    }) : () -> ()
    %run_scoped3A_439 = arith.constant 3 : i32
    %run_scoped3A_440 = arith.constant 0 : i32
    "tpu.region"() ({
      %run_scoped3A_533 = tpu.sem_alloc : memref<!tpu.dma_semaphore, #tpu.memory_space<semaphore_mem>>
      %dma_start3A = arith.constant 0 : i32
      %dma_start3A_534 = tpu.memref_slice %arg5[%run_scoped3A_439, %arg0, %run_scoped3A_440, %add3A_438, %dma_start3A] : memref<4x2x2x10240x64xf32, #tpu.memory_space<hbm>> -> memref<1x1x1x128x64xf32, #tpu.memory_space<hbm>>
      %dma_start3A_535 = tpu.memref_squeeze %dma_start3A_534 : memref<1x1x1x128x64xf32, #tpu.memory_space<hbm>> -> memref<128x64xf32, #tpu.memory_space<hbm>>
      %dma_start3A_536 = arith.constant 0 : i32
      %dma_start3A_537 = tpu.memref_slice %arg5[%run_scoped3A_439, %arg0, %run_scoped3A_440, %add3A_438, %dma_start3A_536] : memref<4x2x2x10240x64xf32, #tpu.memory_space<hbm>> -> memref<1x1x1x128x64xf32, #tpu.memory_space<hbm>>
      %dma_start3A_538 = tpu.memref_squeeze %dma_start3A_537 : memref<1x1x1x128x64xf32, #tpu.memory_space<hbm>> -> memref<128x64xf32, #tpu.memory_space<hbm>>
      tpu.enqueue_dma source(%arg10 : memref<128x64xf32, #tpu.memory_space<vmem>>) target(%dma_start3A_538 : memref<128x64xf32, #tpu.memory_space<hbm>>) target_semaphore(%run_scoped3A_533 : memref<!tpu.dma_semaphore, #tpu.memory_space<semaphore_mem>>)
      %dma_wait3A = arith.constant 0 : i32
      %dma_wait3A_539 = tpu.memref_slice %arg5[%run_scoped3A_439, %arg0, %run_scoped3A_440, %add3A_438, %dma_wait3A] : memref<4x2x2x10240x64xf32, #tpu.memory_space<hbm>> -> memref<1x1x1x128x64xf32, #tpu.memory_space<hbm>>
      %dma_wait3A_540 = tpu.memref_squeeze %dma_wait3A_539 : memref<1x1x1x128x64xf32, #tpu.memory_space<hbm>> -> memref<128x64xf32, #tpu.memory_space<hbm>>
      %dma_wait3A_541 = arith.constant 0 : i32
      %dma_wait3A_542 = tpu.memref_slice %arg5[%run_scoped3A_439, %arg0, %run_scoped3A_440, %add3A_438, %dma_wait3A_541] : memref<4x2x2x10240x64xf32, #tpu.memory_space<hbm>> -> memref<1x1x1x128x64xf32, #tpu.memory_space<hbm>>
      %dma_wait3A_543 = tpu.memref_squeeze %dma_wait3A_542 : memref<1x1x1x128x64xf32, #tpu.memory_space<hbm>> -> memref<128x64xf32, #tpu.memory_space<hbm>>
      tpu.wait_dma2 semaphore(%run_scoped3A_533 : memref<!tpu.dma_semaphore, #tpu.memory_space<semaphore_mem>>) src(%arg10 : memref<128x64xf32, #tpu.memory_space<vmem>>) dst(%dma_wait3A_543 : memref<128x64xf32, #tpu.memory_space<hbm>>)
      tpu.yield
    }) : () -> ()
    %mul3A_441 = arith.constant 640 : i32
    %mul3A_442 = arith.muli %arg1, %mul3A_441 : i32
    %add3A_443 = arith.constant 128 : i32
    %add3A_444 = arith.addi %mul3A_442, %add3A_443 : i32
    "tpu.region"() ({
      %run_scoped3A_533 = tpu.sem_alloc : memref<!tpu.dma_semaphore, #tpu.memory_space<semaphore_mem>>
      %dma_start3A = arith.constant 0 : i32
      %dma_start3A_534 = tpu.memref_slice %arg11[%add3A_444, %dma_start3A] : memref<10240x64xf32, #tpu.memory_space<vmem_shared>> -> memref<128x64xf32, #tpu.memory_space<vmem_shared>>
      %dma_start3A_535 = arith.constant 0 : i32
      %dma_start3A_536 = tpu.memref_slice %arg11[%add3A_444, %dma_start3A_535] : memref<10240x64xf32, #tpu.memory_space<vmem_shared>> -> memref<128x64xf32, #tpu.memory_space<vmem_shared>>
      tpu.enqueue_dma source(%dma_start3A_536 : memref<128x64xf32, #tpu.memory_space<vmem_shared>>) target(%arg10 : memref<128x64xf32, #tpu.memory_space<vmem>>) target_semaphore(%run_scoped3A_533 : memref<!tpu.dma_semaphore, #tpu.memory_space<semaphore_mem>>)
      %dma_wait3A = arith.constant 0 : i32
      %dma_wait3A_537 = tpu.memref_slice %arg11[%add3A_444, %dma_wait3A] : memref<10240x64xf32, #tpu.memory_space<vmem_shared>> -> memref<128x64xf32, #tpu.memory_space<vmem_shared>>
      %dma_wait3A_538 = arith.constant 0 : i32
      %dma_wait3A_539 = tpu.memref_slice %arg11[%add3A_444, %dma_wait3A_538] : memref<10240x64xf32, #tpu.memory_space<vmem_shared>> -> memref<128x64xf32, #tpu.memory_space<vmem_shared>>
      tpu.wait_dma2 semaphore(%run_scoped3A_533 : memref<!tpu.dma_semaphore, #tpu.memory_space<semaphore_mem>>) src(%dma_wait3A_539 : memref<128x64xf32, #tpu.memory_space<vmem_shared>>) dst(%arg10 : memref<128x64xf32, #tpu.memory_space<vmem>>)
      tpu.yield
    }) : () -> ()
    %run_scoped3A_445 = arith.constant 3 : i32
    %run_scoped3A_446 = arith.constant 0 : i32
    "tpu.region"() ({
      %run_scoped3A_533 = tpu.sem_alloc : memref<!tpu.dma_semaphore, #tpu.memory_space<semaphore_mem>>
      %dma_start3A = arith.constant 0 : i32
      %dma_start3A_534 = tpu.memref_slice %arg5[%run_scoped3A_445, %arg0, %run_scoped3A_446, %add3A_444, %dma_start3A] : memref<4x2x2x10240x64xf32, #tpu.memory_space<hbm>> -> memref<1x1x1x128x64xf32, #tpu.memory_space<hbm>>
      %dma_start3A_535 = tpu.memref_squeeze %dma_start3A_534 : memref<1x1x1x128x64xf32, #tpu.memory_space<hbm>> -> memref<128x64xf32, #tpu.memory_space<hbm>>
      %dma_start3A_536 = arith.constant 0 : i32
      %dma_start3A_537 = tpu.memref_slice %arg5[%run_scoped3A_445, %arg0, %run_scoped3A_446, %add3A_444, %dma_start3A_536] : memref<4x2x2x10240x64xf32, #tpu.memory_space<hbm>> -> memref<1x1x1x128x64xf32, #tpu.memory_space<hbm>>
      %dma_start3A_538 = tpu.memref_squeeze %dma_start3A_537 : memref<1x1x1x128x64xf32, #tpu.memory_space<hbm>> -> memref<128x64xf32, #tpu.memory_space<hbm>>
      tpu.enqueue_dma source(%arg10 : memref<128x64xf32, #tpu.memory_space<vmem>>) target(%dma_start3A_538 : memref<128x64xf32, #tpu.memory_space<hbm>>) target_semaphore(%run_scoped3A_533 : memref<!tpu.dma_semaphore, #tpu.memory_space<semaphore_mem>>)
      %dma_wait3A = arith.constant 0 : i32
      %dma_wait3A_539 = tpu.memref_slice %arg5[%run_scoped3A_445, %arg0, %run_scoped3A_446, %add3A_444, %dma_wait3A] : memref<4x2x2x10240x64xf32, #tpu.memory_space<hbm>> -> memref<1x1x1x128x64xf32, #tpu.memory_space<hbm>>
      %dma_wait3A_540 = tpu.memref_squeeze %dma_wait3A_539 : memref<1x1x1x128x64xf32, #tpu.memory_space<hbm>> -> memref<128x64xf32, #tpu.memory_space<hbm>>
      %dma_wait3A_541 = arith.constant 0 : i32
      %dma_wait3A_542 = tpu.memref_slice %arg5[%run_scoped3A_445, %arg0, %run_scoped3A_446, %add3A_444, %dma_wait3A_541] : memref<4x2x2x10240x64xf32, #tpu.memory_space<hbm>> -> memref<1x1x1x128x64xf32, #tpu.memory_space<hbm>>
      %dma_wait3A_543 = tpu.memref_squeeze %dma_wait3A_542 : memref<1x1x1x128x64xf32, #tpu.memory_space<hbm>> -> memref<128x64xf32, #tpu.memory_space<hbm>>
      tpu.wait_dma2 semaphore(%run_scoped3A_533 : memref<!tpu.dma_semaphore, #tpu.memory_space<semaphore_mem>>) src(%arg10 : memref<128x64xf32, #tpu.memory_space<vmem>>) dst(%dma_wait3A_543 : memref<128x64xf32, #tpu.memory_space<hbm>>)
      tpu.yield
    }) : () -> ()
    %mul3A_447 = arith.constant 640 : i32
    %mul3A_448 = arith.muli %arg1, %mul3A_447 : i32
    %add3A_449 = arith.constant 256 : i32
    %add3A_450 = arith.addi %mul3A_448, %add3A_449 : i32
    "tpu.region"() ({
      %run_scoped3A_533 = tpu.sem_alloc : memref<!tpu.dma_semaphore, #tpu.memory_space<semaphore_mem>>
      %dma_start3A = arith.constant 0 : i32
      %dma_start3A_534 = tpu.memref_slice %arg11[%add3A_450, %dma_start3A] : memref<10240x64xf32, #tpu.memory_space<vmem_shared>> -> memref<128x64xf32, #tpu.memory_space<vmem_shared>>
      %dma_start3A_535 = arith.constant 0 : i32
      %dma_start3A_536 = tpu.memref_slice %arg11[%add3A_450, %dma_start3A_535] : memref<10240x64xf32, #tpu.memory_space<vmem_shared>> -> memref<128x64xf32, #tpu.memory_space<vmem_shared>>
      tpu.enqueue_dma source(%dma_start3A_536 : memref<128x64xf32, #tpu.memory_space<vmem_shared>>) target(%arg10 : memref<128x64xf32, #tpu.memory_space<vmem>>) target_semaphore(%run_scoped3A_533 : memref<!tpu.dma_semaphore, #tpu.memory_space<semaphore_mem>>)
      %dma_wait3A = arith.constant 0 : i32
      %dma_wait3A_537 = tpu.memref_slice %arg11[%add3A_450, %dma_wait3A] : memref<10240x64xf32, #tpu.memory_space<vmem_shared>> -> memref<128x64xf32, #tpu.memory_space<vmem_shared>>
      %dma_wait3A_538 = arith.constant 0 : i32
      %dma_wait3A_539 = tpu.memref_slice %arg11[%add3A_450, %dma_wait3A_538] : memref<10240x64xf32, #tpu.memory_space<vmem_shared>> -> memref<128x64xf32, #tpu.memory_space<vmem_shared>>
      tpu.wait_dma2 semaphore(%run_scoped3A_533 : memref<!tpu.dma_semaphore, #tpu.memory_space<semaphore_mem>>) src(%dma_wait3A_539 : memref<128x64xf32, #tpu.memory_space<vmem_shared>>) dst(%arg10 : memref<128x64xf32, #tpu.memory_space<vmem>>)
      tpu.yield
    }) : () -> ()
    %run_scoped3A_451 = arith.constant 3 : i32
    %run_scoped3A_452 = arith.constant 0 : i32
    "tpu.region"() ({
      %run_scoped3A_533 = tpu.sem_alloc : memref<!tpu.dma_semaphore, #tpu.memory_space<semaphore_mem>>
      %dma_start3A = arith.constant 0 : i32
      %dma_start3A_534 = tpu.memref_slice %arg5[%run_scoped3A_451, %arg0, %run_scoped3A_452, %add3A_450, %dma_start3A] : memref<4x2x2x10240x64xf32, #tpu.memory_space<hbm>> -> memref<1x1x1x128x64xf32, #tpu.memory_space<hbm>>
      %dma_start3A_535 = tpu.memref_squeeze %dma_start3A_534 : memref<1x1x1x128x64xf32, #tpu.memory_space<hbm>> -> memref<128x64xf32, #tpu.memory_space<hbm>>
      %dma_start3A_536 = arith.constant 0 : i32
      %dma_start3A_537 = tpu.memref_slice %arg5[%run_scoped3A_451, %arg0, %run_scoped3A_452, %add3A_450, %dma_start3A_536] : memref<4x2x2x10240x64xf32, #tpu.memory_space<hbm>> -> memref<1x1x1x128x64xf32, #tpu.memory_space<hbm>>
      %dma_start3A_538 = tpu.memref_squeeze %dma_start3A_537 : memref<1x1x1x128x64xf32, #tpu.memory_space<hbm>> -> memref<128x64xf32, #tpu.memory_space<hbm>>
      tpu.enqueue_dma source(%arg10 : memref<128x64xf32, #tpu.memory_space<vmem>>) target(%dma_start3A_538 : memref<128x64xf32, #tpu.memory_space<hbm>>) target_semaphore(%run_scoped3A_533 : memref<!tpu.dma_semaphore, #tpu.memory_space<semaphore_mem>>)
      %dma_wait3A = arith.constant 0 : i32
      %dma_wait3A_539 = tpu.memref_slice %arg5[%run_scoped3A_451, %arg0, %run_scoped3A_452, %add3A_450, %dma_wait3A] : memref<4x2x2x10240x64xf32, #tpu.memory_space<hbm>> -> memref<1x1x1x128x64xf32, #tpu.memory_space<hbm>>
      %dma_wait3A_540 = tpu.memref_squeeze %dma_wait3A_539 : memref<1x1x1x128x64xf32, #tpu.memory_space<hbm>> -> memref<128x64xf32, #tpu.memory_space<hbm>>
      %dma_wait3A_541 = arith.constant 0 : i32
      %dma_wait3A_542 = tpu.memref_slice %arg5[%run_scoped3A_451, %arg0, %run_scoped3A_452, %add3A_450, %dma_wait3A_541] : memref<4x2x2x10240x64xf32, #tpu.memory_space<hbm>> -> memref<1x1x1x128x64xf32, #tpu.memory_space<hbm>>
      %dma_wait3A_543 = tpu.memref_squeeze %dma_wait3A_542 : memref<1x1x1x128x64xf32, #tpu.memory_space<hbm>> -> memref<128x64xf32, #tpu.memory_space<hbm>>
      tpu.wait_dma2 semaphore(%run_scoped3A_533 : memref<!tpu.dma_semaphore, #tpu.memory_space<semaphore_mem>>) src(%arg10 : memref<128x64xf32, #tpu.memory_space<vmem>>) dst(%dma_wait3A_543 : memref<128x64xf32, #tpu.memory_space<hbm>>)
      tpu.yield
    }) : () -> ()
    %mul3A_453 = arith.constant 640 : i32
    %mul3A_454 = arith.muli %arg1, %mul3A_453 : i32
    %add3A_455 = arith.constant 384 : i32
    %add3A_456 = arith.addi %mul3A_454, %add3A_455 : i32
    "tpu.region"() ({
      %run_scoped3A_533 = tpu.sem_alloc : memref<!tpu.dma_semaphore, #tpu.memory_space<semaphore_mem>>
      %dma_start3A = arith.constant 0 : i32
      %dma_start3A_534 = tpu.memref_slice %arg11[%add3A_456, %dma_start3A] : memref<10240x64xf32, #tpu.memory_space<vmem_shared>> -> memref<128x64xf32, #tpu.memory_space<vmem_shared>>
      %dma_start3A_535 = arith.constant 0 : i32
      %dma_start3A_536 = tpu.memref_slice %arg11[%add3A_456, %dma_start3A_535] : memref<10240x64xf32, #tpu.memory_space<vmem_shared>> -> memref<128x64xf32, #tpu.memory_space<vmem_shared>>
      tpu.enqueue_dma source(%dma_start3A_536 : memref<128x64xf32, #tpu.memory_space<vmem_shared>>) target(%arg10 : memref<128x64xf32, #tpu.memory_space<vmem>>) target_semaphore(%run_scoped3A_533 : memref<!tpu.dma_semaphore, #tpu.memory_space<semaphore_mem>>)
      %dma_wait3A = arith.constant 0 : i32
      %dma_wait3A_537 = tpu.memref_slice %arg11[%add3A_456, %dma_wait3A] : memref<10240x64xf32, #tpu.memory_space<vmem_shared>> -> memref<128x64xf32, #tpu.memory_space<vmem_shared>>
      %dma_wait3A_538 = arith.constant 0 : i32
      %dma_wait3A_539 = tpu.memref_slice %arg11[%add3A_456, %dma_wait3A_538] : memref<10240x64xf32, #tpu.memory_space<vmem_shared>> -> memref<128x64xf32, #tpu.memory_space<vmem_shared>>
      tpu.wait_dma2 semaphore(%run_scoped3A_533 : memref<!tpu.dma_semaphore, #tpu.memory_space<semaphore_mem>>) src(%dma_wait3A_539 : memref<128x64xf32, #tpu.memory_space<vmem_shared>>) dst(%arg10 : memref<128x64xf32, #tpu.memory_space<vmem>>)
      tpu.yield
    }) : () -> ()
    %run_scoped3A_457 = arith.constant 3 : i32
    %run_scoped3A_458 = arith.constant 0 : i32
    "tpu.region"() ({
      %run_scoped3A_533 = tpu.sem_alloc : memref<!tpu.dma_semaphore, #tpu.memory_space<semaphore_mem>>
      %dma_start3A = arith.constant 0 : i32
      %dma_start3A_534 = tpu.memref_slice %arg5[%run_scoped3A_457, %arg0, %run_scoped3A_458, %add3A_456, %dma_start3A] : memref<4x2x2x10240x64xf32, #tpu.memory_space<hbm>> -> memref<1x1x1x128x64xf32, #tpu.memory_space<hbm>>
      %dma_start3A_535 = tpu.memref_squeeze %dma_start3A_534 : memref<1x1x1x128x64xf32, #tpu.memory_space<hbm>> -> memref<128x64xf32, #tpu.memory_space<hbm>>
      %dma_start3A_536 = arith.constant 0 : i32
      %dma_start3A_537 = tpu.memref_slice %arg5[%run_scoped3A_457, %arg0, %run_scoped3A_458, %add3A_456, %dma_start3A_536] : memref<4x2x2x10240x64xf32, #tpu.memory_space<hbm>> -> memref<1x1x1x128x64xf32, #tpu.memory_space<hbm>>
      %dma_start3A_538 = tpu.memref_squeeze %dma_start3A_537 : memref<1x1x1x128x64xf32, #tpu.memory_space<hbm>> -> memref<128x64xf32, #tpu.memory_space<hbm>>
      tpu.enqueue_dma source(%arg10 : memref<128x64xf32, #tpu.memory_space<vmem>>) target(%dma_start3A_538 : memref<128x64xf32, #tpu.memory_space<hbm>>) target_semaphore(%run_scoped3A_533 : memref<!tpu.dma_semaphore, #tpu.memory_space<semaphore_mem>>)
      %dma_wait3A = arith.constant 0 : i32
      %dma_wait3A_539 = tpu.memref_slice %arg5[%run_scoped3A_457, %arg0, %run_scoped3A_458, %add3A_456, %dma_wait3A] : memref<4x2x2x10240x64xf32, #tpu.memory_space<hbm>> -> memref<1x1x1x128x64xf32, #tpu.memory_space<hbm>>
      %dma_wait3A_540 = tpu.memref_squeeze %dma_wait3A_539 : memref<1x1x1x128x64xf32, #tpu.memory_space<hbm>> -> memref<128x64xf32, #tpu.memory_space<hbm>>
      %dma_wait3A_541 = arith.constant 0 : i32
      %dma_wait3A_542 = tpu.memref_slice %arg5[%run_scoped3A_457, %arg0, %run_scoped3A_458, %add3A_456, %dma_wait3A_541] : memref<4x2x2x10240x64xf32, #tpu.memory_space<hbm>> -> memref<1x1x1x128x64xf32, #tpu.memory_space<hbm>>
      %dma_wait3A_543 = tpu.memref_squeeze %dma_wait3A_542 : memref<1x1x1x128x64xf32, #tpu.memory_space<hbm>> -> memref<128x64xf32, #tpu.memory_space<hbm>>
      tpu.wait_dma2 semaphore(%run_scoped3A_533 : memref<!tpu.dma_semaphore, #tpu.memory_space<semaphore_mem>>) src(%arg10 : memref<128x64xf32, #tpu.memory_space<vmem>>) dst(%dma_wait3A_543 : memref<128x64xf32, #tpu.memory_space<hbm>>)
      tpu.yield
    }) : () -> ()
    %mul3A_459 = arith.constant 640 : i32
    %mul3A_460 = arith.muli %arg1, %mul3A_459 : i32
    %add3A_461 = arith.constant 512 : i32
    %add3A_462 = arith.addi %mul3A_460, %add3A_461 : i32
    "tpu.region"() ({
      %run_scoped3A_533 = tpu.sem_alloc : memref<!tpu.dma_semaphore, #tpu.memory_space<semaphore_mem>>
      %dma_start3A = arith.constant 0 : i32
      %dma_start3A_534 = tpu.memref_slice %arg11[%add3A_462, %dma_start3A] : memref<10240x64xf32, #tpu.memory_space<vmem_shared>> -> memref<128x64xf32, #tpu.memory_space<vmem_shared>>
      %dma_start3A_535 = arith.constant 0 : i32
      %dma_start3A_536 = tpu.memref_slice %arg11[%add3A_462, %dma_start3A_535] : memref<10240x64xf32, #tpu.memory_space<vmem_shared>> -> memref<128x64xf32, #tpu.memory_space<vmem_shared>>
      tpu.enqueue_dma source(%dma_start3A_536 : memref<128x64xf32, #tpu.memory_space<vmem_shared>>) target(%arg10 : memref<128x64xf32, #tpu.memory_space<vmem>>) target_semaphore(%run_scoped3A_533 : memref<!tpu.dma_semaphore, #tpu.memory_space<semaphore_mem>>)
      %dma_wait3A = arith.constant 0 : i32
      %dma_wait3A_537 = tpu.memref_slice %arg11[%add3A_462, %dma_wait3A] : memref<10240x64xf32, #tpu.memory_space<vmem_shared>> -> memref<128x64xf32, #tpu.memory_space<vmem_shared>>
      %dma_wait3A_538 = arith.constant 0 : i32
      %dma_wait3A_539 = tpu.memref_slice %arg11[%add3A_462, %dma_wait3A_538] : memref<10240x64xf32, #tpu.memory_space<vmem_shared>> -> memref<128x64xf32, #tpu.memory_space<vmem_shared>>
      tpu.wait_dma2 semaphore(%run_scoped3A_533 : memref<!tpu.dma_semaphore, #tpu.memory_space<semaphore_mem>>) src(%dma_wait3A_539 : memref<128x64xf32, #tpu.memory_space<vmem_shared>>) dst(%arg10 : memref<128x64xf32, #tpu.memory_space<vmem>>)
      tpu.yield
    }) : () -> ()
    %run_scoped3A_463 = arith.constant 3 : i32
    %run_scoped3A_464 = arith.constant 0 : i32
    "tpu.region"() ({
      %run_scoped3A_533 = tpu.sem_alloc : memref<!tpu.dma_semaphore, #tpu.memory_space<semaphore_mem>>
      %dma_start3A = arith.constant 0 : i32
      %dma_start3A_534 = tpu.memref_slice %arg5[%run_scoped3A_463, %arg0, %run_scoped3A_464, %add3A_462, %dma_start3A] : memref<4x2x2x10240x64xf32, #tpu.memory_space<hbm>> -> memref<1x1x1x128x64xf32, #tpu.memory_space<hbm>>
      %dma_start3A_535 = tpu.memref_squeeze %dma_start3A_534 : memref<1x1x1x128x64xf32, #tpu.memory_space<hbm>> -> memref<128x64xf32, #tpu.memory_space<hbm>>
      %dma_start3A_536 = arith.constant 0 : i32
      %dma_start3A_537 = tpu.memref_slice %arg5[%run_scoped3A_463, %arg0, %run_scoped3A_464, %add3A_462, %dma_start3A_536] : memref<4x2x2x10240x64xf32, #tpu.memory_space<hbm>> -> memref<1x1x1x128x64xf32, #tpu.memory_space<hbm>>
      %dma_start3A_538 = tpu.memref_squeeze %dma_start3A_537 : memref<1x1x1x128x64xf32, #tpu.memory_space<hbm>> -> memref<128x64xf32, #tpu.memory_space<hbm>>
      tpu.enqueue_dma source(%arg10 : memref<128x64xf32, #tpu.memory_space<vmem>>) target(%dma_start3A_538 : memref<128x64xf32, #tpu.memory_space<hbm>>) target_semaphore(%run_scoped3A_533 : memref<!tpu.dma_semaphore, #tpu.memory_space<semaphore_mem>>)
      %dma_wait3A = arith.constant 0 : i32
      %dma_wait3A_539 = tpu.memref_slice %arg5[%run_scoped3A_463, %arg0, %run_scoped3A_464, %add3A_462, %dma_wait3A] : memref<4x2x2x10240x64xf32, #tpu.memory_space<hbm>> -> memref<1x1x1x128x64xf32, #tpu.memory_space<hbm>>
      %dma_wait3A_540 = tpu.memref_squeeze %dma_wait3A_539 : memref<1x1x1x128x64xf32, #tpu.memory_space<hbm>> -> memref<128x64xf32, #tpu.memory_space<hbm>>
      %dma_wait3A_541 = arith.constant 0 : i32
      %dma_wait3A_542 = tpu.memref_slice %arg5[%run_scoped3A_463, %arg0, %run_scoped3A_464, %add3A_462, %dma_wait3A_541] : memref<4x2x2x10240x64xf32, #tpu.memory_space<hbm>> -> memref<1x1x1x128x64xf32, #tpu.memory_space<hbm>>
      %dma_wait3A_543 = tpu.memref_squeeze %dma_wait3A_542 : memref<1x1x1x128x64xf32, #tpu.memory_space<hbm>> -> memref<128x64xf32, #tpu.memory_space<hbm>>
      tpu.wait_dma2 semaphore(%run_scoped3A_533 : memref<!tpu.dma_semaphore, #tpu.memory_space<semaphore_mem>>) src(%arg10 : memref<128x64xf32, #tpu.memory_space<vmem>>) dst(%dma_wait3A_543 : memref<128x64xf32, #tpu.memory_space<hbm>>)
      tpu.yield
    }) : () -> ()
    %barrier3A_465 = arith.constant 0 : index
    tpu.barrier barrier_id(%barrier3A_465)
    %mul3A_466 = arith.constant 2 : i32
    %mul3A_467 = arith.muli %arg0, %mul3A_466 : i32
    %add3A_468 = arith.constant 1 : i32
    %add3A_469 = arith.addi %mul3A_467, %add3A_468 : i32
    %mul3A_470 = arith.constant 10000 : i32
    %mul3A_471 = arith.muli %add3A_469, %mul3A_470 : i32
    %add3A_472 = arith.constant 10000 : i32
    %add3A_473 = arith.addi %mul3A_471, %add3A_472 : i32
    %mul3A_474 = arith.constant 640 : i32
    %mul3A_475 = arith.muli %arg1, %mul3A_474 : i32
    %add3A_476 = arith.constant 0 : i32
    %add3A_477 = arith.addi %mul3A_475, %add3A_476 : i32
    "tpu.region"() ({
      %run_scoped3A_533 = tpu.sem_alloc : memref<!tpu.dma_semaphore, #tpu.memory_space<semaphore_mem>>
      %dma_start3A = arith.constant 0 : i32
      %dma_start3A_534 = tpu.memref_slice %arg11[%add3A_477, %dma_start3A] : memref<10240x64xf32, #tpu.memory_space<vmem_shared>> -> memref<128x64xf32, #tpu.memory_space<vmem_shared>>
      %dma_start3A_535 = arith.constant 0 : i32
      %dma_start3A_536 = tpu.memref_slice %arg11[%add3A_477, %dma_start3A_535] : memref<10240x64xf32, #tpu.memory_space<vmem_shared>> -> memref<128x64xf32, #tpu.memory_space<vmem_shared>>
      tpu.enqueue_dma source(%arg9 : memref<128x64xf32, #tpu.memory_space<vmem>>) target(%dma_start3A_536 : memref<128x64xf32, #tpu.memory_space<vmem_shared>>) target_semaphore(%run_scoped3A_533 : memref<!tpu.dma_semaphore, #tpu.memory_space<semaphore_mem>>)
      %dma_wait3A = arith.constant 0 : i32
      %dma_wait3A_537 = tpu.memref_slice %arg11[%add3A_477, %dma_wait3A] : memref<10240x64xf32, #tpu.memory_space<vmem_shared>> -> memref<128x64xf32, #tpu.memory_space<vmem_shared>>
      %dma_wait3A_538 = arith.constant 0 : i32
      %dma_wait3A_539 = tpu.memref_slice %arg11[%add3A_477, %dma_wait3A_538] : memref<10240x64xf32, #tpu.memory_space<vmem_shared>> -> memref<128x64xf32, #tpu.memory_space<vmem_shared>>
      tpu.wait_dma2 semaphore(%run_scoped3A_533 : memref<!tpu.dma_semaphore, #tpu.memory_space<semaphore_mem>>) src(%arg9 : memref<128x64xf32, #tpu.memory_space<vmem>>) dst(%dma_wait3A_539 : memref<128x64xf32, #tpu.memory_space<vmem_shared>>)
      tpu.yield
    }) : () -> ()
    %mul3A_478 = arith.constant 640 : i32
    %mul3A_479 = arith.muli %arg1, %mul3A_478 : i32
    %add3A_480 = arith.constant 128 : i32
    %add3A_481 = arith.addi %mul3A_479, %add3A_480 : i32
    "tpu.region"() ({
      %run_scoped3A_533 = tpu.sem_alloc : memref<!tpu.dma_semaphore, #tpu.memory_space<semaphore_mem>>
      %dma_start3A = arith.constant 0 : i32
      %dma_start3A_534 = tpu.memref_slice %arg11[%add3A_481, %dma_start3A] : memref<10240x64xf32, #tpu.memory_space<vmem_shared>> -> memref<128x64xf32, #tpu.memory_space<vmem_shared>>
      %dma_start3A_535 = arith.constant 0 : i32
      %dma_start3A_536 = tpu.memref_slice %arg11[%add3A_481, %dma_start3A_535] : memref<10240x64xf32, #tpu.memory_space<vmem_shared>> -> memref<128x64xf32, #tpu.memory_space<vmem_shared>>
      tpu.enqueue_dma source(%arg9 : memref<128x64xf32, #tpu.memory_space<vmem>>) target(%dma_start3A_536 : memref<128x64xf32, #tpu.memory_space<vmem_shared>>) target_semaphore(%run_scoped3A_533 : memref<!tpu.dma_semaphore, #tpu.memory_space<semaphore_mem>>)
      %dma_wait3A = arith.constant 0 : i32
      %dma_wait3A_537 = tpu.memref_slice %arg11[%add3A_481, %dma_wait3A] : memref<10240x64xf32, #tpu.memory_space<vmem_shared>> -> memref<128x64xf32, #tpu.memory_space<vmem_shared>>
      %dma_wait3A_538 = arith.constant 0 : i32
      %dma_wait3A_539 = tpu.memref_slice %arg11[%add3A_481, %dma_wait3A_538] : memref<10240x64xf32, #tpu.memory_space<vmem_shared>> -> memref<128x64xf32, #tpu.memory_space<vmem_shared>>
      tpu.wait_dma2 semaphore(%run_scoped3A_533 : memref<!tpu.dma_semaphore, #tpu.memory_space<semaphore_mem>>) src(%arg9 : memref<128x64xf32, #tpu.memory_space<vmem>>) dst(%dma_wait3A_539 : memref<128x64xf32, #tpu.memory_space<vmem_shared>>)
      tpu.yield
    }) : () -> ()
    %mul3A_482 = arith.constant 640 : i32
    %mul3A_483 = arith.muli %arg1, %mul3A_482 : i32
    %add3A_484 = arith.constant 256 : i32
    %add3A_485 = arith.addi %mul3A_483, %add3A_484 : i32
    "tpu.region"() ({
      %run_scoped3A_533 = tpu.sem_alloc : memref<!tpu.dma_semaphore, #tpu.memory_space<semaphore_mem>>
      %dma_start3A = arith.constant 0 : i32
      %dma_start3A_534 = tpu.memref_slice %arg11[%add3A_485, %dma_start3A] : memref<10240x64xf32, #tpu.memory_space<vmem_shared>> -> memref<128x64xf32, #tpu.memory_space<vmem_shared>>
      %dma_start3A_535 = arith.constant 0 : i32
      %dma_start3A_536 = tpu.memref_slice %arg11[%add3A_485, %dma_start3A_535] : memref<10240x64xf32, #tpu.memory_space<vmem_shared>> -> memref<128x64xf32, #tpu.memory_space<vmem_shared>>
      tpu.enqueue_dma source(%arg9 : memref<128x64xf32, #tpu.memory_space<vmem>>) target(%dma_start3A_536 : memref<128x64xf32, #tpu.memory_space<vmem_shared>>) target_semaphore(%run_scoped3A_533 : memref<!tpu.dma_semaphore, #tpu.memory_space<semaphore_mem>>)
      %dma_wait3A = arith.constant 0 : i32
      %dma_wait3A_537 = tpu.memref_slice %arg11[%add3A_485, %dma_wait3A] : memref<10240x64xf32, #tpu.memory_space<vmem_shared>> -> memref<128x64xf32, #tpu.memory_space<vmem_shared>>
      %dma_wait3A_538 = arith.constant 0 : i32
      %dma_wait3A_539 = tpu.memref_slice %arg11[%add3A_485, %dma_wait3A_538] : memref<10240x64xf32, #tpu.memory_space<vmem_shared>> -> memref<128x64xf32, #tpu.memory_space<vmem_shared>>
      tpu.wait_dma2 semaphore(%run_scoped3A_533 : memref<!tpu.dma_semaphore, #tpu.memory_space<semaphore_mem>>) src(%arg9 : memref<128x64xf32, #tpu.memory_space<vmem>>) dst(%dma_wait3A_539 : memref<128x64xf32, #tpu.memory_space<vmem_shared>>)
      tpu.yield
    }) : () -> ()
    %mul3A_486 = arith.constant 640 : i32
    %mul3A_487 = arith.muli %arg1, %mul3A_486 : i32
    %add3A_488 = arith.constant 384 : i32
    %add3A_489 = arith.addi %mul3A_487, %add3A_488 : i32
    "tpu.region"() ({
      %run_scoped3A_533 = tpu.sem_alloc : memref<!tpu.dma_semaphore, #tpu.memory_space<semaphore_mem>>
      %dma_start3A = arith.constant 0 : i32
      %dma_start3A_534 = tpu.memref_slice %arg11[%add3A_489, %dma_start3A] : memref<10240x64xf32, #tpu.memory_space<vmem_shared>> -> memref<128x64xf32, #tpu.memory_space<vmem_shared>>
      %dma_start3A_535 = arith.constant 0 : i32
      %dma_start3A_536 = tpu.memref_slice %arg11[%add3A_489, %dma_start3A_535] : memref<10240x64xf32, #tpu.memory_space<vmem_shared>> -> memref<128x64xf32, #tpu.memory_space<vmem_shared>>
      tpu.enqueue_dma source(%arg9 : memref<128x64xf32, #tpu.memory_space<vmem>>) target(%dma_start3A_536 : memref<128x64xf32, #tpu.memory_space<vmem_shared>>) target_semaphore(%run_scoped3A_533 : memref<!tpu.dma_semaphore, #tpu.memory_space<semaphore_mem>>)
      %dma_wait3A = arith.constant 0 : i32
      %dma_wait3A_537 = tpu.memref_slice %arg11[%add3A_489, %dma_wait3A] : memref<10240x64xf32, #tpu.memory_space<vmem_shared>> -> memref<128x64xf32, #tpu.memory_space<vmem_shared>>
      %dma_wait3A_538 = arith.constant 0 : i32
      %dma_wait3A_539 = tpu.memref_slice %arg11[%add3A_489, %dma_wait3A_538] : memref<10240x64xf32, #tpu.memory_space<vmem_shared>> -> memref<128x64xf32, #tpu.memory_space<vmem_shared>>
      tpu.wait_dma2 semaphore(%run_scoped3A_533 : memref<!tpu.dma_semaphore, #tpu.memory_space<semaphore_mem>>) src(%arg9 : memref<128x64xf32, #tpu.memory_space<vmem>>) dst(%dma_wait3A_539 : memref<128x64xf32, #tpu.memory_space<vmem_shared>>)
      tpu.yield
    }) : () -> ()
    %mul3A_490 = arith.constant 640 : i32
    %mul3A_491 = arith.muli %arg1, %mul3A_490 : i32
    %add3A_492 = arith.constant 512 : i32
    %add3A_493 = arith.addi %mul3A_491, %add3A_492 : i32
    "tpu.region"() ({
      %run_scoped3A_533 = tpu.sem_alloc : memref<!tpu.dma_semaphore, #tpu.memory_space<semaphore_mem>>
      %dma_start3A = arith.constant 0 : i32
      %dma_start3A_534 = tpu.memref_slice %arg11[%add3A_493, %dma_start3A] : memref<10240x64xf32, #tpu.memory_space<vmem_shared>> -> memref<128x64xf32, #tpu.memory_space<vmem_shared>>
      %dma_start3A_535 = arith.constant 0 : i32
      %dma_start3A_536 = tpu.memref_slice %arg11[%add3A_493, %dma_start3A_535] : memref<10240x64xf32, #tpu.memory_space<vmem_shared>> -> memref<128x64xf32, #tpu.memory_space<vmem_shared>>
      tpu.enqueue_dma source(%arg9 : memref<128x64xf32, #tpu.memory_space<vmem>>) target(%dma_start3A_536 : memref<128x64xf32, #tpu.memory_space<vmem_shared>>) target_semaphore(%run_scoped3A_533 : memref<!tpu.dma_semaphore, #tpu.memory_space<semaphore_mem>>)
      %dma_wait3A = arith.constant 0 : i32
      %dma_wait3A_537 = tpu.memref_slice %arg11[%add3A_493, %dma_wait3A] : memref<10240x64xf32, #tpu.memory_space<vmem_shared>> -> memref<128x64xf32, #tpu.memory_space<vmem_shared>>
      %dma_wait3A_538 = arith.constant 0 : i32
      %dma_wait3A_539 = tpu.memref_slice %arg11[%add3A_493, %dma_wait3A_538] : memref<10240x64xf32, #tpu.memory_space<vmem_shared>> -> memref<128x64xf32, #tpu.memory_space<vmem_shared>>
      tpu.wait_dma2 semaphore(%run_scoped3A_533 : memref<!tpu.dma_semaphore, #tpu.memory_space<semaphore_mem>>) src(%arg9 : memref<128x64xf32, #tpu.memory_space<vmem>>) dst(%dma_wait3A_539 : memref<128x64xf32, #tpu.memory_space<vmem_shared>>)
      tpu.yield
    }) : () -> ()
    %barrier3A_494 = arith.constant 0 : index
    tpu.barrier barrier_id(%barrier3A_494)
    %scan3A_495 = arith.constant 0 : i32
    %scan3A_496 = arith.constant 0 : i32
    %scan3A_497 = arith.constant 123 : i32
    %scan3A_498 = arith.addi %scan3A_496, %scan3A_497 : i32
    %scan3A_499 = arith.constant 1 : i32
    scf.for %scan3A_533 = %scan3A_496 to %scan3A_498 step %scan3A_499  : i32 {
      %add3A_534 = arith.constant 48 : i32
      %add3A_535 = arith.addi %add3A_534, %arg1 : i32
      %run_scoped3A_536 = arith.constant 0 : i32
      "tpu.region"() ({
        %run_scoped3A_644 = tpu.sem_alloc : memref<!tpu.dma_semaphore, #tpu.memory_space<semaphore_mem>>
        %dma_start3A = arith.constant 0 : i32
        %dma_start3A_645 = tpu.memref_slice %arg6[%dma_start3A] : memref<96xi32, #tpu.memory_space<vmem>> -> memref<88xi32, #tpu.memory_space<vmem>>
        %dma_start3A_646 = arith.constant 0 : i32
        %dma_start3A_647 = tpu.memref_slice %arg3[%add3A_535, %scan3A_533, %run_scoped3A_536, %dma_start3A_646] : memref<64x123x1x88xi32, #tpu.memory_space<hbm>> -> memref<1x1x1x88xi32, #tpu.memory_space<hbm>>
        %dma_start3A_648 = tpu.memref_squeeze %dma_start3A_647 : memref<1x1x1x88xi32, #tpu.memory_space<hbm>> -> memref<88xi32, #tpu.memory_space<hbm>>
        %dma_start3A_649 = arith.constant 0 : i32
        %dma_start3A_650 = tpu.memref_slice %arg6[%dma_start3A_649] : memref<96xi32, #tpu.memory_space<vmem>> -> memref<88xi32, #tpu.memory_space<vmem>>
        %dma_start3A_651 = arith.constant 0 : i32
        %dma_start3A_652 = tpu.memref_slice %arg3[%add3A_535, %scan3A_533, %run_scoped3A_536, %dma_start3A_651] : memref<64x123x1x88xi32, #tpu.memory_space<hbm>> -> memref<1x1x1x88xi32, #tpu.memory_space<hbm>>
        %dma_start3A_653 = tpu.memref_squeeze %dma_start3A_652 : memref<1x1x1x88xi32, #tpu.memory_space<hbm>> -> memref<88xi32, #tpu.memory_space<hbm>>
        tpu.enqueue_dma source(%dma_start3A_653 : memref<88xi32, #tpu.memory_space<hbm>>) target(%dma_start3A_650 : memref<88xi32, #tpu.memory_space<vmem>>) target_semaphore(%run_scoped3A_644 : memref<!tpu.dma_semaphore, #tpu.memory_space<semaphore_mem>>)
        %dma_wait3A = arith.constant 0 : i32
        %dma_wait3A_654 = tpu.memref_slice %arg6[%dma_wait3A] : memref<96xi32, #tpu.memory_space<vmem>> -> memref<88xi32, #tpu.memory_space<vmem>>
        %dma_wait3A_655 = arith.constant 0 : i32
        %dma_wait3A_656 = tpu.memref_slice %arg3[%add3A_535, %scan3A_533, %run_scoped3A_536, %dma_wait3A_655] : memref<64x123x1x88xi32, #tpu.memory_space<hbm>> -> memref<1x1x1x88xi32, #tpu.memory_space<hbm>>
        %dma_wait3A_657 = tpu.memref_squeeze %dma_wait3A_656 : memref<1x1x1x88xi32, #tpu.memory_space<hbm>> -> memref<88xi32, #tpu.memory_space<hbm>>
        %dma_wait3A_658 = arith.constant 0 : i32
        %dma_wait3A_659 = tpu.memref_slice %arg6[%dma_wait3A_658] : memref<96xi32, #tpu.memory_space<vmem>> -> memref<88xi32, #tpu.memory_space<vmem>>
        %dma_wait3A_660 = arith.constant 0 : i32
        %dma_wait3A_661 = tpu.memref_slice %arg3[%add3A_535, %scan3A_533, %run_scoped3A_536, %dma_wait3A_660] : memref<64x123x1x88xi32, #tpu.memory_space<hbm>> -> memref<1x1x1x88xi32, #tpu.memory_space<hbm>>
        %dma_wait3A_662 = tpu.memref_squeeze %dma_wait3A_661 : memref<1x1x1x88xi32, #tpu.memory_space<hbm>> -> memref<88xi32, #tpu.memory_space<hbm>>
        tpu.wait_dma2 semaphore(%run_scoped3A_644 : memref<!tpu.dma_semaphore, #tpu.memory_space<semaphore_mem>>) src(%dma_wait3A_662 : memref<88xi32, #tpu.memory_space<hbm>>) dst(%dma_wait3A_659 : memref<88xi32, #tpu.memory_space<vmem>>)
        tpu.yield
      }) : () -> ()
      %add3A_537 = arith.constant 48 : i32
      %add3A_538 = arith.addi %add3A_537, %arg1 : i32
      "tpu.region"() ({
        %run_scoped3A_644 = tpu.sem_alloc : memref<!tpu.dma_semaphore, #tpu.memory_space<semaphore_mem>>
        %dma_start3A = arith.constant 0 : i32
        %dma_start3A_645 = arith.constant 0 : i32
        %dma_start3A_646 = tpu.memref_slice %arg8[%dma_start3A, %dma_start3A_645] : memref<96x64xf32, #tpu.memory_space<vmem>> -> memref<88x64xf32, #tpu.memory_space<vmem>>
        %dma_start3A_647 = arith.constant 0 : i32
        %dma_start3A_648 = arith.constant 0 : i32
        %dma_start3A_649 = tpu.memref_slice %arg2[%add3A_538, %scan3A_533, %dma_start3A_647, %dma_start3A_648] : memref<64x123x88x64xf32, #tpu.memory_space<hbm>> -> memref<1x1x88x64xf32, #tpu.memory_space<hbm>>
        %dma_start3A_650 = tpu.memref_squeeze %dma_start3A_649 : memref<1x1x88x64xf32, #tpu.memory_space<hbm>> -> memref<88x64xf32, #tpu.memory_space<hbm>>
        %dma_start3A_651 = arith.constant 0 : i32
        %dma_start3A_652 = arith.constant 0 : i32
        %dma_start3A_653 = tpu.memref_slice %arg8[%dma_start3A_651, %dma_start3A_652] : memref<96x64xf32, #tpu.memory_space<vmem>> -> memref<88x64xf32, #tpu.memory_space<vmem>>
        %dma_start3A_654 = arith.constant 0 : i32
        %dma_start3A_655 = arith.constant 0 : i32
        %dma_start3A_656 = tpu.memref_slice %arg2[%add3A_538, %scan3A_533, %dma_start3A_654, %dma_start3A_655] : memref<64x123x88x64xf32, #tpu.memory_space<hbm>> -> memref<1x1x88x64xf32, #tpu.memory_space<hbm>>
        %dma_start3A_657 = tpu.memref_squeeze %dma_start3A_656 : memref<1x1x88x64xf32, #tpu.memory_space<hbm>> -> memref<88x64xf32, #tpu.memory_space<hbm>>
        tpu.enqueue_dma source(%dma_start3A_657 : memref<88x64xf32, #tpu.memory_space<hbm>>) target(%dma_start3A_653 : memref<88x64xf32, #tpu.memory_space<vmem>>) target_semaphore(%run_scoped3A_644 : memref<!tpu.dma_semaphore, #tpu.memory_space<semaphore_mem>>)
        %dma_wait3A = arith.constant 0 : i32
        %dma_wait3A_658 = arith.constant 0 : i32
        %dma_wait3A_659 = tpu.memref_slice %arg8[%dma_wait3A, %dma_wait3A_658] : memref<96x64xf32, #tpu.memory_space<vmem>> -> memref<88x64xf32, #tpu.memory_space<vmem>>
        %dma_wait3A_660 = arith.constant 0 : i32
        %dma_wait3A_661 = arith.constant 0 : i32
        %dma_wait3A_662 = tpu.memref_slice %arg2[%add3A_538, %scan3A_533, %dma_wait3A_660, %dma_wait3A_661] : memref<64x123x88x64xf32, #tpu.memory_space<hbm>> -> memref<1x1x88x64xf32, #tpu.memory_space<hbm>>
        %dma_wait3A_663 = tpu.memref_squeeze %dma_wait3A_662 : memref<1x1x88x64xf32, #tpu.memory_space<hbm>> -> memref<88x64xf32, #tpu.memory_space<hbm>>
        %dma_wait3A_664 = arith.constant 0 : i32
        %dma_wait3A_665 = arith.constant 0 : i32
        %dma_wait3A_666 = tpu.memref_slice %arg8[%dma_wait3A_664, %dma_wait3A_665] : memref<96x64xf32, #tpu.memory_space<vmem>> -> memref<88x64xf32, #tpu.memory_space<vmem>>
        %dma_wait3A_667 = arith.constant 0 : i32
        %dma_wait3A_668 = arith.constant 0 : i32
        %dma_wait3A_669 = tpu.memref_slice %arg2[%add3A_538, %scan3A_533, %dma_wait3A_667, %dma_wait3A_668] : memref<64x123x88x64xf32, #tpu.memory_space<hbm>> -> memref<1x1x88x64xf32, #tpu.memory_space<hbm>>
        %dma_wait3A_670 = tpu.memref_squeeze %dma_wait3A_669 : memref<1x1x88x64xf32, #tpu.memory_space<hbm>> -> memref<88x64xf32, #tpu.memory_space<hbm>>
        tpu.wait_dma2 semaphore(%run_scoped3A_644 : memref<!tpu.dma_semaphore, #tpu.memory_space<semaphore_mem>>) src(%dma_wait3A_670 : memref<88x64xf32, #tpu.memory_space<hbm>>) dst(%dma_wait3A_666 : memref<88x64xf32, #tpu.memory_space<vmem>>)
        tpu.yield
      }) : () -> ()
      %get3A = arith.constant 0 : index
      %get3A_539 = tpu.vector_load %arg6[%get3A] {strides = array<i32>} : memref<96xi32, #tpu.memory_space<vmem>>, vector<16xi32>,
      %get3A_540 = vector.shape_cast %get3A_539 : vector<16xi32> to vector<16xi32>
      %ge3A = vector.broadcast %mul3A_471 : i32 to vector<16xi32>
      %ge3A_541 = arith.cmpi sge, %get3A_540, %ge3A : vector<16xi32>
      %lt3A = vector.broadcast %add3A_473 : i32 to vector<16xi32>
      %lt3A_542 = arith.cmpi slt, %get3A_540, %lt3A : vector<16xi32>
      %and3A = arith.andi %ge3A_541, %lt3A_542 : vector<16xi1>
      %sub3A = vector.broadcast %mul3A_471 : i32 to vector<16xi32>
      %sub3A_543 = arith.subi %get3A_540, %sub3A : vector<16xi32>
      %broadcast_in_dim3A = vector.broadcast %add3A_0 : i32 to vector<16xi32>
      %select_n3A = arith.select %and3A, %sub3A_543, %broadcast_in_dim3A : vector<16xi1>, vector<16xi32>
      %swap3A = arith.constant 0 : i32
      %swap3A_544 = arith.index_cast %swap3A : i32 to index
      %swap3A_545 = arith.constant 0 : index
      %swap3A_546 = tpu.vector_load %arg7[%swap3A_544, %swap3A_545] {strides = array<i32>} : memref<1x96xi32, #tpu.memory_space<vmem>>, vector<1x16xi32>,
      %swap3A_547 = vector.shape_cast %swap3A_546 : vector<1x16xi32> to vector<16xi32>
      %swap3A_548 = vector.shape_cast %select_n3A : vector<16xi32> to vector<1x16xi32>
      tpu.vector_store %arg7[%swap3A_544, %swap3A_545], %swap3A_548 {strides = array<i32>} : memref<1x96xi32, #tpu.memory_space<vmem>>, vector<1x16xi32>,
      %get3A_549 = arith.constant 16 : index
      %get3A_550 = tpu.vector_load %arg6[%get3A_549] {strides = array<i32>} : memref<96xi32, #tpu.memory_space<vmem>>, vector<16xi32>,
      %get3A_551 = vector.shape_cast %get3A_550 : vector<16xi32> to vector<16xi32>
      %ge3A_552 = vector.broadcast %mul3A_471 : i32 to vector<16xi32>
      %ge3A_553 = arith.cmpi sge, %get3A_551, %ge3A_552 : vector<16xi32>
      %lt3A_554 = vector.broadcast %add3A_473 : i32 to vector<16xi32>
      %lt3A_555 = arith.cmpi slt, %get3A_551, %lt3A_554 : vector<16xi32>
      %and3A_556 = arith.andi %ge3A_553, %lt3A_555 : vector<16xi1>
      %sub3A_557 = vector.broadcast %mul3A_471 : i32 to vector<16xi32>
      %sub3A_558 = arith.subi %get3A_551, %sub3A_557 : vector<16xi32>
      %broadcast_in_dim3A_559 = vector.broadcast %add3A_0 : i32 to vector<16xi32>
      %select_n3A_560 = arith.select %and3A_556, %sub3A_558, %broadcast_in_dim3A_559 : vector<16xi1>, vector<16xi32>
      %swap3A_561 = arith.constant 0 : i32
      %swap3A_562 = arith.index_cast %swap3A_561 : i32 to index
      %swap3A_563 = arith.constant 16 : index
      %swap3A_564 = tpu.vector_load %arg7[%swap3A_562, %swap3A_563] {strides = array<i32>} : memref<1x96xi32, #tpu.memory_space<vmem>>, vector<1x16xi32>,
      %swap3A_565 = vector.shape_cast %swap3A_564 : vector<1x16xi32> to vector<16xi32>
      %swap3A_566 = vector.shape_cast %select_n3A_560 : vector<16xi32> to vector<1x16xi32>
      tpu.vector_store %arg7[%swap3A_562, %swap3A_563], %swap3A_566 {strides = array<i32>} : memref<1x96xi32, #tpu.memory_space<vmem>>, vector<1x16xi32>,
      %get3A_567 = arith.constant 32 : index
      %get3A_568 = tpu.vector_load %arg6[%get3A_567] {strides = array<i32>} : memref<96xi32, #tpu.memory_space<vmem>>, vector<16xi32>,
      %get3A_569 = vector.shape_cast %get3A_568 : vector<16xi32> to vector<16xi32>
      %ge3A_570 = vector.broadcast %mul3A_471 : i32 to vector<16xi32>
      %ge3A_571 = arith.cmpi sge, %get3A_569, %ge3A_570 : vector<16xi32>
      %lt3A_572 = vector.broadcast %add3A_473 : i32 to vector<16xi32>
      %lt3A_573 = arith.cmpi slt, %get3A_569, %lt3A_572 : vector<16xi32>
      %and3A_574 = arith.andi %ge3A_571, %lt3A_573 : vector<16xi1>
      %sub3A_575 = vector.broadcast %mul3A_471 : i32 to vector<16xi32>
      %sub3A_576 = arith.subi %get3A_569, %sub3A_575 : vector<16xi32>
      %broadcast_in_dim3A_577 = vector.broadcast %add3A_0 : i32 to vector<16xi32>
      %select_n3A_578 = arith.select %and3A_574, %sub3A_576, %broadcast_in_dim3A_577 : vector<16xi1>, vector<16xi32>
      %swap3A_579 = arith.constant 0 : i32
      %swap3A_580 = arith.index_cast %swap3A_579 : i32 to index
      %swap3A_581 = arith.constant 32 : index
      %swap3A_582 = tpu.vector_load %arg7[%swap3A_580, %swap3A_581] {strides = array<i32>} : memref<1x96xi32, #tpu.memory_space<vmem>>, vector<1x16xi32>,
      %swap3A_583 = vector.shape_cast %swap3A_582 : vector<1x16xi32> to vector<16xi32>
      %swap3A_584 = vector.shape_cast %select_n3A_578 : vector<16xi32> to vector<1x16xi32>
      tpu.vector_store %arg7[%swap3A_580, %swap3A_581], %swap3A_584 {strides = array<i32>} : memref<1x96xi32, #tpu.memory_space<vmem>>, vector<1x16xi32>,
      %get3A_585 = arith.constant 48 : index
      %get3A_586 = tpu.vector_load %arg6[%get3A_585] {strides = array<i32>} : memref<96xi32, #tpu.memory_space<vmem>>, vector<16xi32>,
      %get3A_587 = vector.shape_cast %get3A_586 : vector<16xi32> to vector<16xi32>
      %ge3A_588 = vector.broadcast %mul3A_471 : i32 to vector<16xi32>
      %ge3A_589 = arith.cmpi sge, %get3A_587, %ge3A_588 : vector<16xi32>
      %lt3A_590 = vector.broadcast %add3A_473 : i32 to vector<16xi32>
      %lt3A_591 = arith.cmpi slt, %get3A_587, %lt3A_590 : vector<16xi32>
      %and3A_592 = arith.andi %ge3A_589, %lt3A_591 : vector<16xi1>
      %sub3A_593 = vector.broadcast %mul3A_471 : i32 to vector<16xi32>
      %sub3A_594 = arith.subi %get3A_587, %sub3A_593 : vector<16xi32>
      %broadcast_in_dim3A_595 = vector.broadcast %add3A_0 : i32 to vector<16xi32>
      %select_n3A_596 = arith.select %and3A_592, %sub3A_594, %broadcast_in_dim3A_595 : vector<16xi1>, vector<16xi32>
      %swap3A_597 = arith.constant 0 : i32
      %swap3A_598 = arith.index_cast %swap3A_597 : i32 to index
      %swap3A_599 = arith.constant 48 : index
      %swap3A_600 = tpu.vector_load %arg7[%swap3A_598, %swap3A_599] {strides = array<i32>} : memref<1x96xi32, #tpu.memory_space<vmem>>, vector<1x16xi32>,
      %swap3A_601 = vector.shape_cast %swap3A_600 : vector<1x16xi32> to vector<16xi32>
      %swap3A_602 = vector.shape_cast %select_n3A_596 : vector<16xi32> to vector<1x16xi32>
      tpu.vector_store %arg7[%swap3A_598, %swap3A_599], %swap3A_602 {strides = array<i32>} : memref<1x96xi32, #tpu.memory_space<vmem>>, vector<1x16xi32>,
      %get3A_603 = arith.constant 64 : index
      %get3A_604 = tpu.vector_load %arg6[%get3A_603] {strides = array<i32>} : memref<96xi32, #tpu.memory_space<vmem>>, vector<16xi32>,
      %get3A_605 = vector.shape_cast %get3A_604 : vector<16xi32> to vector<16xi32>
      %ge3A_606 = vector.broadcast %mul3A_471 : i32 to vector<16xi32>
      %ge3A_607 = arith.cmpi sge, %get3A_605, %ge3A_606 : vector<16xi32>
      %lt3A_608 = vector.broadcast %add3A_473 : i32 to vector<16xi32>
      %lt3A_609 = arith.cmpi slt, %get3A_605, %lt3A_608 : vector<16xi32>
      %and3A_610 = arith.andi %ge3A_607, %lt3A_609 : vector<16xi1>
      %sub3A_611 = vector.broadcast %mul3A_471 : i32 to vector<16xi32>
      %sub3A_612 = arith.subi %get3A_605, %sub3A_611 : vector<16xi32>
      %broadcast_in_dim3A_613 = vector.broadcast %add3A_0 : i32 to vector<16xi32>
      %select_n3A_614 = arith.select %and3A_610, %sub3A_612, %broadcast_in_dim3A_613 : vector<16xi1>, vector<16xi32>
      %swap3A_615 = arith.constant 0 : i32
      %swap3A_616 = arith.index_cast %swap3A_615 : i32 to index
      %swap3A_617 = arith.constant 64 : index
      %swap3A_618 = tpu.vector_load %arg7[%swap3A_616, %swap3A_617] {strides = array<i32>} : memref<1x96xi32, #tpu.memory_space<vmem>>, vector<1x16xi32>,
      %swap3A_619 = vector.shape_cast %swap3A_618 : vector<1x16xi32> to vector<16xi32>
      %swap3A_620 = vector.shape_cast %select_n3A_614 : vector<16xi32> to vector<1x16xi32>
      tpu.vector_store %arg7[%swap3A_616, %swap3A_617], %swap3A_620 {strides = array<i32>} : memref<1x96xi32, #tpu.memory_space<vmem>>, vector<1x16xi32>,
      %get3A_621 = arith.constant 80 : index
      %get3A_622 = tpu.vector_load %arg6[%get3A_621] {strides = array<i32>} : memref<96xi32, #tpu.memory_space<vmem>>, vector<16xi32>,
      %get3A_623 = vector.shape_cast %get3A_622 : vector<16xi32> to vector<16xi32>
      %ge3A_624 = vector.broadcast %mul3A_471 : i32 to vector<16xi32>
      %ge3A_625 = arith.cmpi sge, %get3A_623, %ge3A_624 : vector<16xi32>
      %lt3A_626 = vector.broadcast %add3A_473 : i32 to vector<16xi32>
      %lt3A_627 = arith.cmpi slt, %get3A_623, %lt3A_626 : vector<16xi32>
      %and3A_628 = arith.andi %ge3A_625, %lt3A_627 : vector<16xi1>
      %lt3A_629 = arith.constant 8 : i32
      %lt3A_630 = vector.broadcast %lt3A_629 : i32 to vector<16xi32>
      %lt3A_631 = arith.cmpi slt, %iota3A, %lt3A_630 : vector<16xi32>
      %and3A_632 = arith.andi %and3A_628, %lt3A_631 : vector<16xi1>
      %sub3A_633 = vector.broadcast %mul3A_471 : i32 to vector<16xi32>
      %sub3A_634 = arith.subi %get3A_623, %sub3A_633 : vector<16xi32>
      %broadcast_in_dim3A_635 = vector.broadcast %add3A_0 : i32 to vector<16xi32>
      %select_n3A_636 = arith.select %and3A_632, %sub3A_634, %broadcast_in_dim3A_635 : vector<16xi1>, vector<16xi32>
      %swap3A_637 = arith.constant 0 : i32
      %swap3A_638 = arith.index_cast %swap3A_637 : i32 to index
      %swap3A_639 = arith.constant 80 : index
      %swap3A_640 = tpu.vector_load %arg7[%swap3A_638, %swap3A_639] {strides = array<i32>} : memref<1x96xi32, #tpu.memory_space<vmem>>, vector<1x16xi32>,
      %swap3A_641 = vector.shape_cast %swap3A_640 : vector<1x16xi32> to vector<16xi32>
      %swap3A_642 = vector.shape_cast %select_n3A_636 : vector<16xi32> to vector<1x16xi32>
      tpu.vector_store %arg7[%swap3A_638, %swap3A_639], %swap3A_642 {strides = array<i32>} : memref<1x96xi32, #tpu.memory_space<vmem>>, vector<1x16xi32>,
      %run_scoped3A_643 = arith.constant 0 : i32
      "tpu.region"() ({
        %run_scoped3A_644 = tpu.sem_alloc : memref<!tpu.dma_semaphore, #tpu.memory_space<semaphore_mem>>
        %dma_start3A = arith.constant 0 : i32
        %dma_start3A_645 = tpu.memref_slice %arg7[%run_scoped3A_643, %dma_start3A] : memref<1x96xi32, #tpu.memory_space<vmem>> -> memref<1x96xi32, #tpu.memory_space<vmem>>
        %dma_start3A_646 = tpu.memref_squeeze %dma_start3A_645 : memref<1x96xi32, #tpu.memory_space<vmem>> -> memref<96xi32, #tpu.memory_space<vmem>>
        %dma_start3A_647 = arith.constant 0 : i32
        %dma_start3A_648 = arith.constant 0 : i32
        %dma_start3A_649 = tpu.memref_slice %arg11[%dma_start3A_647, %dma_start3A_648] : memref<10240x64xf32, #tpu.memory_space<vmem_shared>> -> memref<10240x64xf32, #tpu.memory_space<vmem_shared>>
        tpu.enqueue_indirect_dma source(%arg8 : memref<96x64xf32, #tpu.memory_space<vmem>>) target(%dma_start3A_649 : memref<10240x64xf32, #tpu.memory_space<vmem_shared>>) offsets(%dma_start3A_646 : memref<96xi32, #tpu.memory_space<vmem>>) semaphore(%run_scoped3A_644 : memref<!tpu.dma_semaphore, #tpu.memory_space<semaphore_mem>>) {add = true}
        %dma_wait3A = arith.constant 0 : i32
        %dma_wait3A_650 = tpu.memref_slice %arg7[%run_scoped3A_643, %dma_wait3A] : memref<1x96xi32, #tpu.memory_space<vmem>> -> memref<1x96xi32, #tpu.memory_space<vmem>>
        %dma_wait3A_651 = tpu.memref_squeeze %dma_wait3A_650 : memref<1x96xi32, #tpu.memory_space<vmem>> -> memref<96xi32, #tpu.memory_space<vmem>>
        %dma_wait3A_652 = arith.constant 0 : i32
        %dma_wait3A_653 = arith.constant 0 : i32
        %dma_wait3A_654 = tpu.memref_slice %arg11[%dma_wait3A_652, %dma_wait3A_653] : memref<10240x64xf32, #tpu.memory_space<vmem_shared>> -> memref<10240x64xf32, #tpu.memory_space<vmem_shared>>
        tpu.wait_indirect_dma semaphore(%run_scoped3A_644 : memref<!tpu.dma_semaphore, #tpu.memory_space<semaphore_mem>>) src(%arg8 : memref<96x64xf32, #tpu.memory_space<vmem>>) dst(%dma_wait3A_654 : memref<10240x64xf32, #tpu.memory_space<vmem_shared>>)
        tpu.yield
      }) : () -> ()
    }
    %scan3A_500 = arith.constant 123 : i32
    %barrier3A_501 = arith.constant 0 : index
    tpu.barrier barrier_id(%barrier3A_501)
    %mul3A_502 = arith.constant 640 : i32
    %mul3A_503 = arith.muli %arg1, %mul3A_502 : i32
    %add3A_504 = arith.constant 0 : i32
    %add3A_505 = arith.addi %mul3A_503, %add3A_504 : i32
    "tpu.region"() ({
      %run_scoped3A_533 = tpu.sem_alloc : memref<!tpu.dma_semaphore, #tpu.memory_space<semaphore_mem>>
      %dma_start3A = arith.constant 0 : i32
      %dma_start3A_534 = tpu.memref_slice %arg11[%add3A_505, %dma_start3A] : memref<10240x64xf32, #tpu.memory_space<vmem_shared>> -> memref<128x64xf32, #tpu.memory_space<vmem_shared>>
      %dma_start3A_535 = arith.constant 0 : i32
      %dma_start3A_536 = tpu.memref_slice %arg11[%add3A_505, %dma_start3A_535] : memref<10240x64xf32, #tpu.memory_space<vmem_shared>> -> memref<128x64xf32, #tpu.memory_space<vmem_shared>>
      tpu.enqueue_dma source(%dma_start3A_536 : memref<128x64xf32, #tpu.memory_space<vmem_shared>>) target(%arg10 : memref<128x64xf32, #tpu.memory_space<vmem>>) target_semaphore(%run_scoped3A_533 : memref<!tpu.dma_semaphore, #tpu.memory_space<semaphore_mem>>)
      %dma_wait3A = arith.constant 0 : i32
      %dma_wait3A_537 = tpu.memref_slice %arg11[%add3A_505, %dma_wait3A] : memref<10240x64xf32, #tpu.memory_space<vmem_shared>> -> memref<128x64xf32, #tpu.memory_space<vmem_shared>>
      %dma_wait3A_538 = arith.constant 0 : i32
      %dma_wait3A_539 = tpu.memref_slice %arg11[%add3A_505, %dma_wait3A_538] : memref<10240x64xf32, #tpu.memory_space<vmem_shared>> -> memref<128x64xf32, #tpu.memory_space<vmem_shared>>
      tpu.wait_dma2 semaphore(%run_scoped3A_533 : memref<!tpu.dma_semaphore, #tpu.memory_space<semaphore_mem>>) src(%dma_wait3A_539 : memref<128x64xf32, #tpu.memory_space<vmem_shared>>) dst(%arg10 : memref<128x64xf32, #tpu.memory_space<vmem>>)
      tpu.yield
    }) : () -> ()
    %run_scoped3A_506 = arith.constant 3 : i32
    %run_scoped3A_507 = arith.constant 1 : i32
    "tpu.region"() ({
      %run_scoped3A_533 = tpu.sem_alloc : memref<!tpu.dma_semaphore, #tpu.memory_space<semaphore_mem>>
      %dma_start3A = arith.constant 0 : i32
      %dma_start3A_534 = tpu.memref_slice %arg5[%run_scoped3A_506, %arg0, %run_scoped3A_507, %add3A_505, %dma_start3A] : memref<4x2x2x10240x64xf32, #tpu.memory_space<hbm>> -> memref<1x1x1x128x64xf32, #tpu.memory_space<hbm>>
      %dma_start3A_535 = tpu.memref_squeeze %dma_start3A_534 : memref<1x1x1x128x64xf32, #tpu.memory_space<hbm>> -> memref<128x64xf32, #tpu.memory_space<hbm>>
      %dma_start3A_536 = arith.constant 0 : i32
      %dma_start3A_537 = tpu.memref_slice %arg5[%run_scoped3A_506, %arg0, %run_scoped3A_507, %add3A_505, %dma_start3A_536] : memref<4x2x2x10240x64xf32, #tpu.memory_space<hbm>> -> memref<1x1x1x128x64xf32, #tpu.memory_space<hbm>>
      %dma_start3A_538 = tpu.memref_squeeze %dma_start3A_537 : memref<1x1x1x128x64xf32, #tpu.memory_space<hbm>> -> memref<128x64xf32, #tpu.memory_space<hbm>>
      tpu.enqueue_dma source(%arg10 : memref<128x64xf32, #tpu.memory_space<vmem>>) target(%dma_start3A_538 : memref<128x64xf32, #tpu.memory_space<hbm>>) target_semaphore(%run_scoped3A_533 : memref<!tpu.dma_semaphore, #tpu.memory_space<semaphore_mem>>)
      %dma_wait3A = arith.constant 0 : i32
      %dma_wait3A_539 = tpu.memref_slice %arg5[%run_scoped3A_506, %arg0, %run_scoped3A_507, %add3A_505, %dma_wait3A] : memref<4x2x2x10240x64xf32, #tpu.memory_space<hbm>> -> memref<1x1x1x128x64xf32, #tpu.memory_space<hbm>>
      %dma_wait3A_540 = tpu.memref_squeeze %dma_wait3A_539 : memref<1x1x1x128x64xf32, #tpu.memory_space<hbm>> -> memref<128x64xf32, #tpu.memory_space<hbm>>
      %dma_wait3A_541 = arith.constant 0 : i32
      %dma_wait3A_542 = tpu.memref_slice %arg5[%run_scoped3A_506, %arg0, %run_scoped3A_507, %add3A_505, %dma_wait3A_541] : memref<4x2x2x10240x64xf32, #tpu.memory_space<hbm>> -> memref<1x1x1x128x64xf32, #tpu.memory_space<hbm>>
      %dma_wait3A_543 = tpu.memref_squeeze %dma_wait3A_542 : memref<1x1x1x128x64xf32, #tpu.memory_space<hbm>> -> memref<128x64xf32, #tpu.memory_space<hbm>>
      tpu.wait_dma2 semaphore(%run_scoped3A_533 : memref<!tpu.dma_semaphore, #tpu.memory_space<semaphore_mem>>) src(%arg10 : memref<128x64xf32, #tpu.memory_space<vmem>>) dst(%dma_wait3A_543 : memref<128x64xf32, #tpu.memory_space<hbm>>)
      tpu.yield
    }) : () -> ()
    %mul3A_508 = arith.constant 640 : i32
    %mul3A_509 = arith.muli %arg1, %mul3A_508 : i32
    %add3A_510 = arith.constant 128 : i32
    %add3A_511 = arith.addi %mul3A_509, %add3A_510 : i32
    "tpu.region"() ({
      %run_scoped3A_533 = tpu.sem_alloc : memref<!tpu.dma_semaphore, #tpu.memory_space<semaphore_mem>>
      %dma_start3A = arith.constant 0 : i32
      %dma_start3A_534 = tpu.memref_slice %arg11[%add3A_511, %dma_start3A] : memref<10240x64xf32, #tpu.memory_space<vmem_shared>> -> memref<128x64xf32, #tpu.memory_space<vmem_shared>>
      %dma_start3A_535 = arith.constant 0 : i32
      %dma_start3A_536 = tpu.memref_slice %arg11[%add3A_511, %dma_start3A_535] : memref<10240x64xf32, #tpu.memory_space<vmem_shared>> -> memref<128x64xf32, #tpu.memory_space<vmem_shared>>
      tpu.enqueue_dma source(%dma_start3A_536 : memref<128x64xf32, #tpu.memory_space<vmem_shared>>) target(%arg10 : memref<128x64xf32, #tpu.memory_space<vmem>>) target_semaphore(%run_scoped3A_533 : memref<!tpu.dma_semaphore, #tpu.memory_space<semaphore_mem>>)
      %dma_wait3A = arith.constant 0 : i32
      %dma_wait3A_537 = tpu.memref_slice %arg11[%add3A_511, %dma_wait3A] : memref<10240x64xf32, #tpu.memory_space<vmem_shared>> -> memref<128x64xf32, #tpu.memory_space<vmem_shared>>
      %dma_wait3A_538 = arith.constant 0 : i32
      %dma_wait3A_539 = tpu.memref_slice %arg11[%add3A_511, %dma_wait3A_538] : memref<10240x64xf32, #tpu.memory_space<vmem_shared>> -> memref<128x64xf32, #tpu.memory_space<vmem_shared>>
      tpu.wait_dma2 semaphore(%run_scoped3A_533 : memref<!tpu.dma_semaphore, #tpu.memory_space<semaphore_mem>>) src(%dma_wait3A_539 : memref<128x64xf32, #tpu.memory_space<vmem_shared>>) dst(%arg10 : memref<128x64xf32, #tpu.memory_space<vmem>>)
      tpu.yield
    }) : () -> ()
    %run_scoped3A_512 = arith.constant 3 : i32
    %run_scoped3A_513 = arith.constant 1 : i32
    "tpu.region"() ({
      %run_scoped3A_533 = tpu.sem_alloc : memref<!tpu.dma_semaphore, #tpu.memory_space<semaphore_mem>>
      %dma_start3A = arith.constant 0 : i32
      %dma_start3A_534 = tpu.memref_slice %arg5[%run_scoped3A_512, %arg0, %run_scoped3A_513, %add3A_511, %dma_start3A] : memref<4x2x2x10240x64xf32, #tpu.memory_space<hbm>> -> memref<1x1x1x128x64xf32, #tpu.memory_space<hbm>>
      %dma_start3A_535 = tpu.memref_squeeze %dma_start3A_534 : memref<1x1x1x128x64xf32, #tpu.memory_space<hbm>> -> memref<128x64xf32, #tpu.memory_space<hbm>>
      %dma_start3A_536 = arith.constant 0 : i32
      %dma_start3A_537 = tpu.memref_slice %arg5[%run_scoped3A_512, %arg0, %run_scoped3A_513, %add3A_511, %dma_start3A_536] : memref<4x2x2x10240x64xf32, #tpu.memory_space<hbm>> -> memref<1x1x1x128x64xf32, #tpu.memory_space<hbm>>
      %dma_start3A_538 = tpu.memref_squeeze %dma_start3A_537 : memref<1x1x1x128x64xf32, #tpu.memory_space<hbm>> -> memref<128x64xf32, #tpu.memory_space<hbm>>
      tpu.enqueue_dma source(%arg10 : memref<128x64xf32, #tpu.memory_space<vmem>>) target(%dma_start3A_538 : memref<128x64xf32, #tpu.memory_space<hbm>>) target_semaphore(%run_scoped3A_533 : memref<!tpu.dma_semaphore, #tpu.memory_space<semaphore_mem>>)
      %dma_wait3A = arith.constant 0 : i32
      %dma_wait3A_539 = tpu.memref_slice %arg5[%run_scoped3A_512, %arg0, %run_scoped3A_513, %add3A_511, %dma_wait3A] : memref<4x2x2x10240x64xf32, #tpu.memory_space<hbm>> -> memref<1x1x1x128x64xf32, #tpu.memory_space<hbm>>
      %dma_wait3A_540 = tpu.memref_squeeze %dma_wait3A_539 : memref<1x1x1x128x64xf32, #tpu.memory_space<hbm>> -> memref<128x64xf32, #tpu.memory_space<hbm>>
      %dma_wait3A_541 = arith.constant 0 : i32
      %dma_wait3A_542 = tpu.memref_slice %arg5[%run_scoped3A_512, %arg0, %run_scoped3A_513, %add3A_511, %dma_wait3A_541] : memref<4x2x2x10240x64xf32, #tpu.memory_space<hbm>> -> memref<1x1x1x128x64xf32, #tpu.memory_space<hbm>>
      %dma_wait3A_543 = tpu.memref_squeeze %dma_wait3A_542 : memref<1x1x1x128x64xf32, #tpu.memory_space<hbm>> -> memref<128x64xf32, #tpu.memory_space<hbm>>
      tpu.wait_dma2 semaphore(%run_scoped3A_533 : memref<!tpu.dma_semaphore, #tpu.memory_space<semaphore_mem>>) src(%arg10 : memref<128x64xf32, #tpu.memory_space<vmem>>) dst(%dma_wait3A_543 : memref<128x64xf32, #tpu.memory_space<hbm>>)
      tpu.yield
    }) : () -> ()
    %mul3A_514 = arith.constant 640 : i32
    %mul3A_515 = arith.muli %arg1, %mul3A_514 : i32
    %add3A_516 = arith.constant 256 : i32
    %add3A_517 = arith.addi %mul3A_515, %add3A_516 : i32
    "tpu.region"() ({
      %run_scoped3A_533 = tpu.sem_alloc : memref<!tpu.dma_semaphore, #tpu.memory_space<semaphore_mem>>
      %dma_start3A = arith.constant 0 : i32
      %dma_start3A_534 = tpu.memref_slice %arg11[%add3A_517, %dma_start3A] : memref<10240x64xf32, #tpu.memory_space<vmem_shared>> -> memref<128x64xf32, #tpu.memory_space<vmem_shared>>
      %dma_start3A_535 = arith.constant 0 : i32
      %dma_start3A_536 = tpu.memref_slice %arg11[%add3A_517, %dma_start3A_535] : memref<10240x64xf32, #tpu.memory_space<vmem_shared>> -> memref<128x64xf32, #tpu.memory_space<vmem_shared>>
      tpu.enqueue_dma source(%dma_start3A_536 : memref<128x64xf32, #tpu.memory_space<vmem_shared>>) target(%arg10 : memref<128x64xf32, #tpu.memory_space<vmem>>) target_semaphore(%run_scoped3A_533 : memref<!tpu.dma_semaphore, #tpu.memory_space<semaphore_mem>>)
      %dma_wait3A = arith.constant 0 : i32
      %dma_wait3A_537 = tpu.memref_slice %arg11[%add3A_517, %dma_wait3A] : memref<10240x64xf32, #tpu.memory_space<vmem_shared>> -> memref<128x64xf32, #tpu.memory_space<vmem_shared>>
      %dma_wait3A_538 = arith.constant 0 : i32
      %dma_wait3A_539 = tpu.memref_slice %arg11[%add3A_517, %dma_wait3A_538] : memref<10240x64xf32, #tpu.memory_space<vmem_shared>> -> memref<128x64xf32, #tpu.memory_space<vmem_shared>>
      tpu.wait_dma2 semaphore(%run_scoped3A_533 : memref<!tpu.dma_semaphore, #tpu.memory_space<semaphore_mem>>) src(%dma_wait3A_539 : memref<128x64xf32, #tpu.memory_space<vmem_shared>>) dst(%arg10 : memref<128x64xf32, #tpu.memory_space<vmem>>)
      tpu.yield
    }) : () -> ()
    %run_scoped3A_518 = arith.constant 3 : i32
    %run_scoped3A_519 = arith.constant 1 : i32
    "tpu.region"() ({
      %run_scoped3A_533 = tpu.sem_alloc : memref<!tpu.dma_semaphore, #tpu.memory_space<semaphore_mem>>
      %dma_start3A = arith.constant 0 : i32
      %dma_start3A_534 = tpu.memref_slice %arg5[%run_scoped3A_518, %arg0, %run_scoped3A_519, %add3A_517, %dma_start3A] : memref<4x2x2x10240x64xf32, #tpu.memory_space<hbm>> -> memref<1x1x1x128x64xf32, #tpu.memory_space<hbm>>
      %dma_start3A_535 = tpu.memref_squeeze %dma_start3A_534 : memref<1x1x1x128x64xf32, #tpu.memory_space<hbm>> -> memref<128x64xf32, #tpu.memory_space<hbm>>
      %dma_start3A_536 = arith.constant 0 : i32
      %dma_start3A_537 = tpu.memref_slice %arg5[%run_scoped3A_518, %arg0, %run_scoped3A_519, %add3A_517, %dma_start3A_536] : memref<4x2x2x10240x64xf32, #tpu.memory_space<hbm>> -> memref<1x1x1x128x64xf32, #tpu.memory_space<hbm>>
      %dma_start3A_538 = tpu.memref_squeeze %dma_start3A_537 : memref<1x1x1x128x64xf32, #tpu.memory_space<hbm>> -> memref<128x64xf32, #tpu.memory_space<hbm>>
      tpu.enqueue_dma source(%arg10 : memref<128x64xf32, #tpu.memory_space<vmem>>) target(%dma_start3A_538 : memref<128x64xf32, #tpu.memory_space<hbm>>) target_semaphore(%run_scoped3A_533 : memref<!tpu.dma_semaphore, #tpu.memory_space<semaphore_mem>>)
      %dma_wait3A = arith.constant 0 : i32
      %dma_wait3A_539 = tpu.memref_slice %arg5[%run_scoped3A_518, %arg0, %run_scoped3A_519, %add3A_517, %dma_wait3A] : memref<4x2x2x10240x64xf32, #tpu.memory_space<hbm>> -> memref<1x1x1x128x64xf32, #tpu.memory_space<hbm>>
      %dma_wait3A_540 = tpu.memref_squeeze %dma_wait3A_539 : memref<1x1x1x128x64xf32, #tpu.memory_space<hbm>> -> memref<128x64xf32, #tpu.memory_space<hbm>>
      %dma_wait3A_541 = arith.constant 0 : i32
      %dma_wait3A_542 = tpu.memref_slice %arg5[%run_scoped3A_518, %arg0, %run_scoped3A_519, %add3A_517, %dma_wait3A_541] : memref<4x2x2x10240x64xf32, #tpu.memory_space<hbm>> -> memref<1x1x1x128x64xf32, #tpu.memory_space<hbm>>
      %dma_wait3A_543 = tpu.memref_squeeze %dma_wait3A_542 : memref<1x1x1x128x64xf32, #tpu.memory_space<hbm>> -> memref<128x64xf32, #tpu.memory_space<hbm>>
      tpu.wait_dma2 semaphore(%run_scoped3A_533 : memref<!tpu.dma_semaphore, #tpu.memory_space<semaphore_mem>>) src(%arg10 : memref<128x64xf32, #tpu.memory_space<vmem>>) dst(%dma_wait3A_543 : memref<128x64xf32, #tpu.memory_space<hbm>>)
      tpu.yield
    }) : () -> ()
    %mul3A_520 = arith.constant 640 : i32
    %mul3A_521 = arith.muli %arg1, %mul3A_520 : i32
    %add3A_522 = arith.constant 384 : i32
    %add3A_523 = arith.addi %mul3A_521, %add3A_522 : i32
    "tpu.region"() ({
      %run_scoped3A_533 = tpu.sem_alloc : memref<!tpu.dma_semaphore, #tpu.memory_space<semaphore_mem>>
      %dma_start3A = arith.constant 0 : i32
      %dma_start3A_534 = tpu.memref_slice %arg11[%add3A_523, %dma_start3A] : memref<10240x64xf32, #tpu.memory_space<vmem_shared>> -> memref<128x64xf32, #tpu.memory_space<vmem_shared>>
      %dma_start3A_535 = arith.constant 0 : i32
      %dma_start3A_536 = tpu.memref_slice %arg11[%add3A_523, %dma_start3A_535] : memref<10240x64xf32, #tpu.memory_space<vmem_shared>> -> memref<128x64xf32, #tpu.memory_space<vmem_shared>>
      tpu.enqueue_dma source(%dma_start3A_536 : memref<128x64xf32, #tpu.memory_space<vmem_shared>>) target(%arg10 : memref<128x64xf32, #tpu.memory_space<vmem>>) target_semaphore(%run_scoped3A_533 : memref<!tpu.dma_semaphore, #tpu.memory_space<semaphore_mem>>)
      %dma_wait3A = arith.constant 0 : i32
      %dma_wait3A_537 = tpu.memref_slice %arg11[%add3A_523, %dma_wait3A] : memref<10240x64xf32, #tpu.memory_space<vmem_shared>> -> memref<128x64xf32, #tpu.memory_space<vmem_shared>>
      %dma_wait3A_538 = arith.constant 0 : i32
      %dma_wait3A_539 = tpu.memref_slice %arg11[%add3A_523, %dma_wait3A_538] : memref<10240x64xf32, #tpu.memory_space<vmem_shared>> -> memref<128x64xf32, #tpu.memory_space<vmem_shared>>
      tpu.wait_dma2 semaphore(%run_scoped3A_533 : memref<!tpu.dma_semaphore, #tpu.memory_space<semaphore_mem>>) src(%dma_wait3A_539 : memref<128x64xf32, #tpu.memory_space<vmem_shared>>) dst(%arg10 : memref<128x64xf32, #tpu.memory_space<vmem>>)
      tpu.yield
    }) : () -> ()
    %run_scoped3A_524 = arith.constant 3 : i32
    %run_scoped3A_525 = arith.constant 1 : i32
    "tpu.region"() ({
      %run_scoped3A_533 = tpu.sem_alloc : memref<!tpu.dma_semaphore, #tpu.memory_space<semaphore_mem>>
      %dma_start3A = arith.constant 0 : i32
      %dma_start3A_534 = tpu.memref_slice %arg5[%run_scoped3A_524, %arg0, %run_scoped3A_525, %add3A_523, %dma_start3A] : memref<4x2x2x10240x64xf32, #tpu.memory_space<hbm>> -> memref<1x1x1x128x64xf32, #tpu.memory_space<hbm>>
      %dma_start3A_535 = tpu.memref_squeeze %dma_start3A_534 : memref<1x1x1x128x64xf32, #tpu.memory_space<hbm>> -> memref<128x64xf32, #tpu.memory_space<hbm>>
      %dma_start3A_536 = arith.constant 0 : i32
      %dma_start3A_537 = tpu.memref_slice %arg5[%run_scoped3A_524, %arg0, %run_scoped3A_525, %add3A_523, %dma_start3A_536] : memref<4x2x2x10240x64xf32, #tpu.memory_space<hbm>> -> memref<1x1x1x128x64xf32, #tpu.memory_space<hbm>>
      %dma_start3A_538 = tpu.memref_squeeze %dma_start3A_537 : memref<1x1x1x128x64xf32, #tpu.memory_space<hbm>> -> memref<128x64xf32, #tpu.memory_space<hbm>>
      tpu.enqueue_dma source(%arg10 : memref<128x64xf32, #tpu.memory_space<vmem>>) target(%dma_start3A_538 : memref<128x64xf32, #tpu.memory_space<hbm>>) target_semaphore(%run_scoped3A_533 : memref<!tpu.dma_semaphore, #tpu.memory_space<semaphore_mem>>)
      %dma_wait3A = arith.constant 0 : i32
      %dma_wait3A_539 = tpu.memref_slice %arg5[%run_scoped3A_524, %arg0, %run_scoped3A_525, %add3A_523, %dma_wait3A] : memref<4x2x2x10240x64xf32, #tpu.memory_space<hbm>> -> memref<1x1x1x128x64xf32, #tpu.memory_space<hbm>>
      %dma_wait3A_540 = tpu.memref_squeeze %dma_wait3A_539 : memref<1x1x1x128x64xf32, #tpu.memory_space<hbm>> -> memref<128x64xf32, #tpu.memory_space<hbm>>
      %dma_wait3A_541 = arith.constant 0 : i32
      %dma_wait3A_542 = tpu.memref_slice %arg5[%run_scoped3A_524, %arg0, %run_scoped3A_525, %add3A_523, %dma_wait3A_541] : memref<4x2x2x10240x64xf32, #tpu.memory_space<hbm>> -> memref<1x1x1x128x64xf32, #tpu.memory_space<hbm>>
      %dma_wait3A_543 = tpu.memref_squeeze %dma_wait3A_542 : memref<1x1x1x128x64xf32, #tpu.memory_space<hbm>> -> memref<128x64xf32, #tpu.memory_space<hbm>>
      tpu.wait_dma2 semaphore(%run_scoped3A_533 : memref<!tpu.dma_semaphore, #tpu.memory_space<semaphore_mem>>) src(%arg10 : memref<128x64xf32, #tpu.memory_space<vmem>>) dst(%dma_wait3A_543 : memref<128x64xf32, #tpu.memory_space<hbm>>)
      tpu.yield
    }) : () -> ()
    %mul3A_526 = arith.constant 640 : i32
    %mul3A_527 = arith.muli %arg1, %mul3A_526 : i32
    %add3A_528 = arith.constant 512 : i32
    %add3A_529 = arith.addi %mul3A_527, %add3A_528 : i32
    "tpu.region"() ({
      %run_scoped3A_533 = tpu.sem_alloc : memref<!tpu.dma_semaphore, #tpu.memory_space<semaphore_mem>>
      %dma_start3A = arith.constant 0 : i32
      %dma_start3A_534 = tpu.memref_slice %arg11[%add3A_529, %dma_start3A] : memref<10240x64xf32, #tpu.memory_space<vmem_shared>> -> memref<128x64xf32, #tpu.memory_space<vmem_shared>>
      %dma_start3A_535 = arith.constant 0 : i32
      %dma_start3A_536 = tpu.memref_slice %arg11[%add3A_529, %dma_start3A_535] : memref<10240x64xf32, #tpu.memory_space<vmem_shared>> -> memref<128x64xf32, #tpu.memory_space<vmem_shared>>
      tpu.enqueue_dma source(%dma_start3A_536 : memref<128x64xf32, #tpu.memory_space<vmem_shared>>) target(%arg10 : memref<128x64xf32, #tpu.memory_space<vmem>>) target_semaphore(%run_scoped3A_533 : memref<!tpu.dma_semaphore, #tpu.memory_space<semaphore_mem>>)
      %dma_wait3A = arith.constant 0 : i32
      %dma_wait3A_537 = tpu.memref_slice %arg11[%add3A_529, %dma_wait3A] : memref<10240x64xf32, #tpu.memory_space<vmem_shared>> -> memref<128x64xf32, #tpu.memory_space<vmem_shared>>
      %dma_wait3A_538 = arith.constant 0 : i32
      %dma_wait3A_539 = tpu.memref_slice %arg11[%add3A_529, %dma_wait3A_538] : memref<10240x64xf32, #tpu.memory_space<vmem_shared>> -> memref<128x64xf32, #tpu.memory_space<vmem_shared>>
      tpu.wait_dma2 semaphore(%run_scoped3A_533 : memref<!tpu.dma_semaphore, #tpu.memory_space<semaphore_mem>>) src(%dma_wait3A_539 : memref<128x64xf32, #tpu.memory_space<vmem_shared>>) dst(%arg10 : memref<128x64xf32, #tpu.memory_space<vmem>>)
      tpu.yield
    }) : () -> ()
    %run_scoped3A_530 = arith.constant 3 : i32
    %run_scoped3A_531 = arith.constant 1 : i32
    "tpu.region"() ({
      %run_scoped3A_533 = tpu.sem_alloc : memref<!tpu.dma_semaphore, #tpu.memory_space<semaphore_mem>>
      %dma_start3A = arith.constant 0 : i32
      %dma_start3A_534 = tpu.memref_slice %arg5[%run_scoped3A_530, %arg0, %run_scoped3A_531, %add3A_529, %dma_start3A] : memref<4x2x2x10240x64xf32, #tpu.memory_space<hbm>> -> memref<1x1x1x128x64xf32, #tpu.memory_space<hbm>>
      %dma_start3A_535 = tpu.memref_squeeze %dma_start3A_534 : memref<1x1x1x128x64xf32, #tpu.memory_space<hbm>> -> memref<128x64xf32, #tpu.memory_space<hbm>>
      %dma_start3A_536 = arith.constant 0 : i32
      %dma_start3A_537 = tpu.memref_slice %arg5[%run_scoped3A_530, %arg0, %run_scoped3A_531, %add3A_529, %dma_start3A_536] : memref<4x2x2x10240x64xf32, #tpu.memory_space<hbm>> -> memref<1x1x1x128x64xf32, #tpu.memory_space<hbm>>
      %dma_start3A_538 = tpu.memref_squeeze %dma_start3A_537 : memref<1x1x1x128x64xf32, #tpu.memory_space<hbm>> -> memref<128x64xf32, #tpu.memory_space<hbm>>
      tpu.enqueue_dma source(%arg10 : memref<128x64xf32, #tpu.memory_space<vmem>>) target(%dma_start3A_538 : memref<128x64xf32, #tpu.memory_space<hbm>>) target_semaphore(%run_scoped3A_533 : memref<!tpu.dma_semaphore, #tpu.memory_space<semaphore_mem>>)
      %dma_wait3A = arith.constant 0 : i32
      %dma_wait3A_539 = tpu.memref_slice %arg5[%run_scoped3A_530, %arg0, %run_scoped3A_531, %add3A_529, %dma_wait3A] : memref<4x2x2x10240x64xf32, #tpu.memory_space<hbm>> -> memref<1x1x1x128x64xf32, #tpu.memory_space<hbm>>
      %dma_wait3A_540 = tpu.memref_squeeze %dma_wait3A_539 : memref<1x1x1x128x64xf32, #tpu.memory_space<hbm>> -> memref<128x64xf32, #tpu.memory_space<hbm>>
      %dma_wait3A_541 = arith.constant 0 : i32
      %dma_wait3A_542 = tpu.memref_slice %arg5[%run_scoped3A_530, %arg0, %run_scoped3A_531, %add3A_529, %dma_wait3A_541] : memref<4x2x2x10240x64xf32, #tpu.memory_space<hbm>> -> memref<1x1x1x128x64xf32, #tpu.memory_space<hbm>>
      %dma_wait3A_543 = tpu.memref_squeeze %dma_wait3A_542 : memref<1x1x1x128x64xf32, #tpu.memory_space<hbm>> -> memref<128x64xf32, #tpu.memory_space<hbm>>
      tpu.wait_dma2 semaphore(%run_scoped3A_533 : memref<!tpu.dma_semaphore, #tpu.memory_space<semaphore_mem>>) src(%arg10 : memref<128x64xf32, #tpu.memory_space<vmem>>) dst(%dma_wait3A_543 : memref<128x64xf32, #tpu.memory_space<hbm>>)
      tpu.yield
    }) : () -> ()
    %barrier3A_532 = arith.constant 0 : index
    tpu.barrier barrier_id(%barrier3A_532)
    return
  }
}

module attributes {stable_mosaic.version = 14 : i64} {
  func.func @_cell_body(%arg0: memref<1353x512xf32, #tpu.memory_space<vmem>>, %arg1: memref<1353x512xf32, #tpu.memory_space<vmem>>, %arg2: memref<1353x512xf32, #tpu.memory_space<vmem>>, %arg3: memref<1353x512xi32, #tpu.memory_space<vmem>>) attributes {dimension_semantics = [], scalar_prefetch = 0 : i64, scratch_operands = 0 : i64, tpu.core_type = #tpu.core_type<tc>} {
    %get3A = arith.constant 0 : index
    %get3A_0 = arith.constant 0 : index
    %get3A_1 = vector.load %arg0[%get3A, %get3A_0] : memref<1353x512xf32, #tpu.memory_space<vmem>>, vector<1353x512xf32>
    %get3A_2 = arith.constant 0 : index
    %get3A_3 = arith.constant 0 : index
    %get3A_4 = vector.load %arg1[%get3A_2, %get3A_3] : memref<1353x512xf32, #tpu.memory_space<vmem>>, vector<1353x512xf32>
    %get3A_5 = arith.constant 0 : index
    %get3A_6 = arith.constant 0 : index
    %get3A_7 = vector.load %arg2[%get3A_5, %get3A_6] : memref<1353x512xf32, #tpu.memory_space<vmem>>, vector<1353x512xf32>
    %sub3A = arith.constant -5.000000e+01 : f32
    %sub3A_8 = vector.broadcast %sub3A : f32 to vector<1353x512xf32>
    %sub3A_9 = arith.subf %get3A_1, %sub3A_8 : vector<1353x512xf32>
    %div3A = arith.constant 5.000000e-01 : f32
    %div3A_10 = vector.broadcast %div3A : f32 to vector<1353x512xf32>
    %div3A_11 = arith.divf %sub3A_9, %div3A_10 : vector<1353x512xf32>
    %floor3A = math.floor %div3A_11 : vector<1353x512xf32>
    %convert_element_type3A = arith.fptosi %floor3A : vector<1353x512xf32> to vector<1353x512xi32>
    %sub3A_12 = arith.constant -5.000000e+01 : f32
    %sub3A_13 = vector.broadcast %sub3A_12 : f32 to vector<1353x512xf32>
    %sub3A_14 = arith.subf %get3A_4, %sub3A_13 : vector<1353x512xf32>
    %div3A_15 = arith.constant 5.000000e-01 : f32
    %div3A_16 = vector.broadcast %div3A_15 : f32 to vector<1353x512xf32>
    %div3A_17 = arith.divf %sub3A_14, %div3A_16 : vector<1353x512xf32>
    %floor3A_18 = math.floor %div3A_17 : vector<1353x512xf32>
    %convert_element_type3A_19 = arith.fptosi %floor3A_18 : vector<1353x512xf32> to vector<1353x512xi32>
    %sub3A_20 = arith.constant -1.000000e+01 : f32
    %sub3A_21 = vector.broadcast %sub3A_20 : f32 to vector<1353x512xf32>
    %sub3A_22 = arith.subf %get3A_7, %sub3A_21 : vector<1353x512xf32>
    %div3A_23 = arith.constant 2.000000e+01 : f32
    %div3A_24 = vector.broadcast %div3A_23 : f32 to vector<1353x512xf32>
    %div3A_25 = arith.divf %sub3A_22, %div3A_24 : vector<1353x512xf32>
    %floor3A_26 = math.floor %div3A_25 : vector<1353x512xf32>
    %convert_element_type3A_27 = arith.fptosi %floor3A_26 : vector<1353x512xf32> to vector<1353x512xi32>
    %ge3A = arith.constant 0 : i32
    %ge3A_28 = vector.broadcast %ge3A : i32 to vector<1353x512xi32>
    %ge3A_29 = arith.cmpi sge, %convert_element_type3A, %ge3A_28 : vector<1353x512xi32>
    %lt3A = arith.constant 200 : i32
    %lt3A_30 = vector.broadcast %lt3A : i32 to vector<1353x512xi32>
    %lt3A_31 = arith.cmpi slt, %convert_element_type3A, %lt3A_30 : vector<1353x512xi32>
    %and3A = arith.andi %ge3A_29, %lt3A_31 : vector<1353x512xi1>
    %ge3A_32 = arith.constant 0 : i32
    %ge3A_33 = vector.broadcast %ge3A_32 : i32 to vector<1353x512xi32>
    %ge3A_34 = arith.cmpi sge, %convert_element_type3A_19, %ge3A_33 : vector<1353x512xi32>
    %and3A_35 = arith.andi %and3A, %ge3A_34 : vector<1353x512xi1>
    %lt3A_36 = arith.constant 200 : i32
    %lt3A_37 = vector.broadcast %lt3A_36 : i32 to vector<1353x512xi32>
    %lt3A_38 = arith.cmpi slt, %convert_element_type3A_19, %lt3A_37 : vector<1353x512xi32>
    %and3A_39 = arith.andi %and3A_35, %lt3A_38 : vector<1353x512xi1>
    %ge3A_40 = arith.constant 0 : i32
    %ge3A_41 = vector.broadcast %ge3A_40 : i32 to vector<1353x512xi32>
    %ge3A_42 = arith.cmpi sge, %convert_element_type3A_27, %ge3A_41 : vector<1353x512xi32>
    %and3A_43 = arith.andi %and3A_39, %ge3A_42 : vector<1353x512xi1>
    %lt3A_44 = arith.constant 1 : i32
    %lt3A_45 = vector.broadcast %lt3A_44 : i32 to vector<1353x512xi32>
    %lt3A_46 = arith.cmpi slt, %convert_element_type3A_27, %lt3A_45 : vector<1353x512xi32>
    %and3A_47 = arith.andi %and3A_43, %lt3A_46 : vector<1353x512xi1>
    %mul3A = arith.constant 200 : i32
    %mul3A_48 = vector.broadcast %mul3A : i32 to vector<1353x512xi32>
    %mul3A_49 = arith.muli %convert_element_type3A, %mul3A_48 : vector<1353x512xi32>
    %add3A = arith.addi %mul3A_49, %convert_element_type3A_19 : vector<1353x512xi32>
    %jit3A = arith.constant 1073741824 : i32
    %broadcast_in_dim3A = vector.broadcast %jit3A : i32 to vector<1353x512xi32>
    %select_n3A = arith.select %and3A_47, %add3A, %broadcast_in_dim3A : vector<1353x512xi1>, vector<1353x512xi32>
    %swap3A = arith.constant 0 : index
    %swap3A_50 = arith.constant 0 : index
    %swap3A_51 = vector.load %arg3[%swap3A, %swap3A_50] : memref<1353x512xi32, #tpu.memory_space<vmem>>, vector<1353x512xi32>
    tpu.vector_store %arg3[%swap3A, %swap3A_50], %select_n3A {strides = array<i32>} : memref<1353x512xi32, #tpu.memory_space<vmem>>, vector<1353x512xi32>,
    return
  }
}

module attributes {stable_mosaic.version = 14 : i64} {
  func.func @_transpose_body(%arg0: i32, %arg1: i32, %arg2: memref<1x8x200x64xf32, #tpu.memory_space<vmem>>, %arg3: memref<1x64x8x200xf32, #tpu.memory_space<vmem>>) attributes {dimension_semantics = [#tpu.dimension_semantics<arbitrary>, #tpu.dimension_semantics<arbitrary>], iteration_bounds = array<i64: 4, 25>, scalar_prefetch = 0 : i64, scratch_operands = 0 : i64, tpu.core_type = #tpu.core_type<tc>, window_params = [{transform_indices = @transform_0, window_bounds = array<i64: 1, 8, 200, 64>}, {transform_indices = @transform_1, window_bounds = array<i64: 1, 64, 8, 200>}]} {
    %get3A = arith.constant 0 : index
    %get3A_0 = arith.constant 0 : index
    %get3A_1 = arith.constant 0 : index
    %get3A_2 = arith.constant 0 : index
    %get3A_3 = vector.load %arg2[%get3A, %get3A_0, %get3A_1, %get3A_2] : memref<1x8x200x64xf32, #tpu.memory_space<vmem>>, vector<1x8x200x64xf32>
    %transpose3A = tpu.transpose %get3A_3, [0, 3, 1, 2] : vector<1x8x200x64xf32> -> vector<1x64x8x200xf32>
    %swap3A = arith.constant 0 : index
    %swap3A_4 = arith.constant 0 : index
    %swap3A_5 = arith.constant 0 : index
    %swap3A_6 = arith.constant 0 : index
    %swap3A_7 = vector.load %arg3[%swap3A, %swap3A_4, %swap3A_5, %swap3A_6] : memref<1x64x8x200xf32, #tpu.memory_space<vmem>>, vector<1x64x8x200xf32>
    tpu.vector_store %arg3[%swap3A, %swap3A_4, %swap3A_5, %swap3A_6], %transpose3A {strides = array<i32>} : memref<1x64x8x200xf32, #tpu.memory_space<vmem>>, vector<1x64x8x200xf32>,
    return
  }
  func.func @transform_0(%arg0: i32, %arg1: i32) -> (i32, i32, i32, i32) {
    %c0_i32 = arith.constant 0 : i32
    %c0_i32_0 = arith.constant 0 : i32
    %c0_i32_1 = arith.constant 0 : i32
    return %arg0, %arg1, %c0_i32, %c0_i32_0 : i32, i32, i32, i32
  }
  func.func @transform_1(%arg0: i32, %arg1: i32) -> (i32, i32, i32, i32) {
    %c0_i32 = arith.constant 0 : i32
    %c0_i32_0 = arith.constant 0 : i32
    %c0_i32_1 = arith.constant 0 : i32
    return %arg0, %c0_i32, %arg1, %c0_i32_0 : i32, i32, i32, i32
  }
}

</mosaic_0001>

<sc_bundles>
// kernel: kernel.5.cloned.1.call-start
scs
__scs_entry_jumppad:
0x0: {  	(pc) =	sbr.rel $0x88, $3  }
0x1: {  	(tag) =	ssettag $0x0;
	lr =	simm.s32 $0x1  }
0x2: {  	[smem:$0x3F9F] =	sst lr;
	_ =	strace $0xD0000000  }
0x3: {  	_ = 	snop  }
0x4: {  	_ = 	snop  }
0x5: {  	_ = 	snop  }
0x6: {  	_ = 	snop  }
0x7: {  	_ = 	snop  }
__scs_overlays_trampoline_lowered:
0x8: {  	[smem:$0x3FAE] =	sst s0  }
0x9: {  	[smem:$0x3FAF] =	sst s1  }
0xa: {  	[smem:$0x3FB0] =	sst s2  }
0xb: {  	[smem:$0x3FB1] =	sst s3  }
0xc: {  	[smem:$0x3FB2] =	sst s4  }
0xd: {  	[smem:$0x3FB3] =	sst s5  }
0xe: {  	[smem:$0x3FB4] =	sst s6  }
0xf: {  	[smem:$0x3FB5] =	sst s7  }
0x10: {  	[smem:$0x3FB6] =	sst s8  }
0x11: {  	[smem:$0x3FB7] =	sst s9;
	s0 =	simm.s32 @!p0 $0x0  }
0x12: {  	s1 =	sld [smem:$0x3F9D];
	s0 =	simm.s32 @p0 $0x1  }
0x13: {  	[smem:$0x3FB8] =	sst s0;
	s0 =	simm.s32 @!p1 $0x0  }
0x14: {  	s2 =	sld [smem:$0x3F9C];
	s0 =	simm.s32 @p1 $0x1  }
0x15: {  	[smem:$0x3FB9] =	sst s0;
	s0 =	simm.s32 @!p2 $0x0  }
0x16: {  	s3 =	sld [smem:$0x3FDB];
	s0 =	simm.s32 @p2 $0x1  }
0x17: {  	s4 =	simm.s32 $0x1BF5;
	[smem:$0x3FBB] =	sst s0  }
0x18: {  	s0 =	sld [smem:$0x3F9E];
	_ =	swait.ge [sflag:s4], $0x0  }
0x19: {  	s7 =	sld [smem:$0x3F9F]  }
0x1a: {  	s8 =	sadd.s32 $0xFFFFE003, lr  }
0x1b: {  	s9 =	sadd.s32 $0xFFFFFEF7, lr;
	s5 =	simm.s32 $0xFFFFFFFF;
	p2 =	slt.u32 s8, $0xFFFFF086  }
0x1c: {  	p1 =	slt.u32 s9, $0xF7A;
	s5 =	simm.s32 @!p2 $0x0  }
0x1d: {  	s5 =	simm.s32 @p1 $0x1;
	p0 =	seq.s32 s7, s2  }
0x1e: {  	s7 =	smul.u32 @!p0 $0xF7A, s2;
	p2 =	seq.s32 @!p0 s5, $0x0  }
0x1f: {  	s9 =	smul.u32 $0xF7A, s1;
	s8 =	simm.s32 @!p0 $0x1BF5;
	p2 =	por !p2, p0  }
0x20: {  	[sflag:s8] =	ssyncset.s32 @!p0 $0xFFFFF086;
	s6 =	sadd.s32 @!p0 s3, s7;
	s7 =	simm.s32 @!p0 $0x108  }
0x21: {  	s3 =	sadd.s32 s3, s9;
	s6 =	sadd.s32 @!p0 $0x88, s6;
	s7 =	simm.s32 @p2 $0x1082  }
0x22: {  	[simem:s7], [sflag:s8] =	dma.local @!p0 [hbm:s6], $0xF7A  }
0x23: {  	s9 =	sor.u32 $0xD0000000, s2;
	s6 =	simm.s32 $0x108;
	_ =	swait.ge @!p0 [sflag:s8], $0x0  }
0x24: {  	s3 =	sadd.s32 $0x88, s3;
	s6 =	simm.s32 @!p1 $0x1082;
	[sflag:s4] =	ssyncset.s32 $0xFFFFF086  }
0x25: {  	[simem:s6], [sflag:s4] =	dma.local [hbm:s3], $0xF7A  }
0x26: {  	[smem:$0x3F9F] =	sst s1;
	(tag) =	ssettag s2;
	_ =	strace s9  }
0x27: {  	s1 =	sld [smem:$0x3FAF]  }
0x28: {  	s2 =	sld [smem:$0x3FB0]  }
0x29: {  	s4 =	sld [smem:$0x3FB2]  }
0x2a: {  	p0 =	seq.s32 s5, $0x0;
	s5 =	sld [smem:$0x3FB3]  }
0x2b: {  	s6 =	sld [smem:$0x3FB4]  }
0x2c: {  	s7 =	sld [smem:$0x3FB5]  }
0x2d: {  	s3 =	simm.s32 $0x108;
	s8 =	sld [smem:$0x3FB6]  }
0x2e: {  	s3 =	simm.s32 @!p0 $0x1082;
	s9 =	sld [smem:$0x3FB7]  }
0x2f: {  	lr =	sadd.s32 s0, s3;
	s0 =	sld [smem:$0x3FAE]  }
0x30: {  	s3 =	sld [smem:$0x3FB1]  }
0x31: {  	[smem:$0x3FBA] =	sst s10  }
0x32: {  	s10 =	sld [smem:$0x3FB8];
	_ =	sdelay $0x3  }
0x33: {  	p0 =	seq.s32 s10, $0x1;
	s10 =	sld [smem:$0x3FBA];
	_ =	sdelay $0x3  }
0x34: {  	[smem:$0x3FBA] =	sst s10  }
0x35: {  	s10 =	sld [smem:$0x3FB9];
	_ =	sdelay $0x3  }
0x36: {  	p1 =	seq.s32 s10, $0x1;
	s10 =	sld [smem:$0x3FBA];
	_ =	sdelay $0x3  }
0x37: {  	[smem:$0x3FBA] =	sst s10  }
0x38: {  	s10 =	sld [smem:$0x3FBB]  }
0x39: {  	_ = 	snop;
	(pc) =	sbr.ind lr, $3  }
0x3a: {  	_ = 	snop  }
0x3b: {  	_ = 	snop  }
0x3c: {  	p2 =	seq.s32 s10, $0x1;
	s10 =	sld [smem:$0x3FBA]  }
0x3d: {  	_ =	shalt  }
0x3e: {  	_ =	shalt  }
0x3f: {  	_ =	shalt  }
0x40: {  	_ =	shalt  }
0x41: {  	_ =	shalt  }
0x42: {  	_ =	shalt  }
0x43: {  	_ =	shalt  }
0x44: {  	_ =	shalt  }
0x45: {  	_ =	shalt  }
0x46: {  	_ =	shalt  }
0x47: {  	_ =	shalt  }
0x48: {  	_ =	shalt  }
0x49: {  	_ =	shalt  }
0x4a: {  	_ =	shalt  }
0x4b: {  	_ =	shalt  }
0x4c: {  	_ =	shalt  }
0x4d: {  	_ =	shalt  }
0x4e: {  	_ =	shalt  }
0x4f: {  	_ =	shalt  }
0x50: {  	_ =	shalt  }
0x51: {  	_ =	shalt  }
0x52: {  	_ =	shalt  }
0x53: {  	_ =	shalt  }
0x54: {  	_ =	shalt  }
0x55: {  	_ =	shalt  }
0x56: {  	_ =	shalt  }
0x57: {  	_ =	shalt  }
0x58: {  	_ =	shalt  }
0x59: {  	_ =	shalt  }
0x5a: {  	_ =	shalt  }
0x5b: {  	_ =	shalt  }
0x5c: {  	_ =	shalt  }
0x5d: {  	_ =	shalt  }
0x5e: {  	_ =	shalt  }
0x5f: {  	_ =	shalt  }
0x60: {  	_ =	shalt  }
0x61: {  	_ =	shalt  }
0x62: {  	_ =	shalt  }
0x63: {  	_ =	shalt  }
0x64: {  	_ =	shalt  }
0x65: {  	_ =	shalt  }
0x66: {  	_ =	shalt  }
0x67: {  	_ =	shalt  }
0x68: {  	_ =	shalt  }
0x69: {  	_ =	shalt  }
0x6a: {  	_ =	shalt  }
0x6b: {  	_ =	shalt  }
0x6c: {  	_ =	shalt  }
0x6d: {  	_ =	shalt  }
0x6e: {  	_ =	shalt  }
0x6f: {  	_ =	shalt  }
0x70: {  	_ =	shalt  }
0x71: {  	_ =	shalt  }
0x72: {  	_ =	shalt  }
0x73: {  	_ =	shalt  }
0x74: {  	_ =	shalt  }
0x75: {  	_ =	shalt  }
0x76: {  	_ =	shalt  }
0x77: {  	_ =	shalt  }
0x78: {  	_ =	shalt  }
0x79: {  	_ =	shalt  }
0x7a: {  	_ =	shalt  }
0x7b: {  	_ =	shalt  }
0x7c: {  	_ =	shalt  }
0x7d: {  	_ =	shalt  }
0x7e: {  	_ =	shalt  }
0x7f: {  	_ =	shalt  }
0x80: {  	_ =	shalt  }
0x81: {  	_ =	shalt  }
0x82: {  	_ =	shalt  }
0x83: {  	_ =	shalt  }
0x84: {  	_ =	shalt  }
0x85: {  	_ =	shalt  }
0x86: {  	_ =	shalt  }
0x87: {  	_ =	shalt  }
.Lfunc_end0:
.L_simem_size_0:
called_computation_lowered:
.L_overlay_start_0:
0x88: {  	s2 =	sld [smem:$0x3FD9]  }
0x89: {  	s3 =	sld [smem:$0x3FFE];
	_ =	sdelay $0x1  }
0x8a: {  	s1 =	srdreg.scid  }
0x8b: {  	s0 =	sand.u32 $0x1, s1  }
0x8c: {  	s17 =	sshll.u32 s0, $0xA;
	s2 =	sadd.s32 s3, s2  }
0x8d: {  	s2 =	sadd.s32 s2, s17  }
0x8e: {  	[smem:$0x3FC6] =	sst s2  }
0x8f: {  	_ = 	snop  }
0x90: {  	s2 =	sld [smem:$0x3FD0];
	(tm) =	ssettm $0x1  }
0x91: {  	s18 =	sld [smem:$0x3FFB];
	_ =	sdelay $0x3  }
0x92: {  	_ =	strace s18  }
0x93: {  	s3 =	sld [smem:$0x3FFC];
	_ =	sdelay $0x3  }
0x94: {  	_ =	strace s3  }
0x95: {  	s3 =	sld [smem:$0x3FFD];
	_ =	sdelay $0x3  }
0x96: {  	_ =	strace s3  }
0x97: {  	_ =	strace $0x8FFFFFFF  }
0x98: {  	s19 =	sld [smem:$0x3FDB];
	_ =	sdelay $0x1  }
0x99: {  	s4 =	simm.s32 $_scs_section_size  }
0x9a: {  	s5 =	simm.s32 $_size__tile_overlayer_lowered;
	s6 =	simm.s32 $_tile_overlayer_lowered  }
0x9b: {  	s22 =	simm.s32 $0x1BFF;
	s21 =	sshll.u32 s6, $0x1;
	s3 =	sadd.s32 s4, s19  }
0x9c: {  	s7 =	simm.s32 $0x0;
	s20 =	sshll.u32 s5, $0x1;
	s5 =	sadd.s32 s21, s3  }
0x9d: {  	[timem:s7], [sflag:s22] =	dma.local [hbm:s5], s20  }
0x9e: {  	_ =	swait.ge [sflag:s22], s20  }
0x9f: {  	s4 =	ssub.s32 $0x0, s20;
	[sflag:s22] =	ssyncset.done $0x0  }
0xa0: {  	[sflag:s22] =	ssyncadd.s32 s4;
	_ =	sdelay $0x1  }
0xa1: {  	s23 =	simm.s32 $0x1B8B  }
0xa2: {  	_ =	swait.ge [sflag:s23], $0x1  }
0xa3: {  	[sflag:s23] =	ssyncset.done $0x0  }
0xa4: {  	s25 =	simm.s32 $0x1B8E;
	s24 =	sld [smem:$0x3FFE];
	[sflag:s23] =	ssyncadd.s32 $0xFFFFFFFF  }
0xa5: {  	s26 =	simm.s32 $execute0_lowered;
	[smem:$0x3FD2] =	sst s25  }
0xa6: {  	s5 =	sshll.u32 s26, $0x1;
	_ =	strace $0x80000046;
	[dreg:$0x1] =	wrdreg $0xFFFFFFFF  }
0xa7: {  	s28 =	simm.s32 $_size_execute0_lowered;
	s3 =	sadd.s32 s3, s5;
	[dreg:$0x0] =	wrdreg $0x0  }
0xa8: {  	s5 =	sshll.u32 s28, $0x1;
	[dreg:$0x2] =	wrdreg s3  }
0xa9: {  	[dreg:$0x3] =	wrdreg s5  }
0xaa: {  	[dreg:$0x4] =	wrdreg $0xC0  }
0xab: {  	_ =	task [dreg:s7], $0x5FFFF  }
0xac: {  	[dreg:$0x1] =	wrdreg $0xFFFFFFFF  }
0xad: {  	[dreg:$0x0] =	wrdreg $0x60  }
0xae: {  	[dreg:$0x2] =	wrdreg s24  }
0xaf: {  	[dreg:$0x3] =	wrdreg s2  }
0xb0: {  	[dreg:$0x4] =	wrdreg $0x58C00  }
0xb1: {  	[dreg:$0x5] =	wrdreg $0x9  }
0xb2: {  	_ =	task.clear_ibuf [dreg:s7], $0x6FFFF;
	_ =	strace $0x90000046  }
0xb3: {  	s29 =	simm.s32 $0x9;
	_ =	strace $0x80000048  }
0xb4: {  	_ =	swait.ge [sflag:s29], $0x1  }
0xb5: {  	[sflag:s29] =	ssyncadd.s32 $0xFFFFFFFF  }
0xb6: {  	_ =	strace $0x90000048  }
0xb7: {  	_ =	sfence  }
0xb8: {  	s30 =	sld [smem:$0x0];
	_ =	sdelay $0x2  }
0xb9: {  	s31 =	sshll.u32 s1, $0xD;
	s1 =	sshrl.u32 s1, $0x2  }
0xba: {  	s3 =	sand.u32 $0x4000, s31;
	s1 =	sadd.s32 s1, s30  }
0xbb: {  	s0 =	sor.u32 s3, s0;
	s1 =	sshll.u32 s1, $0x11  }
0xbc: {  	s0 =	sor.u32 s1, s0  }
0xbd: {  	s0 =	sadd.s32 $0x8F2B, s0  }
0xbe: {  	[sflag:s0] =	ssyncadd.remote.s32 $0x1  }
0xbf: {  	_ =	sfence.sel $0xFFFF  }
0xc0: {  	[dreg:$0x0] =	wrdreg $0xFFFFFFFF;
	(pc) =	sbr.abs _section_cstart, $3  }
0xc1: {  	[dreg:$0x1] =	wrdreg $0xFFFFFFFF  }
0xc2: {  	_ =	task.clear_ibuf [dreg:s7], $0x2FFFF;
	_ =	strace $0x9FFFFFFF  }
0xc3: {  	(tm) =	ssettm $0x7FFFFFFF  }
tec
execute0_lowered:
.L_overlay_start_1:
0x0: {  	(tag) =	ssettag $0x1  }
0x1: {  	s4 =	rddreg [dreg:$0x0]  }
0x2: {  	s14 =	rddreg [dreg:$0x1]  }
0x3: {  	s2 =	rddreg [dreg:$0x2];
	s21 =	stileid.u32  }
0x4: {  	s3 =	simm.s32 $0x0;
	s0 =	srdreg.scid;
	s1 =	smul.u32 $0x15240, s21  }
0x5: {  	[smem:$0x7FF] =	sst s3;
	s9 =	smul.u32 $0xA000, s21  }
0x6: {  	s6 =	sand.u32 $0x1, s0;
	s7 =	sadd.s32 $0x15400, s4;
	s23 =	smul.u32 $0x549, s21  }
0x7: {  	s15 =	sor.u32 $0x2710, s21;
	_ =	strace $0x80000047;
	s0 =	smul.u32 $0x4E20, s6  }
0x8: {  	s5 =	ssub.s32 $0x2, s6;
	[dreg:$0x4] =	wrdreg s7;
	s18 =	smul.u32 $0x140000, s6  }
0x9: {  	s16 =	sadd.s32 s1, s4;
	s22 =	sshrl.u32 s5, $0x1;
	s10 =	sadd.s32 $0x2000, s9  }
0xa: {  	s12 =	sadd.s32 $0x4000, s9;
	s13 =	sadd.s32 $0x6000, s9;
	s19 =	sadd.s32 $0x8000, s9  }
0xb: {  	s17 =	ssub.s32 s5, s22;
	s5 =	sadd.s32 s9, s2;
	s6 =	sadd.s32 s10, s2  }
0xc: {  	s7 =	sadd.s32 s12, s2;
	s8 =	sadd.s32 s13, s2;
	s11 =	sadd.s32 s9, s18  }
0xd: {  	s10 =	sadd.s32 s18, s10;
	s9 =	sadd.s32 s19, s2;
	s12 =	sadd.s32 s18, s12  }
0xe: {  	s13 =	sadd.s32 s18, s13;
	s18 =	sadd.s32 s18, s19;
	s19 =	sadd.s32 $0xE2C800, s16  }
0xf: {  	s21 =	sadd.s32 $0xF7EC00, s16;
	s11 =	sshrl.u32 s11, $0x3;
	s20 =	sshrl.u32 s10, $0x3  }
0x10: {  	s12 =	sshrl.u32 s12, $0x3;
	s13 =	sshrl.u32 s13, $0x3;
	s18 =	sshrl.u32 s18, $0x3  }
0x11: {  	s17 =	smax.u32 s17, $0x1;
	s10 =	sadd.s32 s14, s11;
	s11 =	sadd.s32 s14, s20  }
0x12: {  	s12 =	sadd.s32 s14, s12;
	[dreg:$0x6] =	wrdreg s17;
	s24 =	sadd.s32 $0x14000, s10  }
0x13: {  	s13 =	sadd.s32 s14, s13;
	s25 =	sadd.s32 $0x14000, s11;
	[dreg:$0x5] =	wrdreg s24  }
0x14: {  	s14 =	sadd.s32 s14, s18;
	s26 =	sadd.s32 $0x14000, s12;
	[dreg:$0x7] =	wrdreg s25  }
0x15: {  	s17 =	sadd.s32 s23, s4;
	s22 =	sadd.s32 $0x14000, s14;
	[dreg:$0x8] =	wrdreg s26  }
0x16: {  	s18 =	sadd.s32 $0xCDA400, s16;
	s23 =	sadd.s32 $0x50000, s10;
	[dreg:$0xa] =	wrdreg s22  }
0x17: {  	s24 =	sadd.s32 $0xB88000, s16;
	s16 =	sadd.s32 $0x14000, s13;
	[dreg:$0xb] =	wrdreg s23  }
0x18: {  	s25 =	sadd.s32 $0x50000, s11;
	[dreg:$0x9] =	wrdreg s16  }
0x19: {  	s26 =	sadd.s32 $0x50000, s12;
	[dreg:$0xc] =	wrdreg s25  }
0x1a: {  	s22 =	sadd.s32 $0x50000, s14;
	[dreg:$0xd] =	wrdreg s26  }
0x1b: {  	s23 =	sadd.s32 $0x64000, s10;
	[dreg:$0xf] =	wrdreg s22  }
0x1c: {  	s16 =	sadd.s32 $0x50000, s13;
	[dreg:$0x10] =	wrdreg s23  }
0x1d: {  	s25 =	sadd.s32 $0x64000, s11;
	[dreg:$0xe] =	wrdreg s16  }
0x1e: {  	s26 =	sadd.s32 $0x64000, s12;
	[dreg:$0x11] =	wrdreg s25  }
0x1f: {  	s22 =	sadd.s32 $0x64000, s14;
	[dreg:$0x12] =	wrdreg s26  }
0x20: {  	s23 =	sadd.s32 $0xA0000, s10;
	[dreg:$0x14] =	wrdreg s22  }
0x21: {  	s16 =	sadd.s32 $0x64000, s13;
	[dreg:$0x15] =	wrdreg s23  }
0x22: {  	s25 =	sadd.s32 $0xA0000, s11;
	[dreg:$0x13] =	wrdreg s16  }
0x23: {  	s26 =	sadd.s32 $0xA0000, s12;
	[dreg:$0x16] =	wrdreg s25  }
0x24: {  	s22 =	sadd.s32 $0xA0000, s14;
	[dreg:$0x17] =	wrdreg s26  }
0x25: {  	s23 =	sadd.s32 $0xB4000, s10;
	[dreg:$0x19] =	wrdreg s22  }
0x26: {  	s16 =	sadd.s32 $0xA0000, s13;
	[dreg:$0x1a] =	wrdreg s23  }
0x27: {  	s25 =	sadd.s32 $0xB4000, s11;
	[dreg:$0x18] =	wrdreg s16  }
0x28: {  	v2 =	vmov s15;
	s15 =	simm.s32 $0x60;
	s26 =	sadd.s32 $0xB4000, s12;
	[dreg:$0x1b] =	wrdreg s25  }
0x29: {  	s1 =	sadd.s32 $0x2710, s0;
	s22 =	sadd.s32 $0xB4000, s14;
	[dreg:$0x1c] =	wrdreg s26  }
0x2a: {  	v1 =	vmov s1;
	s1 =	simm.s32 $0x1;
	s23 =	sadd.s32 $0xF0000, s10;
	[dreg:$0x1e] =	wrdreg s22  }
0x2b: {  	s20 =	sadd.s32 $0x4E20, s0;
	s16 =	sadd.s32 $0xB4000, s13;
	[dreg:$0x1f] =	wrdreg s23  }
0x2c: {  	v0 =	vmov s0;
	s0 =	simm.s32 $0x18C0;
	s25 =	sadd.s32 $0xF0000, s11;
	[dreg:$0x1d] =	wrdreg s16  }
0x2d: {  	s4 =	simm.s32 $0xC0;
	s26 =	sadd.s32 $0xF0000, s12;
	[smem:$0x7F7] =	sst s25  }
0x2e: {  	s28 =	sadd.s32 $0x104000, s14;
	s22 =	sadd.s32 $0xF0000, s14;
	[smem:$0x7F8] =	sst s26  }
0x2f: {  	s29 =	sadd.s32 $0x5490, s17;
	s23 =	sadd.s32 $0x104000, s10;
	[smem:$0x7FA] =	sst s22  }
0x30: {  	s30 =	sadd.s32 $0xA920, s17;
	s16 =	sadd.s32 $0xF0000, s13;
	[smem:$0x7FB] =	sst s23  }
0x31: {  	s31 =	sadd.s32 $0xFDB0, s17;
	s25 =	sadd.s32 $0x104000, s11;
	[smem:$0x7F9] =	sst s16  }
0x32: {  	s26 =	sadd.s32 $0x104000, s12;
	s22 =	simm.s32 $0x0;
	[smem:$0x7FC] =	sst s25  }
0x33: {  	vm0 =	vmmov $0xff;
	v3 =	vmov s20;
	[smem:$0x7FD] =	sst s26;
	s26 =	sadd.s32 $0x104000, s13;
	s16 =	simm.s32 $0x38C0  }
.LBB2_1:
0x34: {  	s20 =	rddreg [dreg:$0x4]  }
0x35: {  	[tilespmem:s0], [sflag:$0x1] =	stream.linear.gather [hbm4b:s20+s3], $0x2000, $0x38;
	[tilespmem:$0xF8C0] =	vst v63  }
0x36: {  	_ =	swait.ge [sflag:s1], $0x2000  }
0x37: {  	[sflag:s1] =	ssyncset.done $0x0  }
0x38: {  	[sflag:s1] =	ssyncadd.s32 $0xFFFFE000  }
0x39: {  	[spmem:s5] =	stream.linear.scatter [tilespmem:s0], [sflag:$0x1], $0x2000, $0x38;
	[tilespmem:$0xF8C0] =	vst v63  }
0x3a: {  	_ =	swait.ge [sflag:s1], $0x2000  }
0x3b: {  	[sflag:s1] =	ssyncset.done $0x0  }
0x3c: {  	[sflag:s1] =	ssyncadd.s32 $0xFFFFE000  }
0x3d: {  	[spmem:s6] =	stream.linear.scatter [tilespmem:s0], [sflag:$0x1], $0x2000, $0x38;
	[tilespmem:$0xF8C0] =	vst v63  }
0x3e: {  	_ =	swait.ge [sflag:s1], $0x2000  }
0x3f: {  	[sflag:s1] =	ssyncset.done $0x0  }
0x40: {  	[sflag:s1] =	ssyncadd.s32 $0xFFFFE000  }
0x41: {  	[spmem:s7] =	stream.linear.scatter [tilespmem:s0], [sflag:$0x1], $0x2000, $0x38;
	[tilespmem:$0xF8C0] =	vst v63  }
0x42: {  	_ =	swait.ge [sflag:s1], $0x2000  }
0x43: {  	[sflag:s1] =	ssyncset.done $0x0  }
0x44: {  	[sflag:s1] =	ssyncadd.s32 $0xFFFFE000  }
0x45: {  	[spmem:s8] =	stream.linear.scatter [tilespmem:s0], [sflag:$0x1], $0x2000, $0x38;
	[tilespmem:$0xF8C0] =	vst v63  }
0x46: {  	_ =	swait.ge [sflag:s1], $0x2000  }
0x47: {  	[sflag:s1] =	ssyncset.done $0x0  }
0x48: {  	[sflag:s1] =	ssyncadd.s32 $0xFFFFE000  }
0x49: {  	[spmem:s9] =	stream.linear.scatter [tilespmem:s0], [sflag:$0x1], $0x2000, $0x38;
	[tilespmem:$0xF8C0] =	vst v63  }
0x4a: {  	_ =	swait.ge [sflag:s1], $0x2000  }
0x4b: {  	[sflag:s1] =	ssyncset.done $0x0  }
0x4c: {  	[sflag:s1] =	ssyncadd.s32 $0xFFFFE000  }
0x4d: {  	s25 =	sadd.s32 $0x0, s17;
	[bflag:$0x0] =	sbarrier.arrive $0xFFFF  }
0x4e: {  	[tilespmem:s3], [sflag:$0x1] =	stream.linear.gather [hbm4b:s25+s3], $0x58, $0x38;
	[tilespmem:$0xF8C0] =	vst v63  }
0x4f: {  	_ =	swait.ge [sflag:s1], $0x58  }
0x50: {  	[sflag:s1] =	ssyncset.done $0x0  }
0x51: {  	[sflag:s1] =	ssyncadd.s32 $0xFFFFFFA8  }
0x52: {  	[tilespmem:s4], [sflag:$0x1] =	stream.linear.gather [hbm4b:s24+s3], $0x1600, $0x38;
	[tilespmem:$0xF8C0] =	vst v63  }
0x53: {  	_ =	swait.ge [sflag:s1], $0x1600  }
0x54: {  	[sflag:s1] =	ssyncset.done $0x0  }
0x55: {  	[sflag:s1] =	ssyncadd.s32 $0xFFFFEA00  }
0x56: {  	v5 =	vld [tilespmem:$0x0]  }
0x57: {  	v6 =	vld [tilespmem:$0x50]  }
0x58: {  	v9 =	vld [tilespmem:$0x10]  }
0x59: {  	v10 =	vld [tilespmem:$0x20]  }
0x5a: {  	v11 =	vld [tilespmem:$0x40];
	_ =	sdelay $0x1  }
0x5b: {  	v4 =	vld [tilespmem:$0x30]  }
0x5c: {  	vm1 =	vlt.s32 v5, v1;
	v7 =	vsub.s32 v5, v0  }
0x5d: {  	vm2 =	vge.s32 v5, v0;
	vm3 =	vge.s32 v6, v0;
	v8 =	vsub.s32 v6, v0  }
0x5e: {  	v5 =	vsub.s32 v9, v0;
	vm5 =	vge.s32 v10, v0;
	vm4 =	vlt.s32 v11, v1  }
0x5f: {  	vm6 =	vge.s32 v11, v0;
	vm1 =	vmand vm2, vm1;
	vm2 =	vlt.s32 v6, v1  }
0x60: {  	v6 =	vsub.s32 v4, v0;
	v12 =	vsel vm1, v7, v2;
	vm2 =	vmand vm3, vm2  }
0x61: {  	v7 =	vsub.s32 v10, v0;
	vm3 =	vlt.s32 v10, v1;
	vm2 =	vmand vm2, vm0  }
0x62: {  	vm1 =	vge.s32 v9, v0;
	[tilespmem:$0x60] =	vst v12;
	vm5 =	vmand vm5, vm3;
	v13 =	vsel vm2, v8, v2  }
0x63: {  	s23 =	simm.s32 $0xB;
	s20 =	smov.u32 s24;
	vm3 =	vlt.s32 v4, v1;
	v8 =	vsub.s32 v11, v0;
	vm2 =	vlt.s32 v9, v1;
	[tilespmem:$0xB0] =	vst v13  }
.LBB2_2:
0x64: {  	p0 =	sne.s32 s23, $0x53E  }
0x65: {  	v7 =	vsel vm5, v7, v2;
	vm5 =	vge.s32 v4, v0;
	vm4 =	vmand vm6, vm4;
	s20 =	sadd.s32 $0x2C0, s20;
	s25 =	smov.u32 s23;
	s23 =	sadd.s32 $0xB, s23  }
0x66: {  	vm1 =	vmand vm1, vm2;
	[tilespmem:$0x80] =	vst v7;
	vm2 =	vmand vm5, vm3;
	v4 =	vsel vm4, v8, v2  }
0x67: {  	v5 =	vsel vm1, v5, v2;
	v6 =	vsel vm2, v6, v2;
	[tilespmem:$0xA0] =	vst v4  }
0x68: {  	[tilespmem:$0x70] =	vst v5  }
0x69: {  	[tilespmem:$0x90] =	vst v6  }
0x6a: {  	[spmem:s2] =	stream.indirect.scatter.add.f32 [tilespmem:s4], [sflag:$0x1], $0x40, s15, s15, $0xb8;
	[tilespmem:$0xF8C0] =	vst v63  }
0x6b: {  	_ =	swait.ge [sflag:s1], $0x1800  }
0x6c: {  	[sflag:s1] =	ssyncset.done $0x0  }
0x6d: {  	s25 =	sadd.s32 s25, s17;
	[sflag:s1] =	ssyncadd.s32 $0xFFFFE800  }
0x6e: {  	[tilespmem:s3], [sflag:$0x1] =	stream.linear.gather [hbm4b:s25+s3], $0x58, $0x38;
	[tilespmem:$0xF8C0] =	vst v63  }
0x6f: {  	_ =	swait.ge [sflag:s1], $0x58  }
0x70: {  	[sflag:s1] =	ssyncset.done $0x0  }
0x71: {  	[sflag:s1] =	ssyncadd.s32 $0xFFFFFFA8  }
0x72: {  	[tilespmem:s4], [sflag:$0x1] =	stream.linear.gather [hbm4b:s20+s3], $0x1600, $0x38;
	[tilespmem:$0xF8C0] =	vst v63  }
0x73: {  	_ =	swait.ge [sflag:s1], $0x1600  }
0x74: {  	[sflag:s1] =	ssyncset.done $0x0  }
0x75: {  	[sflag:s1] =	ssyncadd.s32 $0xFFFFEA00  }
0x76: {  	v5 =	vld [tilespmem:$0x0]  }
0x77: {  	v6 =	vld [tilespmem:$0x50]  }
0x78: {  	v9 =	vld [tilespmem:$0x10]  }
0x79: {  	v10 =	vld [tilespmem:$0x20]  }
0x7a: {  	v4 =	vld [tilespmem:$0x30]  }
0x7b: {  	vm1 =	vlt.s32 v5, v1;
	v7 =	vsub.s32 v5, v0;
	v11 =	vld [tilespmem:$0x40]  }
0x7c: {  	vm2 =	vge.s32 v5, v0;
	vm3 =	vge.s32 v6, v0;
	v12 =	vsub.s32 v6, v0  }
0x7d: {  	vm1 =	vmand vm2, vm1;
	vm2 =	vlt.s32 v6, v1;
	v5 =	vsub.s32 v9, v0  }
.Ltmp0:
0x7e: {  	v6 =	vsel vm1, v7, v2;
	vm2 =	vmand vm3, vm2;
	v7 =	vsub.s32 v10, v0;
	(pc) =	sbr.rel @p0 .LBB2_2-.Ltmp0, $4  }
0x7f: {  	vm1 =	vge.s32 v9, v0;
	vm2 =	vmand vm2, vm0;
	[tilespmem:$0x60] =	vst v6;
	v6 =	vsub.s32 v4, v0  }
0x80: {  	vm3 =	vlt.s32 v10, v1;
	v12 =	vsel vm2, v12, v2;
	v8 =	vsub.s32 v11, v0  }
0x81: {  	vm5 =	vge.s32 v10, v0;
	vm2 =	vlt.s32 v9, v1;
	vm4 =	vlt.s32 v11, v1;
	[tilespmem:$0xB0] =	vst v12  }
0x82: {  	vm5 =	vmand vm5, vm3;
	vm3 =	vlt.s32 v4, v1;
	vm6 =	vge.s32 v11, v0  }
0x83: {  	v7 =	vsel vm5, v7, v2;
	vm4 =	vmand vm6, vm4  }
0x84: {  	vm5 =	vge.s32 v4, v0;
	vm1 =	vmand vm1, vm2;
	[tilespmem:$0x80] =	vst v7;
	v4 =	vsel vm4, v8, v2  }
0x85: {  	vm2 =	vmand vm5, vm3;
	v5 =	vsel vm1, v5, v2;
	[tilespmem:$0xA0] =	vst v4  }
0x86: {  	v4 =	vsel vm2, v6, v2;
	[tilespmem:$0x70] =	vst v5  }
0x87: {  	[tilespmem:$0x90] =	vst v4  }
0x88: {  	[spmem:s2] =	stream.indirect.scatter.add.f32 [tilespmem:s4], [sflag:$0x1], $0x40, s15, s15, $0xb8;
	[tilespmem:$0xF8C0] =	vst v63  }
0x89: {  	_ =	swait.ge [sflag:s1], $0x1800  }
0x8a: {  	[sflag:s1] =	ssyncset.done $0x0  }
0x8b: {  	[sflag:s1] =	ssyncadd.s32 $0xFFFFE800  }
0x8c: {  	[bflag:$0x0] =	sbarrier.arrive $0xFFFF  }
0x8d: {  	[tilespmem:s16], [sflag:$0x1] =	stream.linear.gather [spmem:s5], $0x2000, $0x38;
	[tilespmem:$0xF8C0] =	vst v63  }
0x8e: {  	_ =	swait.ge [sflag:s1], $0x2000  }
0x8f: {  	[sflag:s1] =	ssyncset.done $0x0  }
0x90: {  	s20 =	simm.s32 $0x0;
	[sflag:s1] =	ssyncadd.s32 $0xFFFFE000  }
0x91: {  	[hbm4b:s10+s20] =	stream.linear.scatter [tilespmem:s16], [sflag:$0x1], $0x2000, $0x38;
	[tilespmem:$0xF8C0] =	vst v63  }
0x92: {  	_ =	swait.ge [sflag:s1], $0x2000  }
0x93: {  	[sflag:s1] =	ssyncset.done $0x0  }
0x94: {  	[sflag:s1] =	ssyncadd.s32 $0xFFFFE000  }
0x95: {  	[tilespmem:s16], [sflag:$0x1] =	stream.linear.gather [spmem:s6], $0x2000, $0x38;
	[tilespmem:$0xF8C0] =	vst v63  }
0x96: {  	_ =	swait.ge [sflag:s1], $0x2000  }
0x97: {  	[sflag:s1] =	ssyncset.done $0x0  }
0x98: {  	[sflag:s1] =	ssyncadd.s32 $0xFFFFE000  }
0x99: {  	[hbm4b:s11+s20] =	stream.linear.scatter [tilespmem:s16], [sflag:$0x1], $0x2000, $0x38;
	[tilespmem:$0xF8C0] =	vst v63  }
0x9a: {  	_ =	swait.ge [sflag:s1], $0x2000  }
0x9b: {  	[sflag:s1] =	ssyncset.done $0x0  }
0x9c: {  	[sflag:s1] =	ssyncadd.s32 $0xFFFFE000  }
0x9d: {  	[tilespmem:s16], [sflag:$0x1] =	stream.linear.gather [spmem:s7], $0x2000, $0x38;
	[tilespmem:$0xF8C0] =	vst v63  }
0x9e: {  	_ =	swait.ge [sflag:s1], $0x2000  }
0x9f: {  	[sflag:s1] =	ssyncset.done $0x0  }
0xa0: {  	[sflag:s1] =	ssyncadd.s32 $0xFFFFE000  }
0xa1: {  	[hbm4b:s12+s20] =	stream.linear.scatter [tilespmem:s16], [sflag:$0x1], $0x2000, $0x38;
	[tilespmem:$0xF8C0] =	vst v63  }
0xa2: {  	_ =	swait.ge [sflag:s1], $0x2000  }
0xa3: {  	[sflag:s1] =	ssyncset.done $0x0  }
0xa4: {  	[sflag:s1] =	ssyncadd.s32 $0xFFFFE000  }
0xa5: {  	[tilespmem:s16], [sflag:$0x1] =	stream.linear.gather [spmem:s8], $0x2000, $0x38;
	[tilespmem:$0xF8C0] =	vst v63  }
0xa6: {  	_ =	swait.ge [sflag:s1], $0x2000  }
0xa7: {  	[sflag:s1] =	ssyncset.done $0x0  }
0xa8: {  	[sflag:s1] =	ssyncadd.s32 $0xFFFFE000  }
0xa9: {  	[hbm4b:s13+s20] =	stream.linear.scatter [tilespmem:s16], [sflag:$0x1], $0x2000, $0x38;
	[tilespmem:$0xF8C0] =	vst v63  }
0xaa: {  	_ =	swait.ge [sflag:s1], $0x2000  }
0xab: {  	[sflag:s1] =	ssyncset.done $0x0  }
0xac: {  	[sflag:s1] =	ssyncadd.s32 $0xFFFFE000  }
0xad: {  	[tilespmem:s16], [sflag:$0x1] =	stream.linear.gather [spmem:s9], $0x2000, $0x38;
	[tilespmem:$0xF8C0] =	vst v63  }
0xae: {  	_ =	swait.ge [sflag:s1], $0x2000  }
0xaf: {  	[sflag:s1] =	ssyncset.done $0x0  }
0xb0: {  	[sflag:s1] =	ssyncadd.s32 $0xFFFFE000  }
0xb1: {  	[hbm4b:s14+s20] =	stream.linear.scatter [tilespmem:s16], [sflag:$0x1], $0x2000, $0x38;
	[tilespmem:$0xF8C0] =	vst v63  }
0xb2: {  	_ =	swait.ge [sflag:s1], $0x2000  }
0xb3: {  	[sflag:s1] =	ssyncset.done $0x0  }
0xb4: {  	[sflag:s1] =	ssyncadd.s32 $0xFFFFE000  }
0xb5: {  	[bflag:$0x0] =	sbarrier.arrive $0xFFFF  }
0xb6: {  	[spmem:s5] =	stream.linear.scatter [tilespmem:s0], [sflag:$0x1], $0x2000, $0x38;
	[tilespmem:$0xF8C0] =	vst v63  }
0xb7: {  	_ =	swait.ge [sflag:s1], $0x2000  }
0xb8: {  	[sflag:s1] =	ssyncset.done $0x0  }
0xb9: {  	[sflag:s1] =	ssyncadd.s32 $0xFFFFE000  }
0xba: {  	[spmem:s6] =	stream.linear.scatter [tilespmem:s0], [sflag:$0x1], $0x2000, $0x38;
	[tilespmem:$0xF8C0] =	vst v63  }
0xbb: {  	_ =	swait.ge [sflag:s1], $0x2000  }
0xbc: {  	[sflag:s1] =	ssyncset.done $0x0  }
0xbd: {  	[sflag:s1] =	ssyncadd.s32 $0xFFFFE000  }
0xbe: {  	[spmem:s7] =	stream.linear.scatter [tilespmem:s0], [sflag:$0x1], $0x2000, $0x38;
	[tilespmem:$0xF8C0] =	vst v63  }
0xbf: {  	_ =	swait.ge [sflag:s1], $0x2000  }
0xc0: {  	[sflag:s1] =	ssyncset.done $0x0  }
0xc1: {  	[sflag:s1] =	ssyncadd.s32 $0xFFFFE000  }
0xc2: {  	[spmem:s8] =	stream.linear.scatter [tilespmem:s0], [sflag:$0x1], $0x2000, $0x38;
	[tilespmem:$0xF8C0] =	vst v63  }
0xc3: {  	_ =	swait.ge [sflag:s1], $0x2000  }
0xc4: {  	[sflag:s1] =	ssyncset.done $0x0  }
0xc5: {  	[sflag:s1] =	ssyncadd.s32 $0xFFFFE000  }
0xc6: {  	[spmem:s9] =	stream.linear.scatter [tilespmem:s0], [sflag:$0x1], $0x2000, $0x38;
	[tilespmem:$0xF8C0] =	vst v63  }
0xc7: {  	_ =	swait.ge [sflag:s1], $0x2000  }
0xc8: {  	[sflag:s1] =	ssyncset.done $0x0  }
0xc9: {  	[sflag:s1] =	ssyncadd.s32 $0xFFFFE000  }
0xca: {  	s25 =	sadd.s32 $0x0, s17;
	[bflag:$0x0] =	sbarrier.arrive $0xFFFF  }
0xcb: {  	[tilespmem:s3], [sflag:$0x1] =	stream.linear.gather [hbm4b:s25+s3], $0x58, $0x38;
	[tilespmem:$0xF8C0] =	vst v63  }
0xcc: {  	_ =	swait.ge [sflag:s1], $0x58  }
0xcd: {  	[sflag:s1] =	ssyncset.done $0x0  }
0xce: {  	[sflag:s1] =	ssyncadd.s32 $0xFFFFFFA8  }
0xcf: {  	[tilespmem:s4], [sflag:$0x1] =	stream.linear.gather [hbm4b:s24+s3], $0x1600, $0x38;
	[tilespmem:$0xF8C0] =	vst v63  }
0xd0: {  	_ =	swait.ge [sflag:s1], $0x1600  }
0xd1: {  	[sflag:s1] =	ssyncset.done $0x0  }
0xd2: {  	[sflag:s1] =	ssyncadd.s32 $0xFFFFEA00  }
0xd3: {  	v5 =	vld [tilespmem:$0x0]  }
0xd4: {  	v6 =	vld [tilespmem:$0x50]  }
0xd5: {  	v9 =	vld [tilespmem:$0x10]  }
0xd6: {  	v10 =	vld [tilespmem:$0x20]  }
0xd7: {  	v11 =	vld [tilespmem:$0x40];
	_ =	sdelay $0x1  }
0xd8: {  	v4 =	vld [tilespmem:$0x30]  }
0xd9: {  	vm1 =	vlt.s32 v5, v3;
	v7 =	vsub.s32 v5, v1  }
0xda: {  	vm2 =	vge.s32 v5, v1;
	vm3 =	vge.s32 v6, v1;
	v8 =	vsub.s32 v6, v1  }
0xdb: {  	v5 =	vsub.s32 v9, v1;
	vm5 =	vge.s32 v10, v1;
	vm4 =	vlt.s32 v11, v3  }
0xdc: {  	vm6 =	vge.s32 v11, v1;
	vm1 =	vmand vm2, vm1;
	vm2 =	vlt.s32 v6, v3  }
0xdd: {  	v6 =	vsub.s32 v4, v1;
	v12 =	vsel vm1, v7, v2;
	vm2 =	vmand vm3, vm2  }
0xde: {  	v7 =	vsub.s32 v10, v1;
	vm3 =	vlt.s32 v10, v3;
	vm2 =	vmand vm2, vm0  }
0xdf: {  	vm1 =	vge.s32 v9, v1;
	[tilespmem:$0x60] =	vst v12;
	vm5 =	vmand vm5, vm3;
	v13 =	vsel vm2, v8, v2  }
0xe0: {  	s23 =	simm.s32 $0xB;
	s20 =	smov.u32 s24;
	vm3 =	vlt.s32 v4, v3;
	v8 =	vsub.s32 v11, v1;
	vm2 =	vlt.s32 v9, v3;
	[tilespmem:$0xB0] =	vst v13  }
.LBB2_4:
0xe1: {  	p0 =	sne.s32 s23, $0x53E  }
0xe2: {  	v7 =	vsel vm5, v7, v2;
	vm5 =	vge.s32 v4, v1;
	vm4 =	vmand vm6, vm4;
	s20 =	sadd.s32 $0x2C0, s20;
	s25 =	smov.u32 s23;
	s23 =	sadd.s32 $0xB, s23  }
0xe3: {  	vm1 =	vmand vm1, vm2;
	[tilespmem:$0x80] =	vst v7;
	vm2 =	vmand vm5, vm3;
	v4 =	vsel vm4, v8, v2  }
0xe4: {  	v5 =	vsel vm1, v5, v2;
	v6 =	vsel vm2, v6, v2;
	[tilespmem:$0xA0] =	vst v4  }
0xe5: {  	[tilespmem:$0x70] =	vst v5  }
0xe6: {  	[tilespmem:$0x90] =	vst v6  }
0xe7: {  	[spmem:s2] =	stream.indirect.scatter.add.f32 [tilespmem:s4], [sflag:$0x1], $0x40, s15, s15, $0xb8;
	[tilespmem:$0xF8C0] =	vst v63  }
0xe8: {  	_ =	swait.ge [sflag:s1], $0x1800  }
0xe9: {  	[sflag:s1] =	ssyncset.done $0x0  }
0xea: {  	s25 =	sadd.s32 s25, s17;
	[sflag:s1] =	ssyncadd.s32 $0xFFFFE800  }
0xeb: {  	[tilespmem:s3], [sflag:$0x1] =	stream.linear.gather [hbm4b:s25+s3], $0x58, $0x38;
	[tilespmem:$0xF8C0] =	vst v63  }
0xec: {  	_ =	swait.ge [sflag:s1], $0x58  }
0xed: {  	[sflag:s1] =	ssyncset.done $0x0  }
0xee: {  	[sflag:s1] =	ssyncadd.s32 $0xFFFFFFA8  }
0xef: {  	[tilespmem:s4], [sflag:$0x1] =	stream.linear.gather [hbm4b:s20+s3], $0x1600, $0x38;
	[tilespmem:$0xF8C0] =	vst v63  }
0xf0: {  	_ =	swait.ge [sflag:s1], $0x1600  }
0xf1: {  	[sflag:s1] =	ssyncset.done $0x0  }
0xf2: {  	[sflag:s1] =	ssyncadd.s32 $0xFFFFEA00  }
0xf3: {  	v5 =	vld [tilespmem:$0x0]  }
0xf4: {  	v6 =	vld [tilespmem:$0x50]  }
0xf5: {  	v9 =	vld [tilespmem:$0x10]  }
0xf6: {  	v10 =	vld [tilespmem:$0x20]  }
0xf7: {  	v4 =	vld [tilespmem:$0x30]  }
0xf8: {  	vm1 =	vlt.s32 v5, v3;
	v7 =	vsub.s32 v5, v1;
	v11 =	vld [tilespmem:$0x40]  }
0xf9: {  	vm2 =	vge.s32 v5, v1;
	vm3 =	vge.s32 v6, v1;
	v12 =	vsub.s32 v6, v1  }
0xfa: {  	vm1 =	vmand vm2, vm1;
	vm2 =	vlt.s32 v6, v3;
	v5 =	vsub.s32 v9, v1  }
.Ltmp1:
0xfb: {  	v6 =	vsel vm1, v7, v2;
	vm2 =	vmand vm3, vm2;
	v7 =	vsub.s32 v10, v1;
	(pc) =	sbr.rel @p0 .LBB2_4-.Ltmp1, $4  }
0xfc: {  	vm1 =	vge.s32 v9, v1;
	vm2 =	vmand vm2, vm0;
	[tilespmem:$0x60] =	vst v6;
	v6 =	vsub.s32 v4, v1  }
0xfd: {  	vm3 =	vlt.s32 v10, v3;
	v12 =	vsel vm2, v12, v2;
	v8 =	vsub.s32 v11, v1  }
0xfe: {  	vm5 =	vge.s32 v10, v1;
	vm2 =	vlt.s32 v9, v3;
	vm4 =	vlt.s32 v11, v3;
	[tilespmem:$0xB0] =	vst v12  }
0xff: {  	vm5 =	vmand vm5, vm3;
	vm3 =	vlt.s32 v4, v3;
	vm6 =	vge.s32 v11, v1  }
0x100: {  	v7 =	vsel vm5, v7, v2;
	vm4 =	vmand vm6, vm4  }
0x101: {  	vm5 =	vge.s32 v4, v1;
	vm1 =	vmand vm1, vm2;
	[tilespmem:$0x80] =	vst v7;
	v4 =	vsel vm4, v8, v2  }
0x102: {  	vm2 =	vmand vm5, vm3;
	v5 =	vsel vm1, v5, v2;
	[tilespmem:$0xA0] =	vst v4  }
0x103: {  	v4 =	vsel vm2, v6, v2;
	[tilespmem:$0x70] =	vst v5  }
0x104: {  	[tilespmem:$0x90] =	vst v4  }
0x105: {  	[spmem:s2] =	stream.indirect.scatter.add.f32 [tilespmem:s4], [sflag:$0x1], $0x40, s15, s15, $0xb8;
	[tilespmem:$0xF8C0] =	vst v63  }
0x106: {  	_ =	swait.ge [sflag:s1], $0x1800  }
0x107: {  	[sflag:s1] =	ssyncset.done $0x0  }
0x108: {  	[sflag:s1] =	ssyncadd.s32 $0xFFFFE800  }
0x109: {  	[bflag:$0x0] =	sbarrier.arrive $0xFFFF  }
0x10a: {  	[tilespmem:s16], [sflag:$0x1] =	stream.linear.gather [spmem:s5], $0x2000, $0x38;
	[tilespmem:$0xF8C0] =	vst v63  }
0x10b: {  	_ =	swait.ge [sflag:s1], $0x2000  }
0x10c: {  	[sflag:s1] =	ssyncset.done $0x0  }
0x10d: {  	s20 =	simm.s32 $0x0;
	s23 =	rddreg [dreg:$0x5];
	[sflag:s1] =	ssyncadd.s32 $0xFFFFE000  }
0x10e: {  	[hbm4b:s23+s20] =	stream.linear.scatter [tilespmem:s16], [sflag:$0x1], $0x2000, $0x38;
	[tilespmem:$0xF8C0] =	vst v63  }
0x10f: {  	_ =	swait.ge [sflag:s1], $0x2000  }
0x110: {  	[sflag:s1] =	ssyncset.done $0x0  }
0x111: {  	[sflag:s1] =	ssyncadd.s32 $0xFFFFE000  }
0x112: {  	[tilespmem:s16], [sflag:$0x1] =	stream.linear.gather [spmem:s6], $0x2000, $0x38;
	[tilespmem:$0xF8C0] =	vst v63  }
0x113: {  	_ =	swait.ge [sflag:s1], $0x2000  }
0x114: {  	[sflag:s1] =	ssyncset.done $0x0  }
0x115: {  	s25 =	rddreg [dreg:$0x7];
	[sflag:s1] =	ssyncadd.s32 $0xFFFFE000  }
0x116: {  	[hbm4b:s25+s20] =	stream.linear.scatter [tilespmem:s16], [sflag:$0x1], $0x2000, $0x38;
	[tilespmem:$0xF8C0] =	vst v63  }
0x117: {  	_ =	swait.ge [sflag:s1], $0x2000  }
0x118: {  	[sflag:s1] =	ssyncset.done $0x0  }
0x119: {  	[sflag:s1] =	ssyncadd.s32 $0xFFFFE000  }
0x11a: {  	[tilespmem:s16], [sflag:$0x1] =	stream.linear.gather [spmem:s7], $0x2000, $0x38;
	[tilespmem:$0xF8C0] =	vst v63  }
0x11b: {  	_ =	swait.ge [sflag:s1], $0x2000  }
0x11c: {  	[sflag:s1] =	ssyncset.done $0x0  }
0x11d: {  	s25 =	rddreg [dreg:$0x8];
	[sflag:s1] =	ssyncadd.s32 $0xFFFFE000  }
0x11e: {  	[hbm4b:s25+s20] =	stream.linear.scatter [tilespmem:s16], [sflag:$0x1], $0x2000, $0x38;
	[tilespmem:$0xF8C0] =	vst v63  }
0x11f: {  	_ =	swait.ge [sflag:s1], $0x2000  }
0x120: {  	[sflag:s1] =	ssyncset.done $0x0  }
0x121: {  	[sflag:s1] =	ssyncadd.s32 $0xFFFFE000  }
0x122: {  	[tilespmem:s16], [sflag:$0x1] =	stream.linear.gather [spmem:s8], $0x2000, $0x38;
	[tilespmem:$0xF8C0] =	vst v63  }
0x123: {  	_ =	swait.ge [sflag:s1], $0x2000  }
0x124: {  	[sflag:s1] =	ssyncset.done $0x0  }
0x125: {  	s25 =	rddreg [dreg:$0x9];
	[sflag:s1] =	ssyncadd.s32 $0xFFFFE000  }
0x126: {  	[hbm4b:s25+s20] =	stream.linear.scatter [tilespmem:s16], [sflag:$0x1], $0x2000, $0x38;
	[tilespmem:$0xF8C0] =	vst v63  }
0x127: {  	_ =	swait.ge [sflag:s1], $0x2000  }
0x128: {  	[sflag:s1] =	ssyncset.done $0x0  }
0x129: {  	[sflag:s1] =	ssyncadd.s32 $0xFFFFE000  }
0x12a: {  	[tilespmem:s16], [sflag:$0x1] =	stream.linear.gather [spmem:s9], $0x2000, $0x38;
	[tilespmem:$0xF8C0] =	vst v63  }
0x12b: {  	_ =	swait.ge [sflag:s1], $0x2000  }
0x12c: {  	[sflag:s1] =	ssyncset.done $0x0  }
0x12d: {  	s25 =	rddreg [dreg:$0xa];
	[sflag:s1] =	ssyncadd.s32 $0xFFFFE000  }
0x12e: {  	[hbm4b:s25+s20] =	stream.linear.scatter [tilespmem:s16], [sflag:$0x1], $0x2000, $0x38;
	[tilespmem:$0xF8C0] =	vst v63  }
0x12f: {  	_ =	swait.ge [sflag:s1], $0x2000  }
0x130: {  	[sflag:s1] =	ssyncset.done $0x0  }
0x131: {  	[sflag:s1] =	ssyncadd.s32 $0xFFFFE000  }
0x132: {  	[bflag:$0x0] =	sbarrier.arrive $0xFFFF  }
0x133: {  	[spmem:s5] =	stream.linear.scatter [tilespmem:s0], [sflag:$0x1], $0x2000, $0x38;
	[tilespmem:$0xF8C0] =	vst v63  }
0x134: {  	_ =	swait.ge [sflag:s1], $0x2000  }
0x135: {  	[sflag:s1] =	ssyncset.done $0x0  }
0x136: {  	[sflag:s1] =	ssyncadd.s32 $0xFFFFE000  }
0x137: {  	[spmem:s6] =	stream.linear.scatter [tilespmem:s0], [sflag:$0x1], $0x2000, $0x38;
	[tilespmem:$0xF8C0] =	vst v63  }
0x138: {  	_ =	swait.ge [sflag:s1], $0x2000  }
0x139: {  	[sflag:s1] =	ssyncset.done $0x0  }
0x13a: {  	[sflag:s1] =	ssyncadd.s32 $0xFFFFE000  }
0x13b: {  	[spmem:s7] =	stream.linear.scatter [tilespmem:s0], [sflag:$0x1], $0x2000, $0x38;
	[tilespmem:$0xF8C0] =	vst v63  }
0x13c: {  	_ =	swait.ge [sflag:s1], $0x2000  }
0x13d: {  	[sflag:s1] =	ssyncset.done $0x0  }
0x13e: {  	[sflag:s1] =	ssyncadd.s32 $0xFFFFE000  }
0x13f: {  	[spmem:s8] =	stream.linear.scatter [tilespmem:s0], [sflag:$0x1], $0x2000, $0x38;
	[tilespmem:$0xF8C0] =	vst v63  }
0x140: {  	_ =	swait.ge [sflag:s1], $0x2000  }
0x141: {  	[sflag:s1] =	ssyncset.done $0x0  }
0x142: {  	[sflag:s1] =	ssyncadd.s32 $0xFFFFE000  }
0x143: {  	[spmem:s9] =	stream.linear.scatter [tilespmem:s0], [sflag:$0x1], $0x2000, $0x38;
	[tilespmem:$0xF8C0] =	vst v63  }
0x144: {  	_ =	swait.ge [sflag:s1], $0x2000  }
0x145: {  	[sflag:s1] =	ssyncset.done $0x0  }
0x146: {  	[sflag:s1] =	ssyncadd.s32 $0xFFFFE000  }
0x147: {  	s25 =	sadd.s32 $0x0, s29;
	[bflag:$0x0] =	sbarrier.arrive $0xFFFF  }
0x148: {  	[tilespmem:s3], [sflag:$0x1] =	stream.linear.gather [hbm4b:s25+s3], $0x58, $0x38;
	[tilespmem:$0xF8C0] =	vst v63  }
0x149: {  	_ =	swait.ge [sflag:s1], $0x58  }
0x14a: {  	[sflag:s1] =	ssyncset.done $0x0  }
0x14b: {  	[sflag:s1] =	ssyncadd.s32 $0xFFFFFFA8  }
0x14c: {  	[tilespmem:s4], [sflag:$0x1] =	stream.linear.gather [hbm4b:s18+s3], $0x1600, $0x38;
	[tilespmem:$0xF8C0] =	vst v63  }
0x14d: {  	_ =	swait.ge [sflag:s1], $0x1600  }
0x14e: {  	[sflag:s1] =	ssyncset.done $0x0  }
0x14f: {  	[sflag:s1] =	ssyncadd.s32 $0xFFFFEA00  }
0x150: {  	v5 =	vld [tilespmem:$0x0]  }
0x151: {  	v6 =	vld [tilespmem:$0x50]  }
0x152: {  	v9 =	vld [tilespmem:$0x10]  }
0x153: {  	v10 =	vld [tilespmem:$0x20]  }
0x154: {  	v11 =	vld [tilespmem:$0x40];
	_ =	sdelay $0x1  }
0x155: {  	v4 =	vld [tilespmem:$0x30]  }
0x156: {  	vm1 =	vlt.s32 v5, v1;
	v7 =	vsub.s32 v5, v0  }
0x157: {  	vm2 =	vge.s32 v5, v0;
	vm3 =	vge.s32 v6, v0;
	v8 =	vsub.s32 v6, v0  }
0x158: {  	v5 =	vsub.s32 v9, v0;
	vm5 =	vge.s32 v10, v0;
	vm4 =	vlt.s32 v11, v1  }
0x159: {  	vm6 =	vge.s32 v11, v0;
	vm1 =	vmand vm2, vm1;
	vm2 =	vlt.s32 v6, v1  }
0x15a: {  	v6 =	vsub.s32 v4, v0;
	v12 =	vsel vm1, v7, v2;
	vm2 =	vmand vm3, vm2  }
0x15b: {  	v7 =	vsub.s32 v10, v0;
	vm3 =	vlt.s32 v10, v1;
	vm2 =	vmand vm2, vm0  }
0x15c: {  	vm1 =	vge.s32 v9, v0;
	[tilespmem:$0x60] =	vst v12;
	vm5 =	vmand vm5, vm3;
	v13 =	vsel vm2, v8, v2  }
0x15d: {  	s23 =	simm.s32 $0xB;
	s20 =	smov.u32 s18;
	vm3 =	vlt.s32 v4, v1;
	v8 =	vsub.s32 v11, v0;
	vm2 =	vlt.s32 v9, v1;
	[tilespmem:$0xB0] =	vst v13  }
.LBB2_6:
0x15e: {  	p0 =	sne.s32 s23, $0x53E  }
0x15f: {  	v7 =	vsel vm5, v7, v2;
	vm5 =	vge.s32 v4, v0;
	vm4 =	vmand vm6, vm4;
	s20 =	sadd.s32 $0x2C0, s20;
	s25 =	smov.u32 s23;
	s23 =	sadd.s32 $0xB, s23  }
0x160: {  	vm1 =	vmand vm1, vm2;
	[tilespmem:$0x80] =	vst v7;
	vm2 =	vmand vm5, vm3;
	v4 =	vsel vm4, v8, v2  }
0x161: {  	v5 =	vsel vm1, v5, v2;
	v6 =	vsel vm2, v6, v2;
	[tilespmem:$0xA0] =	vst v4  }
0x162: {  	[tilespmem:$0x70] =	vst v5  }
0x163: {  	[tilespmem:$0x90] =	vst v6  }
0x164: {  	[spmem:s2] =	stream.indirect.scatter.add.f32 [tilespmem:s4], [sflag:$0x1], $0x40, s15, s15, $0xb8;
	[tilespmem:$0xF8C0] =	vst v63  }
0x165: {  	_ =	swait.ge [sflag:s1], $0x1800  }
0x166: {  	[sflag:s1] =	ssyncset.done $0x0  }
0x167: {  	s25 =	sadd.s32 s25, s29;
	[sflag:s1] =	ssyncadd.s32 $0xFFFFE800  }
0x168: {  	[tilespmem:s3], [sflag:$0x1] =	stream.linear.gather [hbm4b:s25+s3], $0x58, $0x38;
	[tilespmem:$0xF8C0] =	vst v63  }
0x169: {  	_ =	swait.ge [sflag:s1], $0x58  }
0x16a: {  	[sflag:s1] =	ssyncset.done $0x0  }
0x16b: {  	[sflag:s1] =	ssyncadd.s32 $0xFFFFFFA8  }
0x16c: {  	[tilespmem:s4], [sflag:$0x1] =	stream.linear.gather [hbm4b:s20+s3], $0x1600, $0x38;
	[tilespmem:$0xF8C0] =	vst v63  }
0x16d: {  	_ =	swait.ge [sflag:s1], $0x1600  }
0x16e: {  	[sflag:s1] =	ssyncset.done $0x0  }
0x16f: {  	[sflag:s1] =	ssyncadd.s32 $0xFFFFEA00  }
0x170: {  	v5 =	vld [tilespmem:$0x0]  }
0x171: {  	v6 =	vld [tilespmem:$0x50]  }
0x172: {  	v9 =	vld [tilespmem:$0x10]  }
0x173: {  	v10 =	vld [tilespmem:$0x20]  }
0x174: {  	v4 =	vld [tilespmem:$0x30]  }
0x175: {  	vm1 =	vlt.s32 v5, v1;
	v7 =	vsub.s32 v5, v0;
	v11 =	vld [tilespmem:$0x40]  }
0x176: {  	vm2 =	vge.s32 v5, v0;
	vm3 =	vge.s32 v6, v0;
	v12 =	vsub.s32 v6, v0  }
0x177: {  	vm1 =	vmand vm2, vm1;
	vm2 =	vlt.s32 v6, v1;
	v5 =	vsub.s32 v9, v0  }
.Ltmp2:
0x178: {  	v6 =	vsel vm1, v7, v2;
	vm2 =	vmand vm3, vm2;
	v7 =	vsub.s32 v10, v0;
	(pc) =	sbr.rel @p0 .LBB2_6-.Ltmp2, $4  }
0x179: {  	vm1 =	vge.s32 v9, v0;
	vm2 =	vmand vm2, vm0;
	[tilespmem:$0x60] =	vst v6;
	v6 =	vsub.s32 v4, v0  }
0x17a: {  	vm3 =	vlt.s32 v10, v1;
	v12 =	vsel vm2, v12, v2;
	v8 =	vsub.s32 v11, v0  }
0x17b: {  	vm5 =	vge.s32 v10, v0;
	vm2 =	vlt.s32 v9, v1;
	vm4 =	vlt.s32 v11, v1;
	[tilespmem:$0xB0] =	vst v12  }
0x17c: {  	vm5 =	vmand vm5, vm3;
	vm3 =	vlt.s32 v4, v1;
	vm6 =	vge.s32 v11, v0  }
0x17d: {  	v7 =	vsel vm5, v7, v2;
	vm4 =	vmand vm6, vm4  }
0x17e: {  	vm5 =	vge.s32 v4, v0;
	vm1 =	vmand vm1, vm2;
	[tilespmem:$0x80] =	vst v7;
	v4 =	vsel vm4, v8, v2  }
0x17f: {  	vm2 =	vmand vm5, vm3;
	v5 =	vsel vm1, v5, v2;
	[tilespmem:$0xA0] =	vst v4  }
0x180: {  	v4 =	vsel vm2, v6, v2;
	[tilespmem:$0x70] =	vst v5  }
0x181: {  	[tilespmem:$0x90] =	vst v4  }
0x182: {  	[spmem:s2] =	stream.indirect.scatter.add.f32 [tilespmem:s4], [sflag:$0x1], $0x40, s15, s15, $0xb8;
	[tilespmem:$0xF8C0] =	vst v63  }
0x183: {  	_ =	swait.ge [sflag:s1], $0x1800  }
0x184: {  	[sflag:s1] =	ssyncset.done $0x0  }
0x185: {  	[sflag:s1] =	ssyncadd.s32 $0xFFFFE800  }
0x186: {  	[bflag:$0x0] =	sbarrier.arrive $0xFFFF  }
0x187: {  	[tilespmem:s16], [sflag:$0x1] =	stream.linear.gather [spmem:s5], $0x2000, $0x38;
	[tilespmem:$0xF8C0] =	vst v63  }
0x188: {  	_ =	swait.ge [sflag:s1], $0x2000  }
0x189: {  	[sflag:s1] =	ssyncset.done $0x0  }
0x18a: {  	s20 =	simm.s32 $0x0;
	s23 =	rddreg [dreg:$0xb];
	[sflag:s1] =	ssyncadd.s32 $0xFFFFE000  }
0x18b: {  	[hbm4b:s23+s20] =	stream.linear.scatter [tilespmem:s16], [sflag:$0x1], $0x2000, $0x38;
	[tilespmem:$0xF8C0] =	vst v63  }
0x18c: {  	_ =	swait.ge [sflag:s1], $0x2000  }
0x18d: {  	[sflag:s1] =	ssyncset.done $0x0  }
0x18e: {  	[sflag:s1] =	ssyncadd.s32 $0xFFFFE000  }
0x18f: {  	[tilespmem:s16], [sflag:$0x1] =	stream.linear.gather [spmem:s6], $0x2000, $0x38;
	[tilespmem:$0xF8C0] =	vst v63  }
0x190: {  	_ =	swait.ge [sflag:s1], $0x2000  }
0x191: {  	[sflag:s1] =	ssyncset.done $0x0  }
0x192: {  	s25 =	rddreg [dreg:$0xc];
	[sflag:s1] =	ssyncadd.s32 $0xFFFFE000  }
0x193: {  	[hbm4b:s25+s20] =	stream.linear.scatter [tilespmem:s16], [sflag:$0x1], $0x2000, $0x38;
	[tilespmem:$0xF8C0] =	vst v63  }
0x194: {  	_ =	swait.ge [sflag:s1], $0x2000  }
0x195: {  	[sflag:s1] =	ssyncset.done $0x0  }
0x196: {  	[sflag:s1] =	ssyncadd.s32 $0xFFFFE000  }
0x197: {  	[tilespmem:s16], [sflag:$0x1] =	stream.linear.gather [spmem:s7], $0x2000, $0x38;
	[tilespmem:$0xF8C0] =	vst v63  }
0x198: {  	_ =	swait.ge [sflag:s1], $0x2000  }
0x199: {  	[sflag:s1] =	ssyncset.done $0x0  }
0x19a: {  	s25 =	rddreg [dreg:$0xd];
	[sflag:s1] =	ssyncadd.s32 $0xFFFFE000  }
0x19b: {  	[hbm4b:s25+s20] =	stream.linear.scatter [tilespmem:s16], [sflag:$0x1], $0x2000, $0x38;
	[tilespmem:$0xF8C0] =	vst v63  }
0x19c: {  	_ =	swait.ge [sflag:s1], $0x2000  }
0x19d: {  	[sflag:s1] =	ssyncset.done $0x0  }
0x19e: {  	[sflag:s1] =	ssyncadd.s32 $0xFFFFE000  }
0x19f: {  	[tilespmem:s16], [sflag:$0x1] =	stream.linear.gather [spmem:s8], $0x2000, $0x38;
	[tilespmem:$0xF8C0] =	vst v63  }
0x1a0: {  	_ =	swait.ge [sflag:s1], $0x2000  }
0x1a1: {  	[sflag:s1] =	ssyncset.done $0x0  }
0x1a2: {  	s25 =	rddreg [dreg:$0xe];
	[sflag:s1] =	ssyncadd.s32 $0xFFFFE000  }
0x1a3: {  	[hbm4b:s25+s20] =	stream.linear.scatter [tilespmem:s16], [sflag:$0x1], $0x2000, $0x38;
	[tilespmem:$0xF8C0] =	vst v63  }
0x1a4: {  	_ =	swait.ge [sflag:s1], $0x2000  }
0x1a5: {  	[sflag:s1] =	ssyncset.done $0x0  }
0x1a6: {  	[sflag:s1] =	ssyncadd.s32 $0xFFFFE000  }
0x1a7: {  	[tilespmem:s16], [sflag:$0x1] =	stream.linear.gather [spmem:s9], $0x2000, $0x38;
	[tilespmem:$0xF8C0] =	vst v63  }
0x1a8: {  	_ =	swait.ge [sflag:s1], $0x2000  }
0x1a9: {  	[sflag:s1] =	ssyncset.done $0x0  }
0x1aa: {  	s25 =	rddreg [dreg:$0xf];
	[sflag:s1] =	ssyncadd.s32 $0xFFFFE000  }
0x1ab: {  	[hbm4b:s25+s20] =	stream.linear.scatter [tilespmem:s16], [sflag:$0x1], $0x2000, $0x38;
	[tilespmem:$0xF8C0] =	vst v63  }
0x1ac: {  	_ =	swait.ge [sflag:s1], $0x2000  }
0x1ad: {  	[sflag:s1] =	ssyncset.done $0x0  }
0x1ae: {  	[sflag:s1] =	ssyncadd.s32 $0xFFFFE000  }
0x1af: {  	[bflag:$0x0] =	sbarrier.arrive $0xFFFF  }
0x1b0: {  	[spmem:s5] =	stream.linear.scatter [tilespmem:s0], [sflag:$0x1], $0x2000, $0x38;
	[tilespmem:$0xF8C0] =	vst v63  }
0x1b1: {  	_ =	swait.ge [sflag:s1], $0x2000  }
0x1b2: {  	[sflag:s1] =	ssyncset.done $0x0  }
0x1b3: {  	[sflag:s1] =	ssyncadd.s32 $0xFFFFE000  }
0x1b4: {  	[spmem:s6] =	stream.linear.scatter [tilespmem:s0], [sflag:$0x1], $0x2000, $0x38;
	[tilespmem:$0xF8C0] =	vst v63  }
0x1b5: {  	_ =	swait.ge [sflag:s1], $0x2000  }
0x1b6: {  	[sflag:s1] =	ssyncset.done $0x0  }
0x1b7: {  	[sflag:s1] =	ssyncadd.s32 $0xFFFFE000  }
0x1b8: {  	[spmem:s7] =	stream.linear.scatter [tilespmem:s0], [sflag:$0x1], $0x2000, $0x38;
	[tilespmem:$0xF8C0] =	vst v63  }
0x1b9: {  	_ =	swait.ge [sflag:s1], $0x2000  }
0x1ba: {  	[sflag:s1] =	ssyncset.done $0x0  }
0x1bb: {  	[sflag:s1] =	ssyncadd.s32 $0xFFFFE000  }
0x1bc: {  	[spmem:s8] =	stream.linear.scatter [tilespmem:s0], [sflag:$0x1], $0x2000, $0x38;
	[tilespmem:$0xF8C0] =	vst v63  }
0x1bd: {  	_ =	swait.ge [sflag:s1], $0x2000  }
0x1be: {  	[sflag:s1] =	ssyncset.done $0x0  }
0x1bf: {  	[sflag:s1] =	ssyncadd.s32 $0xFFFFE000  }
0x1c0: {  	[spmem:s9] =	stream.linear.scatter [tilespmem:s0], [sflag:$0x1], $0x2000, $0x38;
	[tilespmem:$0xF8C0] =	vst v63  }
0x1c1: {  	_ =	swait.ge [sflag:s1], $0x2000  }
0x1c2: {  	[sflag:s1] =	ssyncset.done $0x0  }
0x1c3: {  	[sflag:s1] =	ssyncadd.s32 $0xFFFFE000  }
0x1c4: {  	s25 =	sadd.s32 $0x0, s29;
	[bflag:$0x0] =	sbarrier.arrive $0xFFFF  }
0x1c5: {  	[tilespmem:s3], [sflag:$0x1] =	stream.linear.gather [hbm4b:s25+s3], $0x58, $0x38;
	[tilespmem:$0xF8C0] =	vst v63  }
0x1c6: {  	_ =	swait.ge [sflag:s1], $0x58  }
0x1c7: {  	[sflag:s1] =	ssyncset.done $0x0  }
0x1c8: {  	[sflag:s1] =	ssyncadd.s32 $0xFFFFFFA8  }
0x1c9: {  	[tilespmem:s4], [sflag:$0x1] =	stream.linear.gather [hbm4b:s18+s3], $0x1600, $0x38;
	[tilespmem:$0xF8C0] =	vst v63  }
0x1ca: {  	_ =	swait.ge [sflag:s1], $0x1600  }
0x1cb: {  	[sflag:s1] =	ssyncset.done $0x0  }
0x1cc: {  	[sflag:s1] =	ssyncadd.s32 $0xFFFFEA00  }
0x1cd: {  	v5 =	vld [tilespmem:$0x0]  }
0x1ce: {  	v6 =	vld [tilespmem:$0x50]  }
0x1cf: {  	v9 =	vld [tilespmem:$0x10]  }
0x1d0: {  	v10 =	vld [tilespmem:$0x20]  }
0x1d1: {  	v11 =	vld [tilespmem:$0x40];
	_ =	sdelay $0x1  }
0x1d2: {  	v4 =	vld [tilespmem:$0x30]  }
0x1d3: {  	vm1 =	vlt.s32 v5, v3;
	v7 =	vsub.s32 v5, v1  }
0x1d4: {  	vm2 =	vge.s32 v5, v1;
	vm3 =	vge.s32 v6, v1;
	v8 =	vsub.s32 v6, v1  }
0x1d5: {  	v5 =	vsub.s32 v9, v1;
	vm5 =	vge.s32 v10, v1;
	vm4 =	vlt.s32 v11, v3  }
0x1d6: {  	vm6 =	vge.s32 v11, v1;
	vm1 =	vmand vm2, vm1;
	vm2 =	vlt.s32 v6, v3  }
0x1d7: {  	v6 =	vsub.s32 v4, v1;
	v12 =	vsel vm1, v7, v2;
	vm2 =	vmand vm3, vm2  }
0x1d8: {  	v7 =	vsub.s32 v10, v1;
	vm3 =	vlt.s32 v10, v3;
	vm2 =	vmand vm2, vm0  }
0x1d9: {  	vm1 =	vge.s32 v9, v1;
	[tilespmem:$0x60] =	vst v12;
	vm5 =	vmand vm5, vm3;
	v13 =	vsel vm2, v8, v2  }
0x1da: {  	s23 =	simm.s32 $0xB;
	s20 =	smov.u32 s18;
	vm3 =	vlt.s32 v4, v3;
	v8 =	vsub.s32 v11, v1;
	vm2 =	vlt.s32 v9, v3;
	[tilespmem:$0xB0] =	vst v13  }
.LBB2_8:
0x1db: {  	p0 =	sne.s32 s23, $0x53E  }
0x1dc: {  	v7 =	vsel vm5, v7, v2;
	vm5 =	vge.s32 v4, v1;
	vm4 =	vmand vm6, vm4;
	s20 =	sadd.s32 $0x2C0, s20;
	s25 =	smov.u32 s23;
	s23 =	sadd.s32 $0xB, s23  }
0x1dd: {  	vm1 =	vmand vm1, vm2;
	[tilespmem:$0x80] =	vst v7;
	vm2 =	vmand vm5, vm3;
	v4 =	vsel vm4, v8, v2  }
0x1de: {  	v5 =	vsel vm1, v5, v2;
	v6 =	vsel vm2, v6, v2;
	[tilespmem:$0xA0] =	vst v4  }
0x1df: {  	[tilespmem:$0x70] =	vst v5  }
0x1e0: {  	[tilespmem:$0x90] =	vst v6  }
0x1e1: {  	[spmem:s2] =	stream.indirect.scatter.add.f32 [tilespmem:s4], [sflag:$0x1], $0x40, s15, s15, $0xb8;
	[tilespmem:$0xF8C0] =	vst v63  }
0x1e2: {  	_ =	swait.ge [sflag:s1], $0x1800  }
0x1e3: {  	[sflag:s1] =	ssyncset.done $0x0  }
0x1e4: {  	s25 =	sadd.s32 s25, s29;
	[sflag:s1] =	ssyncadd.s32 $0xFFFFE800  }
0x1e5: {  	[tilespmem:s3], [sflag:$0x1] =	stream.linear.gather [hbm4b:s25+s3], $0x58, $0x38;
	[tilespmem:$0xF8C0] =	vst v63  }
0x1e6: {  	_ =	swait.ge [sflag:s1], $0x58  }
0x1e7: {  	[sflag:s1] =	ssyncset.done $0x0  }
0x1e8: {  	[sflag:s1] =	ssyncadd.s32 $0xFFFFFFA8  }
0x1e9: {  	[tilespmem:s4], [sflag:$0x1] =	stream.linear.gather [hbm4b:s20+s3], $0x1600, $0x38;
	[tilespmem:$0xF8C0] =	vst v63  }
0x1ea: {  	_ =	swait.ge [sflag:s1], $0x1600  }
0x1eb: {  	[sflag:s1] =	ssyncset.done $0x0  }
0x1ec: {  	[sflag:s1] =	ssyncadd.s32 $0xFFFFEA00  }
0x1ed: {  	v5 =	vld [tilespmem:$0x0]  }
0x1ee: {  	v6 =	vld [tilespmem:$0x50]  }
0x1ef: {  	v9 =	vld [tilespmem:$0x10]  }
0x1f0: {  	v10 =	vld [tilespmem:$0x20]  }
0x1f1: {  	v4 =	vld [tilespmem:$0x30]  }
0x1f2: {  	vm1 =	vlt.s32 v5, v3;
	v7 =	vsub.s32 v5, v1;
	v11 =	vld [tilespmem:$0x40]  }
0x1f3: {  	vm2 =	vge.s32 v5, v1;
	vm3 =	vge.s32 v6, v1;
	v12 =	vsub.s32 v6, v1  }
0x1f4: {  	vm1 =	vmand vm2, vm1;
	vm2 =	vlt.s32 v6, v3;
	v5 =	vsub.s32 v9, v1  }
.Ltmp3:
0x1f5: {  	v6 =	vsel vm1, v7, v2;
	vm2 =	vmand vm3, vm2;
	v7 =	vsub.s32 v10, v1;
	(pc) =	sbr.rel @p0 .LBB2_8-.Ltmp3, $4  }
0x1f6: {  	vm1 =	vge.s32 v9, v1;
	vm2 =	vmand vm2, vm0;
	[tilespmem:$0x60] =	vst v6;
	v6 =	vsub.s32 v4, v1  }
0x1f7: {  	vm3 =	vlt.s32 v10, v3;
	v12 =	vsel vm2, v12, v2;
	v8 =	vsub.s32 v11, v1  }
0x1f8: {  	vm5 =	vge.s32 v10, v1;
	vm2 =	vlt.s32 v9, v3;
	vm4 =	vlt.s32 v11, v3;
	[tilespmem:$0xB0] =	vst v12  }
0x1f9: {  	vm5 =	vmand vm5, vm3;
	vm3 =	vlt.s32 v4, v3;
	vm6 =	vge.s32 v11, v1  }
0x1fa: {  	v7 =	vsel vm5, v7, v2;
	vm4 =	vmand vm6, vm4  }
0x1fb: {  	vm5 =	vge.s32 v4, v1;
	vm1 =	vmand vm1, vm2;
	[tilespmem:$0x80] =	vst v7;
	v4 =	vsel vm4, v8, v2  }
0x1fc: {  	vm2 =	vmand vm5, vm3;
	v5 =	vsel vm1, v5, v2;
	[tilespmem:$0xA0] =	vst v4  }
0x1fd: {  	v4 =	vsel vm2, v6, v2;
	[tilespmem:$0x70] =	vst v5  }
0x1fe: {  	[tilespmem:$0x90] =	vst v4  }
0x1ff: {  	[spmem:s2] =	stream.indirect.scatter.add.f32 [tilespmem:s4], [sflag:$0x1], $0x40, s15, s15, $0xb8;
	[tilespmem:$0xF8C0] =	vst v63  }
0x200: {  	_ =	swait.ge [sflag:s1], $0x1800  }
0x201: {  	[sflag:s1] =	ssyncset.done $0x0  }
0x202: {  	[sflag:s1] =	ssyncadd.s32 $0xFFFFE800  }
0x203: {  	[bflag:$0x0] =	sbarrier.arrive $0xFFFF  }
0x204: {  	[tilespmem:s16], [sflag:$0x1] =	stream.linear.gather [spmem:s5], $0x2000, $0x38;
	[tilespmem:$0xF8C0] =	vst v63  }
0x205: {  	_ =	swait.ge [sflag:s1], $0x2000  }
0x206: {  	[sflag:s1] =	ssyncset.done $0x0  }
0x207: {  	s20 =	simm.s32 $0x0;
	s23 =	rddreg [dreg:$0x10];
	[sflag:s1] =	ssyncadd.s32 $0xFFFFE000  }
0x208: {  	[hbm4b:s23+s20] =	stream.linear.scatter [tilespmem:s16], [sflag:$0x1], $0x2000, $0x38;
	[tilespmem:$0xF8C0] =	vst v63  }
0x209: {  	_ =	swait.ge [sflag:s1], $0x2000  }
0x20a: {  	[sflag:s1] =	ssyncset.done $0x0  }
0x20b: {  	[sflag:s1] =	ssyncadd.s32 $0xFFFFE000  }
0x20c: {  	[tilespmem:s16], [sflag:$0x1] =	stream.linear.gather [spmem:s6], $0x2000, $0x38;
	[tilespmem:$0xF8C0] =	vst v63  }
0x20d: {  	_ =	swait.ge [sflag:s1], $0x2000  }
0x20e: {  	[sflag:s1] =	ssyncset.done $0x0  }
0x20f: {  	s25 =	rddreg [dreg:$0x11];
	[sflag:s1] =	ssyncadd.s32 $0xFFFFE000  }
0x210: {  	[hbm4b:s25+s20] =	stream.linear.scatter [tilespmem:s16], [sflag:$0x1], $0x2000, $0x38;
	[tilespmem:$0xF8C0] =	vst v63  }
0x211: {  	_ =	swait.ge [sflag:s1], $0x2000  }
0x212: {  	[sflag:s1] =	ssyncset.done $0x0  }
0x213: {  	[sflag:s1] =	ssyncadd.s32 $0xFFFFE000  }
0x214: {  	[tilespmem:s16], [sflag:$0x1] =	stream.linear.gather [spmem:s7], $0x2000, $0x38;
	[tilespmem:$0xF8C0] =	vst v63  }
0x215: {  	_ =	swait.ge [sflag:s1], $0x2000  }
0x216: {  	[sflag:s1] =	ssyncset.done $0x0  }
0x217: {  	s25 =	rddreg [dreg:$0x12];
	[sflag:s1] =	ssyncadd.s32 $0xFFFFE000  }
0x218: {  	[hbm4b:s25+s20] =	stream.linear.scatter [tilespmem:s16], [sflag:$0x1], $0x2000, $0x38;
	[tilespmem:$0xF8C0] =	vst v63  }
0x219: {  	_ =	swait.ge [sflag:s1], $0x2000  }
0x21a: {  	[sflag:s1] =	ssyncset.done $0x0  }
0x21b: {  	[sflag:s1] =	ssyncadd.s32 $0xFFFFE000  }
0x21c: {  	[tilespmem:s16], [sflag:$0x1] =	stream.linear.gather [spmem:s8], $0x2000, $0x38;
	[tilespmem:$0xF8C0] =	vst v63  }
0x21d: {  	_ =	swait.ge [sflag:s1], $0x2000  }
0x21e: {  	[sflag:s1] =	ssyncset.done $0x0  }
0x21f: {  	s25 =	rddreg [dreg:$0x13];
	[sflag:s1] =	ssyncadd.s32 $0xFFFFE000  }
0x220: {  	[hbm4b:s25+s20] =	stream.linear.scatter [tilespmem:s16], [sflag:$0x1], $0x2000, $0x38;
	[tilespmem:$0xF8C0] =	vst v63  }
0x221: {  	_ =	swait.ge [sflag:s1], $0x2000  }
0x222: {  	[sflag:s1] =	ssyncset.done $0x0  }
0x223: {  	[sflag:s1] =	ssyncadd.s32 $0xFFFFE000  }
0x224: {  	[tilespmem:s16], [sflag:$0x1] =	stream.linear.gather [spmem:s9], $0x2000, $0x38;
	[tilespmem:$0xF8C0] =	vst v63  }
0x225: {  	_ =	swait.ge [sflag:s1], $0x2000  }
0x226: {  	[sflag:s1] =	ssyncset.done $0x0  }
0x227: {  	s25 =	rddreg [dreg:$0x14];
	[sflag:s1] =	ssyncadd.s32 $0xFFFFE000  }
0x228: {  	[hbm4b:s25+s20] =	stream.linear.scatter [tilespmem:s16], [sflag:$0x1], $0x2000, $0x38;
	[tilespmem:$0xF8C0] =	vst v63  }
0x229: {  	_ =	swait.ge [sflag:s1], $0x2000  }
0x22a: {  	[sflag:s1] =	ssyncset.done $0x0  }
0x22b: {  	[sflag:s1] =	ssyncadd.s32 $0xFFFFE000  }
0x22c: {  	[bflag:$0x0] =	sbarrier.arrive $0xFFFF  }
0x22d: {  	[spmem:s5] =	stream.linear.scatter [tilespmem:s0], [sflag:$0x1], $0x2000, $0x38;
	[tilespmem:$0xF8C0] =	vst v63  }
0x22e: {  	_ =	swait.ge [sflag:s1], $0x2000  }
0x22f: {  	[sflag:s1] =	ssyncset.done $0x0  }
0x230: {  	[sflag:s1] =	ssyncadd.s32 $0xFFFFE000  }
0x231: {  	[spmem:s6] =	stream.linear.scatter [tilespmem:s0], [sflag:$0x1], $0x2000, $0x38;
	[tilespmem:$0xF8C0] =	vst v63  }
0x232: {  	_ =	swait.ge [sflag:s1], $0x2000  }
0x233: {  	[sflag:s1] =	ssyncset.done $0x0  }
0x234: {  	[sflag:s1] =	ssyncadd.s32 $0xFFFFE000  }
0x235: {  	[spmem:s7] =	stream.linear.scatter [tilespmem:s0], [sflag:$0x1], $0x2000, $0x38;
	[tilespmem:$0xF8C0] =	vst v63  }
0x236: {  	_ =	swait.ge [sflag:s1], $0x2000  }
0x237: {  	[sflag:s1] =	ssyncset.done $0x0  }
0x238: {  	[sflag:s1] =	ssyncadd.s32 $0xFFFFE000  }
0x239: {  	[spmem:s8] =	stream.linear.scatter [tilespmem:s0], [sflag:$0x1], $0x2000, $0x38;
	[tilespmem:$0xF8C0] =	vst v63  }
0x23a: {  	_ =	swait.ge [sflag:s1], $0x2000  }
0x23b: {  	[sflag:s1] =	ssyncset.done $0x0  }
0x23c: {  	[sflag:s1] =	ssyncadd.s32 $0xFFFFE000  }
0x23d: {  	[spmem:s9] =	stream.linear.scatter [tilespmem:s0], [sflag:$0x1], $0x2000, $0x38;
	[tilespmem:$0xF8C0] =	vst v63  }
0x23e: {  	_ =	swait.ge [sflag:s1], $0x2000  }
0x23f: {  	[sflag:s1] =	ssyncset.done $0x0  }
0x240: {  	[sflag:s1] =	ssyncadd.s32 $0xFFFFE000  }
0x241: {  	s25 =	sadd.s32 $0x0, s30;
	[bflag:$0x0] =	sbarrier.arrive $0xFFFF  }
0x242: {  	[tilespmem:s3], [sflag:$0x1] =	stream.linear.gather [hbm4b:s25+s3], $0x58, $0x38;
	[tilespmem:$0xF8C0] =	vst v63  }
0x243: {  	_ =	swait.ge [sflag:s1], $0x58  }
0x244: {  	[sflag:s1] =	ssyncset.done $0x0  }
0x245: {  	[sflag:s1] =	ssyncadd.s32 $0xFFFFFFA8  }
0x246: {  	[tilespmem:s4], [sflag:$0x1] =	stream.linear.gather [hbm4b:s19+s3], $0x1600, $0x38;
	[tilespmem:$0xF8C0] =	vst v63  }
0x247: {  	_ =	swait.ge [sflag:s1], $0x1600  }
0x248: {  	[sflag:s1] =	ssyncset.done $0x0  }
0x249: {  	[sflag:s1] =	ssyncadd.s32 $0xFFFFEA00  }
0x24a: {  	v5 =	vld [tilespmem:$0x0]  }
0x24b: {  	v6 =	vld [tilespmem:$0x50]  }
0x24c: {  	v9 =	vld [tilespmem:$0x10]  }
0x24d: {  	v10 =	vld [tilespmem:$0x20]  }
0x24e: {  	v11 =	vld [tilespmem:$0x40];
	_ =	sdelay $0x1  }
0x24f: {  	v4 =	vld [tilespmem:$0x30]  }
0x250: {  	vm1 =	vlt.s32 v5, v1;
	v7 =	vsub.s32 v5, v0  }
0x251: {  	vm2 =	vge.s32 v5, v0;
	vm3 =	vge.s32 v6, v0;
	v8 =	vsub.s32 v6, v0  }
0x252: {  	v5 =	vsub.s32 v9, v0;
	vm5 =	vge.s32 v10, v0;
	vm4 =	vlt.s32 v11, v1  }
0x253: {  	vm6 =	vge.s32 v11, v0;
	vm1 =	vmand vm2, vm1;
	vm2 =	vlt.s32 v6, v1  }
0x254: {  	v6 =	vsub.s32 v4, v0;
	v12 =	vsel vm1, v7, v2;
	vm2 =	vmand vm3, vm2  }
0x255: {  	v7 =	vsub.s32 v10, v0;
	vm3 =	vlt.s32 v10, v1;
	vm2 =	vmand vm2, vm0  }
0x256: {  	vm1 =	vge.s32 v9, v0;
	[tilespmem:$0x60] =	vst v12;
	vm5 =	vmand vm5, vm3;
	v13 =	vsel vm2, v8, v2  }
0x257: {  	s23 =	simm.s32 $0xB;
	s20 =	smov.u32 s19;
	vm3 =	vlt.s32 v4, v1;
	v8 =	vsub.s32 v11, v0;
	vm2 =	vlt.s32 v9, v1;
	[tilespmem:$0xB0] =	vst v13  }
.LBB2_10:
0x258: {  	p0 =	sne.s32 s23, $0x53E  }
0x259: {  	v7 =	vsel vm5, v7, v2;
	vm5 =	vge.s32 v4, v0;
	vm4 =	vmand vm6, vm4;
	s20 =	sadd.s32 $0x2C0, s20;
	s25 =	smov.u32 s23;
	s23 =	sadd.s32 $0xB, s23  }
0x25a: {  	vm1 =	vmand vm1, vm2;
	[tilespmem:$0x80] =	vst v7;
	vm2 =	vmand vm5, vm3;
	v4 =	vsel vm4, v8, v2  }
0x25b: {  	v5 =	vsel vm1, v5, v2;
	v6 =	vsel vm2, v6, v2;
	[tilespmem:$0xA0] =	vst v4  }
0x25c: {  	[tilespmem:$0x70] =	vst v5  }
0x25d: {  	[tilespmem:$0x90] =	vst v6  }
0x25e: {  	[spmem:s2] =	stream.indirect.scatter.add.f32 [tilespmem:s4], [sflag:$0x1], $0x40, s15, s15, $0xb8;
	[tilespmem:$0xF8C0] =	vst v63  }
0x25f: {  	_ =	swait.ge [sflag:s1], $0x1800  }
0x260: {  	[sflag:s1] =	ssyncset.done $0x0  }
0x261: {  	s25 =	sadd.s32 s25, s30;
	[sflag:s1] =	ssyncadd.s32 $0xFFFFE800  }
0x262: {  	[tilespmem:s3], [sflag:$0x1] =	stream.linear.gather [hbm4b:s25+s3], $0x58, $0x38;
	[tilespmem:$0xF8C0] =	vst v63  }
0x263: {  	_ =	swait.ge [sflag:s1], $0x58  }
0x264: {  	[sflag:s1] =	ssyncset.done $0x0  }
0x265: {  	[sflag:s1] =	ssyncadd.s32 $0xFFFFFFA8  }
0x266: {  	[tilespmem:s4], [sflag:$0x1] =	stream.linear.gather [hbm4b:s20+s3], $0x1600, $0x38;
	[tilespmem:$0xF8C0] =	vst v63  }
0x267: {  	_ =	swait.ge [sflag:s1], $0x1600  }
0x268: {  	[sflag:s1] =	ssyncset.done $0x0  }
0x269: {  	[sflag:s1] =	ssyncadd.s32 $0xFFFFEA00  }
0x26a: {  	v5 =	vld [tilespmem:$0x0]  }
0x26b: {  	v6 =	vld [tilespmem:$0x50]  }
0x26c: {  	v9 =	vld [tilespmem:$0x10]  }
0x26d: {  	v10 =	vld [tilespmem:$0x20]  }
0x26e: {  	v4 =	vld [tilespmem:$0x30]  }
0x26f: {  	vm1 =	vlt.s32 v5, v1;
	v7 =	vsub.s32 v5, v0;
	v11 =	vld [tilespmem:$0x40]  }
0x270: {  	vm2 =	vge.s32 v5, v0;
	vm3 =	vge.s32 v6, v0;
	v12 =	vsub.s32 v6, v0  }
0x271: {  	vm1 =	vmand vm2, vm1;
	vm2 =	vlt.s32 v6, v1;
	v5 =	vsub.s32 v9, v0  }
.Ltmp4:
0x272: {  	v6 =	vsel vm1, v7, v2;
	vm2 =	vmand vm3, vm2;
	v7 =	vsub.s32 v10, v0;
	(pc) =	sbr.rel @p0 .LBB2_10-.Ltmp4, $4  }
0x273: {  	vm1 =	vge.s32 v9, v0;
	vm2 =	vmand vm2, vm0;
	[tilespmem:$0x60] =	vst v6;
	v6 =	vsub.s32 v4, v0  }
0x274: {  	vm3 =	vlt.s32 v10, v1;
	v12 =	vsel vm2, v12, v2;
	v8 =	vsub.s32 v11, v0  }
0x275: {  	vm5 =	vge.s32 v10, v0;
	vm2 =	vlt.s32 v9, v1;
	vm4 =	vlt.s32 v11, v1;
	[tilespmem:$0xB0] =	vst v12  }
0x276: {  	vm5 =	vmand vm5, vm3;
	vm3 =	vlt.s32 v4, v1;
	vm6 =	vge.s32 v11, v0  }
0x277: {  	v7 =	vsel vm5, v7, v2;
	vm4 =	vmand vm6, vm4  }
0x278: {  	vm5 =	vge.s32 v4, v0;
	vm1 =	vmand vm1, vm2;
	[tilespmem:$0x80] =	vst v7;
	v4 =	vsel vm4, v8, v2  }
0x279: {  	vm2 =	vmand vm5, vm3;
	v5 =	vsel vm1, v5, v2;
	[tilespmem:$0xA0] =	vst v4  }
0x27a: {  	v4 =	vsel vm2, v6, v2;
	[tilespmem:$0x70] =	vst v5  }
0x27b: {  	[tilespmem:$0x90] =	vst v4  }
0x27c: {  	[spmem:s2] =	stream.indirect.scatter.add.f32 [tilespmem:s4], [sflag:$0x1], $0x40, s15, s15, $0xb8;
	[tilespmem:$0xF8C0] =	vst v63  }
0x27d: {  	_ =	swait.ge [sflag:s1], $0x1800  }
0x27e: {  	[sflag:s1] =	ssyncset.done $0x0  }
0x27f: {  	[sflag:s1] =	ssyncadd.s32 $0xFFFFE800  }
0x280: {  	[bflag:$0x0] =	sbarrier.arrive $0xFFFF  }
0x281: {  	[tilespmem:s16], [sflag:$0x1] =	stream.linear.gather [spmem:s5], $0x2000, $0x38;
	[tilespmem:$0xF8C0] =	vst v63  }
0x282: {  	_ =	swait.ge [sflag:s1], $0x2000  }
0x283: {  	[sflag:s1] =	ssyncset.done $0x0  }
0x284: {  	s20 =	simm.s32 $0x0;
	s23 =	rddreg [dreg:$0x15];
	[sflag:s1] =	ssyncadd.s32 $0xFFFFE000  }
0x285: {  	[hbm4b:s23+s20] =	stream.linear.scatter [tilespmem:s16], [sflag:$0x1], $0x2000, $0x38;
	[tilespmem:$0xF8C0] =	vst v63  }
0x286: {  	_ =	swait.ge [sflag:s1], $0x2000  }
0x287: {  	[sflag:s1] =	ssyncset.done $0x0  }
0x288: {  	[sflag:s1] =	ssyncadd.s32 $0xFFFFE000  }
0x289: {  	[tilespmem:s16], [sflag:$0x1] =	stream.linear.gather [spmem:s6], $0x2000, $0x38;
	[tilespmem:$0xF8C0] =	vst v63  }
0x28a: {  	_ =	swait.ge [sflag:s1], $0x2000  }
0x28b: {  	[sflag:s1] =	ssyncset.done $0x0  }
0x28c: {  	s25 =	rddreg [dreg:$0x16];
	[sflag:s1] =	ssyncadd.s32 $0xFFFFE000  }
0x28d: {  	[hbm4b:s25+s20] =	stream.linear.scatter [tilespmem:s16], [sflag:$0x1], $0x2000, $0x38;
	[tilespmem:$0xF8C0] =	vst v63  }
0x28e: {  	_ =	swait.ge [sflag:s1], $0x2000  }
0x28f: {  	[sflag:s1] =	ssyncset.done $0x0  }
0x290: {  	[sflag:s1] =	ssyncadd.s32 $0xFFFFE000  }
0x291: {  	[tilespmem:s16], [sflag:$0x1] =	stream.linear.gather [spmem:s7], $0x2000, $0x38;
	[tilespmem:$0xF8C0] =	vst v63  }
0x292: {  	_ =	swait.ge [sflag:s1], $0x2000  }
0x293: {  	[sflag:s1] =	ssyncset.done $0x0  }
0x294: {  	s25 =	rddreg [dreg:$0x17];
	[sflag:s1] =	ssyncadd.s32 $0xFFFFE000  }
0x295: {  	[hbm4b:s25+s20] =	stream.linear.scatter [tilespmem:s16], [sflag:$0x1], $0x2000, $0x38;
	[tilespmem:$0xF8C0] =	vst v63  }
0x296: {  	_ =	swait.ge [sflag:s1], $0x2000  }
0x297: {  	[sflag:s1] =	ssyncset.done $0x0  }
0x298: {  	[sflag:s1] =	ssyncadd.s32 $0xFFFFE000  }
0x299: {  	[tilespmem:s16], [sflag:$0x1] =	stream.linear.gather [spmem:s8], $0x2000, $0x38;
	[tilespmem:$0xF8C0] =	vst v63  }
0x29a: {  	_ =	swait.ge [sflag:s1], $0x2000  }
0x29b: {  	[sflag:s1] =	ssyncset.done $0x0  }
0x29c: {  	s25 =	rddreg [dreg:$0x18];
	[sflag:s1] =	ssyncadd.s32 $0xFFFFE000  }
0x29d: {  	[hbm4b:s25+s20] =	stream.linear.scatter [tilespmem:s16], [sflag:$0x1], $0x2000, $0x38;
	[tilespmem:$0xF8C0] =	vst v63  }
0x29e: {  	_ =	swait.ge [sflag:s1], $0x2000  }
0x29f: {  	[sflag:s1] =	ssyncset.done $0x0  }
0x2a0: {  	[sflag:s1] =	ssyncadd.s32 $0xFFFFE000  }
0x2a1: {  	[tilespmem:s16], [sflag:$0x1] =	stream.linear.gather [spmem:s9], $0x2000, $0x38;
	[tilespmem:$0xF8C0] =	vst v63  }
0x2a2: {  	_ =	swait.ge [sflag:s1], $0x2000  }
0x2a3: {  	[sflag:s1] =	ssyncset.done $0x0  }
0x2a4: {  	s25 =	rddreg [dreg:$0x19];
	[sflag:s1] =	ssyncadd.s32 $0xFFFFE000  }
0x2a5: {  	[hbm4b:s25+s20] =	stream.linear.scatter [tilespmem:s16], [sflag:$0x1], $0x2000, $0x38;
	[tilespmem:$0xF8C0] =	vst v63  }
0x2a6: {  	_ =	swait.ge [sflag:s1], $0x2000  }
0x2a7: {  	[sflag:s1] =	ssyncset.done $0x0  }
0x2a8: {  	[sflag:s1] =	ssyncadd.s32 $0xFFFFE000  }
0x2a9: {  	[bflag:$0x0] =	sbarrier.arrive $0xFFFF  }
0x2aa: {  	[spmem:s5] =	stream.linear.scatter [tilespmem:s0], [sflag:$0x1], $0x2000, $0x38;
	[tilespmem:$0xF8C0] =	vst v63  }
0x2ab: {  	_ =	swait.ge [sflag:s1], $0x2000  }
0x2ac: {  	[sflag:s1] =	ssyncset.done $0x0  }
0x2ad: {  	[sflag:s1] =	ssyncadd.s32 $0xFFFFE000  }
0x2ae: {  	[spmem:s6] =	stream.linear.scatter [tilespmem:s0], [sflag:$0x1], $0x2000, $0x38;
	[tilespmem:$0xF8C0] =	vst v63  }
0x2af: {  	_ =	swait.ge [sflag:s1], $0x2000  }
0x2b0: {  	[sflag:s1] =	ssyncset.done $0x0  }
0x2b1: {  	[sflag:s1] =	ssyncadd.s32 $0xFFFFE000  }
0x2b2: {  	[spmem:s7] =	stream.linear.scatter [tilespmem:s0], [sflag:$0x1], $0x2000, $0x38;
	[tilespmem:$0xF8C0] =	vst v63  }
0x2b3: {  	_ =	swait.ge [sflag:s1], $0x2000  }
0x2b4: {  	[sflag:s1] =	ssyncset.done $0x0  }
0x2b5: {  	[sflag:s1] =	ssyncadd.s32 $0xFFFFE000  }
0x2b6: {  	[spmem:s8] =	stream.linear.scatter [tilespmem:s0], [sflag:$0x1], $0x2000, $0x38;
	[tilespmem:$0xF8C0] =	vst v63  }
0x2b7: {  	_ =	swait.ge [sflag:s1], $0x2000  }
0x2b8: {  	[sflag:s1] =	ssyncset.done $0x0  }
0x2b9: {  	[sflag:s1] =	ssyncadd.s32 $0xFFFFE000  }
0x2ba: {  	[spmem:s9] =	stream.linear.scatter [tilespmem:s0], [sflag:$0x1], $0x2000, $0x38;
	[tilespmem:$0xF8C0] =	vst v63  }
0x2bb: {  	_ =	swait.ge [sflag:s1], $0x2000  }
0x2bc: {  	[sflag:s1] =	ssyncset.done $0x0  }
0x2bd: {  	[sflag:s1] =	ssyncadd.s32 $0xFFFFE000  }
0x2be: {  	s25 =	sadd.s32 $0x0, s30;
	[bflag:$0x0] =	sbarrier.arrive $0xFFFF  }
0x2bf: {  	[tilespmem:s3], [sflag:$0x1] =	stream.linear.gather [hbm4b:s25+s3], $0x58, $0x38;
	[tilespmem:$0xF8C0] =	vst v63  }
0x2c0: {  	_ =	swait.ge [sflag:s1], $0x58  }
0x2c1: {  	[sflag:s1] =	ssyncset.done $0x0  }
0x2c2: {  	[sflag:s1] =	ssyncadd.s32 $0xFFFFFFA8  }
0x2c3: {  	[tilespmem:s4], [sflag:$0x1] =	stream.linear.gather [hbm4b:s19+s3], $0x1600, $0x38;
	[tilespmem:$0xF8C0] =	vst v63  }
0x2c4: {  	_ =	swait.ge [sflag:s1], $0x1600  }
0x2c5: {  	[sflag:s1] =	ssyncset.done $0x0  }
0x2c6: {  	[sflag:s1] =	ssyncadd.s32 $0xFFFFEA00  }
0x2c7: {  	v5 =	vld [tilespmem:$0x0]  }
0x2c8: {  	v6 =	vld [tilespmem:$0x50]  }
0x2c9: {  	v9 =	vld [tilespmem:$0x10]  }
0x2ca: {  	v10 =	vld [tilespmem:$0x20]  }
0x2cb: {  	v11 =	vld [tilespmem:$0x40];
	_ =	sdelay $0x1  }
0x2cc: {  	v4 =	vld [tilespmem:$0x30]  }
0x2cd: {  	vm1 =	vlt.s32 v5, v3;
	v7 =	vsub.s32 v5, v1  }
0x2ce: {  	vm2 =	vge.s32 v5, v1;
	vm3 =	vge.s32 v6, v1;
	v8 =	vsub.s32 v6, v1  }
0x2cf: {  	v5 =	vsub.s32 v9, v1;
	vm5 =	vge.s32 v10, v1;
	vm4 =	vlt.s32 v11, v3  }
0x2d0: {  	vm6 =	vge.s32 v11, v1;
	vm1 =	vmand vm2, vm1;
	vm2 =	vlt.s32 v6, v3  }
0x2d1: {  	v6 =	vsub.s32 v4, v1;
	v12 =	vsel vm1, v7, v2;
	vm2 =	vmand vm3, vm2  }
0x2d2: {  	v7 =	vsub.s32 v10, v1;
	vm3 =	vlt.s32 v10, v3;
	vm2 =	vmand vm2, vm0  }
0x2d3: {  	vm1 =	vge.s32 v9, v1;
	[tilespmem:$0x60] =	vst v12;
	vm5 =	vmand vm5, vm3;
	v13 =	vsel vm2, v8, v2  }
0x2d4: {  	s23 =	simm.s32 $0xB;
	s20 =	smov.u32 s19;
	vm3 =	vlt.s32 v4, v3;
	v8 =	vsub.s32 v11, v1;
	vm2 =	vlt.s32 v9, v3;
	[tilespmem:$0xB0] =	vst v13  }
.LBB2_12:
0x2d5: {  	p0 =	sne.s32 s23, $0x53E  }
0x2d6: {  	v7 =	vsel vm5, v7, v2;
	vm5 =	vge.s32 v4, v1;
	vm4 =	vmand vm6, vm4;
	s20 =	sadd.s32 $0x2C0, s20;
	s25 =	smov.u32 s23;
	s23 =	sadd.s32 $0xB, s23  }
0x2d7: {  	vm1 =	vmand vm1, vm2;
	[tilespmem:$0x80] =	vst v7;
	vm2 =	vmand vm5, vm3;
	v4 =	vsel vm4, v8, v2  }
0x2d8: {  	v5 =	vsel vm1, v5, v2;
	v6 =	vsel vm2, v6, v2;
	[tilespmem:$0xA0] =	vst v4  }
0x2d9: {  	[tilespmem:$0x70] =	vst v5  }
0x2da: {  	[tilespmem:$0x90] =	vst v6  }
0x2db: {  	[spmem:s2] =	stream.indirect.scatter.add.f32 [tilespmem:s4], [sflag:$0x1], $0x40, s15, s15, $0xb8;
	[tilespmem:$0xF8C0] =	vst v63  }
0x2dc: {  	_ =	swait.ge [sflag:s1], $0x1800  }
0x2dd: {  	[sflag:s1] =	ssyncset.done $0x0  }
0x2de: {  	s25 =	sadd.s32 s25, s30;
	[sflag:s1] =	ssyncadd.s32 $0xFFFFE800  }
0x2df: {  	[tilespmem:s3], [sflag:$0x1] =	stream.linear.gather [hbm4b:s25+s3], $0x58, $0x38;
	[tilespmem:$0xF8C0] =	vst v63  }
0x2e0: {  	_ =	swait.ge [sflag:s1], $0x58  }
0x2e1: {  	[sflag:s1] =	ssyncset.done $0x0  }
0x2e2: {  	[sflag:s1] =	ssyncadd.s32 $0xFFFFFFA8  }
0x2e3: {  	[tilespmem:s4], [sflag:$0x1] =	stream.linear.gather [hbm4b:s20+s3], $0x1600, $0x38;
	[tilespmem:$0xF8C0] =	vst v63  }
0x2e4: {  	_ =	swait.ge [sflag:s1], $0x1600  }
0x2e5: {  	[sflag:s1] =	ssyncset.done $0x0  }
0x2e6: {  	[sflag:s1] =	ssyncadd.s32 $0xFFFFEA00  }
0x2e7: {  	v5 =	vld [tilespmem:$0x0]  }
0x2e8: {  	v6 =	vld [tilespmem:$0x50]  }
0x2e9: {  	v9 =	vld [tilespmem:$0x10]  }
0x2ea: {  	v10 =	vld [tilespmem:$0x20]  }
0x2eb: {  	v4 =	vld [tilespmem:$0x30]  }
0x2ec: {  	vm1 =	vlt.s32 v5, v3;
	v7 =	vsub.s32 v5, v1;
	v11 =	vld [tilespmem:$0x40]  }
0x2ed: {  	vm2 =	vge.s32 v5, v1;
	vm3 =	vge.s32 v6, v1;
	v12 =	vsub.s32 v6, v1  }
0x2ee: {  	vm1 =	vmand vm2, vm1;
	vm2 =	vlt.s32 v6, v3;
	v5 =	vsub.s32 v9, v1  }
.Ltmp5:
0x2ef: {  	v6 =	vsel vm1, v7, v2;
	vm2 =	vmand vm3, vm2;
	v7 =	vsub.s32 v10, v1;
	(pc) =	sbr.rel @p0 .LBB2_12-.Ltmp5, $4  }
0x2f0: {  	vm1 =	vge.s32 v9, v1;
	vm2 =	vmand vm2, vm0;
	[tilespmem:$0x60] =	vst v6;
	v6 =	vsub.s32 v4, v1  }
0x2f1: {  	vm3 =	vlt.s32 v10, v3;
	v12 =	vsel vm2, v12, v2;
	v8 =	vsub.s32 v11, v1  }
0x2f2: {  	vm5 =	vge.s32 v10, v1;
	vm2 =	vlt.s32 v9, v3;
	vm4 =	vlt.s32 v11, v3;
	[tilespmem:$0xB0] =	vst v12  }
0x2f3: {  	vm5 =	vmand vm5, vm3;
	vm3 =	vlt.s32 v4, v3;
	vm6 =	vge.s32 v11, v1  }
0x2f4: {  	v7 =	vsel vm5, v7, v2;
	vm4 =	vmand vm6, vm4  }
0x2f5: {  	vm5 =	vge.s32 v4, v1;
	vm1 =	vmand vm1, vm2;
	[tilespmem:$0x80] =	vst v7;
	v4 =	vsel vm4, v8, v2  }
0x2f6: {  	vm2 =	vmand vm5, vm3;
	v5 =	vsel vm1, v5, v2;
	[tilespmem:$0xA0] =	vst v4  }
0x2f7: {  	v4 =	vsel vm2, v6, v2;
	[tilespmem:$0x70] =	vst v5  }
0x2f8: {  	[tilespmem:$0x90] =	vst v4  }
0x2f9: {  	[spmem:s2] =	stream.indirect.scatter.add.f32 [tilespmem:s4], [sflag:$0x1], $0x40, s15, s15, $0xb8;
	[tilespmem:$0xF8C0] =	vst v63  }
0x2fa: {  	_ =	swait.ge [sflag:s1], $0x1800  }
0x2fb: {  	[sflag:s1] =	ssyncset.done $0x0  }
0x2fc: {  	[sflag:s1] =	ssyncadd.s32 $0xFFFFE800  }
0x2fd: {  	[bflag:$0x0] =	sbarrier.arrive $0xFFFF  }
0x2fe: {  	[tilespmem:s16], [sflag:$0x1] =	stream.linear.gather [spmem:s5], $0x2000, $0x38;
	[tilespmem:$0xF8C0] =	vst v63  }
0x2ff: {  	_ =	swait.ge [sflag:s1], $0x2000  }
0x300: {  	[sflag:s1] =	ssyncset.done $0x0  }
0x301: {  	s20 =	simm.s32 $0x0;
	s23 =	rddreg [dreg:$0x1a];
	[sflag:s1] =	ssyncadd.s32 $0xFFFFE000  }
0x302: {  	[hbm4b:s23+s20] =	stream.linear.scatter [tilespmem:s16], [sflag:$0x1], $0x2000, $0x38;
	[tilespmem:$0xF8C0] =	vst v63  }
0x303: {  	_ =	swait.ge [sflag:s1], $0x2000  }
0x304: {  	[sflag:s1] =	ssyncset.done $0x0  }
0x305: {  	[sflag:s1] =	ssyncadd.s32 $0xFFFFE000  }
0x306: {  	[tilespmem:s16], [sflag:$0x1] =	stream.linear.gather [spmem:s6], $0x2000, $0x38;
	[tilespmem:$0xF8C0] =	vst v63  }
0x307: {  	_ =	swait.ge [sflag:s1], $0x2000  }
0x308: {  	[sflag:s1] =	ssyncset.done $0x0  }
0x309: {  	s25 =	rddreg [dreg:$0x1b];
	[sflag:s1] =	ssyncadd.s32 $0xFFFFE000  }
0x30a: {  	[hbm4b:s25+s20] =	stream.linear.scatter [tilespmem:s16], [sflag:$0x1], $0x2000, $0x38;
	[tilespmem:$0xF8C0] =	vst v63  }
0x30b: {  	_ =	swait.ge [sflag:s1], $0x2000  }
0x30c: {  	[sflag:s1] =	ssyncset.done $0x0  }
0x30d: {  	[sflag:s1] =	ssyncadd.s32 $0xFFFFE000  }
0x30e: {  	[tilespmem:s16], [sflag:$0x1] =	stream.linear.gather [spmem:s7], $0x2000, $0x38;
	[tilespmem:$0xF8C0] =	vst v63  }
0x30f: {  	_ =	swait.ge [sflag:s1], $0x2000  }
0x310: {  	[sflag:s1] =	ssyncset.done $0x0  }
0x311: {  	s25 =	rddreg [dreg:$0x1c];
	[sflag:s1] =	ssyncadd.s32 $0xFFFFE000  }
0x312: {  	[hbm4b:s25+s20] =	stream.linear.scatter [tilespmem:s16], [sflag:$0x1], $0x2000, $0x38;
	[tilespmem:$0xF8C0] =	vst v63  }
0x313: {  	_ =	swait.ge [sflag:s1], $0x2000  }
0x314: {  	[sflag:s1] =	ssyncset.done $0x0  }
0x315: {  	[sflag:s1] =	ssyncadd.s32 $0xFFFFE000  }
0x316: {  	[tilespmem:s16], [sflag:$0x1] =	stream.linear.gather [spmem:s8], $0x2000, $0x38;
	[tilespmem:$0xF8C0] =	vst v63  }
0x317: {  	_ =	swait.ge [sflag:s1], $0x2000  }
0x318: {  	[sflag:s1] =	ssyncset.done $0x0  }
0x319: {  	s25 =	rddreg [dreg:$0x1d];
	[sflag:s1] =	ssyncadd.s32 $0xFFFFE000  }
0x31a: {  	[hbm4b:s25+s20] =	stream.linear.scatter [tilespmem:s16], [sflag:$0x1], $0x2000, $0x38;
	[tilespmem:$0xF8C0] =	vst v63  }
0x31b: {  	_ =	swait.ge [sflag:s1], $0x2000  }
0x31c: {  	[sflag:s1] =	ssyncset.done $0x0  }
0x31d: {  	[sflag:s1] =	ssyncadd.s32 $0xFFFFE000  }
0x31e: {  	[tilespmem:s16], [sflag:$0x1] =	stream.linear.gather [spmem:s9], $0x2000, $0x38;
	[tilespmem:$0xF8C0] =	vst v63  }
0x31f: {  	_ =	swait.ge [sflag:s1], $0x2000  }
0x320: {  	[sflag:s1] =	ssyncset.done $0x0  }
0x321: {  	s25 =	rddreg [dreg:$0x1e];
	[sflag:s1] =	ssyncadd.s32 $0xFFFFE000  }
0x322: {  	[hbm4b:s25+s20] =	stream.linear.scatter [tilespmem:s16], [sflag:$0x1], $0x2000, $0x38;
	[tilespmem:$0xF8C0] =	vst v63  }
0x323: {  	_ =	swait.ge [sflag:s1], $0x2000  }
0x324: {  	[sflag:s1] =	ssyncset.done $0x0  }
0x325: {  	[sflag:s1] =	ssyncadd.s32 $0xFFFFE000  }
0x326: {  	[bflag:$0x0] =	sbarrier.arrive $0xFFFF  }
0x327: {  	[spmem:s5] =	stream.linear.scatter [tilespmem:s0], [sflag:$0x1], $0x2000, $0x38;
	[tilespmem:$0xF8C0] =	vst v63  }
0x328: {  	_ =	swait.ge [sflag:s1], $0x2000  }
0x329: {  	[sflag:s1] =	ssyncset.done $0x0  }
0x32a: {  	[sflag:s1] =	ssyncadd.s32 $0xFFFFE000  }
0x32b: {  	[spmem:s6] =	stream.linear.scatter [tilespmem:s0], [sflag:$0x1], $0x2000, $0x38;
	[tilespmem:$0xF8C0] =	vst v63  }
0x32c: {  	_ =	swait.ge [sflag:s1], $0x2000  }
0x32d: {  	[sflag:s1] =	ssyncset.done $0x0  }
0x32e: {  	[sflag:s1] =	ssyncadd.s32 $0xFFFFE000  }
0x32f: {  	[spmem:s7] =	stream.linear.scatter [tilespmem:s0], [sflag:$0x1], $0x2000, $0x38;
	[tilespmem:$0xF8C0] =	vst v63  }
0x330: {  	_ =	swait.ge [sflag:s1], $0x2000  }
0x331: {  	[sflag:s1] =	ssyncset.done $0x0  }
0x332: {  	[sflag:s1] =	ssyncadd.s32 $0xFFFFE000  }
0x333: {  	[spmem:s8] =	stream.linear.scatter [tilespmem:s0], [sflag:$0x1], $0x2000, $0x38;
	[tilespmem:$0xF8C0] =	vst v63  }
0x334: {  	_ =	swait.ge [sflag:s1], $0x2000  }
0x335: {  	[sflag:s1] =	ssyncset.done $0x0  }
0x336: {  	[sflag:s1] =	ssyncadd.s32 $0xFFFFE000  }
0x337: {  	[spmem:s9] =	stream.linear.scatter [tilespmem:s0], [sflag:$0x1], $0x2000, $0x38;
	[tilespmem:$0xF8C0] =	vst v63  }
0x338: {  	_ =	swait.ge [sflag:s1], $0x2000  }
0x339: {  	[sflag:s1] =	ssyncset.done $0x0  }
0x33a: {  	[sflag:s1] =	ssyncadd.s32 $0xFFFFE000  }
0x33b: {  	s25 =	sadd.s32 $0x0, s31;
	[bflag:$0x0] =	sbarrier.arrive $0xFFFF  }
0x33c: {  	[tilespmem:s3], [sflag:$0x1] =	stream.linear.gather [hbm4b:s25+s3], $0x58, $0x38;
	[tilespmem:$0xF8C0] =	vst v63  }
0x33d: {  	_ =	swait.ge [sflag:s1], $0x58  }
0x33e: {  	[sflag:s1] =	ssyncset.done $0x0  }
0x33f: {  	[sflag:s1] =	ssyncadd.s32 $0xFFFFFFA8  }
0x340: {  	[tilespmem:s4], [sflag:$0x1] =	stream.linear.gather [hbm4b:s21+s3], $0x1600, $0x38;
	[tilespmem:$0xF8C0] =	vst v63  }
0x341: {  	_ =	swait.ge [sflag:s1], $0x1600  }
0x342: {  	[sflag:s1] =	ssyncset.done $0x0  }
0x343: {  	[sflag:s1] =	ssyncadd.s32 $0xFFFFEA00  }
0x344: {  	v5 =	vld [tilespmem:$0x0]  }
0x345: {  	v6 =	vld [tilespmem:$0x50]  }
0x346: {  	v9 =	vld [tilespmem:$0x10]  }
0x347: {  	v10 =	vld [tilespmem:$0x20]  }
0x348: {  	v11 =	vld [tilespmem:$0x40];
	_ =	sdelay $0x1  }
0x349: {  	v4 =	vld [tilespmem:$0x30]  }
0x34a: {  	vm1 =	vlt.s32 v5, v1;
	v7 =	vsub.s32 v5, v0  }
0x34b: {  	vm2 =	vge.s32 v5, v0;
	vm3 =	vge.s32 v6, v0;
	v8 =	vsub.s32 v6, v0  }
0x34c: {  	v5 =	vsub.s32 v9, v0;
	vm5 =	vge.s32 v10, v0;
	vm4 =	vlt.s32 v11, v1  }
0x34d: {  	vm6 =	vge.s32 v11, v0;
	vm1 =	vmand vm2, vm1;
	vm2 =	vlt.s32 v6, v1  }
0x34e: {  	v6 =	vsub.s32 v4, v0;
	v12 =	vsel vm1, v7, v2;
	vm2 =	vmand vm3, vm2  }
0x34f: {  	v7 =	vsub.s32 v10, v0;
	vm3 =	vlt.s32 v10, v1;
	vm2 =	vmand vm2, vm0  }
0x350: {  	vm1 =	vge.s32 v9, v0;
	[tilespmem:$0x60] =	vst v12;
	vm5 =	vmand vm5, vm3;
	v13 =	vsel vm2, v8, v2  }
0x351: {  	s23 =	simm.s32 $0xB;
	s20 =	smov.u32 s21;
	vm3 =	vlt.s32 v4, v1;
	v8 =	vsub.s32 v11, v0;
	vm2 =	vlt.s32 v9, v1;
	[tilespmem:$0xB0] =	vst v13  }
.LBB2_14:
0x352: {  	p0 =	sne.s32 s23, $0x53E  }
0x353: {  	v7 =	vsel vm5, v7, v2;
	vm5 =	vge.s32 v4, v0;
	vm4 =	vmand vm6, vm4;
	s20 =	sadd.s32 $0x2C0, s20;
	s25 =	smov.u32 s23;
	s23 =	sadd.s32 $0xB, s23  }
0x354: {  	vm1 =	vmand vm1, vm2;
	[tilespmem:$0x80] =	vst v7;
	vm2 =	vmand vm5, vm3;
	v4 =	vsel vm4, v8, v2  }
0x355: {  	v5 =	vsel vm1, v5, v2;
	v6 =	vsel vm2, v6, v2;
	[tilespmem:$0xA0] =	vst v4  }
0x356: {  	[tilespmem:$0x70] =	vst v5  }
0x357: {  	[tilespmem:$0x90] =	vst v6  }
0x358: {  	[spmem:s2] =	stream.indirect.scatter.add.f32 [tilespmem:s4], [sflag:$0x1], $0x40, s15, s15, $0xb8;
	[tilespmem:$0xF8C0] =	vst v63  }
0x359: {  	_ =	swait.ge [sflag:s1], $0x1800  }
0x35a: {  	[sflag:s1] =	ssyncset.done $0x0  }
0x35b: {  	s25 =	sadd.s32 s25, s31;
	[sflag:s1] =	ssyncadd.s32 $0xFFFFE800  }
0x35c: {  	[tilespmem:s3], [sflag:$0x1] =	stream.linear.gather [hbm4b:s25+s3], $0x58, $0x38;
	[tilespmem:$0xF8C0] =	vst v63  }
0x35d: {  	_ =	swait.ge [sflag:s1], $0x58  }
0x35e: {  	[sflag:s1] =	ssyncset.done $0x0  }
0x35f: {  	[sflag:s1] =	ssyncadd.s32 $0xFFFFFFA8  }
0x360: {  	[tilespmem:s4], [sflag:$0x1] =	stream.linear.gather [hbm4b:s20+s3], $0x1600, $0x38;
	[tilespmem:$0xF8C0] =	vst v63  }
0x361: {  	_ =	swait.ge [sflag:s1], $0x1600  }
0x362: {  	[sflag:s1] =	ssyncset.done $0x0  }
0x363: {  	[sflag:s1] =	ssyncadd.s32 $0xFFFFEA00  }
0x364: {  	v5 =	vld [tilespmem:$0x0]  }
0x365: {  	v6 =	vld [tilespmem:$0x50]  }
0x366: {  	v9 =	vld [tilespmem:$0x10]  }
0x367: {  	v10 =	vld [tilespmem:$0x20]  }
0x368: {  	v4 =	vld [tilespmem:$0x30]  }
0x369: {  	vm1 =	vlt.s32 v5, v1;
	v7 =	vsub.s32 v5, v0;
	v11 =	vld [tilespmem:$0x40]  }
0x36a: {  	vm2 =	vge.s32 v5, v0;
	vm3 =	vge.s32 v6, v0;
	v12 =	vsub.s32 v6, v0  }
0x36b: {  	vm1 =	vmand vm2, vm1;
	vm2 =	vlt.s32 v6, v1;
	v5 =	vsub.s32 v9, v0  }
.Ltmp6:
0x36c: {  	v6 =	vsel vm1, v7, v2;
	vm2 =	vmand vm3, vm2;
	v7 =	vsub.s32 v10, v0;
	(pc) =	sbr.rel @p0 .LBB2_14-.Ltmp6, $4  }
0x36d: {  	vm1 =	vge.s32 v9, v0;
	vm2 =	vmand vm2, vm0;
	[tilespmem:$0x60] =	vst v6;
	v6 =	vsub.s32 v4, v0  }
0x36e: {  	vm3 =	vlt.s32 v10, v1;
	v12 =	vsel vm2, v12, v2;
	v8 =	vsub.s32 v11, v0  }
0x36f: {  	vm5 =	vge.s32 v10, v0;
	vm2 =	vlt.s32 v9, v1;
	vm4 =	vlt.s32 v11, v1;
	[tilespmem:$0xB0] =	vst v12  }
0x370: {  	vm5 =	vmand vm5, vm3;
	vm3 =	vlt.s32 v4, v1;
	vm6 =	vge.s32 v11, v0  }
0x371: {  	v7 =	vsel vm5, v7, v2;
	vm4 =	vmand vm6, vm4  }
0x372: {  	vm5 =	vge.s32 v4, v0;
	vm1 =	vmand vm1, vm2;
	[tilespmem:$0x80] =	vst v7;
	v4 =	vsel vm4, v8, v2  }
0x373: {  	vm2 =	vmand vm5, vm3;
	v5 =	vsel vm1, v5, v2;
	[tilespmem:$0xA0] =	vst v4  }
0x374: {  	v4 =	vsel vm2, v6, v2;
	[tilespmem:$0x70] =	vst v5  }
0x375: {  	[tilespmem:$0x90] =	vst v4  }
0x376: {  	[spmem:s2] =	stream.indirect.scatter.add.f32 [tilespmem:s4], [sflag:$0x1], $0x40, s15, s15, $0xb8;
	[tilespmem:$0xF8C0] =	vst v63  }
0x377: {  	_ =	swait.ge [sflag:s1], $0x1800  }
0x378: {  	[sflag:s1] =	ssyncset.done $0x0  }
0x379: {  	[sflag:s1] =	ssyncadd.s32 $0xFFFFE800  }
0x37a: {  	[bflag:$0x0] =	sbarrier.arrive $0xFFFF  }
0x37b: {  	[tilespmem:s16], [sflag:$0x1] =	stream.linear.gather [spmem:s5], $0x2000, $0x38;
	[tilespmem:$0xF8C0] =	vst v63  }
0x37c: {  	_ =	swait.ge [sflag:s1], $0x2000  }
0x37d: {  	[sflag:s1] =	ssyncset.done $0x0  }
0x37e: {  	s20 =	simm.s32 $0x0;
	s23 =	rddreg [dreg:$0x1f];
	[sflag:s1] =	ssyncadd.s32 $0xFFFFE000  }
0x37f: {  	[hbm4b:s23+s20] =	stream.linear.scatter [tilespmem:s16], [sflag:$0x1], $0x2000, $0x38;
	[tilespmem:$0xF8C0] =	vst v63  }
0x380: {  	_ =	swait.ge [sflag:s1], $0x2000  }
0x381: {  	[sflag:s1] =	ssyncset.done $0x0  }
0x382: {  	[sflag:s1] =	ssyncadd.s32 $0xFFFFE000  }
0x383: {  	[tilespmem:s16], [sflag:$0x1] =	stream.linear.gather [spmem:s6], $0x2000, $0x38;
	[tilespmem:$0xF8C0] =	vst v63  }
0x384: {  	_ =	swait.ge [sflag:s1], $0x2000  }
0x385: {  	s25 =	sld [smem:$0x7F7]  }
0x386: {  	[sflag:s1] =	ssyncset.done $0x0  }
0x387: {  	[sflag:s1] =	ssyncadd.s32 $0xFFFFE000  }
0x388: {  	[hbm4b:s25+s20] =	stream.linear.scatter [tilespmem:s16], [sflag:$0x1], $0x2000, $0x38;
	[tilespmem:$0xF8C0] =	vst v63  }
0x389: {  	_ =	swait.ge [sflag:s1], $0x2000  }
0x38a: {  	[sflag:s1] =	ssyncset.done $0x0  }
0x38b: {  	[sflag:s1] =	ssyncadd.s32 $0xFFFFE000  }
0x38c: {  	[tilespmem:s16], [sflag:$0x1] =	stream.linear.gather [spmem:s7], $0x2000, $0x38;
	[tilespmem:$0xF8C0] =	vst v63  }
0x38d: {  	_ =	swait.ge [sflag:s1], $0x2000  }
0x38e: {  	s25 =	sld [smem:$0x7F8]  }
0x38f: {  	[sflag:s1] =	ssyncset.done $0x0  }
0x390: {  	[sflag:s1] =	ssyncadd.s32 $0xFFFFE000  }
0x391: {  	[hbm4b:s25+s20] =	stream.linear.scatter [tilespmem:s16], [sflag:$0x1], $0x2000, $0x38;
	[tilespmem:$0xF8C0] =	vst v63  }
0x392: {  	_ =	swait.ge [sflag:s1], $0x2000  }
0x393: {  	[sflag:s1] =	ssyncset.done $0x0  }
0x394: {  	[sflag:s1] =	ssyncadd.s32 $0xFFFFE000  }
0x395: {  	[tilespmem:s16], [sflag:$0x1] =	stream.linear.gather [spmem:s8], $0x2000, $0x38;
	[tilespmem:$0xF8C0] =	vst v63  }
0x396: {  	_ =	swait.ge [sflag:s1], $0x2000  }
0x397: {  	s25 =	sld [smem:$0x7F9]  }
0x398: {  	[sflag:s1] =	ssyncset.done $0x0  }
0x399: {  	[sflag:s1] =	ssyncadd.s32 $0xFFFFE000  }
0x39a: {  	[hbm4b:s25+s20] =	stream.linear.scatter [tilespmem:s16], [sflag:$0x1], $0x2000, $0x38;
	[tilespmem:$0xF8C0] =	vst v63  }
0x39b: {  	_ =	swait.ge [sflag:s1], $0x2000  }
0x39c: {  	[sflag:s1] =	ssyncset.done $0x0  }
0x39d: {  	[sflag:s1] =	ssyncadd.s32 $0xFFFFE000  }
0x39e: {  	[tilespmem:s16], [sflag:$0x1] =	stream.linear.gather [spmem:s9], $0x2000, $0x38;
	[tilespmem:$0xF8C0] =	vst v63  }
0x39f: {  	_ =	swait.ge [sflag:s1], $0x2000  }
0x3a0: {  	s25 =	sld [smem:$0x7FA]  }
0x3a1: {  	[sflag:s1] =	ssyncset.done $0x0  }
0x3a2: {  	[sflag:s1] =	ssyncadd.s32 $0xFFFFE000  }
0x3a3: {  	[hbm4b:s25+s20] =	stream.linear.scatter [tilespmem:s16], [sflag:$0x1], $0x2000, $0x38;
	[tilespmem:$0xF8C0] =	vst v63  }
0x3a4: {  	_ =	swait.ge [sflag:s1], $0x2000  }
0x3a5: {  	[sflag:s1] =	ssyncset.done $0x0  }
0x3a6: {  	[sflag:s1] =	ssyncadd.s32 $0xFFFFE000  }
0x3a7: {  	[bflag:$0x0] =	sbarrier.arrive $0xFFFF  }
0x3a8: {  	[spmem:s5] =	stream.linear.scatter [tilespmem:s0], [sflag:$0x1], $0x2000, $0x38;
	[tilespmem:$0xF8C0] =	vst v63  }
0x3a9: {  	_ =	swait.ge [sflag:s1], $0x2000  }
0x3aa: {  	[sflag:s1] =	ssyncset.done $0x0  }
0x3ab: {  	[sflag:s1] =	ssyncadd.s32 $0xFFFFE000  }
0x3ac: {  	[spmem:s6] =	stream.linear.scatter [tilespmem:s0], [sflag:$0x1], $0x2000, $0x38;
	[tilespmem:$0xF8C0] =	vst v63  }
0x3ad: {  	_ =	swait.ge [sflag:s1], $0x2000  }
0x3ae: {  	[sflag:s1] =	ssyncset.done $0x0  }
0x3af: {  	[sflag:s1] =	ssyncadd.s32 $0xFFFFE000  }
0x3b0: {  	[spmem:s7] =	stream.linear.scatter [tilespmem:s0], [sflag:$0x1], $0x2000, $0x38;
	[tilespmem:$0xF8C0] =	vst v63  }
0x3b1: {  	_ =	swait.ge [sflag:s1], $0x2000  }
0x3b2: {  	[sflag:s1] =	ssyncset.done $0x0  }
0x3b3: {  	[sflag:s1] =	ssyncadd.s32 $0xFFFFE000  }
0x3b4: {  	[spmem:s8] =	stream.linear.scatter [tilespmem:s0], [sflag:$0x1], $0x2000, $0x38;
	[tilespmem:$0xF8C0] =	vst v63  }
0x3b5: {  	_ =	swait.ge [sflag:s1], $0x2000  }
0x3b6: {  	[sflag:s1] =	ssyncset.done $0x0  }
0x3b7: {  	[sflag:s1] =	ssyncadd.s32 $0xFFFFE000  }
0x3b8: {  	[spmem:s9] =	stream.linear.scatter [tilespmem:s0], [sflag:$0x1], $0x2000, $0x38;
	[tilespmem:$0xF8C0] =	vst v63  }
0x3b9: {  	_ =	swait.ge [sflag:s1], $0x2000  }
0x3ba: {  	[sflag:s1] =	ssyncset.done $0x0  }
0x3bb: {  	[sflag:s1] =	ssyncadd.s32 $0xFFFFE000  }
0x3bc: {  	s25 =	sadd.s32 $0x0, s31;
	[bflag:$0x0] =	sbarrier.arrive $0xFFFF  }
0x3bd: {  	[tilespmem:s3], [sflag:$0x1] =	stream.linear.gather [hbm4b:s25+s3], $0x58, $0x38;
	[tilespmem:$0xF8C0] =	vst v63  }
0x3be: {  	_ =	swait.ge [sflag:s1], $0x58  }
0x3bf: {  	[sflag:s1] =	ssyncset.done $0x0  }
0x3c0: {  	[sflag:s1] =	ssyncadd.s32 $0xFFFFFFA8  }
0x3c1: {  	[tilespmem:s4], [sflag:$0x1] =	stream.linear.gather [hbm4b:s21+s3], $0x1600, $0x38;
	[tilespmem:$0xF8C0] =	vst v63  }
0x3c2: {  	_ =	swait.ge [sflag:s1], $0x1600  }
0x3c3: {  	[sflag:s1] =	ssyncset.done $0x0  }
0x3c4: {  	[sflag:s1] =	ssyncadd.s32 $0xFFFFEA00  }
0x3c5: {  	v5 =	vld [tilespmem:$0x0]  }
0x3c6: {  	v6 =	vld [tilespmem:$0x50]  }
0x3c7: {  	v9 =	vld [tilespmem:$0x10]  }
0x3c8: {  	v10 =	vld [tilespmem:$0x20]  }
0x3c9: {  	v11 =	vld [tilespmem:$0x40];
	_ =	sdelay $0x1  }
0x3ca: {  	v4 =	vld [tilespmem:$0x30]  }
0x3cb: {  	vm1 =	vlt.s32 v5, v3;
	v7 =	vsub.s32 v5, v1  }
0x3cc: {  	vm2 =	vge.s32 v5, v1;
	vm3 =	vge.s32 v6, v1;
	v8 =	vsub.s32 v6, v1  }
0x3cd: {  	v5 =	vsub.s32 v9, v1;
	vm5 =	vge.s32 v10, v1;
	vm4 =	vlt.s32 v11, v3  }
0x3ce: {  	vm6 =	vge.s32 v11, v1;
	vm1 =	vmand vm2, vm1;
	vm2 =	vlt.s32 v6, v3  }
0x3cf: {  	v6 =	vsub.s32 v4, v1;
	v12 =	vsel vm1, v7, v2;
	vm2 =	vmand vm3, vm2  }
0x3d0: {  	v7 =	vsub.s32 v10, v1;
	vm3 =	vlt.s32 v10, v3;
	vm2 =	vmand vm2, vm0  }
0x3d1: {  	vm1 =	vge.s32 v9, v1;
	[tilespmem:$0x60] =	vst v12;
	vm5 =	vmand vm5, vm3;
	v13 =	vsel vm2, v8, v2  }
0x3d2: {  	s23 =	simm.s32 $0xB;
	s20 =	smov.u32 s21;
	vm3 =	vlt.s32 v4, v3;
	v8 =	vsub.s32 v11, v1;
	vm2 =	vlt.s32 v9, v3;
	[tilespmem:$0xB0] =	vst v13  }
.LBB2_16:
0x3d3: {  	p0 =	sne.s32 s23, $0x53E  }
0x3d4: {  	v7 =	vsel vm5, v7, v2;
	vm5 =	vge.s32 v4, v1;
	vm4 =	vmand vm6, vm4;
	s20 =	sadd.s32 $0x2C0, s20;
	s25 =	smov.u32 s23;
	s23 =	sadd.s32 $0xB, s23  }
0x3d5: {  	vm1 =	vmand vm1, vm2;
	[tilespmem:$0x80] =	vst v7;
	vm2 =	vmand vm5, vm3;
	v4 =	vsel vm4, v8, v2  }
0x3d6: {  	v5 =	vsel vm1, v5, v2;
	v6 =	vsel vm2, v6, v2;
	[tilespmem:$0xA0] =	vst v4  }
0x3d7: {  	[tilespmem:$0x70] =	vst v5  }
0x3d8: {  	[tilespmem:$0x90] =	vst v6  }
0x3d9: {  	[spmem:s2] =	stream.indirect.scatter.add.f32 [tilespmem:s4], [sflag:$0x1], $0x40, s15, s15, $0xb8;
	[tilespmem:$0xF8C0] =	vst v63  }
0x3da: {  	_ =	swait.ge [sflag:s1], $0x1800  }
0x3db: {  	[sflag:s1] =	ssyncset.done $0x0  }
0x3dc: {  	s25 =	sadd.s32 s25, s31;
	[sflag:s1] =	ssyncadd.s32 $0xFFFFE800  }
0x3dd: {  	[tilespmem:s3], [sflag:$0x1] =	stream.linear.gather [hbm4b:s25+s3], $0x58, $0x38;
	[tilespmem:$0xF8C0] =	vst v63  }
0x3de: {  	_ =	swait.ge [sflag:s1], $0x58  }
0x3df: {  	[sflag:s1] =	ssyncset.done $0x0  }
0x3e0: {  	[sflag:s1] =	ssyncadd.s32 $0xFFFFFFA8  }
0x3e1: {  	[tilespmem:s4], [sflag:$0x1] =	stream.linear.gather [hbm4b:s20+s3], $0x1600, $0x38;
	[tilespmem:$0xF8C0] =	vst v63  }
0x3e2: {  	_ =	swait.ge [sflag:s1], $0x1600  }
0x3e3: {  	[sflag:s1] =	ssyncset.done $0x0  }
0x3e4: {  	[sflag:s1] =	ssyncadd.s32 $0xFFFFEA00  }
0x3e5: {  	v5 =	vld [tilespmem:$0x0]  }
0x3e6: {  	v6 =	vld [tilespmem:$0x50]  }
0x3e7: {  	v9 =	vld [tilespmem:$0x10]  }
0x3e8: {  	v10 =	vld [tilespmem:$0x20]  }
0x3e9: {  	v4 =	vld [tilespmem:$0x30]  }
0x3ea: {  	vm1 =	vlt.s32 v5, v3;
	v7 =	vsub.s32 v5, v1;
	v11 =	vld [tilespmem:$0x40]  }
0x3eb: {  	vm2 =	vge.s32 v5, v1;
	vm3 =	vge.s32 v6, v1;
	v12 =	vsub.s32 v6, v1  }
0x3ec: {  	vm1 =	vmand vm2, vm1;
	vm2 =	vlt.s32 v6, v3;
	v5 =	vsub.s32 v9, v1  }
.Ltmp7:
0x3ed: {  	v6 =	vsel vm1, v7, v2;
	vm2 =	vmand vm3, vm2;
	v7 =	vsub.s32 v10, v1;
	(pc) =	sbr.rel @p0 .LBB2_16-.Ltmp7, $4  }
0x3ee: {  	vm1 =	vge.s32 v9, v1;
	vm2 =	vmand vm2, vm0;
	[tilespmem:$0x60] =	vst v6;
	v6 =	vsub.s32 v4, v1  }
0x3ef: {  	vm3 =	vlt.s32 v10, v3;
	v12 =	vsel vm2, v12, v2;
	v8 =	vsub.s32 v11, v1  }
0x3f0: {  	vm5 =	vge.s32 v10, v1;
	vm2 =	vlt.s32 v9, v3;
	vm4 =	vlt.s32 v11, v3;
	[tilespmem:$0xB0] =	vst v12  }
0x3f1: {  	vm5 =	vmand vm5, vm3;
	vm3 =	vlt.s32 v4, v3;
	vm6 =	vge.s32 v11, v1  }
0x3f2: {  	v7 =	vsel vm5, v7, v2;
	vm4 =	vmand vm6, vm4  }
0x3f3: {  	vm15 =	vge.s32 v4, v1;
	vm1 =	vmand vm1, vm2;
	[tilespmem:$0x80] =	vst v7;
	v4 =	vsel vm4, v8, v2  }
0x3f4: {  	vm2 =	vmand vm15, vm3;
	v5 =	vsel vm1, v5, v2;
	[tilespmem:$0xA0] =	vst v4  }
0x3f5: {  	v4 =	vsel vm2, v6, v2;
	[tilespmem:$0x70] =	vst v5  }
0x3f6: {  	[tilespmem:$0x90] =	vst v4  }
0x3f7: {  	[spmem:s2] =	stream.indirect.scatter.add.f32 [tilespmem:s4], [sflag:$0x1], $0x40, s15, s15, $0xb8;
	[tilespmem:$0xF8C0] =	vst v63  }
0x3f8: {  	_ =	swait.ge [sflag:s1], $0x1800  }
0x3f9: {  	[sflag:s1] =	ssyncset.done $0x0  }
0x3fa: {  	[sflag:s1] =	ssyncadd.s32 $0xFFFFE800  }
0x3fb: {  	[bflag:$0x0] =	sbarrier.arrive $0xFFFF  }
0x3fc: {  	[tilespmem:s16], [sflag:$0x1] =	stream.linear.gather [spmem:s5], $0x2000, $0x38;
	[tilespmem:$0xF8C0] =	vst v63  }
0x3fd: {  	_ =	swait.ge [sflag:s1], $0x2000  }
0x3fe: {  	s20 =	sld [smem:$0x7FB]  }
0x3ff: {  	[sflag:s1] =	ssyncset.done $0x0  }
0x400: {  	[sflag:s1] =	ssyncadd.s32 $0xFFFFE000  }
0x401: {  	[hbm4b:s20+s3] =	stream.linear.scatter [tilespmem:s16], [sflag:$0x1], $0x2000, $0x38;
	[tilespmem:$0xF8C0] =	vst v63  }
0x402: {  	_ =	swait.ge [sflag:s1], $0x2000  }
0x403: {  	[sflag:s1] =	ssyncset.done $0x0  }
0x404: {  	[sflag:s1] =	ssyncadd.s32 $0xFFFFE000  }
0x405: {  	[tilespmem:s16], [sflag:$0x1] =	stream.linear.gather [spmem:s6], $0x2000, $0x38;
	[tilespmem:$0xF8C0] =	vst v63  }
0x406: {  	_ =	swait.ge [sflag:s1], $0x2000  }
0x407: {  	s25 =	sld [smem:$0x7FC]  }
0x408: {  	[sflag:s1] =	ssyncset.done $0x0  }
0x409: {  	[sflag:s1] =	ssyncadd.s32 $0xFFFFE000  }
0x40a: {  	[hbm4b:s25+s3] =	stream.linear.scatter [tilespmem:s16], [sflag:$0x1], $0x2000, $0x38;
	[tilespmem:$0xF8C0] =	vst v63  }
0x40b: {  	_ =	swait.ge [sflag:s1], $0x2000  }
0x40c: {  	[sflag:s1] =	ssyncset.done $0x0  }
0x40d: {  	[sflag:s1] =	ssyncadd.s32 $0xFFFFE000  }
0x40e: {  	[tilespmem:s16], [sflag:$0x1] =	stream.linear.gather [spmem:s7], $0x2000, $0x38;
	[tilespmem:$0xF8C0] =	vst v63  }
0x40f: {  	_ =	swait.ge [sflag:s1], $0x2000  }
0x410: {  	s23 =	sld [smem:$0x7FD]  }
0x411: {  	[sflag:s1] =	ssyncset.done $0x0  }
0x412: {  	[sflag:s1] =	ssyncadd.s32 $0xFFFFE000  }
0x413: {  	[hbm4b:s23+s3] =	stream.linear.scatter [tilespmem:s16], [sflag:$0x1], $0x2000, $0x38;
	[tilespmem:$0xF8C0] =	vst v63  }
0x414: {  	_ =	swait.ge [sflag:s1], $0x2000  }
0x415: {  	[sflag:s1] =	ssyncset.done $0x0  }
0x416: {  	[sflag:s1] =	ssyncadd.s32 $0xFFFFE000  }
0x417: {  	[tilespmem:s16], [sflag:$0x1] =	stream.linear.gather [spmem:s8], $0x2000, $0x38;
	[tilespmem:$0xF8C0] =	vst v63  }
0x418: {  	_ =	swait.ge [sflag:s1], $0x2000  }
0x419: {  	[sflag:s1] =	ssyncset.done $0x0  }
0x41a: {  	[sflag:s1] =	ssyncadd.s32 $0xFFFFE000  }
0x41b: {  	[hbm4b:s26+s3] =	stream.linear.scatter [tilespmem:s16], [sflag:$0x1], $0x2000, $0x38;
	[tilespmem:$0xF8C0] =	vst v63  }
0x41c: {  	_ =	swait.ge [sflag:s1], $0x2000  }
0x41d: {  	[sflag:s1] =	ssyncset.done $0x0  }
0x41e: {  	[sflag:s1] =	ssyncadd.s32 $0xFFFFE000  }
0x41f: {  	[tilespmem:s16], [sflag:$0x1] =	stream.linear.gather [spmem:s9], $0x2000, $0x38;
	[tilespmem:$0xF8C0] =	vst v63  }
0x420: {  	_ =	swait.ge [sflag:s1], $0x2000  }
0x421: {  	[sflag:s1] =	ssyncset.done $0x0  }
0x422: {  	[sflag:s1] =	ssyncadd.s32 $0xFFFFE000  }
0x423: {  	[hbm4b:s28+s3] =	stream.linear.scatter [tilespmem:s16], [sflag:$0x1], $0x2000, $0x38;
	[tilespmem:$0xF8C0] =	vst v63  }
0x424: {  	_ =	swait.ge [sflag:s1], $0x2000  }
0x425: {  	s22 =	sadd.s32 $0x1, s22;
	s25 =	rddreg [dreg:$0x6]  }
0x426: {  	p0 =	sne.s32 s22, s25  }
.Ltmp8:
0x427: {  	_ = 	snop;
	(pc) =	sbr.rel @p0 .LBB2_1-.Ltmp8, $3  }
0x428: {  	[sflag:s1] =	ssyncset.done $0x0  }
0x429: {  	[sflag:s1] =	ssyncadd.s32 $0xFFFFE000  }
0x42a: {  	[bflag:$0x0] =	sbarrier.arrive $0xFFFF;
	_ =	sdelay $0x1  }
0x42b: {  	_ =	sfence.sel $0x180000  }
0x42c: {  	[bflag:$0x0] =	sbarrier.arrive $0xFFFF  }
0x42d: {  	_ =	strace $0x90000047  }
0x42e: {  	s0 =	stileid.u32;
	[bflag:$0x2] =	sbarrier.arrive $0xFFFF  }
0x42f: {  	p0 =	sne.s32 s0, $0x0;
	s0 =	rddreg [dreg:$0x3]  }
0x430: {  	s0 =	sadd.s32 @!p0 $0x100000, s0  }
0x431: {  	[sflag:s0] =	ssyncadd.tile.s32 @!p0 $0x1;
	_ =	shalt  }
.Lfunc_end2:
_tile_overlayer_lowered:
.L_overlay_start_2:
0x432: {  	(tag) =	ssettag $0x2  }
0x433: {  	s0 =	rddreg [dreg:$0x0];
	s2 =	stileid.u32  }
0x434: {  	s1 =	rddreg [dreg:$0x1];
	p0 =	sne.s32 s2, $0x0  }
0x435: {  	s3 =	rddreg [dreg:$0x2];
	[bflag:$0x3] =	sbarrier.arrive $0xFFFF;
	s2 =	simm.s32 @!p0 $0x1C01  }
0x436: {  	[timem:s3], [sflag:s2] =	dma.local @!p0 [hbm:s0], s1  }
0x437: {  	s0 =	simm.s32 @!p0 $0x1  }
0x438: {  	_ =	swait.ge @!p0 [sflag:s0], s1  }
0x439: {  	s1 =	ssub.s32 @!p0 $0x0, s1;
	[sflag:s0] =	ssyncset.done @!p0 $0x0  }
0x43a: {  	[sflag:s0] =	ssyncadd.s32 @!p0 s1  }
0x43b: {  	[bflag:$0x3] =	sbarrier.arrive $0xFFFF  }
0x43c: {  	_ =	shalt  }

</sc_bundles>
